<compile_context>
chip_gen: v7x
topology: tpu7x:2x2x1
jax: 0.10.2.dev20260603
libtpu: 0.0.44.dev20260713+nightly
codegen_flags: <defaults>
</compile_context>

<pallas_src>
import functools

import jax
import jax.numpy as jnp
from jax import lax
from jax.experimental import pallas as pl
from jax.experimental.pallas import tpu as pltpu
from jax.experimental.pallas import tpu_sc as plsc

_N, _E, _D = 10000, 320000, 128
_NC, _NS = 2, 16
_NW = _NC * _NS
_EPT = _E // _NW
_CH = 32
_NSL = 8
_NCHF = _EPT // _CH
_REM = _EPT - _NCHF * _CH
_NGRP = _NCHF // _NSL
_RCH = 16
_NRC = _N // _RCH

_mesh = plsc.VectorSubcoreMesh(core_axis_name="c", subcore_axis_name="s")


@functools.partial(
    pl.kernel,
    mesh=_mesh,
    out_type=jax.ShapeDtypeStruct((_NC * _N, _D), jnp.float32),
    scratch_types=[
        pltpu.VMEM((_EPT,), jnp.int32),
        pltpu.VMEM((_NSL, _CH, _D), jnp.float32),
        pltpu.VMEM((_NSL, _CH), jnp.int32),
        pltpu.VMEM((2 * _NSL, _CH), jnp.int32),
        pltpu.VMEM((_REM,), jnp.int32),
        pltpu.VMEM((_REM,), jnp.int32),
        pltpu.VMEM((_REM, _D), jnp.float32),
        pltpu.VMEM((_RCH, _D), jnp.float32),
        pltpu.VMEM_SHARED((_N, _D), jnp.float32),
        pltpu.SemaphoreType.DMA((_NSL,)),
        pltpu.SemaphoreType.DMA((_NSL,)),
        pltpu.SemaphoreType.DMA,
        pltpu.SemaphoreType.DMA,
    ],
)
def _sc_segment_sum(pk_hbm, x_hbm, out_hbm,
                    bulk, rows, stagS, stagD, srcR, dstR, rowsR, zbuf, shared,
                    gsems, ssems, bsem, wsem):
    cid = lax.axis_index("c")
    sid = lax.axis_index("s")
    gid = cid * _NS + sid
    ebase = gid * _EPT

    pltpu.async_copy(pk_hbm.at[pl.ds(pl.multiple_of(ebase, 8), _EPT)],
                     bulk, bsem)

    zero16 = jnp.zeros((16,), jnp.float32)

    def _zrow(i, carry):
        for j in range(_D // 16):
            zbuf[i, pl.ds(j * 16, 16)] = zero16
        return carry

    lax.fori_loop(0, _RCH, _zrow, 0)

    _NZW = (_NRC + _NS - 1) // _NS

    def _ik(k, carry):
        c = sid + k * _NS

        @pl.when(c < _NRC)
        def _():
            off = pl.multiple_of(c * _RCH, 8)
            pltpu.async_copy(zbuf, shared.at[pl.ds(off, _RCH)], wsem)

        cw = sid + (k - 16) * _NS

        @pl.when(jnp.logical_and(k >= 16, cw < _NRC))
        def _():
            offw = pl.multiple_of(cw * _RCH, 8)
            pltpu.make_async_copy(
                zbuf, shared.at[pl.ds(offw, _RCH)], wsem).wait()
        return carry

    lax.fori_loop(0, _NZW, _ik, 0)

    def _zdrain():
        def _k(k, carry):
            c = sid + k * _NS

            @pl.when(c < _NRC)
            def _():
                off = pl.multiple_of(c * _RCH, 8)
                pltpu.make_async_copy(
                    zbuf, shared.at[pl.ds(off, _RCH)], wsem).wait()
            return carry

        lax.fori_loop(_NZW - 16, _NZW, _k, 0)

    pltpu.make_async_copy(pk_hbm.at[pl.ds(0, _EPT)], bulk, bsem).wait()

    def _unpack(c, k, p):
        base = c * _CH
        for j in range(_CH // 16):
            w = bulk[pl.ds(base + j * 16, 16)]
            stagS[k, pl.ds(j * 16, 16)] = w & 0xFFFF
            stagD[p * _NSL + k, pl.ds(j * 16, 16)] = w >> 16

    def _fire_gather(k):
        pltpu.async_copy(x_hbm.at[stagS.at[k]], rows.at[k], gsems.at[k])

    def _wait_gather(k):
        pltpu.make_async_copy(
            x_hbm.at[stagS.at[k]], rows.at[k], gsems.at[k]).wait()

    def _fire_scatter(k, p):
        pltpu.async_copy(rows.at[k], shared.at[stagD.at[p * _NSL + k]],
                         ssems.at[k], add=True)

    def _wait_scatter(k, p):
        pltpu.make_async_copy(
            rows.at[k], shared.at[stagD.at[p * _NSL + k]],
            ssems.at[k]).wait()

    for k in range(_NSL):
        _unpack(k, k, 0)
        _fire_gather(k)

    _zdrain()
    plsc.subcore_barrier()

    def _body(g, p, pn):
        for k in range(_NSL):
            _wait_gather(k)
            _fire_scatter(k, p)
        for k in range(_NSL):
            _wait_scatter(k, p)
            _unpack((g + 1) * _NSL + k, k, pn)
            _fire_gather(k)

    def _dbl(t, carry):
        _body(2 * t, 0, 1)
        _body(2 * t + 1, 1, 0)
        return carry

    lax.fori_loop(0, (_NGRP - 1) // 2, _dbl, 0)

    for k in range(_NSL):
        _wait_gather(k)
        _fire_scatter(k, 0)
    wr = bulk[pl.ds(_NCHF * _CH, _REM)]
    srcR[...] = wr & 0xFFFF
    dstR[...] = wr >> 16
    pltpu.async_copy(x_hbm.at[srcR], rowsR, bsem)
    pltpu.make_async_copy(x_hbm.at[srcR], rowsR, bsem).wait()
    pltpu.sync_copy(rowsR, shared.at[dstR], add=True)
    for k in range(_NSL):
        _wait_scatter(k, 0)

    plsc.subcore_barrier()

    obase = cid * _N
    _WCH = 128
    _WNRC = _N // _WCH
    _WTAIL = _N - _WNRC * _WCH

    def _wcopy(fire):
        def _k(k, carry):
            c = sid + k * _NS

            @pl.when(c < _WNRC)
            def _():
                off = pl.multiple_of(c * _WCH, 8)
                cp = pltpu.make_async_copy(
                    shared.at[pl.ds(off, _WCH)],
                    out_hbm.at[pl.ds(obase + off, _WCH)], wsem)
                if fire:
                    cp.start()
                else:
                    cp.wait()
            return carry

        lax.fori_loop(0, (_WNRC + _NS - 1) // _NS, _k, 0)

        @pl.when(sid == 0)
        def _():
            toff = pl.multiple_of(_WNRC * _WCH, 8)
            cp = pltpu.make_async_copy(
                shared.at[pl.ds(toff, _WTAIL)],
                out_hbm.at[pl.ds(obase + toff, _WTAIL)], wsem)
            if fire:
                cp.start()
            else:
                cp.wait()

    _wcopy(True)
    _wcopy(False)


def _mlp_body(x_ref, pp_ref, w1_ref, b1_ref, w2_ref, b2_ref, o_ref):
    rst = x_ref[...] + pp_ref[0] + pp_ref[1]
    h = jnp.dot(rst, w1_ref[...], preferred_element_type=jnp.float32)
    h = jnp.maximum(h + b1_ref[...], 0.0)
    o_ref[...] = jnp.dot(h, w2_ref[...],
                         preferred_element_type=jnp.float32) + b2_ref[...]


def kernel(x, edge_index, W1, b1, gamma, beta, bn_mean, bn_var, W2, b2):
    packed = jnp.bitwise_or(edge_index[0], jnp.left_shift(edge_index[1], 16))

    partials = _sc_segment_sum(packed, x)
    pp = partials.reshape(_NC, _N, _D)

    sbn = gamma * lax.rsqrt(bn_var + 1e-5)
    w1f = W1.T * sbn[None, :]
    b1f = ((b1 - bn_mean) * sbn + beta)[None, :]
    w2f = W2.T
    b2f = b2[None, :]

    blk = 1000
    out = pl.pallas_call(
        _mlp_body,
        grid=(_N // blk,),
        in_specs=[
            pl.BlockSpec((blk, _D), lambda i: (i, 0)),
            pl.BlockSpec((_NC, blk, _D), lambda i: (0, i, 0)),
            pl.BlockSpec((_D, _D), lambda i: (0, 0)),
            pl.BlockSpec((1, _D), lambda i: (0, 0)),
            pl.BlockSpec((_D, _D), lambda i: (0, 0)),
            pl.BlockSpec((1, _D), lambda i: (0, 0)),
        ],
        out_specs=pl.BlockSpec((blk, _D), lambda i: (i, 0)),
        out_shape=jax.ShapeDtypeStruct((_N, _D), jnp.float32),
    )(x, pp, w1f, b1f, w2f, b2f)
    return out

# --- scband reference (transcript-rebuilt; emitter-appended) ---
"""Pipeline reference for scband-gin-13657996001651 (READ-ONLY COPY).

The authoritative reference and input builder live on the scoring server;
editing this copy changes nothing except your own understanding.
"""

import jax, jax.numpy as jnp
import numpy as np

N, E, D, H, O = 10000, 320000, 128, 128, 128

def setup_inputs(seed: int = 0) -> dict:
    key = jax.random.key(seed)
    ks = jax.random.split(key, 8)
    x = jax.random.normal(ks[0], (N, D), dtype=jnp.float32)
    edge_index = jax.random.randint(ks[1], (2, E), 0, N, dtype=jnp.int32)
    # MLP(2, in_dim=128, hidden=128, out=128) params (PyTorch Linear: y = x @ W.T + b)
    W1 = jax.random.normal(ks[2], (H, D), dtype=jnp.float32) * (1.0 / np.sqrt(D))
    b1 = jnp.zeros((H,), dtype=jnp.float32)
    gamma = jnp.ones((H,), dtype=jnp.float32)
    beta = jnp.zeros((H,), dtype=jnp.float32)
    bn_mean = jnp.zeros((H,), dtype=jnp.float32)
    bn_var = jnp.ones((H,), dtype=jnp.float32)
    W2 = jax.random.normal(ks[3], (O, H), dtype=jnp.float32) * (1.0 / np.sqrt(H))
    b2 = jnp.zeros((O,), dtype=jnp.float32)
    return {"x": x, "edge_index": edge_index, "W1": W1, "b1": b1,
            "gamma": gamma, "beta": beta, "bn_mean": bn_mean, "bn_var": bn_var,
            "W2": W2, "b2": b2}

def reference(x, edge_index, W1, b1, gamma, beta, bn_mean, bn_var, W2, b2):
    # GINConv with sum aggregation: neigh[v] = sum_{u->v} x[u]
    src = edge_index[0]
    dst = edge_index[1]
    m = jnp.take(x, src, axis=0)                     # gather (copy_u)
    neigh = jax.ops.segment_sum(m, dst, num_segments=x.shape[0])  # scatter-add reduce
    eps = 0.0  # init_eps=0, learn_eps=False
    rst = (1.0 + eps) * x + neigh
    # apply_func = MLP(2, in_dim, num_hidden, out_dim) with batchnorm (inference stats) + relu
    h = rst @ W1.T + b1
    h = (h - bn_mean) / jnp.sqrt(bn_var + 1e-5) * gamma + beta
    h = jax.nn.relu(h)
    out = h @ W2.T + b2
    return out

if __name__ == "__main__":
    import jax
    _d = setup_inputs()
    print(jax.jit(kernel)(*tuple(_d.values())))

</pallas_src>

<mosaic_0001>
#map = affine_map<(d0, d1) -> (0)>
#map1 = affine_map<(d0, d1) -> (0, 0)>
module attributes {stable_mosaic.version = 14 : i64} {
  func.func @_sc_segment_sum(%arg0: i32, %arg1: i32, %arg2: memref<320000xi32, #tpu.memory_space<hbm>>, %arg3: memref<10000x128xf32, #tpu.memory_space<hbm>>, %arg4: memref<20000x128xf32, #tpu.memory_space<hbm>>, %arg5: memref<10000xi32, #tpu.memory_space<vmem>>, %arg6: memref<8x32x128xf32, #tpu.memory_space<vmem>>, %arg7: memref<8x32xi32, #tpu.memory_space<vmem>>, %arg8: memref<16x32xi32, #tpu.memory_space<vmem>>, %arg9: memref<16xi32, #tpu.memory_space<vmem>>, %arg10: memref<16xi32, #tpu.memory_space<vmem>>, %arg11: memref<16x128xf32, #tpu.memory_space<vmem>>, %arg12: memref<16x128xf32, #tpu.memory_space<vmem>>, %arg13: memref<10000x128xf32, #tpu.memory_space<vmem_shared>>, %arg14: memref<8x!tpu.dma_semaphore, #tpu.memory_space<semaphore_mem>>, %arg15: memref<8x!tpu.dma_semaphore, #tpu.memory_space<semaphore_mem>>, %arg16: memref<!tpu.dma_semaphore, #tpu.memory_space<semaphore_mem>>, %arg17: memref<!tpu.dma_semaphore, #tpu.memory_space<semaphore_mem>>) attributes {dimension_semantics = [#tpu.dimension_semantics<core_parallel>, #tpu.dimension_semantics<subcore_parallel>], iteration_bounds = array<i64: 2, 16>, scalar_prefetch = 0 : i64, scratch_operands = 13 : i64, tpu.core_type = #tpu.core_type<sc_vector_subcore>, window_params = [{transform_indices = #map}, {transform_indices = #map1}, {transform_indices = #map1}]} {
    %mul3A = arith.constant 16 : i32
    %mul3A_0 = arith.muli %arg0, %mul3A : i32
    %add3A = arith.addi %mul3A_0, %arg1 : i32
    %mul3A_1 = arith.constant 10000 : i32
    %mul3A_2 = arith.muli %add3A, %mul3A_1 : i32
    %multiple_of3A = tpu.assume_multiple %mul3A_2, 8 : i32
    %dma_start3A = tpu.memref_slice %arg2[%multiple_of3A] : memref<320000xi32, #tpu.memory_space<hbm>> -> memref<10000xi32, #tpu.memory_space<hbm>>
    %dma_start3A_3 = tpu.memref_slice %arg2[%multiple_of3A] : memref<320000xi32, #tpu.memory_space<hbm>> -> memref<10000xi32, #tpu.memory_space<hbm>>
    tpu.enqueue_dma source(%dma_start3A_3 : memref<10000xi32, #tpu.memory_space<hbm>>) target(%arg5 : memref<10000xi32, #tpu.memory_space<vmem>>) target_semaphore(%arg16 : memref<!tpu.dma_semaphore, #tpu.memory_space<semaphore_mem>>)
    %broadcast_in_dim3A = arith.constant 0.000000e+00 : f32
    %broadcast_in_dim3A_4 = vector.broadcast %broadcast_in_dim3A : f32 to vector<16xf32>
    %scan3A = arith.constant 0 : i32
    %scan3A_5 = arith.constant 0 : i32
    %scan3A_6 = arith.constant 16 : i32
    %scan3A_7 = arith.addi %scan3A_5, %scan3A_6 : i32
    %scan3A_8 = arith.constant 1 : i32
    scf.for %scan3A_888 = %scan3A_5 to %scan3A_7 step %scan3A_8  : i32 {
      %swap3A_889 = arith.index_cast %scan3A_888 : i32 to index
      %swap3A_890 = arith.constant 0 : index
      %swap3A_891 = tpu.vector_load %arg12[%swap3A_889, %swap3A_890] {strides = array<i32>} : memref<16x128xf32, #tpu.memory_space<vmem>>, vector<1x16xf32>,
      %swap3A_892 = vector.shape_cast %swap3A_891 : vector<1x16xf32> to vector<16xf32>
      %swap3A_893 = vector.shape_cast %broadcast_in_dim3A_4 : vector<16xf32> to vector<1x16xf32>
      tpu.vector_store %arg12[%swap3A_889, %swap3A_890], %swap3A_893 {strides = array<i32>} : memref<16x128xf32, #tpu.memory_space<vmem>>, vector<1x16xf32>,
      %swap3A_894 = arith.index_cast %scan3A_888 : i32 to index
      %swap3A_895 = arith.constant 16 : index
      %swap3A_896 = tpu.vector_load %arg12[%swap3A_894, %swap3A_895] {strides = array<i32>} : memref<16x128xf32, #tpu.memory_space<vmem>>, vector<1x16xf32>,
      %swap3A_897 = vector.shape_cast %swap3A_896 : vector<1x16xf32> to vector<16xf32>
      %swap3A_898 = vector.shape_cast %broadcast_in_dim3A_4 : vector<16xf32> to vector<1x16xf32>
      tpu.vector_store %arg12[%swap3A_894, %swap3A_895], %swap3A_898 {strides = array<i32>} : memref<16x128xf32, #tpu.memory_space<vmem>>, vector<1x16xf32>,
      %swap3A_899 = arith.index_cast %scan3A_888 : i32 to index
      %swap3A_900 = arith.constant 32 : index
      %swap3A_901 = tpu.vector_load %arg12[%swap3A_899, %swap3A_900] {strides = array<i32>} : memref<16x128xf32, #tpu.memory_space<vmem>>, vector<1x16xf32>,
      %swap3A_902 = vector.shape_cast %swap3A_901 : vector<1x16xf32> to vector<16xf32>
      %swap3A_903 = vector.shape_cast %broadcast_in_dim3A_4 : vector<16xf32> to vector<1x16xf32>
      tpu.vector_store %arg12[%swap3A_899, %swap3A_900], %swap3A_903 {strides = array<i32>} : memref<16x128xf32, #tpu.memory_space<vmem>>, vector<1x16xf32>,
      %swap3A_904 = arith.index_cast %scan3A_888 : i32 to index
      %swap3A_905 = arith.constant 48 : index
      %swap3A_906 = tpu.vector_load %arg12[%swap3A_904, %swap3A_905] {strides = array<i32>} : memref<16x128xf32, #tpu.memory_space<vmem>>, vector<1x16xf32>,
      %swap3A_907 = vector.shape_cast %swap3A_906 : vector<1x16xf32> to vector<16xf32>
      %swap3A_908 = vector.shape_cast %broadcast_in_dim3A_4 : vector<16xf32> to vector<1x16xf32>
      tpu.vector_store %arg12[%swap3A_904, %swap3A_905], %swap3A_908 {strides = array<i32>} : memref<16x128xf32, #tpu.memory_space<vmem>>, vector<1x16xf32>,
      %swap3A_909 = arith.index_cast %scan3A_888 : i32 to index
      %swap3A_910 = arith.constant 64 : index
      %swap3A_911 = tpu.vector_load %arg12[%swap3A_909, %swap3A_910] {strides = array<i32>} : memref<16x128xf32, #tpu.memory_space<vmem>>, vector<1x16xf32>,
      %swap3A_912 = vector.shape_cast %swap3A_911 : vector<1x16xf32> to vector<16xf32>
      %swap3A_913 = vector.shape_cast %broadcast_in_dim3A_4 : vector<16xf32> to vector<1x16xf32>
      tpu.vector_store %arg12[%swap3A_909, %swap3A_910], %swap3A_913 {strides = array<i32>} : memref<16x128xf32, #tpu.memory_space<vmem>>, vector<1x16xf32>,
      %swap3A_914 = arith.index_cast %scan3A_888 : i32 to index
      %swap3A_915 = arith.constant 80 : index
      %swap3A_916 = tpu.vector_load %arg12[%swap3A_914, %swap3A_915] {strides = array<i32>} : memref<16x128xf32, #tpu.memory_space<vmem>>, vector<1x16xf32>,
      %swap3A_917 = vector.shape_cast %swap3A_916 : vector<1x16xf32> to vector<16xf32>
      %swap3A_918 = vector.shape_cast %broadcast_in_dim3A_4 : vector<16xf32> to vector<1x16xf32>
      tpu.vector_store %arg12[%swap3A_914, %swap3A_915], %swap3A_918 {strides = array<i32>} : memref<16x128xf32, #tpu.memory_space<vmem>>, vector<1x16xf32>,
      %swap3A_919 = arith.index_cast %scan3A_888 : i32 to index
      %swap3A_920 = arith.constant 96 : index
      %swap3A_921 = tpu.vector_load %arg12[%swap3A_919, %swap3A_920] {strides = array<i32>} : memref<16x128xf32, #tpu.memory_space<vmem>>, vector<1x16xf32>,
      %swap3A_922 = vector.shape_cast %swap3A_921 : vector<1x16xf32> to vector<16xf32>
      %swap3A_923 = vector.shape_cast %broadcast_in_dim3A_4 : vector<16xf32> to vector<1x16xf32>
      tpu.vector_store %arg12[%swap3A_919, %swap3A_920], %swap3A_923 {strides = array<i32>} : memref<16x128xf32, #tpu.memory_space<vmem>>, vector<1x16xf32>,
      %swap3A_924 = arith.index_cast %scan3A_888 : i32 to index
      %swap3A_925 = arith.constant 112 : index
      %swap3A_926 = tpu.vector_load %arg12[%swap3A_924, %swap3A_925] {strides = array<i32>} : memref<16x128xf32, #tpu.memory_space<vmem>>, vector<1x16xf32>,
      %swap3A_927 = vector.shape_cast %swap3A_926 : vector<1x16xf32> to vector<16xf32>
      %swap3A_928 = vector.shape_cast %broadcast_in_dim3A_4 : vector<16xf32> to vector<1x16xf32>
      tpu.vector_store %arg12[%swap3A_924, %swap3A_925], %swap3A_928 {strides = array<i32>} : memref<16x128xf32, #tpu.memory_space<vmem>>, vector<1x16xf32>,
    }
    %scan3A_9 = arith.constant 16 : i32
    %scan3A_10 = arith.constant 0 : i32
    %scan3A_11 = arith.constant 0 : i32
    %scan3A_12 = arith.constant 40 : i32
    %scan3A_13 = arith.addi %scan3A_11, %scan3A_12 : i32
    %scan3A_14 = arith.constant 1 : i32
    scf.for %scan3A_888 = %scan3A_11 to %scan3A_13 step %scan3A_14  : i32 {
      %mul3A_889 = arith.constant 16 : i32
      %mul3A_890 = arith.muli %scan3A_888, %mul3A_889 : i32
      %add3A_891 = arith.addi %arg1, %mul3A_890 : i32
      %lt3A = arith.constant 625 : i32
      %lt3A_892 = arith.cmpi slt, %add3A_891, %lt3A : i32
      %convert_element_type3A_893 = arith.extui %lt3A_892 : i1 to i32
      %cond3A_894 = arith.constant 0 : i32
      %cond3A_895 = arith.cmpi ne, %convert_element_type3A_893, %cond3A_894 : i32
      scf.if %cond3A_895 {
        %mul3A_907 = arith.constant 16 : i32
        %mul3A_908 = arith.muli %add3A_891, %mul3A_907 : i32
        %multiple_of3A_909 = tpu.assume_multiple %mul3A_908, 8 : i32
        %dma_start3A_910 = arith.constant 0 : i32
        %dma_start3A_911 = tpu.memref_slice %arg13[%multiple_of3A_909, %dma_start3A_910] : memref<10000x128xf32, #tpu.memory_space<vmem_shared>> -> memref<16x128xf32, #tpu.memory_space<vmem_shared>>
        %dma_start3A_912 = arith.constant 0 : i32
        %dma_start3A_913 = tpu.memref_slice %arg13[%multiple_of3A_909, %dma_start3A_912] : memref<10000x128xf32, #tpu.memory_space<vmem_shared>> -> memref<16x128xf32, #tpu.memory_space<vmem_shared>>
        tpu.enqueue_dma source(%arg12 : memref<16x128xf32, #tpu.memory_space<vmem>>) target(%dma_start3A_913 : memref<16x128xf32, #tpu.memory_space<vmem_shared>>) target_semaphore(%arg17 : memref<!tpu.dma_semaphore, #tpu.memory_space<semaphore_mem>>)
      } else {
      }
      %sub3A = arith.constant 16 : i32
      %sub3A_896 = arith.subi %scan3A_888, %sub3A : i32
      %mul3A_897 = arith.constant 16 : i32
      %mul3A_898 = arith.muli %sub3A_896, %mul3A_897 : i32
      %add3A_899 = arith.addi %arg1, %mul3A_898 : i32
      %ge3A = arith.constant 16 : i32
      %ge3A_900 = arith.cmpi sge, %scan3A_888, %ge3A : i32
      %lt3A_901 = arith.constant 625 : i32
      %lt3A_902 = arith.cmpi slt, %add3A_899, %lt3A_901 : i32
      %and3A_903 = arith.andi %ge3A_900, %lt3A_902 : i1
      %convert_element_type3A_904 = arith.extui %and3A_903 : i1 to i32
      %cond3A_905 = arith.constant 0 : i32
      %cond3A_906 = arith.cmpi ne, %convert_element_type3A_904, %cond3A_905 : i32
      scf.if %cond3A_906 {
        %mul3A_907 = arith.constant 16 : i32
        %mul3A_908 = arith.muli %add3A_899, %mul3A_907 : i32
        %multiple_of3A_909 = tpu.assume_multiple %mul3A_908, 8 : i32
        %dma_wait3A_910 = arith.constant 0 : i32
        %dma_wait3A_911 = tpu.memref_slice %arg13[%multiple_of3A_909, %dma_wait3A_910] : memref<10000x128xf32, #tpu.memory_space<vmem_shared>> -> memref<16x128xf32, #tpu.memory_space<vmem_shared>>
        %dma_wait3A_912 = arith.constant 0 : i32
        %dma_wait3A_913 = tpu.memref_slice %arg13[%multiple_of3A_909, %dma_wait3A_912] : memref<10000x128xf32, #tpu.memory_space<vmem_shared>> -> memref<16x128xf32, #tpu.memory_space<vmem_shared>>
        tpu.wait_dma2 semaphore(%arg17 : memref<!tpu.dma_semaphore, #tpu.memory_space<semaphore_mem>>) src(%arg12 : memref<16x128xf32, #tpu.memory_space<vmem>>) dst(%dma_wait3A_913 : memref<16x128xf32, #tpu.memory_space<vmem_shared>>)
      } else {
      }
    }
    %scan3A_15 = arith.constant 40 : i32
    %dma_wait3A = arith.constant 0 : i32
    %dma_wait3A_16 = tpu.memref_slice %arg2[%dma_wait3A] : memref<320000xi32, #tpu.memory_space<hbm>> -> memref<10000xi32, #tpu.memory_space<hbm>>
    %dma_wait3A_17 = arith.constant 0 : i32
    %dma_wait3A_18 = tpu.memref_slice %arg2[%dma_wait3A_17] : memref<320000xi32, #tpu.memory_space<hbm>> -> memref<10000xi32, #tpu.memory_space<hbm>>
    tpu.wait_dma2 semaphore(%arg16 : memref<!tpu.dma_semaphore, #tpu.memory_space<semaphore_mem>>) src(%dma_wait3A_18 : memref<10000xi32, #tpu.memory_space<hbm>>) dst(%arg5 : memref<10000xi32, #tpu.memory_space<vmem>>)
    %get3A = arith.constant 0 : index
    %get3A_19 = tpu.vector_load %arg5[%get3A] {strides = array<i32>} : memref<10000xi32, #tpu.memory_space<vmem>>, vector<16xi32>,
    %get3A_20 = vector.shape_cast %get3A_19 : vector<16xi32> to vector<16xi32>
    %and3A = arith.constant 65535 : i32
    %and3A_21 = vector.broadcast %and3A : i32 to vector<16xi32>
    %and3A_22 = arith.andi %get3A_20, %and3A_21 : vector<16xi32>
    %swap3A = arith.constant 0 : i32
    %swap3A_23 = arith.index_cast %swap3A : i32 to index
    %swap3A_24 = arith.constant 0 : index
    %swap3A_25 = tpu.vector_load %arg7[%swap3A_23, %swap3A_24] {strides = array<i32>} : memref<8x32xi32, #tpu.memory_space<vmem>>, vector<1x16xi32>,
    %swap3A_26 = vector.shape_cast %swap3A_25 : vector<1x16xi32> to vector<16xi32>
    %swap3A_27 = vector.shape_cast %and3A_22 : vector<16xi32> to vector<1x16xi32>
    tpu.vector_store %arg7[%swap3A_23, %swap3A_24], %swap3A_27 {strides = array<i32>} : memref<8x32xi32, #tpu.memory_space<vmem>>, vector<1x16xi32>,
    %shift_right_arithmetic3A = arith.constant 16 : i32
    %shift_right_arithmetic3A_28 = vector.broadcast %shift_right_arithmetic3A : i32 to vector<16xi32>
    %shift_right_arithmetic3A_29 = arith.shrsi %get3A_20, %shift_right_arithmetic3A_28 : vector<16xi32>
    %swap3A_30 = arith.constant 0 : i32
    %swap3A_31 = arith.index_cast %swap3A_30 : i32 to index
    %swap3A_32 = arith.constant 0 : index
    %swap3A_33 = tpu.vector_load %arg8[%swap3A_31, %swap3A_32] {strides = array<i32>} : memref<16x32xi32, #tpu.memory_space<vmem>>, vector<1x16xi32>,
    %swap3A_34 = vector.shape_cast %swap3A_33 : vector<1x16xi32> to vector<16xi32>
    %swap3A_35 = vector.shape_cast %shift_right_arithmetic3A_29 : vector<16xi32> to vector<1x16xi32>
    tpu.vector_store %arg8[%swap3A_31, %swap3A_32], %swap3A_35 {strides = array<i32>} : memref<16x32xi32, #tpu.memory_space<vmem>>, vector<1x16xi32>,
    %get3A_36 = arith.constant 16 : index
    %get3A_37 = tpu.vector_load %arg5[%get3A_36] {strides = array<i32>} : memref<10000xi32, #tpu.memory_space<vmem>>, vector<16xi32>,
    %get3A_38 = vector.shape_cast %get3A_37 : vector<16xi32> to vector<16xi32>
    %and3A_39 = arith.constant 65535 : i32
    %and3A_40 = vector.broadcast %and3A_39 : i32 to vector<16xi32>
    %and3A_41 = arith.andi %get3A_38, %and3A_40 : vector<16xi32>
    %swap3A_42 = arith.constant 0 : i32
    %swap3A_43 = arith.index_cast %swap3A_42 : i32 to index
    %swap3A_44 = arith.constant 16 : index
    %swap3A_45 = tpu.vector_load %arg7[%swap3A_43, %swap3A_44] {strides = array<i32>} : memref<8x32xi32, #tpu.memory_space<vmem>>, vector<1x16xi32>,
    %swap3A_46 = vector.shape_cast %swap3A_45 : vector<1x16xi32> to vector<16xi32>
    %swap3A_47 = vector.shape_cast %and3A_41 : vector<16xi32> to vector<1x16xi32>
    tpu.vector_store %arg7[%swap3A_43, %swap3A_44], %swap3A_47 {strides = array<i32>} : memref<8x32xi32, #tpu.memory_space<vmem>>, vector<1x16xi32>,
    %shift_right_arithmetic3A_48 = arith.constant 16 : i32
    %shift_right_arithmetic3A_49 = vector.broadcast %shift_right_arithmetic3A_48 : i32 to vector<16xi32>
    %shift_right_arithmetic3A_50 = arith.shrsi %get3A_38, %shift_right_arithmetic3A_49 : vector<16xi32>
    %swap3A_51 = arith.constant 0 : i32
    %swap3A_52 = arith.index_cast %swap3A_51 : i32 to index
    %swap3A_53 = arith.constant 16 : index
    %swap3A_54 = tpu.vector_load %arg8[%swap3A_52, %swap3A_53] {strides = array<i32>} : memref<16x32xi32, #tpu.memory_space<vmem>>, vector<1x16xi32>,
    %swap3A_55 = vector.shape_cast %swap3A_54 : vector<1x16xi32> to vector<16xi32>
    %swap3A_56 = vector.shape_cast %shift_right_arithmetic3A_50 : vector<16xi32> to vector<1x16xi32>
    tpu.vector_store %arg8[%swap3A_52, %swap3A_53], %swap3A_56 {strides = array<i32>} : memref<16x32xi32, #tpu.memory_space<vmem>>, vector<1x16xi32>,
    %dma_start3A_57 = arith.constant 0 : i32
    %dma_start3A_58 = arith.constant 0 : i32
    %dma_start3A_59 = arith.constant 0 : i32
    %dma_start3A_60 = arith.constant 0 : i32
    %dma_start3A_61 = arith.constant 0 : i32
    %dma_start3A_62 = tpu.memref_slice %arg6[%dma_start3A_58, %dma_start3A_60, %dma_start3A_61] : memref<8x32x128xf32, #tpu.memory_space<vmem>> -> memref<1x32x128xf32, #tpu.memory_space<vmem>>
    %dma_start3A_63 = tpu.memref_squeeze %dma_start3A_62 : memref<1x32x128xf32, #tpu.memory_space<vmem>> -> memref<32x128xf32, #tpu.memory_space<vmem>>
    %dma_start3A_64 = arith.constant 0 : i32
    %dma_start3A_65 = tpu.memref_slice %arg7[%dma_start3A_57, %dma_start3A_64] : memref<8x32xi32, #tpu.memory_space<vmem>> -> memref<1x32xi32, #tpu.memory_space<vmem>>
    %dma_start3A_66 = tpu.memref_squeeze %dma_start3A_65 : memref<1x32xi32, #tpu.memory_space<vmem>> -> memref<32xi32, #tpu.memory_space<vmem>>
    %dma_start3A_67 = arith.constant 0 : i32
    %dma_start3A_68 = arith.constant 0 : i32
    %dma_start3A_69 = tpu.memref_slice %arg3[%dma_start3A_67, %dma_start3A_68] : memref<10000x128xf32, #tpu.memory_space<hbm>> -> memref<10000x128xf32, #tpu.memory_space<hbm>>
    %dma_start3A_70 = tpu.memref_slice %arg14[%dma_start3A_59] : memref<8x!tpu.dma_semaphore, #tpu.memory_space<semaphore_mem>> -> memref<1x!tpu.dma_semaphore, #tpu.memory_space<semaphore_mem>>
    %dma_start3A_71 = tpu.memref_squeeze %dma_start3A_70 : memref<1x!tpu.dma_semaphore, #tpu.memory_space<semaphore_mem>> -> memref<!tpu.dma_semaphore, #tpu.memory_space<semaphore_mem>>
    tpu.enqueue_indirect_dma source(%dma_start3A_69 : memref<10000x128xf32, #tpu.memory_space<hbm>>) target(%dma_start3A_63 : memref<32x128xf32, #tpu.memory_space<vmem>>) offsets(%dma_start3A_66 : memref<32xi32, #tpu.memory_space<vmem>>) semaphore(%dma_start3A_71 : memref<!tpu.dma_semaphore, #tpu.memory_space<semaphore_mem>>)
    %get3A_72 = arith.constant 32 : index
    %get3A_73 = tpu.vector_load %arg5[%get3A_72] {strides = array<i32>} : memref<10000xi32, #tpu.memory_space<vmem>>, vector<16xi32>,
    %get3A_74 = vector.shape_cast %get3A_73 : vector<16xi32> to vector<16xi32>
    %and3A_75 = arith.constant 65535 : i32
    %and3A_76 = vector.broadcast %and3A_75 : i32 to vector<16xi32>
    %and3A_77 = arith.andi %get3A_74, %and3A_76 : vector<16xi32>
    %swap3A_78 = arith.constant 1 : i32
    %swap3A_79 = arith.index_cast %swap3A_78 : i32 to index
    %swap3A_80 = arith.constant 0 : index
    %swap3A_81 = tpu.vector_load %arg7[%swap3A_79, %swap3A_80] {strides = array<i32>} : memref<8x32xi32, #tpu.memory_space<vmem>>, vector<1x16xi32>,
    %swap3A_82 = vector.shape_cast %swap3A_81 : vector<1x16xi32> to vector<16xi32>
    %swap3A_83 = vector.shape_cast %and3A_77 : vector<16xi32> to vector<1x16xi32>
    tpu.vector_store %arg7[%swap3A_79, %swap3A_80], %swap3A_83 {strides = array<i32>} : memref<8x32xi32, #tpu.memory_space<vmem>>, vector<1x16xi32>,
    %shift_right_arithmetic3A_84 = arith.constant 16 : i32
    %shift_right_arithmetic3A_85 = vector.broadcast %shift_right_arithmetic3A_84 : i32 to vector<16xi32>
    %shift_right_arithmetic3A_86 = arith.shrsi %get3A_74, %shift_right_arithmetic3A_85 : vector<16xi32>
    %swap3A_87 = arith.constant 1 : i32
    %swap3A_88 = arith.index_cast %swap3A_87 : i32 to index
    %swap3A_89 = arith.constant 0 : index
    %swap3A_90 = tpu.vector_load %arg8[%swap3A_88, %swap3A_89] {strides = array<i32>} : memref<16x32xi32, #tpu.memory_space<vmem>>, vector<1x16xi32>,
    %swap3A_91 = vector.shape_cast %swap3A_90 : vector<1x16xi32> to vector<16xi32>
    %swap3A_92 = vector.shape_cast %shift_right_arithmetic3A_86 : vector<16xi32> to vector<1x16xi32>
    tpu.vector_store %arg8[%swap3A_88, %swap3A_89], %swap3A_92 {strides = array<i32>} : memref<16x32xi32, #tpu.memory_space<vmem>>, vector<1x16xi32>,
    %get3A_93 = arith.constant 48 : index
    %get3A_94 = tpu.vector_load %arg5[%get3A_93] {strides = array<i32>} : memref<10000xi32, #tpu.memory_space<vmem>>, vector<16xi32>,
    %get3A_95 = vector.shape_cast %get3A_94 : vector<16xi32> to vector<16xi32>
    %and3A_96 = arith.constant 65535 : i32
    %and3A_97 = vector.broadcast %and3A_96 : i32 to vector<16xi32>
    %and3A_98 = arith.andi %get3A_95, %and3A_97 : vector<16xi32>
    %swap3A_99 = arith.constant 1 : i32
    %swap3A_100 = arith.index_cast %swap3A_99 : i32 to index
    %swap3A_101 = arith.constant 16 : index
    %swap3A_102 = tpu.vector_load %arg7[%swap3A_100, %swap3A_101] {strides = array<i32>} : memref<8x32xi32, #tpu.memory_space<vmem>>, vector<1x16xi32>,
    %swap3A_103 = vector.shape_cast %swap3A_102 : vector<1x16xi32> to vector<16xi32>
    %swap3A_104 = vector.shape_cast %and3A_98 : vector<16xi32> to vector<1x16xi32>
    tpu.vector_store %arg7[%swap3A_100, %swap3A_101], %swap3A_104 {strides = array<i32>} : memref<8x32xi32, #tpu.memory_space<vmem>>, vector<1x16xi32>,
    %shift_right_arithmetic3A_105 = arith.constant 16 : i32
    %shift_right_arithmetic3A_106 = vector.broadcast %shift_right_arithmetic3A_105 : i32 to vector<16xi32>
    %shift_right_arithmetic3A_107 = arith.shrsi %get3A_95, %shift_right_arithmetic3A_106 : vector<16xi32>
    %swap3A_108 = arith.constant 1 : i32
    %swap3A_109 = arith.index_cast %swap3A_108 : i32 to index
    %swap3A_110 = arith.constant 16 : index
    %swap3A_111 = tpu.vector_load %arg8[%swap3A_109, %swap3A_110] {strides = array<i32>} : memref<16x32xi32, #tpu.memory_space<vmem>>, vector<1x16xi32>,
    %swap3A_112 = vector.shape_cast %swap3A_111 : vector<1x16xi32> to vector<16xi32>
    %swap3A_113 = vector.shape_cast %shift_right_arithmetic3A_107 : vector<16xi32> to vector<1x16xi32>
    tpu.vector_store %arg8[%swap3A_109, %swap3A_110], %swap3A_113 {strides = array<i32>} : memref<16x32xi32, #tpu.memory_space<vmem>>, vector<1x16xi32>,
    %dma_start3A_114 = arith.constant 1 : i32
    %dma_start3A_115 = arith.constant 1 : i32
    %dma_start3A_116 = arith.constant 1 : i32
    %dma_start3A_117 = arith.constant 0 : i32
    %dma_start3A_118 = arith.constant 0 : i32
    %dma_start3A_119 = tpu.memref_slice %arg6[%dma_start3A_115, %dma_start3A_117, %dma_start3A_118] : memref<8x32x128xf32, #tpu.memory_space<vmem>> -> memref<1x32x128xf32, #tpu.memory_space<vmem>>
    %dma_start3A_120 = tpu.memref_squeeze %dma_start3A_119 : memref<1x32x128xf32, #tpu.memory_space<vmem>> -> memref<32x128xf32, #tpu.memory_space<vmem>>
    %dma_start3A_121 = arith.constant 0 : i32
    %dma_start3A_122 = tpu.memref_slice %arg7[%dma_start3A_114, %dma_start3A_121] : memref<8x32xi32, #tpu.memory_space<vmem>> -> memref<1x32xi32, #tpu.memory_space<vmem>>
    %dma_start3A_123 = tpu.memref_squeeze %dma_start3A_122 : memref<1x32xi32, #tpu.memory_space<vmem>> -> memref<32xi32, #tpu.memory_space<vmem>>
    %dma_start3A_124 = arith.constant 0 : i32
    %dma_start3A_125 = arith.constant 0 : i32
    %dma_start3A_126 = tpu.memref_slice %arg3[%dma_start3A_124, %dma_start3A_125] : memref<10000x128xf32, #tpu.memory_space<hbm>> -> memref<10000x128xf32, #tpu.memory_space<hbm>>
    %dma_start3A_127 = tpu.memref_slice %arg14[%dma_start3A_116] : memref<8x!tpu.dma_semaphore, #tpu.memory_space<semaphore_mem>> -> memref<1x!tpu.dma_semaphore, #tpu.memory_space<semaphore_mem>>
    %dma_start3A_128 = tpu.memref_squeeze %dma_start3A_127 : memref<1x!tpu.dma_semaphore, #tpu.memory_space<semaphore_mem>> -> memref<!tpu.dma_semaphore, #tpu.memory_space<semaphore_mem>>
    tpu.enqueue_indirect_dma source(%dma_start3A_126 : memref<10000x128xf32, #tpu.memory_space<hbm>>) target(%dma_start3A_120 : memref<32x128xf32, #tpu.memory_space<vmem>>) offsets(%dma_start3A_123 : memref<32xi32, #tpu.memory_space<vmem>>) semaphore(%dma_start3A_128 : memref<!tpu.dma_semaphore, #tpu.memory_space<semaphore_mem>>)
    %get3A_129 = arith.constant 64 : index
    %get3A_130 = tpu.vector_load %arg5[%get3A_129] {strides = array<i32>} : memref<10000xi32, #tpu.memory_space<vmem>>, vector<16xi32>,
    %get3A_131 = vector.shape_cast %get3A_130 : vector<16xi32> to vector<16xi32>
    %and3A_132 = arith.constant 65535 : i32
    %and3A_133 = vector.broadcast %and3A_132 : i32 to vector<16xi32>
    %and3A_134 = arith.andi %get3A_131, %and3A_133 : vector<16xi32>
    %swap3A_135 = arith.constant 2 : i32
    %swap3A_136 = arith.index_cast %swap3A_135 : i32 to index
    %swap3A_137 = arith.constant 0 : index
    %swap3A_138 = tpu.vector_load %arg7[%swap3A_136, %swap3A_137] {strides = array<i32>} : memref<8x32xi32, #tpu.memory_space<vmem>>, vector<1x16xi32>,
    %swap3A_139 = vector.shape_cast %swap3A_138 : vector<1x16xi32> to vector<16xi32>
    %swap3A_140 = vector.shape_cast %and3A_134 : vector<16xi32> to vector<1x16xi32>
    tpu.vector_store %arg7[%swap3A_136, %swap3A_137], %swap3A_140 {strides = array<i32>} : memref<8x32xi32, #tpu.memory_space<vmem>>, vector<1x16xi32>,
    %shift_right_arithmetic3A_141 = arith.constant 16 : i32
    %shift_right_arithmetic3A_142 = vector.broadcast %shift_right_arithmetic3A_141 : i32 to vector<16xi32>
    %shift_right_arithmetic3A_143 = arith.shrsi %get3A_131, %shift_right_arithmetic3A_142 : vector<16xi32>
    %swap3A_144 = arith.constant 2 : i32
    %swap3A_145 = arith.index_cast %swap3A_144 : i32 to index
    %swap3A_146 = arith.constant 0 : index
    %swap3A_147 = tpu.vector_load %arg8[%swap3A_145, %swap3A_146] {strides = array<i32>} : memref<16x32xi32, #tpu.memory_space<vmem>>, vector<1x16xi32>,
    %swap3A_148 = vector.shape_cast %swap3A_147 : vector<1x16xi32> to vector<16xi32>
    %swap3A_149 = vector.shape_cast %shift_right_arithmetic3A_143 : vector<16xi32> to vector<1x16xi32>
    tpu.vector_store %arg8[%swap3A_145, %swap3A_146], %swap3A_149 {strides = array<i32>} : memref<16x32xi32, #tpu.memory_space<vmem>>, vector<1x16xi32>,
    %get3A_150 = arith.constant 80 : index
    %get3A_151 = tpu.vector_load %arg5[%get3A_150] {strides = array<i32>} : memref<10000xi32, #tpu.memory_space<vmem>>, vector<16xi32>,
    %get3A_152 = vector.shape_cast %get3A_151 : vector<16xi32> to vector<16xi32>
    %and3A_153 = arith.constant 65535 : i32
    %and3A_154 = vector.broadcast %and3A_153 : i32 to vector<16xi32>
    %and3A_155 = arith.andi %get3A_152, %and3A_154 : vector<16xi32>
    %swap3A_156 = arith.constant 2 : i32
    %swap3A_157 = arith.index_cast %swap3A_156 : i32 to index
    %swap3A_158 = arith.constant 16 : index
    %swap3A_159 = tpu.vector_load %arg7[%swap3A_157, %swap3A_158] {strides = array<i32>} : memref<8x32xi32, #tpu.memory_space<vmem>>, vector<1x16xi32>,
    %swap3A_160 = vector.shape_cast %swap3A_159 : vector<1x16xi32> to vector<16xi32>
    %swap3A_161 = vector.shape_cast %and3A_155 : vector<16xi32> to vector<1x16xi32>
    tpu.vector_store %arg7[%swap3A_157, %swap3A_158], %swap3A_161 {strides = array<i32>} : memref<8x32xi32, #tpu.memory_space<vmem>>, vector<1x16xi32>,
    %shift_right_arithmetic3A_162 = arith.constant 16 : i32
    %shift_right_arithmetic3A_163 = vector.broadcast %shift_right_arithmetic3A_162 : i32 to vector<16xi32>
    %shift_right_arithmetic3A_164 = arith.shrsi %get3A_152, %shift_right_arithmetic3A_163 : vector<16xi32>
    %swap3A_165 = arith.constant 2 : i32
    %swap3A_166 = arith.index_cast %swap3A_165 : i32 to index
    %swap3A_167 = arith.constant 16 : index
    %swap3A_168 = tpu.vector_load %arg8[%swap3A_166, %swap3A_167] {strides = array<i32>} : memref<16x32xi32, #tpu.memory_space<vmem>>, vector<1x16xi32>,
    %swap3A_169 = vector.shape_cast %swap3A_168 : vector<1x16xi32> to vector<16xi32>
    %swap3A_170 = vector.shape_cast %shift_right_arithmetic3A_164 : vector<16xi32> to vector<1x16xi32>
    tpu.vector_store %arg8[%swap3A_166, %swap3A_167], %swap3A_170 {strides = array<i32>} : memref<16x32xi32, #tpu.memory_space<vmem>>, vector<1x16xi32>,
    %dma_start3A_171 = arith.constant 2 : i32
    %dma_start3A_172 = arith.constant 2 : i32
    %dma_start3A_173 = arith.constant 2 : i32
    %dma_start3A_174 = arith.constant 0 : i32
    %dma_start3A_175 = arith.constant 0 : i32
    %dma_start3A_176 = tpu.memref_slice %arg6[%dma_start3A_172, %dma_start3A_174, %dma_start3A_175] : memref<8x32x128xf32, #tpu.memory_space<vmem>> -> memref<1x32x128xf32, #tpu.memory_space<vmem>>
    %dma_start3A_177 = tpu.memref_squeeze %dma_start3A_176 : memref<1x32x128xf32, #tpu.memory_space<vmem>> -> memref<32x128xf32, #tpu.memory_space<vmem>>
    %dma_start3A_178 = arith.constant 0 : i32
    %dma_start3A_179 = tpu.memref_slice %arg7[%dma_start3A_171, %dma_start3A_178] : memref<8x32xi32, #tpu.memory_space<vmem>> -> memref<1x32xi32, #tpu.memory_space<vmem>>
    %dma_start3A_180 = tpu.memref_squeeze %dma_start3A_179 : memref<1x32xi32, #tpu.memory_space<vmem>> -> memref<32xi32, #tpu.memory_space<vmem>>
    %dma_start3A_181 = arith.constant 0 : i32
    %dma_start3A_182 = arith.constant 0 : i32
    %dma_start3A_183 = tpu.memref_slice %arg3[%dma_start3A_181, %dma_start3A_182] : memref<10000x128xf32, #tpu.memory_space<hbm>> -> memref<10000x128xf32, #tpu.memory_space<hbm>>
    %dma_start3A_184 = tpu.memref_slice %arg14[%dma_start3A_173] : memref<8x!tpu.dma_semaphore, #tpu.memory_space<semaphore_mem>> -> memref<1x!tpu.dma_semaphore, #tpu.memory_space<semaphore_mem>>
    %dma_start3A_185 = tpu.memref_squeeze %dma_start3A_184 : memref<1x!tpu.dma_semaphore, #tpu.memory_space<semaphore_mem>> -> memref<!tpu.dma_semaphore, #tpu.memory_space<semaphore_mem>>
    tpu.enqueue_indirect_dma source(%dma_start3A_183 : memref<10000x128xf32, #tpu.memory_space<hbm>>) target(%dma_start3A_177 : memref<32x128xf32, #tpu.memory_space<vmem>>) offsets(%dma_start3A_180 : memref<32xi32, #tpu.memory_space<vmem>>) semaphore(%dma_start3A_185 : memref<!tpu.dma_semaphore, #tpu.memory_space<semaphore_mem>>)
    %get3A_186 = arith.constant 96 : index
    %get3A_187 = tpu.vector_load %arg5[%get3A_186] {strides = array<i32>} : memref<10000xi32, #tpu.memory_space<vmem>>, vector<16xi32>,
    %get3A_188 = vector.shape_cast %get3A_187 : vector<16xi32> to vector<16xi32>
    %and3A_189 = arith.constant 65535 : i32
    %and3A_190 = vector.broadcast %and3A_189 : i32 to vector<16xi32>
    %and3A_191 = arith.andi %get3A_188, %and3A_190 : vector<16xi32>
    %swap3A_192 = arith.constant 3 : i32
    %swap3A_193 = arith.index_cast %swap3A_192 : i32 to index
    %swap3A_194 = arith.constant 0 : index
    %swap3A_195 = tpu.vector_load %arg7[%swap3A_193, %swap3A_194] {strides = array<i32>} : memref<8x32xi32, #tpu.memory_space<vmem>>, vector<1x16xi32>,
    %swap3A_196 = vector.shape_cast %swap3A_195 : vector<1x16xi32> to vector<16xi32>
    %swap3A_197 = vector.shape_cast %and3A_191 : vector<16xi32> to vector<1x16xi32>
    tpu.vector_store %arg7[%swap3A_193, %swap3A_194], %swap3A_197 {strides = array<i32>} : memref<8x32xi32, #tpu.memory_space<vmem>>, vector<1x16xi32>,
    %shift_right_arithmetic3A_198 = arith.constant 16 : i32
    %shift_right_arithmetic3A_199 = vector.broadcast %shift_right_arithmetic3A_198 : i32 to vector<16xi32>
    %shift_right_arithmetic3A_200 = arith.shrsi %get3A_188, %shift_right_arithmetic3A_199 : vector<16xi32>
    %swap3A_201 = arith.constant 3 : i32
    %swap3A_202 = arith.index_cast %swap3A_201 : i32 to index
    %swap3A_203 = arith.constant 0 : index
    %swap3A_204 = tpu.vector_load %arg8[%swap3A_202, %swap3A_203] {strides = array<i32>} : memref<16x32xi32, #tpu.memory_space<vmem>>, vector<1x16xi32>,
    %swap3A_205 = vector.shape_cast %swap3A_204 : vector<1x16xi32> to vector<16xi32>
    %swap3A_206 = vector.shape_cast %shift_right_arithmetic3A_200 : vector<16xi32> to vector<1x16xi32>
    tpu.vector_store %arg8[%swap3A_202, %swap3A_203], %swap3A_206 {strides = array<i32>} : memref<16x32xi32, #tpu.memory_space<vmem>>, vector<1x16xi32>,
    %get3A_207 = arith.constant 112 : index
    %get3A_208 = tpu.vector_load %arg5[%get3A_207] {strides = array<i32>} : memref<10000xi32, #tpu.memory_space<vmem>>, vector<16xi32>,
    %get3A_209 = vector.shape_cast %get3A_208 : vector<16xi32> to vector<16xi32>
    %and3A_210 = arith.constant 65535 : i32
    %and3A_211 = vector.broadcast %and3A_210 : i32 to vector<16xi32>
    %and3A_212 = arith.andi %get3A_209, %and3A_211 : vector<16xi32>
    %swap3A_213 = arith.constant 3 : i32
    %swap3A_214 = arith.index_cast %swap3A_213 : i32 to index
    %swap3A_215 = arith.constant 16 : index
    %swap3A_216 = tpu.vector_load %arg7[%swap3A_214, %swap3A_215] {strides = array<i32>} : memref<8x32xi32, #tpu.memory_space<vmem>>, vector<1x16xi32>,
    %swap3A_217 = vector.shape_cast %swap3A_216 : vector<1x16xi32> to vector<16xi32>
    %swap3A_218 = vector.shape_cast %and3A_212 : vector<16xi32> to vector<1x16xi32>
    tpu.vector_store %arg7[%swap3A_214, %swap3A_215], %swap3A_218 {strides = array<i32>} : memref<8x32xi32, #tpu.memory_space<vmem>>, vector<1x16xi32>,
    %shift_right_arithmetic3A_219 = arith.constant 16 : i32
    %shift_right_arithmetic3A_220 = vector.broadcast %shift_right_arithmetic3A_219 : i32 to vector<16xi32>
    %shift_right_arithmetic3A_221 = arith.shrsi %get3A_209, %shift_right_arithmetic3A_220 : vector<16xi32>
    %swap3A_222 = arith.constant 3 : i32
    %swap3A_223 = arith.index_cast %swap3A_222 : i32 to index
    %swap3A_224 = arith.constant 16 : index
    %swap3A_225 = tpu.vector_load %arg8[%swap3A_223, %swap3A_224] {strides = array<i32>} : memref<16x32xi32, #tpu.memory_space<vmem>>, vector<1x16xi32>,
    %swap3A_226 = vector.shape_cast %swap3A_225 : vector<1x16xi32> to vector<16xi32>
    %swap3A_227 = vector.shape_cast %shift_right_arithmetic3A_221 : vector<16xi32> to vector<1x16xi32>
    tpu.vector_store %arg8[%swap3A_223, %swap3A_224], %swap3A_227 {strides = array<i32>} : memref<16x32xi32, #tpu.memory_space<vmem>>, vector<1x16xi32>,
    %dma_start3A_228 = arith.constant 3 : i32
    %dma_start3A_229 = arith.constant 3 : i32
    %dma_start3A_230 = arith.constant 3 : i32
    %dma_start3A_231 = arith.constant 0 : i32
    %dma_start3A_232 = arith.constant 0 : i32
    %dma_start3A_233 = tpu.memref_slice %arg6[%dma_start3A_229, %dma_start3A_231, %dma_start3A_232] : memref<8x32x128xf32, #tpu.memory_space<vmem>> -> memref<1x32x128xf32, #tpu.memory_space<vmem>>
    %dma_start3A_234 = tpu.memref_squeeze %dma_start3A_233 : memref<1x32x128xf32, #tpu.memory_space<vmem>> -> memref<32x128xf32, #tpu.memory_space<vmem>>
    %dma_start3A_235 = arith.constant 0 : i32
    %dma_start3A_236 = tpu.memref_slice %arg7[%dma_start3A_228, %dma_start3A_235] : memref<8x32xi32, #tpu.memory_space<vmem>> -> memref<1x32xi32, #tpu.memory_space<vmem>>
    %dma_start3A_237 = tpu.memref_squeeze %dma_start3A_236 : memref<1x32xi32, #tpu.memory_space<vmem>> -> memref<32xi32, #tpu.memory_space<vmem>>
    %dma_start3A_238 = arith.constant 0 : i32
    %dma_start3A_239 = arith.constant 0 : i32
    %dma_start3A_240 = tpu.memref_slice %arg3[%dma_start3A_238, %dma_start3A_239] : memref<10000x128xf32, #tpu.memory_space<hbm>> -> memref<10000x128xf32, #tpu.memory_space<hbm>>
    %dma_start3A_241 = tpu.memref_slice %arg14[%dma_start3A_230] : memref<8x!tpu.dma_semaphore, #tpu.memory_space<semaphore_mem>> -> memref<1x!tpu.dma_semaphore, #tpu.memory_space<semaphore_mem>>
    %dma_start3A_242 = tpu.memref_squeeze %dma_start3A_241 : memref<1x!tpu.dma_semaphore, #tpu.memory_space<semaphore_mem>> -> memref<!tpu.dma_semaphore, #tpu.memory_space<semaphore_mem>>
    tpu.enqueue_indirect_dma source(%dma_start3A_240 : memref<10000x128xf32, #tpu.memory_space<hbm>>) target(%dma_start3A_234 : memref<32x128xf32, #tpu.memory_space<vmem>>) offsets(%dma_start3A_237 : memref<32xi32, #tpu.memory_space<vmem>>) semaphore(%dma_start3A_242 : memref<!tpu.dma_semaphore, #tpu.memory_space<semaphore_mem>>)
    %get3A_243 = arith.constant 128 : index
    %get3A_244 = tpu.vector_load %arg5[%get3A_243] {strides = array<i32>} : memref<10000xi32, #tpu.memory_space<vmem>>, vector<16xi32>,
    %get3A_245 = vector.shape_cast %get3A_244 : vector<16xi32> to vector<16xi32>
    %and3A_246 = arith.constant 65535 : i32
    %and3A_247 = vector.broadcast %and3A_246 : i32 to vector<16xi32>
    %and3A_248 = arith.andi %get3A_245, %and3A_247 : vector<16xi32>
    %swap3A_249 = arith.constant 4 : i32
    %swap3A_250 = arith.index_cast %swap3A_249 : i32 to index
    %swap3A_251 = arith.constant 0 : index
    %swap3A_252 = tpu.vector_load %arg7[%swap3A_250, %swap3A_251] {strides = array<i32>} : memref<8x32xi32, #tpu.memory_space<vmem>>, vector<1x16xi32>,
    %swap3A_253 = vector.shape_cast %swap3A_252 : vector<1x16xi32> to vector<16xi32>
    %swap3A_254 = vector.shape_cast %and3A_248 : vector<16xi32> to vector<1x16xi32>
    tpu.vector_store %arg7[%swap3A_250, %swap3A_251], %swap3A_254 {strides = array<i32>} : memref<8x32xi32, #tpu.memory_space<vmem>>, vector<1x16xi32>,
    %shift_right_arithmetic3A_255 = arith.constant 16 : i32
    %shift_right_arithmetic3A_256 = vector.broadcast %shift_right_arithmetic3A_255 : i32 to vector<16xi32>
    %shift_right_arithmetic3A_257 = arith.shrsi %get3A_245, %shift_right_arithmetic3A_256 : vector<16xi32>
    %swap3A_258 = arith.constant 4 : i32
    %swap3A_259 = arith.index_cast %swap3A_258 : i32 to index
    %swap3A_260 = arith.constant 0 : index
    %swap3A_261 = tpu.vector_load %arg8[%swap3A_259, %swap3A_260] {strides = array<i32>} : memref<16x32xi32, #tpu.memory_space<vmem>>, vector<1x16xi32>,
    %swap3A_262 = vector.shape_cast %swap3A_261 : vector<1x16xi32> to vector<16xi32>
    %swap3A_263 = vector.shape_cast %shift_right_arithmetic3A_257 : vector<16xi32> to vector<1x16xi32>
    tpu.vector_store %arg8[%swap3A_259, %swap3A_260], %swap3A_263 {strides = array<i32>} : memref<16x32xi32, #tpu.memory_space<vmem>>, vector<1x16xi32>,
    %get3A_264 = arith.constant 144 : index
    %get3A_265 = tpu.vector_load %arg5[%get3A_264] {strides = array<i32>} : memref<10000xi32, #tpu.memory_space<vmem>>, vector<16xi32>,
    %get3A_266 = vector.shape_cast %get3A_265 : vector<16xi32> to vector<16xi32>
    %and3A_267 = arith.constant 65535 : i32
    %and3A_268 = vector.broadcast %and3A_267 : i32 to vector<16xi32>
    %and3A_269 = arith.andi %get3A_266, %and3A_268 : vector<16xi32>
    %swap3A_270 = arith.constant 4 : i32
    %swap3A_271 = arith.index_cast %swap3A_270 : i32 to index
    %swap3A_272 = arith.constant 16 : index
    %swap3A_273 = tpu.vector_load %arg7[%swap3A_271, %swap3A_272] {strides = array<i32>} : memref<8x32xi32, #tpu.memory_space<vmem>>, vector<1x16xi32>,
    %swap3A_274 = vector.shape_cast %swap3A_273 : vector<1x16xi32> to vector<16xi32>
    %swap3A_275 = vector.shape_cast %and3A_269 : vector<16xi32> to vector<1x16xi32>
    tpu.vector_store %arg7[%swap3A_271, %swap3A_272], %swap3A_275 {strides = array<i32>} : memref<8x32xi32, #tpu.memory_space<vmem>>, vector<1x16xi32>,
    %shift_right_arithmetic3A_276 = arith.constant 16 : i32
    %shift_right_arithmetic3A_277 = vector.broadcast %shift_right_arithmetic3A_276 : i32 to vector<16xi32>
    %shift_right_arithmetic3A_278 = arith.shrsi %get3A_266, %shift_right_arithmetic3A_277 : vector<16xi32>
    %swap3A_279 = arith.constant 4 : i32
    %swap3A_280 = arith.index_cast %swap3A_279 : i32 to index
    %swap3A_281 = arith.constant 16 : index
    %swap3A_282 = tpu.vector_load %arg8[%swap3A_280, %swap3A_281] {strides = array<i32>} : memref<16x32xi32, #tpu.memory_space<vmem>>, vector<1x16xi32>,
    %swap3A_283 = vector.shape_cast %swap3A_282 : vector<1x16xi32> to vector<16xi32>
    %swap3A_284 = vector.shape_cast %shift_right_arithmetic3A_278 : vector<16xi32> to vector<1x16xi32>
    tpu.vector_store %arg8[%swap3A_280, %swap3A_281], %swap3A_284 {strides = array<i32>} : memref<16x32xi32, #tpu.memory_space<vmem>>, vector<1x16xi32>,
    %dma_start3A_285 = arith.constant 4 : i32
    %dma_start3A_286 = arith.constant 4 : i32
    %dma_start3A_287 = arith.constant 4 : i32
    %dma_start3A_288 = arith.constant 0 : i32
    %dma_start3A_289 = arith.constant 0 : i32
    %dma_start3A_290 = tpu.memref_slice %arg6[%dma_start3A_286, %dma_start3A_288, %dma_start3A_289] : memref<8x32x128xf32, #tpu.memory_space<vmem>> -> memref<1x32x128xf32, #tpu.memory_space<vmem>>
    %dma_start3A_291 = tpu.memref_squeeze %dma_start3A_290 : memref<1x32x128xf32, #tpu.memory_space<vmem>> -> memref<32x128xf32, #tpu.memory_space<vmem>>
    %dma_start3A_292 = arith.constant 0 : i32
    %dma_start3A_293 = tpu.memref_slice %arg7[%dma_start3A_285, %dma_start3A_292] : memref<8x32xi32, #tpu.memory_space<vmem>> -> memref<1x32xi32, #tpu.memory_space<vmem>>
    %dma_start3A_294 = tpu.memref_squeeze %dma_start3A_293 : memref<1x32xi32, #tpu.memory_space<vmem>> -> memref<32xi32, #tpu.memory_space<vmem>>
    %dma_start3A_295 = arith.constant 0 : i32
    %dma_start3A_296 = arith.constant 0 : i32
    %dma_start3A_297 = tpu.memref_slice %arg3[%dma_start3A_295, %dma_start3A_296] : memref<10000x128xf32, #tpu.memory_space<hbm>> -> memref<10000x128xf32, #tpu.memory_space<hbm>>
    %dma_start3A_298 = tpu.memref_slice %arg14[%dma_start3A_287] : memref<8x!tpu.dma_semaphore, #tpu.memory_space<semaphore_mem>> -> memref<1x!tpu.dma_semaphore, #tpu.memory_space<semaphore_mem>>
    %dma_start3A_299 = tpu.memref_squeeze %dma_start3A_298 : memref<1x!tpu.dma_semaphore, #tpu.memory_space<semaphore_mem>> -> memref<!tpu.dma_semaphore, #tpu.memory_space<semaphore_mem>>
    tpu.enqueue_indirect_dma source(%dma_start3A_297 : memref<10000x128xf32, #tpu.memory_space<hbm>>) target(%dma_start3A_291 : memref<32x128xf32, #tpu.memory_space<vmem>>) offsets(%dma_start3A_294 : memref<32xi32, #tpu.memory_space<vmem>>) semaphore(%dma_start3A_299 : memref<!tpu.dma_semaphore, #tpu.memory_space<semaphore_mem>>)
    %get3A_300 = arith.constant 160 : index
    %get3A_301 = tpu.vector_load %arg5[%get3A_300] {strides = array<i32>} : memref<10000xi32, #tpu.memory_space<vmem>>, vector<16xi32>,
    %get3A_302 = vector.shape_cast %get3A_301 : vector<16xi32> to vector<16xi32>
    %and3A_303 = arith.constant 65535 : i32
    %and3A_304 = vector.broadcast %and3A_303 : i32 to vector<16xi32>
    %and3A_305 = arith.andi %get3A_302, %and3A_304 : vector<16xi32>
    %swap3A_306 = arith.constant 5 : i32
    %swap3A_307 = arith.index_cast %swap3A_306 : i32 to index
    %swap3A_308 = arith.constant 0 : index
    %swap3A_309 = tpu.vector_load %arg7[%swap3A_307, %swap3A_308] {strides = array<i32>} : memref<8x32xi32, #tpu.memory_space<vmem>>, vector<1x16xi32>,
    %swap3A_310 = vector.shape_cast %swap3A_309 : vector<1x16xi32> to vector<16xi32>
    %swap3A_311 = vector.shape_cast %and3A_305 : vector<16xi32> to vector<1x16xi32>
    tpu.vector_store %arg7[%swap3A_307, %swap3A_308], %swap3A_311 {strides = array<i32>} : memref<8x32xi32, #tpu.memory_space<vmem>>, vector<1x16xi32>,
    %shift_right_arithmetic3A_312 = arith.constant 16 : i32
    %shift_right_arithmetic3A_313 = vector.broadcast %shift_right_arithmetic3A_312 : i32 to vector<16xi32>
    %shift_right_arithmetic3A_314 = arith.shrsi %get3A_302, %shift_right_arithmetic3A_313 : vector<16xi32>
    %swap3A_315 = arith.constant 5 : i32
    %swap3A_316 = arith.index_cast %swap3A_315 : i32 to index
    %swap3A_317 = arith.constant 0 : index
    %swap3A_318 = tpu.vector_load %arg8[%swap3A_316, %swap3A_317] {strides = array<i32>} : memref<16x32xi32, #tpu.memory_space<vmem>>, vector<1x16xi32>,
    %swap3A_319 = vector.shape_cast %swap3A_318 : vector<1x16xi32> to vector<16xi32>
    %swap3A_320 = vector.shape_cast %shift_right_arithmetic3A_314 : vector<16xi32> to vector<1x16xi32>
    tpu.vector_store %arg8[%swap3A_316, %swap3A_317], %swap3A_320 {strides = array<i32>} : memref<16x32xi32, #tpu.memory_space<vmem>>, vector<1x16xi32>,
    %get3A_321 = arith.constant 176 : index
    %get3A_322 = tpu.vector_load %arg5[%get3A_321] {strides = array<i32>} : memref<10000xi32, #tpu.memory_space<vmem>>, vector<16xi32>,
    %get3A_323 = vector.shape_cast %get3A_322 : vector<16xi32> to vector<16xi32>
    %and3A_324 = arith.constant 65535 : i32
    %and3A_325 = vector.broadcast %and3A_324 : i32 to vector<16xi32>
    %and3A_326 = arith.andi %get3A_323, %and3A_325 : vector<16xi32>
    %swap3A_327 = arith.constant 5 : i32
    %swap3A_328 = arith.index_cast %swap3A_327 : i32 to index
    %swap3A_329 = arith.constant 16 : index
    %swap3A_330 = tpu.vector_load %arg7[%swap3A_328, %swap3A_329] {strides = array<i32>} : memref<8x32xi32, #tpu.memory_space<vmem>>, vector<1x16xi32>,
    %swap3A_331 = vector.shape_cast %swap3A_330 : vector<1x16xi32> to vector<16xi32>
    %swap3A_332 = vector.shape_cast %and3A_326 : vector<16xi32> to vector<1x16xi32>
    tpu.vector_store %arg7[%swap3A_328, %swap3A_329], %swap3A_332 {strides = array<i32>} : memref<8x32xi32, #tpu.memory_space<vmem>>, vector<1x16xi32>,
    %shift_right_arithmetic3A_333 = arith.constant 16 : i32
    %shift_right_arithmetic3A_334 = vector.broadcast %shift_right_arithmetic3A_333 : i32 to vector<16xi32>
    %shift_right_arithmetic3A_335 = arith.shrsi %get3A_323, %shift_right_arithmetic3A_334 : vector<16xi32>
    %swap3A_336 = arith.constant 5 : i32
    %swap3A_337 = arith.index_cast %swap3A_336 : i32 to index
    %swap3A_338 = arith.constant 16 : index
    %swap3A_339 = tpu.vector_load %arg8[%swap3A_337, %swap3A_338] {strides = array<i32>} : memref<16x32xi32, #tpu.memory_space<vmem>>, vector<1x16xi32>,
    %swap3A_340 = vector.shape_cast %swap3A_339 : vector<1x16xi32> to vector<16xi32>
    %swap3A_341 = vector.shape_cast %shift_right_arithmetic3A_335 : vector<16xi32> to vector<1x16xi32>
    tpu.vector_store %arg8[%swap3A_337, %swap3A_338], %swap3A_341 {strides = array<i32>} : memref<16x32xi32, #tpu.memory_space<vmem>>, vector<1x16xi32>,
    %dma_start3A_342 = arith.constant 5 : i32
    %dma_start3A_343 = arith.constant 5 : i32
    %dma_start3A_344 = arith.constant 5 : i32
    %dma_start3A_345 = arith.constant 0 : i32
    %dma_start3A_346 = arith.constant 0 : i32
    %dma_start3A_347 = tpu.memref_slice %arg6[%dma_start3A_343, %dma_start3A_345, %dma_start3A_346] : memref<8x32x128xf32, #tpu.memory_space<vmem>> -> memref<1x32x128xf32, #tpu.memory_space<vmem>>
    %dma_start3A_348 = tpu.memref_squeeze %dma_start3A_347 : memref<1x32x128xf32, #tpu.memory_space<vmem>> -> memref<32x128xf32, #tpu.memory_space<vmem>>
    %dma_start3A_349 = arith.constant 0 : i32
    %dma_start3A_350 = tpu.memref_slice %arg7[%dma_start3A_342, %dma_start3A_349] : memref<8x32xi32, #tpu.memory_space<vmem>> -> memref<1x32xi32, #tpu.memory_space<vmem>>
    %dma_start3A_351 = tpu.memref_squeeze %dma_start3A_350 : memref<1x32xi32, #tpu.memory_space<vmem>> -> memref<32xi32, #tpu.memory_space<vmem>>
    %dma_start3A_352 = arith.constant 0 : i32
    %dma_start3A_353 = arith.constant 0 : i32
    %dma_start3A_354 = tpu.memref_slice %arg3[%dma_start3A_352, %dma_start3A_353] : memref<10000x128xf32, #tpu.memory_space<hbm>> -> memref<10000x128xf32, #tpu.memory_space<hbm>>
    %dma_start3A_355 = tpu.memref_slice %arg14[%dma_start3A_344] : memref<8x!tpu.dma_semaphore, #tpu.memory_space<semaphore_mem>> -> memref<1x!tpu.dma_semaphore, #tpu.memory_space<semaphore_mem>>
    %dma_start3A_356 = tpu.memref_squeeze %dma_start3A_355 : memref<1x!tpu.dma_semaphore, #tpu.memory_space<semaphore_mem>> -> memref<!tpu.dma_semaphore, #tpu.memory_space<semaphore_mem>>
    tpu.enqueue_indirect_dma source(%dma_start3A_354 : memref<10000x128xf32, #tpu.memory_space<hbm>>) target(%dma_start3A_348 : memref<32x128xf32, #tpu.memory_space<vmem>>) offsets(%dma_start3A_351 : memref<32xi32, #tpu.memory_space<vmem>>) semaphore(%dma_start3A_356 : memref<!tpu.dma_semaphore, #tpu.memory_space<semaphore_mem>>)
    %get3A_357 = arith.constant 192 : index
    %get3A_358 = tpu.vector_load %arg5[%get3A_357] {strides = array<i32>} : memref<10000xi32, #tpu.memory_space<vmem>>, vector<16xi32>,
    %get3A_359 = vector.shape_cast %get3A_358 : vector<16xi32> to vector<16xi32>
    %and3A_360 = arith.constant 65535 : i32
    %and3A_361 = vector.broadcast %and3A_360 : i32 to vector<16xi32>
    %and3A_362 = arith.andi %get3A_359, %and3A_361 : vector<16xi32>
    %swap3A_363 = arith.constant 6 : i32
    %swap3A_364 = arith.index_cast %swap3A_363 : i32 to index
    %swap3A_365 = arith.constant 0 : index
    %swap3A_366 = tpu.vector_load %arg7[%swap3A_364, %swap3A_365] {strides = array<i32>} : memref<8x32xi32, #tpu.memory_space<vmem>>, vector<1x16xi32>,
    %swap3A_367 = vector.shape_cast %swap3A_366 : vector<1x16xi32> to vector<16xi32>
    %swap3A_368 = vector.shape_cast %and3A_362 : vector<16xi32> to vector<1x16xi32>
    tpu.vector_store %arg7[%swap3A_364, %swap3A_365], %swap3A_368 {strides = array<i32>} : memref<8x32xi32, #tpu.memory_space<vmem>>, vector<1x16xi32>,
    %shift_right_arithmetic3A_369 = arith.constant 16 : i32
    %shift_right_arithmetic3A_370 = vector.broadcast %shift_right_arithmetic3A_369 : i32 to vector<16xi32>
    %shift_right_arithmetic3A_371 = arith.shrsi %get3A_359, %shift_right_arithmetic3A_370 : vector<16xi32>
    %swap3A_372 = arith.constant 6 : i32
    %swap3A_373 = arith.index_cast %swap3A_372 : i32 to index
    %swap3A_374 = arith.constant 0 : index
    %swap3A_375 = tpu.vector_load %arg8[%swap3A_373, %swap3A_374] {strides = array<i32>} : memref<16x32xi32, #tpu.memory_space<vmem>>, vector<1x16xi32>,
    %swap3A_376 = vector.shape_cast %swap3A_375 : vector<1x16xi32> to vector<16xi32>
    %swap3A_377 = vector.shape_cast %shift_right_arithmetic3A_371 : vector<16xi32> to vector<1x16xi32>
    tpu.vector_store %arg8[%swap3A_373, %swap3A_374], %swap3A_377 {strides = array<i32>} : memref<16x32xi32, #tpu.memory_space<vmem>>, vector<1x16xi32>,
    %get3A_378 = arith.constant 208 : index
    %get3A_379 = tpu.vector_load %arg5[%get3A_378] {strides = array<i32>} : memref<10000xi32, #tpu.memory_space<vmem>>, vector<16xi32>,
    %get3A_380 = vector.shape_cast %get3A_379 : vector<16xi32> to vector<16xi32>
    %and3A_381 = arith.constant 65535 : i32
    %and3A_382 = vector.broadcast %and3A_381 : i32 to vector<16xi32>
    %and3A_383 = arith.andi %get3A_380, %and3A_382 : vector<16xi32>
    %swap3A_384 = arith.constant 6 : i32
    %swap3A_385 = arith.index_cast %swap3A_384 : i32 to index
    %swap3A_386 = arith.constant 16 : index
    %swap3A_387 = tpu.vector_load %arg7[%swap3A_385, %swap3A_386] {strides = array<i32>} : memref<8x32xi32, #tpu.memory_space<vmem>>, vector<1x16xi32>,
    %swap3A_388 = vector.shape_cast %swap3A_387 : vector<1x16xi32> to vector<16xi32>
    %swap3A_389 = vector.shape_cast %and3A_383 : vector<16xi32> to vector<1x16xi32>
    tpu.vector_store %arg7[%swap3A_385, %swap3A_386], %swap3A_389 {strides = array<i32>} : memref<8x32xi32, #tpu.memory_space<vmem>>, vector<1x16xi32>,
    %shift_right_arithmetic3A_390 = arith.constant 16 : i32
    %shift_right_arithmetic3A_391 = vector.broadcast %shift_right_arithmetic3A_390 : i32 to vector<16xi32>
    %shift_right_arithmetic3A_392 = arith.shrsi %get3A_380, %shift_right_arithmetic3A_391 : vector<16xi32>
    %swap3A_393 = arith.constant 6 : i32
    %swap3A_394 = arith.index_cast %swap3A_393 : i32 to index
    %swap3A_395 = arith.constant 16 : index
    %swap3A_396 = tpu.vector_load %arg8[%swap3A_394, %swap3A_395] {strides = array<i32>} : memref<16x32xi32, #tpu.memory_space<vmem>>, vector<1x16xi32>,
    %swap3A_397 = vector.shape_cast %swap3A_396 : vector<1x16xi32> to vector<16xi32>
    %swap3A_398 = vector.shape_cast %shift_right_arithmetic3A_392 : vector<16xi32> to vector<1x16xi32>
    tpu.vector_store %arg8[%swap3A_394, %swap3A_395], %swap3A_398 {strides = array<i32>} : memref<16x32xi32, #tpu.memory_space<vmem>>, vector<1x16xi32>,
    %dma_start3A_399 = arith.constant 6 : i32
    %dma_start3A_400 = arith.constant 6 : i32
    %dma_start3A_401 = arith.constant 6 : i32
    %dma_start3A_402 = arith.constant 0 : i32
    %dma_start3A_403 = arith.constant 0 : i32
    %dma_start3A_404 = tpu.memref_slice %arg6[%dma_start3A_400, %dma_start3A_402, %dma_start3A_403] : memref<8x32x128xf32, #tpu.memory_space<vmem>> -> memref<1x32x128xf32, #tpu.memory_space<vmem>>
    %dma_start3A_405 = tpu.memref_squeeze %dma_start3A_404 : memref<1x32x128xf32, #tpu.memory_space<vmem>> -> memref<32x128xf32, #tpu.memory_space<vmem>>
    %dma_start3A_406 = arith.constant 0 : i32
    %dma_start3A_407 = tpu.memref_slice %arg7[%dma_start3A_399, %dma_start3A_406] : memref<8x32xi32, #tpu.memory_space<vmem>> -> memref<1x32xi32, #tpu.memory_space<vmem>>
    %dma_start3A_408 = tpu.memref_squeeze %dma_start3A_407 : memref<1x32xi32, #tpu.memory_space<vmem>> -> memref<32xi32, #tpu.memory_space<vmem>>
    %dma_start3A_409 = arith.constant 0 : i32
    %dma_start3A_410 = arith.constant 0 : i32
    %dma_start3A_411 = tpu.memref_slice %arg3[%dma_start3A_409, %dma_start3A_410] : memref<10000x128xf32, #tpu.memory_space<hbm>> -> memref<10000x128xf32, #tpu.memory_space<hbm>>
    %dma_start3A_412 = tpu.memref_slice %arg14[%dma_start3A_401] : memref<8x!tpu.dma_semaphore, #tpu.memory_space<semaphore_mem>> -> memref<1x!tpu.dma_semaphore, #tpu.memory_space<semaphore_mem>>
    %dma_start3A_413 = tpu.memref_squeeze %dma_start3A_412 : memref<1x!tpu.dma_semaphore, #tpu.memory_space<semaphore_mem>> -> memref<!tpu.dma_semaphore, #tpu.memory_space<semaphore_mem>>
    tpu.enqueue_indirect_dma source(%dma_start3A_411 : memref<10000x128xf32, #tpu.memory_space<hbm>>) target(%dma_start3A_405 : memref<32x128xf32, #tpu.memory_space<vmem>>) offsets(%dma_start3A_408 : memref<32xi32, #tpu.memory_space<vmem>>) semaphore(%dma_start3A_413 : memref<!tpu.dma_semaphore, #tpu.memory_space<semaphore_mem>>)
    %get3A_414 = arith.constant 224 : index
    %get3A_415 = tpu.vector_load %arg5[%get3A_414] {strides = array<i32>} : memref<10000xi32, #tpu.memory_space<vmem>>, vector<16xi32>,
    %get3A_416 = vector.shape_cast %get3A_415 : vector<16xi32> to vector<16xi32>
    %and3A_417 = arith.constant 65535 : i32
    %and3A_418 = vector.broadcast %and3A_417 : i32 to vector<16xi32>
    %and3A_419 = arith.andi %get3A_416, %and3A_418 : vector<16xi32>
    %swap3A_420 = arith.constant 7 : i32
    %swap3A_421 = arith.index_cast %swap3A_420 : i32 to index
    %swap3A_422 = arith.constant 0 : index
    %swap3A_423 = tpu.vector_load %arg7[%swap3A_421, %swap3A_422] {strides = array<i32>} : memref<8x32xi32, #tpu.memory_space<vmem>>, vector<1x16xi32>,
    %swap3A_424 = vector.shape_cast %swap3A_423 : vector<1x16xi32> to vector<16xi32>
    %swap3A_425 = vector.shape_cast %and3A_419 : vector<16xi32> to vector<1x16xi32>
    tpu.vector_store %arg7[%swap3A_421, %swap3A_422], %swap3A_425 {strides = array<i32>} : memref<8x32xi32, #tpu.memory_space<vmem>>, vector<1x16xi32>,
    %shift_right_arithmetic3A_426 = arith.constant 16 : i32
    %shift_right_arithmetic3A_427 = vector.broadcast %shift_right_arithmetic3A_426 : i32 to vector<16xi32>
    %shift_right_arithmetic3A_428 = arith.shrsi %get3A_416, %shift_right_arithmetic3A_427 : vector<16xi32>
    %swap3A_429 = arith.constant 7 : i32
    %swap3A_430 = arith.index_cast %swap3A_429 : i32 to index
    %swap3A_431 = arith.constant 0 : index
    %swap3A_432 = tpu.vector_load %arg8[%swap3A_430, %swap3A_431] {strides = array<i32>} : memref<16x32xi32, #tpu.memory_space<vmem>>, vector<1x16xi32>,
    %swap3A_433 = vector.shape_cast %swap3A_432 : vector<1x16xi32> to vector<16xi32>
    %swap3A_434 = vector.shape_cast %shift_right_arithmetic3A_428 : vector<16xi32> to vector<1x16xi32>
    tpu.vector_store %arg8[%swap3A_430, %swap3A_431], %swap3A_434 {strides = array<i32>} : memref<16x32xi32, #tpu.memory_space<vmem>>, vector<1x16xi32>,
    %get3A_435 = arith.constant 240 : index
    %get3A_436 = tpu.vector_load %arg5[%get3A_435] {strides = array<i32>} : memref<10000xi32, #tpu.memory_space<vmem>>, vector<16xi32>,
    %get3A_437 = vector.shape_cast %get3A_436 : vector<16xi32> to vector<16xi32>
    %and3A_438 = arith.constant 65535 : i32
    %and3A_439 = vector.broadcast %and3A_438 : i32 to vector<16xi32>
    %and3A_440 = arith.andi %get3A_437, %and3A_439 : vector<16xi32>
    %swap3A_441 = arith.constant 7 : i32
    %swap3A_442 = arith.index_cast %swap3A_441 : i32 to index
    %swap3A_443 = arith.constant 16 : index
    %swap3A_444 = tpu.vector_load %arg7[%swap3A_442, %swap3A_443] {strides = array<i32>} : memref<8x32xi32, #tpu.memory_space<vmem>>, vector<1x16xi32>,
    %swap3A_445 = vector.shape_cast %swap3A_444 : vector<1x16xi32> to vector<16xi32>
    %swap3A_446 = vector.shape_cast %and3A_440 : vector<16xi32> to vector<1x16xi32>
    tpu.vector_store %arg7[%swap3A_442, %swap3A_443], %swap3A_446 {strides = array<i32>} : memref<8x32xi32, #tpu.memory_space<vmem>>, vector<1x16xi32>,
    %shift_right_arithmetic3A_447 = arith.constant 16 : i32
    %shift_right_arithmetic3A_448 = vector.broadcast %shift_right_arithmetic3A_447 : i32 to vector<16xi32>
    %shift_right_arithmetic3A_449 = arith.shrsi %get3A_437, %shift_right_arithmetic3A_448 : vector<16xi32>
    %swap3A_450 = arith.constant 7 : i32
    %swap3A_451 = arith.index_cast %swap3A_450 : i32 to index
    %swap3A_452 = arith.constant 16 : index
    %swap3A_453 = tpu.vector_load %arg8[%swap3A_451, %swap3A_452] {strides = array<i32>} : memref<16x32xi32, #tpu.memory_space<vmem>>, vector<1x16xi32>,
    %swap3A_454 = vector.shape_cast %swap3A_453 : vector<1x16xi32> to vector<16xi32>
    %swap3A_455 = vector.shape_cast %shift_right_arithmetic3A_449 : vector<16xi32> to vector<1x16xi32>
    tpu.vector_store %arg8[%swap3A_451, %swap3A_452], %swap3A_455 {strides = array<i32>} : memref<16x32xi32, #tpu.memory_space<vmem>>, vector<1x16xi32>,
    %dma_start3A_456 = arith.constant 7 : i32
    %dma_start3A_457 = arith.constant 7 : i32
    %dma_start3A_458 = arith.constant 7 : i32
    %dma_start3A_459 = arith.constant 0 : i32
    %dma_start3A_460 = arith.constant 0 : i32
    %dma_start3A_461 = tpu.memref_slice %arg6[%dma_start3A_457, %dma_start3A_459, %dma_start3A_460] : memref<8x32x128xf32, #tpu.memory_space<vmem>> -> memref<1x32x128xf32, #tpu.memory_space<vmem>>
    %dma_start3A_462 = tpu.memref_squeeze %dma_start3A_461 : memref<1x32x128xf32, #tpu.memory_space<vmem>> -> memref<32x128xf32, #tpu.memory_space<vmem>>
    %dma_start3A_463 = arith.constant 0 : i32
    %dma_start3A_464 = tpu.memref_slice %arg7[%dma_start3A_456, %dma_start3A_463] : memref<8x32xi32, #tpu.memory_space<vmem>> -> memref<1x32xi32, #tpu.memory_space<vmem>>
    %dma_start3A_465 = tpu.memref_squeeze %dma_start3A_464 : memref<1x32xi32, #tpu.memory_space<vmem>> -> memref<32xi32, #tpu.memory_space<vmem>>
    %dma_start3A_466 = arith.constant 0 : i32
    %dma_start3A_467 = arith.constant 0 : i32
    %dma_start3A_468 = tpu.memref_slice %arg3[%dma_start3A_466, %dma_start3A_467] : memref<10000x128xf32, #tpu.memory_space<hbm>> -> memref<10000x128xf32, #tpu.memory_space<hbm>>
    %dma_start3A_469 = tpu.memref_slice %arg14[%dma_start3A_458] : memref<8x!tpu.dma_semaphore, #tpu.memory_space<semaphore_mem>> -> memref<1x!tpu.dma_semaphore, #tpu.memory_space<semaphore_mem>>
    %dma_start3A_470 = tpu.memref_squeeze %dma_start3A_469 : memref<1x!tpu.dma_semaphore, #tpu.memory_space<semaphore_mem>> -> memref<!tpu.dma_semaphore, #tpu.memory_space<semaphore_mem>>
    tpu.enqueue_indirect_dma source(%dma_start3A_468 : memref<10000x128xf32, #tpu.memory_space<hbm>>) target(%dma_start3A_462 : memref<32x128xf32, #tpu.memory_space<vmem>>) offsets(%dma_start3A_465 : memref<32xi32, #tpu.memory_space<vmem>>) semaphore(%dma_start3A_470 : memref<!tpu.dma_semaphore, #tpu.memory_space<semaphore_mem>>)
    %scan3A_471 = arith.constant 0 : i32
    %scan3A_472 = arith.constant 24 : i32
    %scan3A_473 = arith.constant 16 : i32
    %scan3A_474 = arith.addi %scan3A_472, %scan3A_473 : i32
    %scan3A_475 = arith.constant 1 : i32
    scf.for %scan3A_888 = %scan3A_472 to %scan3A_474 step %scan3A_475  : i32 {
      %mul3A_889 = arith.constant 16 : i32
      %mul3A_890 = arith.muli %scan3A_888, %mul3A_889 : i32
      %add3A_891 = arith.addi %arg1, %mul3A_890 : i32
      %lt3A = arith.constant 625 : i32
      %lt3A_892 = arith.cmpi slt, %add3A_891, %lt3A : i32
      %convert_element_type3A_893 = arith.extui %lt3A_892 : i1 to i32
      %cond3A_894 = arith.constant 0 : i32
      %cond3A_895 = arith.cmpi ne, %convert_element_type3A_893, %cond3A_894 : i32
      scf.if %cond3A_895 {
        %mul3A_896 = arith.constant 16 : i32
        %mul3A_897 = arith.muli %add3A_891, %mul3A_896 : i32
        %multiple_of3A_898 = tpu.assume_multiple %mul3A_897, 8 : i32
        %dma_wait3A_899 = arith.constant 0 : i32
        %dma_wait3A_900 = tpu.memref_slice %arg13[%multiple_of3A_898, %dma_wait3A_899] : memref<10000x128xf32, #tpu.memory_space<vmem_shared>> -> memref<16x128xf32, #tpu.memory_space<vmem_shared>>
        %dma_wait3A_901 = arith.constant 0 : i32
        %dma_wait3A_902 = tpu.memref_slice %arg13[%multiple_of3A_898, %dma_wait3A_901] : memref<10000x128xf32, #tpu.memory_space<vmem_shared>> -> memref<16x128xf32, #tpu.memory_space<vmem_shared>>
        tpu.wait_dma2 semaphore(%arg17 : memref<!tpu.dma_semaphore, #tpu.memory_space<semaphore_mem>>) src(%arg12 : memref<16x128xf32, #tpu.memory_space<vmem>>) dst(%dma_wait3A_902 : memref<16x128xf32, #tpu.memory_space<vmem_shared>>)
      } else {
      }
    }
    %scan3A_476 = arith.constant 16 : i32
    %barrier3A = arith.constant 0 : index
    tpu.barrier barrier_id(%barrier3A)
    %scan3A_477 = arith.constant 0 : i32
    %scan3A_478 = arith.constant 0 : i32
    %scan3A_479 = arith.constant 19 : i32
    %scan3A_480 = arith.addi %scan3A_478, %scan3A_479 : i32
    %scan3A_481 = arith.constant 1 : i32
    scf.for %scan3A_888 = %scan3A_478 to %scan3A_480 step %scan3A_481  : i32 {
      %mul3A_889 = arith.constant 2 : i32
      %mul3A_890 = arith.muli %mul3A_889, %scan3A_888 : i32
      %dma_wait3A_891 = arith.constant 0 : i32
      %dma_wait3A_892 = arith.constant 0 : i32
      %dma_wait3A_893 = arith.constant 0 : i32
      %dma_wait3A_894 = arith.constant 0 : i32
      %dma_wait3A_895 = arith.constant 0 : i32
      %dma_wait3A_896 = tpu.memref_slice %arg6[%dma_wait3A_892, %dma_wait3A_894, %dma_wait3A_895] : memref<8x32x128xf32, #tpu.memory_space<vmem>> -> memref<1x32x128xf32, #tpu.memory_space<vmem>>
      %dma_wait3A_897 = tpu.memref_squeeze %dma_wait3A_896 : memref<1x32x128xf32, #tpu.memory_space<vmem>> -> memref<32x128xf32, #tpu.memory_space<vmem>>
      %dma_wait3A_898 = arith.constant 0 : i32
      %dma_wait3A_899 = tpu.memref_slice %arg7[%dma_wait3A_891, %dma_wait3A_898] : memref<8x32xi32, #tpu.memory_space<vmem>> -> memref<1x32xi32, #tpu.memory_space<vmem>>
      %dma_wait3A_900 = tpu.memref_squeeze %dma_wait3A_899 : memref<1x32xi32, #tpu.memory_space<vmem>> -> memref<32xi32, #tpu.memory_space<vmem>>
      %dma_wait3A_901 = arith.constant 0 : i32
      %dma_wait3A_902 = arith.constant 0 : i32
      %dma_wait3A_903 = tpu.memref_slice %arg3[%dma_wait3A_901, %dma_wait3A_902] : memref<10000x128xf32, #tpu.memory_space<hbm>> -> memref<10000x128xf32, #tpu.memory_space<hbm>>
      %dma_wait3A_904 = tpu.memref_slice %arg14[%dma_wait3A_893] : memref<8x!tpu.dma_semaphore, #tpu.memory_space<semaphore_mem>> -> memref<1x!tpu.dma_semaphore, #tpu.memory_space<semaphore_mem>>
      %dma_wait3A_905 = tpu.memref_squeeze %dma_wait3A_904 : memref<1x!tpu.dma_semaphore, #tpu.memory_space<semaphore_mem>> -> memref<!tpu.dma_semaphore, #tpu.memory_space<semaphore_mem>>
      tpu.wait_indirect_dma semaphore(%dma_wait3A_905 : memref<!tpu.dma_semaphore, #tpu.memory_space<semaphore_mem>>) src(%dma_wait3A_903 : memref<10000x128xf32, #tpu.memory_space<hbm>>) dst(%dma_wait3A_897 : memref<32x128xf32, #tpu.memory_space<vmem>>)
      %dma_start3A_906 = arith.constant 0 : i32
      %dma_start3A_907 = arith.constant 0 : i32
      %dma_start3A_908 = arith.constant 0 : i32
      %dma_start3A_909 = arith.constant 0 : i32
      %dma_start3A_910 = arith.constant 0 : i32
      %dma_start3A_911 = tpu.memref_slice %arg6[%dma_start3A_906, %dma_start3A_909, %dma_start3A_910] : memref<8x32x128xf32, #tpu.memory_space<vmem>> -> memref<1x32x128xf32, #tpu.memory_space<vmem>>
      %dma_start3A_912 = tpu.memref_squeeze %dma_start3A_911 : memref<1x32x128xf32, #tpu.memory_space<vmem>> -> memref<32x128xf32, #tpu.memory_space<vmem>>
      %dma_start3A_913 = arith.constant 0 : i32
      %dma_start3A_914 = tpu.memref_slice %arg8[%dma_start3A_907, %dma_start3A_913] : memref<16x32xi32, #tpu.memory_space<vmem>> -> memref<1x32xi32, #tpu.memory_space<vmem>>
      %dma_start3A_915 = tpu.memref_squeeze %dma_start3A_914 : memref<1x32xi32, #tpu.memory_space<vmem>> -> memref<32xi32, #tpu.memory_space<vmem>>
      %dma_start3A_916 = arith.constant 0 : i32
      %dma_start3A_917 = arith.constant 0 : i32
      %dma_start3A_918 = tpu.memref_slice %arg13[%dma_start3A_916, %dma_start3A_917] : memref<10000x128xf32, #tpu.memory_space<vmem_shared>> -> memref<10000x128xf32, #tpu.memory_space<vmem_shared>>
      %dma_start3A_919 = tpu.memref_slice %arg15[%dma_start3A_908] : memref<8x!tpu.dma_semaphore, #tpu.memory_space<semaphore_mem>> -> memref<1x!tpu.dma_semaphore, #tpu.memory_space<semaphore_mem>>
      %dma_start3A_920 = tpu.memref_squeeze %dma_start3A_919 : memref<1x!tpu.dma_semaphore, #tpu.memory_space<semaphore_mem>> -> memref<!tpu.dma_semaphore, #tpu.memory_space<semaphore_mem>>
      tpu.enqueue_indirect_dma source(%dma_start3A_912 : memref<32x128xf32, #tpu.memory_space<vmem>>) target(%dma_start3A_918 : memref<10000x128xf32, #tpu.memory_space<vmem_shared>>) offsets(%dma_start3A_915 : memref<32xi32, #tpu.memory_space<vmem>>) semaphore(%dma_start3A_920 : memref<!tpu.dma_semaphore, #tpu.memory_space<semaphore_mem>>) {add = true}
      %dma_wait3A_921 = arith.constant 1 : i32
      %dma_wait3A_922 = arith.constant 1 : i32
      %dma_wait3A_923 = arith.constant 1 : i32
      %dma_wait3A_924 = arith.constant 0 : i32
      %dma_wait3A_925 = arith.constant 0 : i32
      %dma_wait3A_926 = tpu.memref_slice %arg6[%dma_wait3A_922, %dma_wait3A_924, %dma_wait3A_925] : memref<8x32x128xf32, #tpu.memory_space<vmem>> -> memref<1x32x128xf32, #tpu.memory_space<vmem>>
      %dma_wait3A_927 = tpu.memref_squeeze %dma_wait3A_926 : memref<1x32x128xf32, #tpu.memory_space<vmem>> -> memref<32x128xf32, #tpu.memory_space<vmem>>
      %dma_wait3A_928 = arith.constant 0 : i32
      %dma_wait3A_929 = tpu.memref_slice %arg7[%dma_wait3A_921, %dma_wait3A_928] : memref<8x32xi32, #tpu.memory_space<vmem>> -> memref<1x32xi32, #tpu.memory_space<vmem>>
      %dma_wait3A_930 = tpu.memref_squeeze %dma_wait3A_929 : memref<1x32xi32, #tpu.memory_space<vmem>> -> memref<32xi32, #tpu.memory_space<vmem>>
      %dma_wait3A_931 = arith.constant 0 : i32
      %dma_wait3A_932 = arith.constant 0 : i32
      %dma_wait3A_933 = tpu.memref_slice %arg3[%dma_wait3A_931, %dma_wait3A_932] : memref<10000x128xf32, #tpu.memory_space<hbm>> -> memref<10000x128xf32, #tpu.memory_space<hbm>>
      %dma_wait3A_934 = tpu.memref_slice %arg14[%dma_wait3A_923] : memref<8x!tpu.dma_semaphore, #tpu.memory_space<semaphore_mem>> -> memref<1x!tpu.dma_semaphore, #tpu.memory_space<semaphore_mem>>
      %dma_wait3A_935 = tpu.memref_squeeze %dma_wait3A_934 : memref<1x!tpu.dma_semaphore, #tpu.memory_space<semaphore_mem>> -> memref<!tpu.dma_semaphore, #tpu.memory_space<semaphore_mem>>
      tpu.wait_indirect_dma semaphore(%dma_wait3A_935 : memref<!tpu.dma_semaphore, #tpu.memory_space<semaphore_mem>>) src(%dma_wait3A_933 : memref<10000x128xf32, #tpu.memory_space<hbm>>) dst(%dma_wait3A_927 : memref<32x128xf32, #tpu.memory_space<vmem>>)
      %dma_start3A_936 = arith.constant 1 : i32
      %dma_start3A_937 = arith.constant 1 : i32
      %dma_start3A_938 = arith.constant 1 : i32
      %dma_start3A_939 = arith.constant 0 : i32
      %dma_start3A_940 = arith.constant 0 : i32
      %dma_start3A_941 = tpu.memref_slice %arg6[%dma_start3A_936, %dma_start3A_939, %dma_start3A_940] : memref<8x32x128xf32, #tpu.memory_space<vmem>> -> memref<1x32x128xf32, #tpu.memory_space<vmem>>
      %dma_start3A_942 = tpu.memref_squeeze %dma_start3A_941 : memref<1x32x128xf32, #tpu.memory_space<vmem>> -> memref<32x128xf32, #tpu.memory_space<vmem>>
      %dma_start3A_943 = arith.constant 0 : i32
      %dma_start3A_944 = tpu.memref_slice %arg8[%dma_start3A_937, %dma_start3A_943] : memref<16x32xi32, #tpu.memory_space<vmem>> -> memref<1x32xi32, #tpu.memory_space<vmem>>
      %dma_start3A_945 = tpu.memref_squeeze %dma_start3A_944 : memref<1x32xi32, #tpu.memory_space<vmem>> -> memref<32xi32, #tpu.memory_space<vmem>>
      %dma_start3A_946 = arith.constant 0 : i32
      %dma_start3A_947 = arith.constant 0 : i32
      %dma_start3A_948 = tpu.memref_slice %arg13[%dma_start3A_946, %dma_start3A_947] : memref<10000x128xf32, #tpu.memory_space<vmem_shared>> -> memref<10000x128xf32, #tpu.memory_space<vmem_shared>>
      %dma_start3A_949 = tpu.memref_slice %arg15[%dma_start3A_938] : memref<8x!tpu.dma_semaphore, #tpu.memory_space<semaphore_mem>> -> memref<1x!tpu.dma_semaphore, #tpu.memory_space<semaphore_mem>>
      %dma_start3A_950 = tpu.memref_squeeze %dma_start3A_949 : memref<1x!tpu.dma_semaphore, #tpu.memory_space<semaphore_mem>> -> memref<!tpu.dma_semaphore, #tpu.memory_space<semaphore_mem>>
      tpu.enqueue_indirect_dma source(%dma_start3A_942 : memref<32x128xf32, #tpu.memory_space<vmem>>) target(%dma_start3A_948 : memref<10000x128xf32, #tpu.memory_space<vmem_shared>>) offsets(%dma_start3A_945 : memref<32xi32, #tpu.memory_space<vmem>>) semaphore(%dma_start3A_950 : memref<!tpu.dma_semaphore, #tpu.memory_space<semaphore_mem>>) {add = true}
      %dma_wait3A_951 = arith.constant 2 : i32
      %dma_wait3A_952 = arith.constant 2 : i32
      %dma_wait3A_953 = arith.constant 2 : i32
      %dma_wait3A_954 = arith.constant 0 : i32
      %dma_wait3A_955 = arith.constant 0 : i32
      %dma_wait3A_956 = tpu.memref_slice %arg6[%dma_wait3A_952, %dma_wait3A_954, %dma_wait3A_955] : memref<8x32x128xf32, #tpu.memory_space<vmem>> -> memref<1x32x128xf32, #tpu.memory_space<vmem>>
      %dma_wait3A_957 = tpu.memref_squeeze %dma_wait3A_956 : memref<1x32x128xf32, #tpu.memory_space<vmem>> -> memref<32x128xf32, #tpu.memory_space<vmem>>
      %dma_wait3A_958 = arith.constant 0 : i32
      %dma_wait3A_959 = tpu.memref_slice %arg7[%dma_wait3A_951, %dma_wait3A_958] : memref<8x32xi32, #tpu.memory_space<vmem>> -> memref<1x32xi32, #tpu.memory_space<vmem>>
      %dma_wait3A_960 = tpu.memref_squeeze %dma_wait3A_959 : memref<1x32xi32, #tpu.memory_space<vmem>> -> memref<32xi32, #tpu.memory_space<vmem>>
      %dma_wait3A_961 = arith.constant 0 : i32
      %dma_wait3A_962 = arith.constant 0 : i32
      %dma_wait3A_963 = tpu.memref_slice %arg3[%dma_wait3A_961, %dma_wait3A_962] : memref<10000x128xf32, #tpu.memory_space<hbm>> -> memref<10000x128xf32, #tpu.memory_space<hbm>>
      %dma_wait3A_964 = tpu.memref_slice %arg14[%dma_wait3A_953] : memref<8x!tpu.dma_semaphore, #tpu.memory_space<semaphore_mem>> -> memref<1x!tpu.dma_semaphore, #tpu.memory_space<semaphore_mem>>
      %dma_wait3A_965 = tpu.memref_squeeze %dma_wait3A_964 : memref<1x!tpu.dma_semaphore, #tpu.memory_space<semaphore_mem>> -> memref<!tpu.dma_semaphore, #tpu.memory_space<semaphore_mem>>
      tpu.wait_indirect_dma semaphore(%dma_wait3A_965 : memref<!tpu.dma_semaphore, #tpu.memory_space<semaphore_mem>>) src(%dma_wait3A_963 : memref<10000x128xf32, #tpu.memory_space<hbm>>) dst(%dma_wait3A_957 : memref<32x128xf32, #tpu.memory_space<vmem>>)
      %dma_start3A_966 = arith.constant 2 : i32
      %dma_start3A_967 = arith.constant 2 : i32
      %dma_start3A_968 = arith.constant 2 : i32
      %dma_start3A_969 = arith.constant 0 : i32
      %dma_start3A_970 = arith.constant 0 : i32
      %dma_start3A_971 = tpu.memref_slice %arg6[%dma_start3A_966, %dma_start3A_969, %dma_start3A_970] : memref<8x32x128xf32, #tpu.memory_space<vmem>> -> memref<1x32x128xf32, #tpu.memory_space<vmem>>
      %dma_start3A_972 = tpu.memref_squeeze %dma_start3A_971 : memref<1x32x128xf32, #tpu.memory_space<vmem>> -> memref<32x128xf32, #tpu.memory_space<vmem>>
      %dma_start3A_973 = arith.constant 0 : i32
      %dma_start3A_974 = tpu.memref_slice %arg8[%dma_start3A_967, %dma_start3A_973] : memref<16x32xi32, #tpu.memory_space<vmem>> -> memref<1x32xi32, #tpu.memory_space<vmem>>
      %dma_start3A_975 = tpu.memref_squeeze %dma_start3A_974 : memref<1x32xi32, #tpu.memory_space<vmem>> -> memref<32xi32, #tpu.memory_space<vmem>>
      %dma_start3A_976 = arith.constant 0 : i32
      %dma_start3A_977 = arith.constant 0 : i32
      %dma_start3A_978 = tpu.memref_slice %arg13[%dma_start3A_976, %dma_start3A_977] : memref<10000x128xf32, #tpu.memory_space<vmem_shared>> -> memref<10000x128xf32, #tpu.memory_space<vmem_shared>>
      %dma_start3A_979 = tpu.memref_slice %arg15[%dma_start3A_968] : memref<8x!tpu.dma_semaphore, #tpu.memory_space<semaphore_mem>> -> memref<1x!tpu.dma_semaphore, #tpu.memory_space<semaphore_mem>>
      %dma_start3A_980 = tpu.memref_squeeze %dma_start3A_979 : memref<1x!tpu.dma_semaphore, #tpu.memory_space<semaphore_mem>> -> memref<!tpu.dma_semaphore, #tpu.memory_space<semaphore_mem>>
      tpu.enqueue_indirect_dma source(%dma_start3A_972 : memref<32x128xf32, #tpu.memory_space<vmem>>) target(%dma_start3A_978 : memref<10000x128xf32, #tpu.memory_space<vmem_shared>>) offsets(%dma_start3A_975 : memref<32xi32, #tpu.memory_space<vmem>>) semaphore(%dma_start3A_980 : memref<!tpu.dma_semaphore, #tpu.memory_space<semaphore_mem>>) {add = true}
      %dma_wait3A_981 = arith.constant 3 : i32
      %dma_wait3A_982 = arith.constant 3 : i32
      %dma_wait3A_983 = arith.constant 3 : i32
      %dma_wait3A_984 = arith.constant 0 : i32
      %dma_wait3A_985 = arith.constant 0 : i32
      %dma_wait3A_986 = tpu.memref_slice %arg6[%dma_wait3A_982, %dma_wait3A_984, %dma_wait3A_985] : memref<8x32x128xf32, #tpu.memory_space<vmem>> -> memref<1x32x128xf32, #tpu.memory_space<vmem>>
      %dma_wait3A_987 = tpu.memref_squeeze %dma_wait3A_986 : memref<1x32x128xf32, #tpu.memory_space<vmem>> -> memref<32x128xf32, #tpu.memory_space<vmem>>
      %dma_wait3A_988 = arith.constant 0 : i32
      %dma_wait3A_989 = tpu.memref_slice %arg7[%dma_wait3A_981, %dma_wait3A_988] : memref<8x32xi32, #tpu.memory_space<vmem>> -> memref<1x32xi32, #tpu.memory_space<vmem>>
      %dma_wait3A_990 = tpu.memref_squeeze %dma_wait3A_989 : memref<1x32xi32, #tpu.memory_space<vmem>> -> memref<32xi32, #tpu.memory_space<vmem>>
      %dma_wait3A_991 = arith.constant 0 : i32
      %dma_wait3A_992 = arith.constant 0 : i32
      %dma_wait3A_993 = tpu.memref_slice %arg3[%dma_wait3A_991, %dma_wait3A_992] : memref<10000x128xf32, #tpu.memory_space<hbm>> -> memref<10000x128xf32, #tpu.memory_space<hbm>>
      %dma_wait3A_994 = tpu.memref_slice %arg14[%dma_wait3A_983] : memref<8x!tpu.dma_semaphore, #tpu.memory_space<semaphore_mem>> -> memref<1x!tpu.dma_semaphore, #tpu.memory_space<semaphore_mem>>
      %dma_wait3A_995 = tpu.memref_squeeze %dma_wait3A_994 : memref<1x!tpu.dma_semaphore, #tpu.memory_space<semaphore_mem>> -> memref<!tpu.dma_semaphore, #tpu.memory_space<semaphore_mem>>
      tpu.wait_indirect_dma semaphore(%dma_wait3A_995 : memref<!tpu.dma_semaphore, #tpu.memory_space<semaphore_mem>>) src(%dma_wait3A_993 : memref<10000x128xf32, #tpu.memory_space<hbm>>) dst(%dma_wait3A_987 : memref<32x128xf32, #tpu.memory_space<vmem>>)
      %dma_start3A_996 = arith.constant 3 : i32
      %dma_start3A_997 = arith.constant 3 : i32
      %dma_start3A_998 = arith.constant 3 : i32
      %dma_start3A_999 = arith.constant 0 : i32
      %dma_start3A_1000 = arith.constant 0 : i32
      %dma_start3A_1001 = tpu.memref_slice %arg6[%dma_start3A_996, %dma_start3A_999, %dma_start3A_1000] : memref<8x32x128xf32, #tpu.memory_space<vmem>> -> memref<1x32x128xf32, #tpu.memory_space<vmem>>
      %dma_start3A_1002 = tpu.memref_squeeze %dma_start3A_1001 : memref<1x32x128xf32, #tpu.memory_space<vmem>> -> memref<32x128xf32, #tpu.memory_space<vmem>>
      %dma_start3A_1003 = arith.constant 0 : i32
      %dma_start3A_1004 = tpu.memref_slice %arg8[%dma_start3A_997, %dma_start3A_1003] : memref<16x32xi32, #tpu.memory_space<vmem>> -> memref<1x32xi32, #tpu.memory_space<vmem>>
      %dma_start3A_1005 = tpu.memref_squeeze %dma_start3A_1004 : memref<1x32xi32, #tpu.memory_space<vmem>> -> memref<32xi32, #tpu.memory_space<vmem>>
      %dma_start3A_1006 = arith.constant 0 : i32
      %dma_start3A_1007 = arith.constant 0 : i32
      %dma_start3A_1008 = tpu.memref_slice %arg13[%dma_start3A_1006, %dma_start3A_1007] : memref<10000x128xf32, #tpu.memory_space<vmem_shared>> -> memref<10000x128xf32, #tpu.memory_space<vmem_shared>>
      %dma_start3A_1009 = tpu.memref_slice %arg15[%dma_start3A_998] : memref<8x!tpu.dma_semaphore, #tpu.memory_space<semaphore_mem>> -> memref<1x!tpu.dma_semaphore, #tpu.memory_space<semaphore_mem>>
      %dma_start3A_1010 = tpu.memref_squeeze %dma_start3A_1009 : memref<1x!tpu.dma_semaphore, #tpu.memory_space<semaphore_mem>> -> memref<!tpu.dma_semaphore, #tpu.memory_space<semaphore_mem>>
      tpu.enqueue_indirect_dma source(%dma_start3A_1002 : memref<32x128xf32, #tpu.memory_space<vmem>>) target(%dma_start3A_1008 : memref<10000x128xf32, #tpu.memory_space<vmem_shared>>) offsets(%dma_start3A_1005 : memref<32xi32, #tpu.memory_space<vmem>>) semaphore(%dma_start3A_1010 : memref<!tpu.dma_semaphore, #tpu.memory_space<semaphore_mem>>) {add = true}
      %dma_wait3A_1011 = arith.constant 4 : i32
      %dma_wait3A_1012 = arith.constant 4 : i32
      %dma_wait3A_1013 = arith.constant 4 : i32
      %dma_wait3A_1014 = arith.constant 0 : i32
      %dma_wait3A_1015 = arith.constant 0 : i32
      %dma_wait3A_1016 = tpu.memref_slice %arg6[%dma_wait3A_1012, %dma_wait3A_1014, %dma_wait3A_1015] : memref<8x32x128xf32, #tpu.memory_space<vmem>> -> memref<1x32x128xf32, #tpu.memory_space<vmem>>
      %dma_wait3A_1017 = tpu.memref_squeeze %dma_wait3A_1016 : memref<1x32x128xf32, #tpu.memory_space<vmem>> -> memref<32x128xf32, #tpu.memory_space<vmem>>
      %dma_wait3A_1018 = arith.constant 0 : i32
      %dma_wait3A_1019 = tpu.memref_slice %arg7[%dma_wait3A_1011, %dma_wait3A_1018] : memref<8x32xi32, #tpu.memory_space<vmem>> -> memref<1x32xi32, #tpu.memory_space<vmem>>
      %dma_wait3A_1020 = tpu.memref_squeeze %dma_wait3A_1019 : memref<1x32xi32, #tpu.memory_space<vmem>> -> memref<32xi32, #tpu.memory_space<vmem>>
      %dma_wait3A_1021 = arith.constant 0 : i32
      %dma_wait3A_1022 = arith.constant 0 : i32
      %dma_wait3A_1023 = tpu.memref_slice %arg3[%dma_wait3A_1021, %dma_wait3A_1022] : memref<10000x128xf32, #tpu.memory_space<hbm>> -> memref<10000x128xf32, #tpu.memory_space<hbm>>
      %dma_wait3A_1024 = tpu.memref_slice %arg14[%dma_wait3A_1013] : memref<8x!tpu.dma_semaphore, #tpu.memory_space<semaphore_mem>> -> memref<1x!tpu.dma_semaphore, #tpu.memory_space<semaphore_mem>>
      %dma_wait3A_1025 = tpu.memref_squeeze %dma_wait3A_1024 : memref<1x!tpu.dma_semaphore, #tpu.memory_space<semaphore_mem>> -> memref<!tpu.dma_semaphore, #tpu.memory_space<semaphore_mem>>
      tpu.wait_indirect_dma semaphore(%dma_wait3A_1025 : memref<!tpu.dma_semaphore, #tpu.memory_space<semaphore_mem>>) src(%dma_wait3A_1023 : memref<10000x128xf32, #tpu.memory_space<hbm>>) dst(%dma_wait3A_1017 : memref<32x128xf32, #tpu.memory_space<vmem>>)
      %dma_start3A_1026 = arith.constant 4 : i32
      %dma_start3A_1027 = arith.constant 4 : i32
      %dma_start3A_1028 = arith.constant 4 : i32
      %dma_start3A_1029 = arith.constant 0 : i32
      %dma_start3A_1030 = arith.constant 0 : i32
      %dma_start3A_1031 = tpu.memref_slice %arg6[%dma_start3A_1026, %dma_start3A_1029, %dma_start3A_1030] : memref<8x32x128xf32, #tpu.memory_space<vmem>> -> memref<1x32x128xf32, #tpu.memory_space<vmem>>
      %dma_start3A_1032 = tpu.memref_squeeze %dma_start3A_1031 : memref<1x32x128xf32, #tpu.memory_space<vmem>> -> memref<32x128xf32, #tpu.memory_space<vmem>>
      %dma_start3A_1033 = arith.constant 0 : i32
      %dma_start3A_1034 = tpu.memref_slice %arg8[%dma_start3A_1027, %dma_start3A_1033] : memref<16x32xi32, #tpu.memory_space<vmem>> -> memref<1x32xi32, #tpu.memory_space<vmem>>
      %dma_start3A_1035 = tpu.memref_squeeze %dma_start3A_1034 : memref<1x32xi32, #tpu.memory_space<vmem>> -> memref<32xi32, #tpu.memory_space<vmem>>
      %dma_start3A_1036 = arith.constant 0 : i32
      %dma_start3A_1037 = arith.constant 0 : i32
      %dma_start3A_1038 = tpu.memref_slice %arg13[%dma_start3A_1036, %dma_start3A_1037] : memref<10000x128xf32, #tpu.memory_space<vmem_shared>> -> memref<10000x128xf32, #tpu.memory_space<vmem_shared>>
      %dma_start3A_1039 = tpu.memref_slice %arg15[%dma_start3A_1028] : memref<8x!tpu.dma_semaphore, #tpu.memory_space<semaphore_mem>> -> memref<1x!tpu.dma_semaphore, #tpu.memory_space<semaphore_mem>>
      %dma_start3A_1040 = tpu.memref_squeeze %dma_start3A_1039 : memref<1x!tpu.dma_semaphore, #tpu.memory_space<semaphore_mem>> -> memref<!tpu.dma_semaphore, #tpu.memory_space<semaphore_mem>>
      tpu.enqueue_indirect_dma source(%dma_start3A_1032 : memref<32x128xf32, #tpu.memory_space<vmem>>) target(%dma_start3A_1038 : memref<10000x128xf32, #tpu.memory_space<vmem_shared>>) offsets(%dma_start3A_1035 : memref<32xi32, #tpu.memory_space<vmem>>) semaphore(%dma_start3A_1040 : memref<!tpu.dma_semaphore, #tpu.memory_space<semaphore_mem>>) {add = true}
      %dma_wait3A_1041 = arith.constant 5 : i32
      %dma_wait3A_1042 = arith.constant 5 : i32
      %dma_wait3A_1043 = arith.constant 5 : i32
      %dma_wait3A_1044 = arith.constant 0 : i32
      %dma_wait3A_1045 = arith.constant 0 : i32
      %dma_wait3A_1046 = tpu.memref_slice %arg6[%dma_wait3A_1042, %dma_wait3A_1044, %dma_wait3A_1045] : memref<8x32x128xf32, #tpu.memory_space<vmem>> -> memref<1x32x128xf32, #tpu.memory_space<vmem>>
      %dma_wait3A_1047 = tpu.memref_squeeze %dma_wait3A_1046 : memref<1x32x128xf32, #tpu.memory_space<vmem>> -> memref<32x128xf32, #tpu.memory_space<vmem>>
      %dma_wait3A_1048 = arith.constant 0 : i32
      %dma_wait3A_1049 = tpu.memref_slice %arg7[%dma_wait3A_1041, %dma_wait3A_1048] : memref<8x32xi32, #tpu.memory_space<vmem>> -> memref<1x32xi32, #tpu.memory_space<vmem>>
      %dma_wait3A_1050 = tpu.memref_squeeze %dma_wait3A_1049 : memref<1x32xi32, #tpu.memory_space<vmem>> -> memref<32xi32, #tpu.memory_space<vmem>>
      %dma_wait3A_1051 = arith.constant 0 : i32
      %dma_wait3A_1052 = arith.constant 0 : i32
      %dma_wait3A_1053 = tpu.memref_slice %arg3[%dma_wait3A_1051, %dma_wait3A_1052] : memref<10000x128xf32, #tpu.memory_space<hbm>> -> memref<10000x128xf32, #tpu.memory_space<hbm>>
      %dma_wait3A_1054 = tpu.memref_slice %arg14[%dma_wait3A_1043] : memref<8x!tpu.dma_semaphore, #tpu.memory_space<semaphore_mem>> -> memref<1x!tpu.dma_semaphore, #tpu.memory_space<semaphore_mem>>
      %dma_wait3A_1055 = tpu.memref_squeeze %dma_wait3A_1054 : memref<1x!tpu.dma_semaphore, #tpu.memory_space<semaphore_mem>> -> memref<!tpu.dma_semaphore, #tpu.memory_space<semaphore_mem>>
      tpu.wait_indirect_dma semaphore(%dma_wait3A_1055 : memref<!tpu.dma_semaphore, #tpu.memory_space<semaphore_mem>>) src(%dma_wait3A_1053 : memref<10000x128xf32, #tpu.memory_space<hbm>>) dst(%dma_wait3A_1047 : memref<32x128xf32, #tpu.memory_space<vmem>>)
      %dma_start3A_1056 = arith.constant 5 : i32
      %dma_start3A_1057 = arith.constant 5 : i32
      %dma_start3A_1058 = arith.constant 5 : i32
      %dma_start3A_1059 = arith.constant 0 : i32
      %dma_start3A_1060 = arith.constant 0 : i32
      %dma_start3A_1061 = tpu.memref_slice %arg6[%dma_start3A_1056, %dma_start3A_1059, %dma_start3A_1060] : memref<8x32x128xf32, #tpu.memory_space<vmem>> -> memref<1x32x128xf32, #tpu.memory_space<vmem>>
      %dma_start3A_1062 = tpu.memref_squeeze %dma_start3A_1061 : memref<1x32x128xf32, #tpu.memory_space<vmem>> -> memref<32x128xf32, #tpu.memory_space<vmem>>
      %dma_start3A_1063 = arith.constant 0 : i32
      %dma_start3A_1064 = tpu.memref_slice %arg8[%dma_start3A_1057, %dma_start3A_1063] : memref<16x32xi32, #tpu.memory_space<vmem>> -> memref<1x32xi32, #tpu.memory_space<vmem>>
      %dma_start3A_1065 = tpu.memref_squeeze %dma_start3A_1064 : memref<1x32xi32, #tpu.memory_space<vmem>> -> memref<32xi32, #tpu.memory_space<vmem>>
      %dma_start3A_1066 = arith.constant 0 : i32
      %dma_start3A_1067 = arith.constant 0 : i32
      %dma_start3A_1068 = tpu.memref_slice %arg13[%dma_start3A_1066, %dma_start3A_1067] : memref<10000x128xf32, #tpu.memory_space<vmem_shared>> -> memref<10000x128xf32, #tpu.memory_space<vmem_shared>>
      %dma_start3A_1069 = tpu.memref_slice %arg15[%dma_start3A_1058] : memref<8x!tpu.dma_semaphore, #tpu.memory_space<semaphore_mem>> -> memref<1x!tpu.dma_semaphore, #tpu.memory_space<semaphore_mem>>
      %dma_start3A_1070 = tpu.memref_squeeze %dma_start3A_1069 : memref<1x!tpu.dma_semaphore, #tpu.memory_space<semaphore_mem>> -> memref<!tpu.dma_semaphore, #tpu.memory_space<semaphore_mem>>
      tpu.enqueue_indirect_dma source(%dma_start3A_1062 : memref<32x128xf32, #tpu.memory_space<vmem>>) target(%dma_start3A_1068 : memref<10000x128xf32, #tpu.memory_space<vmem_shared>>) offsets(%dma_start3A_1065 : memref<32xi32, #tpu.memory_space<vmem>>) semaphore(%dma_start3A_1070 : memref<!tpu.dma_semaphore, #tpu.memory_space<semaphore_mem>>) {add = true}
      %dma_wait3A_1071 = arith.constant 6 : i32
      %dma_wait3A_1072 = arith.constant 6 : i32
      %dma_wait3A_1073 = arith.constant 6 : i32
      %dma_wait3A_1074 = arith.constant 0 : i32
      %dma_wait3A_1075 = arith.constant 0 : i32
      %dma_wait3A_1076 = tpu.memref_slice %arg6[%dma_wait3A_1072, %dma_wait3A_1074, %dma_wait3A_1075] : memref<8x32x128xf32, #tpu.memory_space<vmem>> -> memref<1x32x128xf32, #tpu.memory_space<vmem>>
      %dma_wait3A_1077 = tpu.memref_squeeze %dma_wait3A_1076 : memref<1x32x128xf32, #tpu.memory_space<vmem>> -> memref<32x128xf32, #tpu.memory_space<vmem>>
      %dma_wait3A_1078 = arith.constant 0 : i32
      %dma_wait3A_1079 = tpu.memref_slice %arg7[%dma_wait3A_1071, %dma_wait3A_1078] : memref<8x32xi32, #tpu.memory_space<vmem>> -> memref<1x32xi32, #tpu.memory_space<vmem>>
      %dma_wait3A_1080 = tpu.memref_squeeze %dma_wait3A_1079 : memref<1x32xi32, #tpu.memory_space<vmem>> -> memref<32xi32, #tpu.memory_space<vmem>>
      %dma_wait3A_1081 = arith.constant 0 : i32
      %dma_wait3A_1082 = arith.constant 0 : i32
      %dma_wait3A_1083 = tpu.memref_slice %arg3[%dma_wait3A_1081, %dma_wait3A_1082] : memref<10000x128xf32, #tpu.memory_space<hbm>> -> memref<10000x128xf32, #tpu.memory_space<hbm>>
      %dma_wait3A_1084 = tpu.memref_slice %arg14[%dma_wait3A_1073] : memref<8x!tpu.dma_semaphore, #tpu.memory_space<semaphore_mem>> -> memref<1x!tpu.dma_semaphore, #tpu.memory_space<semaphore_mem>>
      %dma_wait3A_1085 = tpu.memref_squeeze %dma_wait3A_1084 : memref<1x!tpu.dma_semaphore, #tpu.memory_space<semaphore_mem>> -> memref<!tpu.dma_semaphore, #tpu.memory_space<semaphore_mem>>
      tpu.wait_indirect_dma semaphore(%dma_wait3A_1085 : memref<!tpu.dma_semaphore, #tpu.memory_space<semaphore_mem>>) src(%dma_wait3A_1083 : memref<10000x128xf32, #tpu.memory_space<hbm>>) dst(%dma_wait3A_1077 : memref<32x128xf32, #tpu.memory_space<vmem>>)
      %dma_start3A_1086 = arith.constant 6 : i32
      %dma_start3A_1087 = arith.constant 6 : i32
      %dma_start3A_1088 = arith.constant 6 : i32
      %dma_start3A_1089 = arith.constant 0 : i32
      %dma_start3A_1090 = arith.constant 0 : i32
      %dma_start3A_1091 = tpu.memref_slice %arg6[%dma_start3A_1086, %dma_start3A_1089, %dma_start3A_1090] : memref<8x32x128xf32, #tpu.memory_space<vmem>> -> memref<1x32x128xf32, #tpu.memory_space<vmem>>
      %dma_start3A_1092 = tpu.memref_squeeze %dma_start3A_1091 : memref<1x32x128xf32, #tpu.memory_space<vmem>> -> memref<32x128xf32, #tpu.memory_space<vmem>>
      %dma_start3A_1093 = arith.constant 0 : i32
      %dma_start3A_1094 = tpu.memref_slice %arg8[%dma_start3A_1087, %dma_start3A_1093] : memref<16x32xi32, #tpu.memory_space<vmem>> -> memref<1x32xi32, #tpu.memory_space<vmem>>
      %dma_start3A_1095 = tpu.memref_squeeze %dma_start3A_1094 : memref<1x32xi32, #tpu.memory_space<vmem>> -> memref<32xi32, #tpu.memory_space<vmem>>
      %dma_start3A_1096 = arith.constant 0 : i32
      %dma_start3A_1097 = arith.constant 0 : i32
      %dma_start3A_1098 = tpu.memref_slice %arg13[%dma_start3A_1096, %dma_start3A_1097] : memref<10000x128xf32, #tpu.memory_space<vmem_shared>> -> memref<10000x128xf32, #tpu.memory_space<vmem_shared>>
      %dma_start3A_1099 = tpu.memref_slice %arg15[%dma_start3A_1088] : memref<8x!tpu.dma_semaphore, #tpu.memory_space<semaphore_mem>> -> memref<1x!tpu.dma_semaphore, #tpu.memory_space<semaphore_mem>>
      %dma_start3A_1100 = tpu.memref_squeeze %dma_start3A_1099 : memref<1x!tpu.dma_semaphore, #tpu.memory_space<semaphore_mem>> -> memref<!tpu.dma_semaphore, #tpu.memory_space<semaphore_mem>>
      tpu.enqueue_indirect_dma source(%dma_start3A_1092 : memref<32x128xf32, #tpu.memory_space<vmem>>) target(%dma_start3A_1098 : memref<10000x128xf32, #tpu.memory_space<vmem_shared>>) offsets(%dma_start3A_1095 : memref<32xi32, #tpu.memory_space<vmem>>) semaphore(%dma_start3A_1100 : memref<!tpu.dma_semaphore, #tpu.memory_space<semaphore_mem>>) {add = true}
      %dma_wait3A_1101 = arith.constant 7 : i32
      %dma_wait3A_1102 = arith.constant 7 : i32
      %dma_wait3A_1103 = arith.constant 7 : i32
      %dma_wait3A_1104 = arith.constant 0 : i32
      %dma_wait3A_1105 = arith.constant 0 : i32
      %dma_wait3A_1106 = tpu.memref_slice %arg6[%dma_wait3A_1102, %dma_wait3A_1104, %dma_wait3A_1105] : memref<8x32x128xf32, #tpu.memory_space<vmem>> -> memref<1x32x128xf32, #tpu.memory_space<vmem>>
      %dma_wait3A_1107 = tpu.memref_squeeze %dma_wait3A_1106 : memref<1x32x128xf32, #tpu.memory_space<vmem>> -> memref<32x128xf32, #tpu.memory_space<vmem>>
      %dma_wait3A_1108 = arith.constant 0 : i32
      %dma_wait3A_1109 = tpu.memref_slice %arg7[%dma_wait3A_1101, %dma_wait3A_1108] : memref<8x32xi32, #tpu.memory_space<vmem>> -> memref<1x32xi32, #tpu.memory_space<vmem>>
      %dma_wait3A_1110 = tpu.memref_squeeze %dma_wait3A_1109 : memref<1x32xi32, #tpu.memory_space<vmem>> -> memref<32xi32, #tpu.memory_space<vmem>>
      %dma_wait3A_1111 = arith.constant 0 : i32
      %dma_wait3A_1112 = arith.constant 0 : i32
      %dma_wait3A_1113 = tpu.memref_slice %arg3[%dma_wait3A_1111, %dma_wait3A_1112] : memref<10000x128xf32, #tpu.memory_space<hbm>> -> memref<10000x128xf32, #tpu.memory_space<hbm>>
      %dma_wait3A_1114 = tpu.memref_slice %arg14[%dma_wait3A_1103] : memref<8x!tpu.dma_semaphore, #tpu.memory_space<semaphore_mem>> -> memref<1x!tpu.dma_semaphore, #tpu.memory_space<semaphore_mem>>
      %dma_wait3A_1115 = tpu.memref_squeeze %dma_wait3A_1114 : memref<1x!tpu.dma_semaphore, #tpu.memory_space<semaphore_mem>> -> memref<!tpu.dma_semaphore, #tpu.memory_space<semaphore_mem>>
      tpu.wait_indirect_dma semaphore(%dma_wait3A_1115 : memref<!tpu.dma_semaphore, #tpu.memory_space<semaphore_mem>>) src(%dma_wait3A_1113 : memref<10000x128xf32, #tpu.memory_space<hbm>>) dst(%dma_wait3A_1107 : memref<32x128xf32, #tpu.memory_space<vmem>>)
      %dma_start3A_1116 = arith.constant 7 : i32
      %dma_start3A_1117 = arith.constant 7 : i32
      %dma_start3A_1118 = arith.constant 7 : i32
      %dma_start3A_1119 = arith.constant 0 : i32
      %dma_start3A_1120 = arith.constant 0 : i32
      %dma_start3A_1121 = tpu.memref_slice %arg6[%dma_start3A_1116, %dma_start3A_1119, %dma_start3A_1120] : memref<8x32x128xf32, #tpu.memory_space<vmem>> -> memref<1x32x128xf32, #tpu.memory_space<vmem>>
      %dma_start3A_1122 = tpu.memref_squeeze %dma_start3A_1121 : memref<1x32x128xf32, #tpu.memory_space<vmem>> -> memref<32x128xf32, #tpu.memory_space<vmem>>
      %dma_start3A_1123 = arith.constant 0 : i32
      %dma_start3A_1124 = tpu.memref_slice %arg8[%dma_start3A_1117, %dma_start3A_1123] : memref<16x32xi32, #tpu.memory_space<vmem>> -> memref<1x32xi32, #tpu.memory_space<vmem>>
      %dma_start3A_1125 = tpu.memref_squeeze %dma_start3A_1124 : memref<1x32xi32, #tpu.memory_space<vmem>> -> memref<32xi32, #tpu.memory_space<vmem>>
      %dma_start3A_1126 = arith.constant 0 : i32
      %dma_start3A_1127 = arith.constant 0 : i32
      %dma_start3A_1128 = tpu.memref_slice %arg13[%dma_start3A_1126, %dma_start3A_1127] : memref<10000x128xf32, #tpu.memory_space<vmem_shared>> -> memref<10000x128xf32, #tpu.memory_space<vmem_shared>>
      %dma_start3A_1129 = tpu.memref_slice %arg15[%dma_start3A_1118] : memref<8x!tpu.dma_semaphore, #tpu.memory_space<semaphore_mem>> -> memref<1x!tpu.dma_semaphore, #tpu.memory_space<semaphore_mem>>
      %dma_start3A_1130 = tpu.memref_squeeze %dma_start3A_1129 : memref<1x!tpu.dma_semaphore, #tpu.memory_space<semaphore_mem>> -> memref<!tpu.dma_semaphore, #tpu.memory_space<semaphore_mem>>
      tpu.enqueue_indirect_dma source(%dma_start3A_1122 : memref<32x128xf32, #tpu.memory_space<vmem>>) target(%dma_start3A_1128 : memref<10000x128xf32, #tpu.memory_space<vmem_shared>>) offsets(%dma_start3A_1125 : memref<32xi32, #tpu.memory_space<vmem>>) semaphore(%dma_start3A_1130 : memref<!tpu.dma_semaphore, #tpu.memory_space<semaphore_mem>>) {add = true}
      %dma_wait3A_1131 = arith.constant 0 : i32
      %dma_wait3A_1132 = arith.constant 0 : i32
      %dma_wait3A_1133 = arith.constant 0 : i32
      %dma_wait3A_1134 = arith.constant 0 : i32
      %dma_wait3A_1135 = arith.constant 0 : i32
      %dma_wait3A_1136 = tpu.memref_slice %arg6[%dma_wait3A_1131, %dma_wait3A_1134, %dma_wait3A_1135] : memref<8x32x128xf32, #tpu.memory_space<vmem>> -> memref<1x32x128xf32, #tpu.memory_space<vmem>>
      %dma_wait3A_1137 = tpu.memref_squeeze %dma_wait3A_1136 : memref<1x32x128xf32, #tpu.memory_space<vmem>> -> memref<32x128xf32, #tpu.memory_space<vmem>>
      %dma_wait3A_1138 = arith.constant 0 : i32
      %dma_wait3A_1139 = tpu.memref_slice %arg8[%dma_wait3A_1132, %dma_wait3A_1138] : memref<16x32xi32, #tpu.memory_space<vmem>> -> memref<1x32xi32, #tpu.memory_space<vmem>>
      %dma_wait3A_1140 = tpu.memref_squeeze %dma_wait3A_1139 : memref<1x32xi32, #tpu.memory_space<vmem>> -> memref<32xi32, #tpu.memory_space<vmem>>
      %dma_wait3A_1141 = arith.constant 0 : i32
      %dma_wait3A_1142 = arith.constant 0 : i32
      %dma_wait3A_1143 = tpu.memref_slice %arg13[%dma_wait3A_1141, %dma_wait3A_1142] : memref<10000x128xf32, #tpu.memory_space<vmem_shared>> -> memref<10000x128xf32, #tpu.memory_space<vmem_shared>>
      %dma_wait3A_1144 = tpu.memref_slice %arg15[%dma_wait3A_1133] : memref<8x!tpu.dma_semaphore, #tpu.memory_space<semaphore_mem>> -> memref<1x!tpu.dma_semaphore, #tpu.memory_space<semaphore_mem>>
      %dma_wait3A_1145 = tpu.memref_squeeze %dma_wait3A_1144 : memref<1x!tpu.dma_semaphore, #tpu.memory_space<semaphore_mem>> -> memref<!tpu.dma_semaphore, #tpu.memory_space<semaphore_mem>>
      tpu.wait_indirect_dma semaphore(%dma_wait3A_1145 : memref<!tpu.dma_semaphore, #tpu.memory_space<semaphore_mem>>) src(%dma_wait3A_1137 : memref<32x128xf32, #tpu.memory_space<vmem>>) dst(%dma_wait3A_1143 : memref<10000x128xf32, #tpu.memory_space<vmem_shared>>)
      %add3A_1146 = arith.constant 1 : i32
      %add3A_1147 = arith.addi %mul3A_890, %add3A_1146 : i32
      %mul3A_1148 = arith.constant 8 : i32
      %mul3A_1149 = arith.muli %add3A_1147, %mul3A_1148 : i32
      %add3A_1150 = arith.constant 0 : i32
      %add3A_1151 = arith.addi %mul3A_1149, %add3A_1150 : i32
      %mul3A_1152 = arith.constant 32 : i32
      %mul3A_1153 = arith.muli %add3A_1151, %mul3A_1152 : i32
      %add3A_1154 = arith.constant 0 : i32
      %add3A_1155 = arith.addi %mul3A_1153, %add3A_1154 : i32
      %get3A_1156 = arith.index_cast %add3A_1155 : i32 to index
      %get3A_1157 = tpu.vector_load %arg5[%get3A_1156] {strides = array<i32>} : memref<10000xi32, #tpu.memory_space<vmem>>, vector<16xi32>,
      %get3A_1158 = vector.shape_cast %get3A_1157 : vector<16xi32> to vector<16xi32>
      %and3A_1159 = arith.constant 65535 : i32
      %and3A_1160 = vector.broadcast %and3A_1159 : i32 to vector<16xi32>
      %and3A_1161 = arith.andi %get3A_1158, %and3A_1160 : vector<16xi32>
      %swap3A_1162 = arith.constant 0 : i32
      %swap3A_1163 = arith.index_cast %swap3A_1162 : i32 to index
      %swap3A_1164 = arith.constant 0 : index
      %swap3A_1165 = tpu.vector_load %arg7[%swap3A_1163, %swap3A_1164] {strides = array<i32>} : memref<8x32xi32, #tpu.memory_space<vmem>>, vector<1x16xi32>,
      %swap3A_1166 = vector.shape_cast %swap3A_1165 : vector<1x16xi32> to vector<16xi32>
      %swap3A_1167 = vector.shape_cast %and3A_1161 : vector<16xi32> to vector<1x16xi32>
      tpu.vector_store %arg7[%swap3A_1163, %swap3A_1164], %swap3A_1167 {strides = array<i32>} : memref<8x32xi32, #tpu.memory_space<vmem>>, vector<1x16xi32>,
      %shift_right_arithmetic3A_1168 = arith.constant 16 : i32
      %shift_right_arithmetic3A_1169 = vector.broadcast %shift_right_arithmetic3A_1168 : i32 to vector<16xi32>
      %shift_right_arithmetic3A_1170 = arith.shrsi %get3A_1158, %shift_right_arithmetic3A_1169 : vector<16xi32>
      %swap3A_1171 = arith.constant 8 : i32
      %swap3A_1172 = arith.index_cast %swap3A_1171 : i32 to index
      %swap3A_1173 = arith.constant 0 : index
      %swap3A_1174 = tpu.vector_load %arg8[%swap3A_1172, %swap3A_1173] {strides = array<i32>} : memref<16x32xi32, #tpu.memory_space<vmem>>, vector<1x16xi32>,
      %swap3A_1175 = vector.shape_cast %swap3A_1174 : vector<1x16xi32> to vector<16xi32>
      %swap3A_1176 = vector.shape_cast %shift_right_arithmetic3A_1170 : vector<16xi32> to vector<1x16xi32>
      tpu.vector_store %arg8[%swap3A_1172, %swap3A_1173], %swap3A_1176 {strides = array<i32>} : memref<16x32xi32, #tpu.memory_space<vmem>>, vector<1x16xi32>,
      %add3A_1177 = arith.constant 16 : i32
      %add3A_1178 = arith.addi %mul3A_1153, %add3A_1177 : i32
      %get3A_1179 = arith.index_cast %add3A_1178 : i32 to index
      %get3A_1180 = tpu.vector_load %arg5[%get3A_1179] {strides = array<i32>} : memref<10000xi32, #tpu.memory_space<vmem>>, vector<16xi32>,
      %get3A_1181 = vector.shape_cast %get3A_1180 : vector<16xi32> to vector<16xi32>
      %and3A_1182 = arith.constant 65535 : i32
      %and3A_1183 = vector.broadcast %and3A_1182 : i32 to vector<16xi32>
      %and3A_1184 = arith.andi %get3A_1181, %and3A_1183 : vector<16xi32>
      %swap3A_1185 = arith.constant 0 : i32
      %swap3A_1186 = arith.index_cast %swap3A_1185 : i32 to index
      %swap3A_1187 = arith.constant 16 : index
      %swap3A_1188 = tpu.vector_load %arg7[%swap3A_1186, %swap3A_1187] {strides = array<i32>} : memref<8x32xi32, #tpu.memory_space<vmem>>, vector<1x16xi32>,
      %swap3A_1189 = vector.shape_cast %swap3A_1188 : vector<1x16xi32> to vector<16xi32>
      %swap3A_1190 = vector.shape_cast %and3A_1184 : vector<16xi32> to vector<1x16xi32>
      tpu.vector_store %arg7[%swap3A_1186, %swap3A_1187], %swap3A_1190 {strides = array<i32>} : memref<8x32xi32, #tpu.memory_space<vmem>>, vector<1x16xi32>,
      %shift_right_arithmetic3A_1191 = arith.constant 16 : i32
      %shift_right_arithmetic3A_1192 = vector.broadcast %shift_right_arithmetic3A_1191 : i32 to vector<16xi32>
      %shift_right_arithmetic3A_1193 = arith.shrsi %get3A_1181, %shift_right_arithmetic3A_1192 : vector<16xi32>
      %swap3A_1194 = arith.constant 8 : i32
      %swap3A_1195 = arith.index_cast %swap3A_1194 : i32 to index
      %swap3A_1196 = arith.constant 16 : index
      %swap3A_1197 = tpu.vector_load %arg8[%swap3A_1195, %swap3A_1196] {strides = array<i32>} : memref<16x32xi32, #tpu.memory_space<vmem>>, vector<1x16xi32>,
      %swap3A_1198 = vector.shape_cast %swap3A_1197 : vector<1x16xi32> to vector<16xi32>
      %swap3A_1199 = vector.shape_cast %shift_right_arithmetic3A_1193 : vector<16xi32> to vector<1x16xi32>
      tpu.vector_store %arg8[%swap3A_1195, %swap3A_1196], %swap3A_1199 {strides = array<i32>} : memref<16x32xi32, #tpu.memory_space<vmem>>, vector<1x16xi32>,
      %dma_start3A_1200 = arith.constant 0 : i32
      %dma_start3A_1201 = arith.constant 0 : i32
      %dma_start3A_1202 = arith.constant 0 : i32
      %dma_start3A_1203 = arith.constant 0 : i32
      %dma_start3A_1204 = arith.constant 0 : i32
      %dma_start3A_1205 = tpu.memref_slice %arg6[%dma_start3A_1201, %dma_start3A_1203, %dma_start3A_1204] : memref<8x32x128xf32, #tpu.memory_space<vmem>> -> memref<1x32x128xf32, #tpu.memory_space<vmem>>
      %dma_start3A_1206 = tpu.memref_squeeze %dma_start3A_1205 : memref<1x32x128xf32, #tpu.memory_space<vmem>> -> memref<32x128xf32, #tpu.memory_space<vmem>>
      %dma_start3A_1207 = arith.constant 0 : i32
      %dma_start3A_1208 = tpu.memref_slice %arg7[%dma_start3A_1200, %dma_start3A_1207] : memref<8x32xi32, #tpu.memory_space<vmem>> -> memref<1x32xi32, #tpu.memory_space<vmem>>
      %dma_start3A_1209 = tpu.memref_squeeze %dma_start3A_1208 : memref<1x32xi32, #tpu.memory_space<vmem>> -> memref<32xi32, #tpu.memory_space<vmem>>
      %dma_start3A_1210 = arith.constant 0 : i32
      %dma_start3A_1211 = arith.constant 0 : i32
      %dma_start3A_1212 = tpu.memref_slice %arg3[%dma_start3A_1210, %dma_start3A_1211] : memref<10000x128xf32, #tpu.memory_space<hbm>> -> memref<10000x128xf32, #tpu.memory_space<hbm>>
      %dma_start3A_1213 = tpu.memref_slice %arg14[%dma_start3A_1202] : memref<8x!tpu.dma_semaphore, #tpu.memory_space<semaphore_mem>> -> memref<1x!tpu.dma_semaphore, #tpu.memory_space<semaphore_mem>>
      %dma_start3A_1214 = tpu.memref_squeeze %dma_start3A_1213 : memref<1x!tpu.dma_semaphore, #tpu.memory_space<semaphore_mem>> -> memref<!tpu.dma_semaphore, #tpu.memory_space<semaphore_mem>>
      tpu.enqueue_indirect_dma source(%dma_start3A_1212 : memref<10000x128xf32, #tpu.memory_space<hbm>>) target(%dma_start3A_1206 : memref<32x128xf32, #tpu.memory_space<vmem>>) offsets(%dma_start3A_1209 : memref<32xi32, #tpu.memory_space<vmem>>) semaphore(%dma_start3A_1214 : memref<!tpu.dma_semaphore, #tpu.memory_space<semaphore_mem>>)
      %dma_wait3A_1215 = arith.constant 1 : i32
      %dma_wait3A_1216 = arith.constant 1 : i32
      %dma_wait3A_1217 = arith.constant 1 : i32
      %dma_wait3A_1218 = arith.constant 0 : i32
      %dma_wait3A_1219 = arith.constant 0 : i32
      %dma_wait3A_1220 = tpu.memref_slice %arg6[%dma_wait3A_1215, %dma_wait3A_1218, %dma_wait3A_1219] : memref<8x32x128xf32, #tpu.memory_space<vmem>> -> memref<1x32x128xf32, #tpu.memory_space<vmem>>
      %dma_wait3A_1221 = tpu.memref_squeeze %dma_wait3A_1220 : memref<1x32x128xf32, #tpu.memory_space<vmem>> -> memref<32x128xf32, #tpu.memory_space<vmem>>
      %dma_wait3A_1222 = arith.constant 0 : i32
      %dma_wait3A_1223 = tpu.memref_slice %arg8[%dma_wait3A_1216, %dma_wait3A_1222] : memref<16x32xi32, #tpu.memory_space<vmem>> -> memref<1x32xi32, #tpu.memory_space<vmem>>
      %dma_wait3A_1224 = tpu.memref_squeeze %dma_wait3A_1223 : memref<1x32xi32, #tpu.memory_space<vmem>> -> memref<32xi32, #tpu.memory_space<vmem>>
      %dma_wait3A_1225 = arith.constant 0 : i32
      %dma_wait3A_1226 = arith.constant 0 : i32
      %dma_wait3A_1227 = tpu.memref_slice %arg13[%dma_wait3A_1225, %dma_wait3A_1226] : memref<10000x128xf32, #tpu.memory_space<vmem_shared>> -> memref<10000x128xf32, #tpu.memory_space<vmem_shared>>
      %dma_wait3A_1228 = tpu.memref_slice %arg15[%dma_wait3A_1217] : memref<8x!tpu.dma_semaphore, #tpu.memory_space<semaphore_mem>> -> memref<1x!tpu.dma_semaphore, #tpu.memory_space<semaphore_mem>>
      %dma_wait3A_1229 = tpu.memref_squeeze %dma_wait3A_1228 : memref<1x!tpu.dma_semaphore, #tpu.memory_space<semaphore_mem>> -> memref<!tpu.dma_semaphore, #tpu.memory_space<semaphore_mem>>
      tpu.wait_indirect_dma semaphore(%dma_wait3A_1229 : memref<!tpu.dma_semaphore, #tpu.memory_space<semaphore_mem>>) src(%dma_wait3A_1221 : memref<32x128xf32, #tpu.memory_space<vmem>>) dst(%dma_wait3A_1227 : memref<10000x128xf32, #tpu.memory_space<vmem_shared>>)
      %add3A_1230 = arith.constant 1 : i32
      %add3A_1231 = arith.addi %mul3A_890, %add3A_1230 : i32
      %mul3A_1232 = arith.constant 8 : i32
      %mul3A_1233 = arith.muli %add3A_1231, %mul3A_1232 : i32
      %add3A_1234 = arith.constant 1 : i32
      %add3A_1235 = arith.addi %mul3A_1233, %add3A_1234 : i32
      %mul3A_1236 = arith.constant 32 : i32
      %mul3A_1237 = arith.muli %add3A_1235, %mul3A_1236 : i32
      %add3A_1238 = arith.constant 0 : i32
      %add3A_1239 = arith.addi %mul3A_1237, %add3A_1238 : i32
      %get3A_1240 = arith.index_cast %add3A_1239 : i32 to index
      %get3A_1241 = tpu.vector_load %arg5[%get3A_1240] {strides = array<i32>} : memref<10000xi32, #tpu.memory_space<vmem>>, vector<16xi32>,
      %get3A_1242 = vector.shape_cast %get3A_1241 : vector<16xi32> to vector<16xi32>
      %and3A_1243 = arith.constant 65535 : i32
      %and3A_1244 = vector.broadcast %and3A_1243 : i32 to vector<16xi32>
      %and3A_1245 = arith.andi %get3A_1242, %and3A_1244 : vector<16xi32>
      %swap3A_1246 = arith.constant 1 : i32
      %swap3A_1247 = arith.index_cast %swap3A_1246 : i32 to index
      %swap3A_1248 = arith.constant 0 : index
      %swap3A_1249 = tpu.vector_load %arg7[%swap3A_1247, %swap3A_1248] {strides = array<i32>} : memref<8x32xi32, #tpu.memory_space<vmem>>, vector<1x16xi32>,
      %swap3A_1250 = vector.shape_cast %swap3A_1249 : vector<1x16xi32> to vector<16xi32>
      %swap3A_1251 = vector.shape_cast %and3A_1245 : vector<16xi32> to vector<1x16xi32>
      tpu.vector_store %arg7[%swap3A_1247, %swap3A_1248], %swap3A_1251 {strides = array<i32>} : memref<8x32xi32, #tpu.memory_space<vmem>>, vector<1x16xi32>,
      %shift_right_arithmetic3A_1252 = arith.constant 16 : i32
      %shift_right_arithmetic3A_1253 = vector.broadcast %shift_right_arithmetic3A_1252 : i32 to vector<16xi32>
      %shift_right_arithmetic3A_1254 = arith.shrsi %get3A_1242, %shift_right_arithmetic3A_1253 : vector<16xi32>
      %swap3A_1255 = arith.constant 9 : i32
      %swap3A_1256 = arith.index_cast %swap3A_1255 : i32 to index
      %swap3A_1257 = arith.constant 0 : index
      %swap3A_1258 = tpu.vector_load %arg8[%swap3A_1256, %swap3A_1257] {strides = array<i32>} : memref<16x32xi32, #tpu.memory_space<vmem>>, vector<1x16xi32>,
      %swap3A_1259 = vector.shape_cast %swap3A_1258 : vector<1x16xi32> to vector<16xi32>
      %swap3A_1260 = vector.shape_cast %shift_right_arithmetic3A_1254 : vector<16xi32> to vector<1x16xi32>
      tpu.vector_store %arg8[%swap3A_1256, %swap3A_1257], %swap3A_1260 {strides = array<i32>} : memref<16x32xi32, #tpu.memory_space<vmem>>, vector<1x16xi32>,
      %add3A_1261 = arith.constant 16 : i32
      %add3A_1262 = arith.addi %mul3A_1237, %add3A_1261 : i32
      %get3A_1263 = arith.index_cast %add3A_1262 : i32 to index
      %get3A_1264 = tpu.vector_load %arg5[%get3A_1263] {strides = array<i32>} : memref<10000xi32, #tpu.memory_space<vmem>>, vector<16xi32>,
      %get3A_1265 = vector.shape_cast %get3A_1264 : vector<16xi32> to vector<16xi32>
      %and3A_1266 = arith.constant 65535 : i32
      %and3A_1267 = vector.broadcast %and3A_1266 : i32 to vector<16xi32>
      %and3A_1268 = arith.andi %get3A_1265, %and3A_1267 : vector<16xi32>
      %swap3A_1269 = arith.constant 1 : i32
      %swap3A_1270 = arith.index_cast %swap3A_1269 : i32 to index
      %swap3A_1271 = arith.constant 16 : index
      %swap3A_1272 = tpu.vector_load %arg7[%swap3A_1270, %swap3A_1271] {strides = array<i32>} : memref<8x32xi32, #tpu.memory_space<vmem>>, vector<1x16xi32>,
      %swap3A_1273 = vector.shape_cast %swap3A_1272 : vector<1x16xi32> to vector<16xi32>
      %swap3A_1274 = vector.shape_cast %and3A_1268 : vector<16xi32> to vector<1x16xi32>
      tpu.vector_store %arg7[%swap3A_1270, %swap3A_1271], %swap3A_1274 {strides = array<i32>} : memref<8x32xi32, #tpu.memory_space<vmem>>, vector<1x16xi32>,
      %shift_right_arithmetic3A_1275 = arith.constant 16 : i32
      %shift_right_arithmetic3A_1276 = vector.broadcast %shift_right_arithmetic3A_1275 : i32 to vector<16xi32>
      %shift_right_arithmetic3A_1277 = arith.shrsi %get3A_1265, %shift_right_arithmetic3A_1276 : vector<16xi32>
      %swap3A_1278 = arith.constant 9 : i32
      %swap3A_1279 = arith.index_cast %swap3A_1278 : i32 to index
      %swap3A_1280 = arith.constant 16 : index
      %swap3A_1281 = tpu.vector_load %arg8[%swap3A_1279, %swap3A_1280] {strides = array<i32>} : memref<16x32xi32, #tpu.memory_space<vmem>>, vector<1x16xi32>,
      %swap3A_1282 = vector.shape_cast %swap3A_1281 : vector<1x16xi32> to vector<16xi32>
      %swap3A_1283 = vector.shape_cast %shift_right_arithmetic3A_1277 : vector<16xi32> to vector<1x16xi32>
      tpu.vector_store %arg8[%swap3A_1279, %swap3A_1280], %swap3A_1283 {strides = array<i32>} : memref<16x32xi32, #tpu.memory_space<vmem>>, vector<1x16xi32>,
      %dma_start3A_1284 = arith.constant 1 : i32
      %dma_start3A_1285 = arith.constant 1 : i32
      %dma_start3A_1286 = arith.constant 1 : i32
      %dma_start3A_1287 = arith.constant 0 : i32
      %dma_start3A_1288 = arith.constant 0 : i32
      %dma_start3A_1289 = tpu.memref_slice %arg6[%dma_start3A_1285, %dma_start3A_1287, %dma_start3A_1288] : memref<8x32x128xf32, #tpu.memory_space<vmem>> -> memref<1x32x128xf32, #tpu.memory_space<vmem>>
      %dma_start3A_1290 = tpu.memref_squeeze %dma_start3A_1289 : memref<1x32x128xf32, #tpu.memory_space<vmem>> -> memref<32x128xf32, #tpu.memory_space<vmem>>
      %dma_start3A_1291 = arith.constant 0 : i32
      %dma_start3A_1292 = tpu.memref_slice %arg7[%dma_start3A_1284, %dma_start3A_1291] : memref<8x32xi32, #tpu.memory_space<vmem>> -> memref<1x32xi32, #tpu.memory_space<vmem>>
      %dma_start3A_1293 = tpu.memref_squeeze %dma_start3A_1292 : memref<1x32xi32, #tpu.memory_space<vmem>> -> memref<32xi32, #tpu.memory_space<vmem>>
      %dma_start3A_1294 = arith.constant 0 : i32
      %dma_start3A_1295 = arith.constant 0 : i32
      %dma_start3A_1296 = tpu.memref_slice %arg3[%dma_start3A_1294, %dma_start3A_1295] : memref<10000x128xf32, #tpu.memory_space<hbm>> -> memref<10000x128xf32, #tpu.memory_space<hbm>>
      %dma_start3A_1297 = tpu.memref_slice %arg14[%dma_start3A_1286] : memref<8x!tpu.dma_semaphore, #tpu.memory_space<semaphore_mem>> -> memref<1x!tpu.dma_semaphore, #tpu.memory_space<semaphore_mem>>
      %dma_start3A_1298 = tpu.memref_squeeze %dma_start3A_1297 : memref<1x!tpu.dma_semaphore, #tpu.memory_space<semaphore_mem>> -> memref<!tpu.dma_semaphore, #tpu.memory_space<semaphore_mem>>
      tpu.enqueue_indirect_dma source(%dma_start3A_1296 : memref<10000x128xf32, #tpu.memory_space<hbm>>) target(%dma_start3A_1290 : memref<32x128xf32, #tpu.memory_space<vmem>>) offsets(%dma_start3A_1293 : memref<32xi32, #tpu.memory_space<vmem>>) semaphore(%dma_start3A_1298 : memref<!tpu.dma_semaphore, #tpu.memory_space<semaphore_mem>>)
      %dma_wait3A_1299 = arith.constant 2 : i32
      %dma_wait3A_1300 = arith.constant 2 : i32
      %dma_wait3A_1301 = arith.constant 2 : i32
      %dma_wait3A_1302 = arith.constant 0 : i32
      %dma_wait3A_1303 = arith.constant 0 : i32
      %dma_wait3A_1304 = tpu.memref_slice %arg6[%dma_wait3A_1299, %dma_wait3A_1302, %dma_wait3A_1303] : memref<8x32x128xf32, #tpu.memory_space<vmem>> -> memref<1x32x128xf32, #tpu.memory_space<vmem>>
      %dma_wait3A_1305 = tpu.memref_squeeze %dma_wait3A_1304 : memref<1x32x128xf32, #tpu.memory_space<vmem>> -> memref<32x128xf32, #tpu.memory_space<vmem>>
      %dma_wait3A_1306 = arith.constant 0 : i32
      %dma_wait3A_1307 = tpu.memref_slice %arg8[%dma_wait3A_1300, %dma_wait3A_1306] : memref<16x32xi32, #tpu.memory_space<vmem>> -> memref<1x32xi32, #tpu.memory_space<vmem>>
      %dma_wait3A_1308 = tpu.memref_squeeze %dma_wait3A_1307 : memref<1x32xi32, #tpu.memory_space<vmem>> -> memref<32xi32, #tpu.memory_space<vmem>>
      %dma_wait3A_1309 = arith.constant 0 : i32
      %dma_wait3A_1310 = arith.constant 0 : i32
      %dma_wait3A_1311 = tpu.memref_slice %arg13[%dma_wait3A_1309, %dma_wait3A_1310] : memref<10000x128xf32, #tpu.memory_space<vmem_shared>> -> memref<10000x128xf32, #tpu.memory_space<vmem_shared>>
      %dma_wait3A_1312 = tpu.memref_slice %arg15[%dma_wait3A_1301] : memref<8x!tpu.dma_semaphore, #tpu.memory_space<semaphore_mem>> -> memref<1x!tpu.dma_semaphore, #tpu.memory_space<semaphore_mem>>
      %dma_wait3A_1313 = tpu.memref_squeeze %dma_wait3A_1312 : memref<1x!tpu.dma_semaphore, #tpu.memory_space<semaphore_mem>> -> memref<!tpu.dma_semaphore, #tpu.memory_space<semaphore_mem>>
      tpu.wait_indirect_dma semaphore(%dma_wait3A_1313 : memref<!tpu.dma_semaphore, #tpu.memory_space<semaphore_mem>>) src(%dma_wait3A_1305 : memref<32x128xf32, #tpu.memory_space<vmem>>) dst(%dma_wait3A_1311 : memref<10000x128xf32, #tpu.memory_space<vmem_shared>>)
      %add3A_1314 = arith.constant 1 : i32
      %add3A_1315 = arith.addi %mul3A_890, %add3A_1314 : i32
      %mul3A_1316 = arith.constant 8 : i32
      %mul3A_1317 = arith.muli %add3A_1315, %mul3A_1316 : i32
      %add3A_1318 = arith.constant 2 : i32
      %add3A_1319 = arith.addi %mul3A_1317, %add3A_1318 : i32
      %mul3A_1320 = arith.constant 32 : i32
      %mul3A_1321 = arith.muli %add3A_1319, %mul3A_1320 : i32
      %add3A_1322 = arith.constant 0 : i32
      %add3A_1323 = arith.addi %mul3A_1321, %add3A_1322 : i32
      %get3A_1324 = arith.index_cast %add3A_1323 : i32 to index
      %get3A_1325 = tpu.vector_load %arg5[%get3A_1324] {strides = array<i32>} : memref<10000xi32, #tpu.memory_space<vmem>>, vector<16xi32>,
      %get3A_1326 = vector.shape_cast %get3A_1325 : vector<16xi32> to vector<16xi32>
      %and3A_1327 = arith.constant 65535 : i32
      %and3A_1328 = vector.broadcast %and3A_1327 : i32 to vector<16xi32>
      %and3A_1329 = arith.andi %get3A_1326, %and3A_1328 : vector<16xi32>
      %swap3A_1330 = arith.constant 2 : i32
      %swap3A_1331 = arith.index_cast %swap3A_1330 : i32 to index
      %swap3A_1332 = arith.constant 0 : index
      %swap3A_1333 = tpu.vector_load %arg7[%swap3A_1331, %swap3A_1332] {strides = array<i32>} : memref<8x32xi32, #tpu.memory_space<vmem>>, vector<1x16xi32>,
      %swap3A_1334 = vector.shape_cast %swap3A_1333 : vector<1x16xi32> to vector<16xi32>
      %swap3A_1335 = vector.shape_cast %and3A_1329 : vector<16xi32> to vector<1x16xi32>
      tpu.vector_store %arg7[%swap3A_1331, %swap3A_1332], %swap3A_1335 {strides = array<i32>} : memref<8x32xi32, #tpu.memory_space<vmem>>, vector<1x16xi32>,
      %shift_right_arithmetic3A_1336 = arith.constant 16 : i32
      %shift_right_arithmetic3A_1337 = vector.broadcast %shift_right_arithmetic3A_1336 : i32 to vector<16xi32>
      %shift_right_arithmetic3A_1338 = arith.shrsi %get3A_1326, %shift_right_arithmetic3A_1337 : vector<16xi32>
      %swap3A_1339 = arith.constant 10 : i32
      %swap3A_1340 = arith.index_cast %swap3A_1339 : i32 to index
      %swap3A_1341 = arith.constant 0 : index
      %swap3A_1342 = tpu.vector_load %arg8[%swap3A_1340, %swap3A_1341] {strides = array<i32>} : memref<16x32xi32, #tpu.memory_space<vmem>>, vector<1x16xi32>,
      %swap3A_1343 = vector.shape_cast %swap3A_1342 : vector<1x16xi32> to vector<16xi32>
      %swap3A_1344 = vector.shape_cast %shift_right_arithmetic3A_1338 : vector<16xi32> to vector<1x16xi32>
      tpu.vector_store %arg8[%swap3A_1340, %swap3A_1341], %swap3A_1344 {strides = array<i32>} : memref<16x32xi32, #tpu.memory_space<vmem>>, vector<1x16xi32>,
      %add3A_1345 = arith.constant 16 : i32
      %add3A_1346 = arith.addi %mul3A_1321, %add3A_1345 : i32
      %get3A_1347 = arith.index_cast %add3A_1346 : i32 to index
      %get3A_1348 = tpu.vector_load %arg5[%get3A_1347] {strides = array<i32>} : memref<10000xi32, #tpu.memory_space<vmem>>, vector<16xi32>,
      %get3A_1349 = vector.shape_cast %get3A_1348 : vector<16xi32> to vector<16xi32>
      %and3A_1350 = arith.constant 65535 : i32
      %and3A_1351 = vector.broadcast %and3A_1350 : i32 to vector<16xi32>
      %and3A_1352 = arith.andi %get3A_1349, %and3A_1351 : vector<16xi32>
      %swap3A_1353 = arith.constant 2 : i32
      %swap3A_1354 = arith.index_cast %swap3A_1353 : i32 to index
      %swap3A_1355 = arith.constant 16 : index
      %swap3A_1356 = tpu.vector_load %arg7[%swap3A_1354, %swap3A_1355] {strides = array<i32>} : memref<8x32xi32, #tpu.memory_space<vmem>>, vector<1x16xi32>,
      %swap3A_1357 = vector.shape_cast %swap3A_1356 : vector<1x16xi32> to vector<16xi32>
      %swap3A_1358 = vector.shape_cast %and3A_1352 : vector<16xi32> to vector<1x16xi32>
      tpu.vector_store %arg7[%swap3A_1354, %swap3A_1355], %swap3A_1358 {strides = array<i32>} : memref<8x32xi32, #tpu.memory_space<vmem>>, vector<1x16xi32>,
      %shift_right_arithmetic3A_1359 = arith.constant 16 : i32
      %shift_right_arithmetic3A_1360 = vector.broadcast %shift_right_arithmetic3A_1359 : i32 to vector<16xi32>
      %shift_right_arithmetic3A_1361 = arith.shrsi %get3A_1349, %shift_right_arithmetic3A_1360 : vector<16xi32>
      %swap3A_1362 = arith.constant 10 : i32
      %swap3A_1363 = arith.index_cast %swap3A_1362 : i32 to index
      %swap3A_1364 = arith.constant 16 : index
      %swap3A_1365 = tpu.vector_load %arg8[%swap3A_1363, %swap3A_1364] {strides = array<i32>} : memref<16x32xi32, #tpu.memory_space<vmem>>, vector<1x16xi32>,
      %swap3A_1366 = vector.shape_cast %swap3A_1365 : vector<1x16xi32> to vector<16xi32>
      %swap3A_1367 = vector.shape_cast %shift_right_arithmetic3A_1361 : vector<16xi32> to vector<1x16xi32>
      tpu.vector_store %arg8[%swap3A_1363, %swap3A_1364], %swap3A_1367 {strides = array<i32>} : memref<16x32xi32, #tpu.memory_space<vmem>>, vector<1x16xi32>,
      %dma_start3A_1368 = arith.constant 2 : i32
      %dma_start3A_1369 = arith.constant 2 : i32
      %dma_start3A_1370 = arith.constant 2 : i32
      %dma_start3A_1371 = arith.constant 0 : i32
      %dma_start3A_1372 = arith.constant 0 : i32
      %dma_start3A_1373 = tpu.memref_slice %arg6[%dma_start3A_1369, %dma_start3A_1371, %dma_start3A_1372] : memref<8x32x128xf32, #tpu.memory_space<vmem>> -> memref<1x32x128xf32, #tpu.memory_space<vmem>>
      %dma_start3A_1374 = tpu.memref_squeeze %dma_start3A_1373 : memref<1x32x128xf32, #tpu.memory_space<vmem>> -> memref<32x128xf32, #tpu.memory_space<vmem>>
      %dma_start3A_1375 = arith.constant 0 : i32
      %dma_start3A_1376 = tpu.memref_slice %arg7[%dma_start3A_1368, %dma_start3A_1375] : memref<8x32xi32, #tpu.memory_space<vmem>> -> memref<1x32xi32, #tpu.memory_space<vmem>>
      %dma_start3A_1377 = tpu.memref_squeeze %dma_start3A_1376 : memref<1x32xi32, #tpu.memory_space<vmem>> -> memref<32xi32, #tpu.memory_space<vmem>>
      %dma_start3A_1378 = arith.constant 0 : i32
      %dma_start3A_1379 = arith.constant 0 : i32
      %dma_start3A_1380 = tpu.memref_slice %arg3[%dma_start3A_1378, %dma_start3A_1379] : memref<10000x128xf32, #tpu.memory_space<hbm>> -> memref<10000x128xf32, #tpu.memory_space<hbm>>
      %dma_start3A_1381 = tpu.memref_slice %arg14[%dma_start3A_1370] : memref<8x!tpu.dma_semaphore, #tpu.memory_space<semaphore_mem>> -> memref<1x!tpu.dma_semaphore, #tpu.memory_space<semaphore_mem>>
      %dma_start3A_1382 = tpu.memref_squeeze %dma_start3A_1381 : memref<1x!tpu.dma_semaphore, #tpu.memory_space<semaphore_mem>> -> memref<!tpu.dma_semaphore, #tpu.memory_space<semaphore_mem>>
      tpu.enqueue_indirect_dma source(%dma_start3A_1380 : memref<10000x128xf32, #tpu.memory_space<hbm>>) target(%dma_start3A_1374 : memref<32x128xf32, #tpu.memory_space<vmem>>) offsets(%dma_start3A_1377 : memref<32xi32, #tpu.memory_space<vmem>>) semaphore(%dma_start3A_1382 : memref<!tpu.dma_semaphore, #tpu.memory_space<semaphore_mem>>)
      %dma_wait3A_1383 = arith.constant 3 : i32
      %dma_wait3A_1384 = arith.constant 3 : i32
      %dma_wait3A_1385 = arith.constant 3 : i32
      %dma_wait3A_1386 = arith.constant 0 : i32
      %dma_wait3A_1387 = arith.constant 0 : i32
      %dma_wait3A_1388 = tpu.memref_slice %arg6[%dma_wait3A_1383, %dma_wait3A_1386, %dma_wait3A_1387] : memref<8x32x128xf32, #tpu.memory_space<vmem>> -> memref<1x32x128xf32, #tpu.memory_space<vmem>>
      %dma_wait3A_1389 = tpu.memref_squeeze %dma_wait3A_1388 : memref<1x32x128xf32, #tpu.memory_space<vmem>> -> memref<32x128xf32, #tpu.memory_space<vmem>>
      %dma_wait3A_1390 = arith.constant 0 : i32
      %dma_wait3A_1391 = tpu.memref_slice %arg8[%dma_wait3A_1384, %dma_wait3A_1390] : memref<16x32xi32, #tpu.memory_space<vmem>> -> memref<1x32xi32, #tpu.memory_space<vmem>>
      %dma_wait3A_1392 = tpu.memref_squeeze %dma_wait3A_1391 : memref<1x32xi32, #tpu.memory_space<vmem>> -> memref<32xi32, #tpu.memory_space<vmem>>
      %dma_wait3A_1393 = arith.constant 0 : i32
      %dma_wait3A_1394 = arith.constant 0 : i32
      %dma_wait3A_1395 = tpu.memref_slice %arg13[%dma_wait3A_1393, %dma_wait3A_1394] : memref<10000x128xf32, #tpu.memory_space<vmem_shared>> -> memref<10000x128xf32, #tpu.memory_space<vmem_shared>>
      %dma_wait3A_1396 = tpu.memref_slice %arg15[%dma_wait3A_1385] : memref<8x!tpu.dma_semaphore, #tpu.memory_space<semaphore_mem>> -> memref<1x!tpu.dma_semaphore, #tpu.memory_space<semaphore_mem>>
      %dma_wait3A_1397 = tpu.memref_squeeze %dma_wait3A_1396 : memref<1x!tpu.dma_semaphore, #tpu.memory_space<semaphore_mem>> -> memref<!tpu.dma_semaphore, #tpu.memory_space<semaphore_mem>>
      tpu.wait_indirect_dma semaphore(%dma_wait3A_1397 : memref<!tpu.dma_semaphore, #tpu.memory_space<semaphore_mem>>) src(%dma_wait3A_1389 : memref<32x128xf32, #tpu.memory_space<vmem>>) dst(%dma_wait3A_1395 : memref<10000x128xf32, #tpu.memory_space<vmem_shared>>)
      %add3A_1398 = arith.constant 1 : i32
      %add3A_1399 = arith.addi %mul3A_890, %add3A_1398 : i32
      %mul3A_1400 = arith.constant 8 : i32
      %mul3A_1401 = arith.muli %add3A_1399, %mul3A_1400 : i32
      %add3A_1402 = arith.constant 3 : i32
      %add3A_1403 = arith.addi %mul3A_1401, %add3A_1402 : i32
      %mul3A_1404 = arith.constant 32 : i32
      %mul3A_1405 = arith.muli %add3A_1403, %mul3A_1404 : i32
      %add3A_1406 = arith.constant 0 : i32
      %add3A_1407 = arith.addi %mul3A_1405, %add3A_1406 : i32
      %get3A_1408 = arith.index_cast %add3A_1407 : i32 to index
      %get3A_1409 = tpu.vector_load %arg5[%get3A_1408] {strides = array<i32>} : memref<10000xi32, #tpu.memory_space<vmem>>, vector<16xi32>,
      %get3A_1410 = vector.shape_cast %get3A_1409 : vector<16xi32> to vector<16xi32>
      %and3A_1411 = arith.constant 65535 : i32
      %and3A_1412 = vector.broadcast %and3A_1411 : i32 to vector<16xi32>
      %and3A_1413 = arith.andi %get3A_1410, %and3A_1412 : vector<16xi32>
      %swap3A_1414 = arith.constant 3 : i32
      %swap3A_1415 = arith.index_cast %swap3A_1414 : i32 to index
      %swap3A_1416 = arith.constant 0 : index
      %swap3A_1417 = tpu.vector_load %arg7[%swap3A_1415, %swap3A_1416] {strides = array<i32>} : memref<8x32xi32, #tpu.memory_space<vmem>>, vector<1x16xi32>,
      %swap3A_1418 = vector.shape_cast %swap3A_1417 : vector<1x16xi32> to vector<16xi32>
      %swap3A_1419 = vector.shape_cast %and3A_1413 : vector<16xi32> to vector<1x16xi32>
      tpu.vector_store %arg7[%swap3A_1415, %swap3A_1416], %swap3A_1419 {strides = array<i32>} : memref<8x32xi32, #tpu.memory_space<vmem>>, vector<1x16xi32>,
      %shift_right_arithmetic3A_1420 = arith.constant 16 : i32
      %shift_right_arithmetic3A_1421 = vector.broadcast %shift_right_arithmetic3A_1420 : i32 to vector<16xi32>
      %shift_right_arithmetic3A_1422 = arith.shrsi %get3A_1410, %shift_right_arithmetic3A_1421 : vector<16xi32>
      %swap3A_1423 = arith.constant 11 : i32
      %swap3A_1424 = arith.index_cast %swap3A_1423 : i32 to index
      %swap3A_1425 = arith.constant 0 : index
      %swap3A_1426 = tpu.vector_load %arg8[%swap3A_1424, %swap3A_1425] {strides = array<i32>} : memref<16x32xi32, #tpu.memory_space<vmem>>, vector<1x16xi32>,
      %swap3A_1427 = vector.shape_cast %swap3A_1426 : vector<1x16xi32> to vector<16xi32>
      %swap3A_1428 = vector.shape_cast %shift_right_arithmetic3A_1422 : vector<16xi32> to vector<1x16xi32>
      tpu.vector_store %arg8[%swap3A_1424, %swap3A_1425], %swap3A_1428 {strides = array<i32>} : memref<16x32xi32, #tpu.memory_space<vmem>>, vector<1x16xi32>,
      %add3A_1429 = arith.constant 16 : i32
      %add3A_1430 = arith.addi %mul3A_1405, %add3A_1429 : i32
      %get3A_1431 = arith.index_cast %add3A_1430 : i32 to index
      %get3A_1432 = tpu.vector_load %arg5[%get3A_1431] {strides = array<i32>} : memref<10000xi32, #tpu.memory_space<vmem>>, vector<16xi32>,
      %get3A_1433 = vector.shape_cast %get3A_1432 : vector<16xi32> to vector<16xi32>
      %and3A_1434 = arith.constant 65535 : i32
      %and3A_1435 = vector.broadcast %and3A_1434 : i32 to vector<16xi32>
      %and3A_1436 = arith.andi %get3A_1433, %and3A_1435 : vector<16xi32>
      %swap3A_1437 = arith.constant 3 : i32
      %swap3A_1438 = arith.index_cast %swap3A_1437 : i32 to index
      %swap3A_1439 = arith.constant 16 : index
      %swap3A_1440 = tpu.vector_load %arg7[%swap3A_1438, %swap3A_1439] {strides = array<i32>} : memref<8x32xi32, #tpu.memory_space<vmem>>, vector<1x16xi32>,
      %swap3A_1441 = vector.shape_cast %swap3A_1440 : vector<1x16xi32> to vector<16xi32>
      %swap3A_1442 = vector.shape_cast %and3A_1436 : vector<16xi32> to vector<1x16xi32>
      tpu.vector_store %arg7[%swap3A_1438, %swap3A_1439], %swap3A_1442 {strides = array<i32>} : memref<8x32xi32, #tpu.memory_space<vmem>>, vector<1x16xi32>,
      %shift_right_arithmetic3A_1443 = arith.constant 16 : i32
      %shift_right_arithmetic3A_1444 = vector.broadcast %shift_right_arithmetic3A_1443 : i32 to vector<16xi32>
      %shift_right_arithmetic3A_1445 = arith.shrsi %get3A_1433, %shift_right_arithmetic3A_1444 : vector<16xi32>
      %swap3A_1446 = arith.constant 11 : i32
      %swap3A_1447 = arith.index_cast %swap3A_1446 : i32 to index
      %swap3A_1448 = arith.constant 16 : index
      %swap3A_1449 = tpu.vector_load %arg8[%swap3A_1447, %swap3A_1448] {strides = array<i32>} : memref<16x32xi32, #tpu.memory_space<vmem>>, vector<1x16xi32>,
      %swap3A_1450 = vector.shape_cast %swap3A_1449 : vector<1x16xi32> to vector<16xi32>
      %swap3A_1451 = vector.shape_cast %shift_right_arithmetic3A_1445 : vector<16xi32> to vector<1x16xi32>
      tpu.vector_store %arg8[%swap3A_1447, %swap3A_1448], %swap3A_1451 {strides = array<i32>} : memref<16x32xi32, #tpu.memory_space<vmem>>, vector<1x16xi32>,
      %dma_start3A_1452 = arith.constant 3 : i32
      %dma_start3A_1453 = arith.constant 3 : i32
      %dma_start3A_1454 = arith.constant 3 : i32
      %dma_start3A_1455 = arith.constant 0 : i32
      %dma_start3A_1456 = arith.constant 0 : i32
      %dma_start3A_1457 = tpu.memref_slice %arg6[%dma_start3A_1453, %dma_start3A_1455, %dma_start3A_1456] : memref<8x32x128xf32, #tpu.memory_space<vmem>> -> memref<1x32x128xf32, #tpu.memory_space<vmem>>
      %dma_start3A_1458 = tpu.memref_squeeze %dma_start3A_1457 : memref<1x32x128xf32, #tpu.memory_space<vmem>> -> memref<32x128xf32, #tpu.memory_space<vmem>>
      %dma_start3A_1459 = arith.constant 0 : i32
      %dma_start3A_1460 = tpu.memref_slice %arg7[%dma_start3A_1452, %dma_start3A_1459] : memref<8x32xi32, #tpu.memory_space<vmem>> -> memref<1x32xi32, #tpu.memory_space<vmem>>
      %dma_start3A_1461 = tpu.memref_squeeze %dma_start3A_1460 : memref<1x32xi32, #tpu.memory_space<vmem>> -> memref<32xi32, #tpu.memory_space<vmem>>
      %dma_start3A_1462 = arith.constant 0 : i32
      %dma_start3A_1463 = arith.constant 0 : i32
      %dma_start3A_1464 = tpu.memref_slice %arg3[%dma_start3A_1462, %dma_start3A_1463] : memref<10000x128xf32, #tpu.memory_space<hbm>> -> memref<10000x128xf32, #tpu.memory_space<hbm>>
      %dma_start3A_1465 = tpu.memref_slice %arg14[%dma_start3A_1454] : memref<8x!tpu.dma_semaphore, #tpu.memory_space<semaphore_mem>> -> memref<1x!tpu.dma_semaphore, #tpu.memory_space<semaphore_mem>>
      %dma_start3A_1466 = tpu.memref_squeeze %dma_start3A_1465 : memref<1x!tpu.dma_semaphore, #tpu.memory_space<semaphore_mem>> -> memref<!tpu.dma_semaphore, #tpu.memory_space<semaphore_mem>>
      tpu.enqueue_indirect_dma source(%dma_start3A_1464 : memref<10000x128xf32, #tpu.memory_space<hbm>>) target(%dma_start3A_1458 : memref<32x128xf32, #tpu.memory_space<vmem>>) offsets(%dma_start3A_1461 : memref<32xi32, #tpu.memory_space<vmem>>) semaphore(%dma_start3A_1466 : memref<!tpu.dma_semaphore, #tpu.memory_space<semaphore_mem>>)
      %dma_wait3A_1467 = arith.constant 4 : i32
      %dma_wait3A_1468 = arith.constant 4 : i32
      %dma_wait3A_1469 = arith.constant 4 : i32
      %dma_wait3A_1470 = arith.constant 0 : i32
      %dma_wait3A_1471 = arith.constant 0 : i32
      %dma_wait3A_1472 = tpu.memref_slice %arg6[%dma_wait3A_1467, %dma_wait3A_1470, %dma_wait3A_1471] : memref<8x32x128xf32, #tpu.memory_space<vmem>> -> memref<1x32x128xf32, #tpu.memory_space<vmem>>
      %dma_wait3A_1473 = tpu.memref_squeeze %dma_wait3A_1472 : memref<1x32x128xf32, #tpu.memory_space<vmem>> -> memref<32x128xf32, #tpu.memory_space<vmem>>
      %dma_wait3A_1474 = arith.constant 0 : i32
      %dma_wait3A_1475 = tpu.memref_slice %arg8[%dma_wait3A_1468, %dma_wait3A_1474] : memref<16x32xi32, #tpu.memory_space<vmem>> -> memref<1x32xi32, #tpu.memory_space<vmem>>
      %dma_wait3A_1476 = tpu.memref_squeeze %dma_wait3A_1475 : memref<1x32xi32, #tpu.memory_space<vmem>> -> memref<32xi32, #tpu.memory_space<vmem>>
      %dma_wait3A_1477 = arith.constant 0 : i32
      %dma_wait3A_1478 = arith.constant 0 : i32
      %dma_wait3A_1479 = tpu.memref_slice %arg13[%dma_wait3A_1477, %dma_wait3A_1478] : memref<10000x128xf32, #tpu.memory_space<vmem_shared>> -> memref<10000x128xf32, #tpu.memory_space<vmem_shared>>
      %dma_wait3A_1480 = tpu.memref_slice %arg15[%dma_wait3A_1469] : memref<8x!tpu.dma_semaphore, #tpu.memory_space<semaphore_mem>> -> memref<1x!tpu.dma_semaphore, #tpu.memory_space<semaphore_mem>>
      %dma_wait3A_1481 = tpu.memref_squeeze %dma_wait3A_1480 : memref<1x!tpu.dma_semaphore, #tpu.memory_space<semaphore_mem>> -> memref<!tpu.dma_semaphore, #tpu.memory_space<semaphore_mem>>
      tpu.wait_indirect_dma semaphore(%dma_wait3A_1481 : memref<!tpu.dma_semaphore, #tpu.memory_space<semaphore_mem>>) src(%dma_wait3A_1473 : memref<32x128xf32, #tpu.memory_space<vmem>>) dst(%dma_wait3A_1479 : memref<10000x128xf32, #tpu.memory_space<vmem_shared>>)
      %add3A_1482 = arith.constant 1 : i32
      %add3A_1483 = arith.addi %mul3A_890, %add3A_1482 : i32
      %mul3A_1484 = arith.constant 8 : i32
      %mul3A_1485 = arith.muli %add3A_1483, %mul3A_1484 : i32
      %add3A_1486 = arith.constant 4 : i32
      %add3A_1487 = arith.addi %mul3A_1485, %add3A_1486 : i32
      %mul3A_1488 = arith.constant 32 : i32
      %mul3A_1489 = arith.muli %add3A_1487, %mul3A_1488 : i32
      %add3A_1490 = arith.constant 0 : i32
      %add3A_1491 = arith.addi %mul3A_1489, %add3A_1490 : i32
      %get3A_1492 = arith.index_cast %add3A_1491 : i32 to index
      %get3A_1493 = tpu.vector_load %arg5[%get3A_1492] {strides = array<i32>} : memref<10000xi32, #tpu.memory_space<vmem>>, vector<16xi32>,
      %get3A_1494 = vector.shape_cast %get3A_1493 : vector<16xi32> to vector<16xi32>
      %and3A_1495 = arith.constant 65535 : i32
      %and3A_1496 = vector.broadcast %and3A_1495 : i32 to vector<16xi32>
      %and3A_1497 = arith.andi %get3A_1494, %and3A_1496 : vector<16xi32>
      %swap3A_1498 = arith.constant 4 : i32
      %swap3A_1499 = arith.index_cast %swap3A_1498 : i32 to index
      %swap3A_1500 = arith.constant 0 : index
      %swap3A_1501 = tpu.vector_load %arg7[%swap3A_1499, %swap3A_1500] {strides = array<i32>} : memref<8x32xi32, #tpu.memory_space<vmem>>, vector<1x16xi32>,
      %swap3A_1502 = vector.shape_cast %swap3A_1501 : vector<1x16xi32> to vector<16xi32>
      %swap3A_1503 = vector.shape_cast %and3A_1497 : vector<16xi32> to vector<1x16xi32>
      tpu.vector_store %arg7[%swap3A_1499, %swap3A_1500], %swap3A_1503 {strides = array<i32>} : memref<8x32xi32, #tpu.memory_space<vmem>>, vector<1x16xi32>,
      %shift_right_arithmetic3A_1504 = arith.constant 16 : i32
      %shift_right_arithmetic3A_1505 = vector.broadcast %shift_right_arithmetic3A_1504 : i32 to vector<16xi32>
      %shift_right_arithmetic3A_1506 = arith.shrsi %get3A_1494, %shift_right_arithmetic3A_1505 : vector<16xi32>
      %swap3A_1507 = arith.constant 12 : i32
      %swap3A_1508 = arith.index_cast %swap3A_1507 : i32 to index
      %swap3A_1509 = arith.constant 0 : index
      %swap3A_1510 = tpu.vector_load %arg8[%swap3A_1508, %swap3A_1509] {strides = array<i32>} : memref<16x32xi32, #tpu.memory_space<vmem>>, vector<1x16xi32>,
      %swap3A_1511 = vector.shape_cast %swap3A_1510 : vector<1x16xi32> to vector<16xi32>
      %swap3A_1512 = vector.shape_cast %shift_right_arithmetic3A_1506 : vector<16xi32> to vector<1x16xi32>
      tpu.vector_store %arg8[%swap3A_1508, %swap3A_1509], %swap3A_1512 {strides = array<i32>} : memref<16x32xi32, #tpu.memory_space<vmem>>, vector<1x16xi32>,
      %add3A_1513 = arith.constant 16 : i32
      %add3A_1514 = arith.addi %mul3A_1489, %add3A_1513 : i32
      %get3A_1515 = arith.index_cast %add3A_1514 : i32 to index
      %get3A_1516 = tpu.vector_load %arg5[%get3A_1515] {strides = array<i32>} : memref<10000xi32, #tpu.memory_space<vmem>>, vector<16xi32>,
      %get3A_1517 = vector.shape_cast %get3A_1516 : vector<16xi32> to vector<16xi32>
      %and3A_1518 = arith.constant 65535 : i32
      %and3A_1519 = vector.broadcast %and3A_1518 : i32 to vector<16xi32>
      %and3A_1520 = arith.andi %get3A_1517, %and3A_1519 : vector<16xi32>
      %swap3A_1521 = arith.constant 4 : i32
      %swap3A_1522 = arith.index_cast %swap3A_1521 : i32 to index
      %swap3A_1523 = arith.constant 16 : index
      %swap3A_1524 = tpu.vector_load %arg7[%swap3A_1522, %swap3A_1523] {strides = array<i32>} : memref<8x32xi32, #tpu.memory_space<vmem>>, vector<1x16xi32>,
      %swap3A_1525 = vector.shape_cast %swap3A_1524 : vector<1x16xi32> to vector<16xi32>
      %swap3A_1526 = vector.shape_cast %and3A_1520 : vector<16xi32> to vector<1x16xi32>
      tpu.vector_store %arg7[%swap3A_1522, %swap3A_1523], %swap3A_1526 {strides = array<i32>} : memref<8x32xi32, #tpu.memory_space<vmem>>, vector<1x16xi32>,
      %shift_right_arithmetic3A_1527 = arith.constant 16 : i32
      %shift_right_arithmetic3A_1528 = vector.broadcast %shift_right_arithmetic3A_1527 : i32 to vector<16xi32>
      %shift_right_arithmetic3A_1529 = arith.shrsi %get3A_1517, %shift_right_arithmetic3A_1528 : vector<16xi32>
      %swap3A_1530 = arith.constant 12 : i32
      %swap3A_1531 = arith.index_cast %swap3A_1530 : i32 to index
      %swap3A_1532 = arith.constant 16 : index
      %swap3A_1533 = tpu.vector_load %arg8[%swap3A_1531, %swap3A_1532] {strides = array<i32>} : memref<16x32xi32, #tpu.memory_space<vmem>>, vector<1x16xi32>,
      %swap3A_1534 = vector.shape_cast %swap3A_1533 : vector<1x16xi32> to vector<16xi32>
      %swap3A_1535 = vector.shape_cast %shift_right_arithmetic3A_1529 : vector<16xi32> to vector<1x16xi32>
      tpu.vector_store %arg8[%swap3A_1531, %swap3A_1532], %swap3A_1535 {strides = array<i32>} : memref<16x32xi32, #tpu.memory_space<vmem>>, vector<1x16xi32>,
      %dma_start3A_1536 = arith.constant 4 : i32
      %dma_start3A_1537 = arith.constant 4 : i32
      %dma_start3A_1538 = arith.constant 4 : i32
      %dma_start3A_1539 = arith.constant 0 : i32
      %dma_start3A_1540 = arith.constant 0 : i32
      %dma_start3A_1541 = tpu.memref_slice %arg6[%dma_start3A_1537, %dma_start3A_1539, %dma_start3A_1540] : memref<8x32x128xf32, #tpu.memory_space<vmem>> -> memref<1x32x128xf32, #tpu.memory_space<vmem>>
      %dma_start3A_1542 = tpu.memref_squeeze %dma_start3A_1541 : memref<1x32x128xf32, #tpu.memory_space<vmem>> -> memref<32x128xf32, #tpu.memory_space<vmem>>
      %dma_start3A_1543 = arith.constant 0 : i32
      %dma_start3A_1544 = tpu.memref_slice %arg7[%dma_start3A_1536, %dma_start3A_1543] : memref<8x32xi32, #tpu.memory_space<vmem>> -> memref<1x32xi32, #tpu.memory_space<vmem>>
      %dma_start3A_1545 = tpu.memref_squeeze %dma_start3A_1544 : memref<1x32xi32, #tpu.memory_space<vmem>> -> memref<32xi32, #tpu.memory_space<vmem>>
      %dma_start3A_1546 = arith.constant 0 : i32
      %dma_start3A_1547 = arith.constant 0 : i32
      %dma_start3A_1548 = tpu.memref_slice %arg3[%dma_start3A_1546, %dma_start3A_1547] : memref<10000x128xf32, #tpu.memory_space<hbm>> -> memref<10000x128xf32, #tpu.memory_space<hbm>>
      %dma_start3A_1549 = tpu.memref_slice %arg14[%dma_start3A_1538] : memref<8x!tpu.dma_semaphore, #tpu.memory_space<semaphore_mem>> -> memref<1x!tpu.dma_semaphore, #tpu.memory_space<semaphore_mem>>
      %dma_start3A_1550 = tpu.memref_squeeze %dma_start3A_1549 : memref<1x!tpu.dma_semaphore, #tpu.memory_space<semaphore_mem>> -> memref<!tpu.dma_semaphore, #tpu.memory_space<semaphore_mem>>
      tpu.enqueue_indirect_dma source(%dma_start3A_1548 : memref<10000x128xf32, #tpu.memory_space<hbm>>) target(%dma_start3A_1542 : memref<32x128xf32, #tpu.memory_space<vmem>>) offsets(%dma_start3A_1545 : memref<32xi32, #tpu.memory_space<vmem>>) semaphore(%dma_start3A_1550 : memref<!tpu.dma_semaphore, #tpu.memory_space<semaphore_mem>>)
      %dma_wait3A_1551 = arith.constant 5 : i32
      %dma_wait3A_1552 = arith.constant 5 : i32
      %dma_wait3A_1553 = arith.constant 5 : i32
      %dma_wait3A_1554 = arith.constant 0 : i32
      %dma_wait3A_1555 = arith.constant 0 : i32
      %dma_wait3A_1556 = tpu.memref_slice %arg6[%dma_wait3A_1551, %dma_wait3A_1554, %dma_wait3A_1555] : memref<8x32x128xf32, #tpu.memory_space<vmem>> -> memref<1x32x128xf32, #tpu.memory_space<vmem>>
      %dma_wait3A_1557 = tpu.memref_squeeze %dma_wait3A_1556 : memref<1x32x128xf32, #tpu.memory_space<vmem>> -> memref<32x128xf32, #tpu.memory_space<vmem>>
      %dma_wait3A_1558 = arith.constant 0 : i32
      %dma_wait3A_1559 = tpu.memref_slice %arg8[%dma_wait3A_1552, %dma_wait3A_1558] : memref<16x32xi32, #tpu.memory_space<vmem>> -> memref<1x32xi32, #tpu.memory_space<vmem>>
      %dma_wait3A_1560 = tpu.memref_squeeze %dma_wait3A_1559 : memref<1x32xi32, #tpu.memory_space<vmem>> -> memref<32xi32, #tpu.memory_space<vmem>>
      %dma_wait3A_1561 = arith.constant 0 : i32
      %dma_wait3A_1562 = arith.constant 0 : i32
      %dma_wait3A_1563 = tpu.memref_slice %arg13[%dma_wait3A_1561, %dma_wait3A_1562] : memref<10000x128xf32, #tpu.memory_space<vmem_shared>> -> memref<10000x128xf32, #tpu.memory_space<vmem_shared>>
      %dma_wait3A_1564 = tpu.memref_slice %arg15[%dma_wait3A_1553] : memref<8x!tpu.dma_semaphore, #tpu.memory_space<semaphore_mem>> -> memref<1x!tpu.dma_semaphore, #tpu.memory_space<semaphore_mem>>
      %dma_wait3A_1565 = tpu.memref_squeeze %dma_wait3A_1564 : memref<1x!tpu.dma_semaphore, #tpu.memory_space<semaphore_mem>> -> memref<!tpu.dma_semaphore, #tpu.memory_space<semaphore_mem>>
      tpu.wait_indirect_dma semaphore(%dma_wait3A_1565 : memref<!tpu.dma_semaphore, #tpu.memory_space<semaphore_mem>>) src(%dma_wait3A_1557 : memref<32x128xf32, #tpu.memory_space<vmem>>) dst(%dma_wait3A_1563 : memref<10000x128xf32, #tpu.memory_space<vmem_shared>>)
      %add3A_1566 = arith.constant 1 : i32
      %add3A_1567 = arith.addi %mul3A_890, %add3A_1566 : i32
      %mul3A_1568 = arith.constant 8 : i32
      %mul3A_1569 = arith.muli %add3A_1567, %mul3A_1568 : i32
      %add3A_1570 = arith.constant 5 : i32
      %add3A_1571 = arith.addi %mul3A_1569, %add3A_1570 : i32
      %mul3A_1572 = arith.constant 32 : i32
      %mul3A_1573 = arith.muli %add3A_1571, %mul3A_1572 : i32
      %add3A_1574 = arith.constant 0 : i32
      %add3A_1575 = arith.addi %mul3A_1573, %add3A_1574 : i32
      %get3A_1576 = arith.index_cast %add3A_1575 : i32 to index
      %get3A_1577 = tpu.vector_load %arg5[%get3A_1576] {strides = array<i32>} : memref<10000xi32, #tpu.memory_space<vmem>>, vector<16xi32>,
      %get3A_1578 = vector.shape_cast %get3A_1577 : vector<16xi32> to vector<16xi32>
      %and3A_1579 = arith.constant 65535 : i32
      %and3A_1580 = vector.broadcast %and3A_1579 : i32 to vector<16xi32>
      %and3A_1581 = arith.andi %get3A_1578, %and3A_1580 : vector<16xi32>
      %swap3A_1582 = arith.constant 5 : i32
      %swap3A_1583 = arith.index_cast %swap3A_1582 : i32 to index
      %swap3A_1584 = arith.constant 0 : index
      %swap3A_1585 = tpu.vector_load %arg7[%swap3A_1583, %swap3A_1584] {strides = array<i32>} : memref<8x32xi32, #tpu.memory_space<vmem>>, vector<1x16xi32>,
      %swap3A_1586 = vector.shape_cast %swap3A_1585 : vector<1x16xi32> to vector<16xi32>
      %swap3A_1587 = vector.shape_cast %and3A_1581 : vector<16xi32> to vector<1x16xi32>
      tpu.vector_store %arg7[%swap3A_1583, %swap3A_1584], %swap3A_1587 {strides = array<i32>} : memref<8x32xi32, #tpu.memory_space<vmem>>, vector<1x16xi32>,
      %shift_right_arithmetic3A_1588 = arith.constant 16 : i32
      %shift_right_arithmetic3A_1589 = vector.broadcast %shift_right_arithmetic3A_1588 : i32 to vector<16xi32>
      %shift_right_arithmetic3A_1590 = arith.shrsi %get3A_1578, %shift_right_arithmetic3A_1589 : vector<16xi32>
      %swap3A_1591 = arith.constant 13 : i32
      %swap3A_1592 = arith.index_cast %swap3A_1591 : i32 to index
      %swap3A_1593 = arith.constant 0 : index
      %swap3A_1594 = tpu.vector_load %arg8[%swap3A_1592, %swap3A_1593] {strides = array<i32>} : memref<16x32xi32, #tpu.memory_space<vmem>>, vector<1x16xi32>,
      %swap3A_1595 = vector.shape_cast %swap3A_1594 : vector<1x16xi32> to vector<16xi32>
      %swap3A_1596 = vector.shape_cast %shift_right_arithmetic3A_1590 : vector<16xi32> to vector<1x16xi32>
      tpu.vector_store %arg8[%swap3A_1592, %swap3A_1593], %swap3A_1596 {strides = array<i32>} : memref<16x32xi32, #tpu.memory_space<vmem>>, vector<1x16xi32>,
      %add3A_1597 = arith.constant 16 : i32
      %add3A_1598 = arith.addi %mul3A_1573, %add3A_1597 : i32
      %get3A_1599 = arith.index_cast %add3A_1598 : i32 to index
      %get3A_1600 = tpu.vector_load %arg5[%get3A_1599] {strides = array<i32>} : memref<10000xi32, #tpu.memory_space<vmem>>, vector<16xi32>,
      %get3A_1601 = vector.shape_cast %get3A_1600 : vector<16xi32> to vector<16xi32>
      %and3A_1602 = arith.constant 65535 : i32
      %and3A_1603 = vector.broadcast %and3A_1602 : i32 to vector<16xi32>
      %and3A_1604 = arith.andi %get3A_1601, %and3A_1603 : vector<16xi32>
      %swap3A_1605 = arith.constant 5 : i32
      %swap3A_1606 = arith.index_cast %swap3A_1605 : i32 to index
      %swap3A_1607 = arith.constant 16 : index
      %swap3A_1608 = tpu.vector_load %arg7[%swap3A_1606, %swap3A_1607] {strides = array<i32>} : memref<8x32xi32, #tpu.memory_space<vmem>>, vector<1x16xi32>,
      %swap3A_1609 = vector.shape_cast %swap3A_1608 : vector<1x16xi32> to vector<16xi32>
      %swap3A_1610 = vector.shape_cast %and3A_1604 : vector<16xi32> to vector<1x16xi32>
      tpu.vector_store %arg7[%swap3A_1606, %swap3A_1607], %swap3A_1610 {strides = array<i32>} : memref<8x32xi32, #tpu.memory_space<vmem>>, vector<1x16xi32>,
      %shift_right_arithmetic3A_1611 = arith.constant 16 : i32
      %shift_right_arithmetic3A_1612 = vector.broadcast %shift_right_arithmetic3A_1611 : i32 to vector<16xi32>
      %shift_right_arithmetic3A_1613 = arith.shrsi %get3A_1601, %shift_right_arithmetic3A_1612 : vector<16xi32>
      %swap3A_1614 = arith.constant 13 : i32
      %swap3A_1615 = arith.index_cast %swap3A_1614 : i32 to index
      %swap3A_1616 = arith.constant 16 : index
      %swap3A_1617 = tpu.vector_load %arg8[%swap3A_1615, %swap3A_1616] {strides = array<i32>} : memref<16x32xi32, #tpu.memory_space<vmem>>, vector<1x16xi32>,
      %swap3A_1618 = vector.shape_cast %swap3A_1617 : vector<1x16xi32> to vector<16xi32>
      %swap3A_1619 = vector.shape_cast %shift_right_arithmetic3A_1613 : vector<16xi32> to vector<1x16xi32>
      tpu.vector_store %arg8[%swap3A_1615, %swap3A_1616], %swap3A_1619 {strides = array<i32>} : memref<16x32xi32, #tpu.memory_space<vmem>>, vector<1x16xi32>,
      %dma_start3A_1620 = arith.constant 5 : i32
      %dma_start3A_1621 = arith.constant 5 : i32
      %dma_start3A_1622 = arith.constant 5 : i32
      %dma_start3A_1623 = arith.constant 0 : i32
      %dma_start3A_1624 = arith.constant 0 : i32
      %dma_start3A_1625 = tpu.memref_slice %arg6[%dma_start3A_1621, %dma_start3A_1623, %dma_start3A_1624] : memref<8x32x128xf32, #tpu.memory_space<vmem>> -> memref<1x32x128xf32, #tpu.memory_space<vmem>>
      %dma_start3A_1626 = tpu.memref_squeeze %dma_start3A_1625 : memref<1x32x128xf32, #tpu.memory_space<vmem>> -> memref<32x128xf32, #tpu.memory_space<vmem>>
      %dma_start3A_1627 = arith.constant 0 : i32
      %dma_start3A_1628 = tpu.memref_slice %arg7[%dma_start3A_1620, %dma_start3A_1627] : memref<8x32xi32, #tpu.memory_space<vmem>> -> memref<1x32xi32, #tpu.memory_space<vmem>>
      %dma_start3A_1629 = tpu.memref_squeeze %dma_start3A_1628 : memref<1x32xi32, #tpu.memory_space<vmem>> -> memref<32xi32, #tpu.memory_space<vmem>>
      %dma_start3A_1630 = arith.constant 0 : i32
      %dma_start3A_1631 = arith.constant 0 : i32
      %dma_start3A_1632 = tpu.memref_slice %arg3[%dma_start3A_1630, %dma_start3A_1631] : memref<10000x128xf32, #tpu.memory_space<hbm>> -> memref<10000x128xf32, #tpu.memory_space<hbm>>
      %dma_start3A_1633 = tpu.memref_slice %arg14[%dma_start3A_1622] : memref<8x!tpu.dma_semaphore, #tpu.memory_space<semaphore_mem>> -> memref<1x!tpu.dma_semaphore, #tpu.memory_space<semaphore_mem>>
      %dma_start3A_1634 = tpu.memref_squeeze %dma_start3A_1633 : memref<1x!tpu.dma_semaphore, #tpu.memory_space<semaphore_mem>> -> memref<!tpu.dma_semaphore, #tpu.memory_space<semaphore_mem>>
      tpu.enqueue_indirect_dma source(%dma_start3A_1632 : memref<10000x128xf32, #tpu.memory_space<hbm>>) target(%dma_start3A_1626 : memref<32x128xf32, #tpu.memory_space<vmem>>) offsets(%dma_start3A_1629 : memref<32xi32, #tpu.memory_space<vmem>>) semaphore(%dma_start3A_1634 : memref<!tpu.dma_semaphore, #tpu.memory_space<semaphore_mem>>)
      %dma_wait3A_1635 = arith.constant 6 : i32
      %dma_wait3A_1636 = arith.constant 6 : i32
      %dma_wait3A_1637 = arith.constant 6 : i32
      %dma_wait3A_1638 = arith.constant 0 : i32
      %dma_wait3A_1639 = arith.constant 0 : i32
      %dma_wait3A_1640 = tpu.memref_slice %arg6[%dma_wait3A_1635, %dma_wait3A_1638, %dma_wait3A_1639] : memref<8x32x128xf32, #tpu.memory_space<vmem>> -> memref<1x32x128xf32, #tpu.memory_space<vmem>>
      %dma_wait3A_1641 = tpu.memref_squeeze %dma_wait3A_1640 : memref<1x32x128xf32, #tpu.memory_space<vmem>> -> memref<32x128xf32, #tpu.memory_space<vmem>>
      %dma_wait3A_1642 = arith.constant 0 : i32
      %dma_wait3A_1643 = tpu.memref_slice %arg8[%dma_wait3A_1636, %dma_wait3A_1642] : memref<16x32xi32, #tpu.memory_space<vmem>> -> memref<1x32xi32, #tpu.memory_space<vmem>>
      %dma_wait3A_1644 = tpu.memref_squeeze %dma_wait3A_1643 : memref<1x32xi32, #tpu.memory_space<vmem>> -> memref<32xi32, #tpu.memory_space<vmem>>
      %dma_wait3A_1645 = arith.constant 0 : i32
      %dma_wait3A_1646 = arith.constant 0 : i32
      %dma_wait3A_1647 = tpu.memref_slice %arg13[%dma_wait3A_1645, %dma_wait3A_1646] : memref<10000x128xf32, #tpu.memory_space<vmem_shared>> -> memref<10000x128xf32, #tpu.memory_space<vmem_shared>>
      %dma_wait3A_1648 = tpu.memref_slice %arg15[%dma_wait3A_1637] : memref<8x!tpu.dma_semaphore, #tpu.memory_space<semaphore_mem>> -> memref<1x!tpu.dma_semaphore, #tpu.memory_space<semaphore_mem>>
      %dma_wait3A_1649 = tpu.memref_squeeze %dma_wait3A_1648 : memref<1x!tpu.dma_semaphore, #tpu.memory_space<semaphore_mem>> -> memref<!tpu.dma_semaphore, #tpu.memory_space<semaphore_mem>>
      tpu.wait_indirect_dma semaphore(%dma_wait3A_1649 : memref<!tpu.dma_semaphore, #tpu.memory_space<semaphore_mem>>) src(%dma_wait3A_1641 : memref<32x128xf32, #tpu.memory_space<vmem>>) dst(%dma_wait3A_1647 : memref<10000x128xf32, #tpu.memory_space<vmem_shared>>)
      %add3A_1650 = arith.constant 1 : i32
      %add3A_1651 = arith.addi %mul3A_890, %add3A_1650 : i32
      %mul3A_1652 = arith.constant 8 : i32
      %mul3A_1653 = arith.muli %add3A_1651, %mul3A_1652 : i32
      %add3A_1654 = arith.constant 6 : i32
      %add3A_1655 = arith.addi %mul3A_1653, %add3A_1654 : i32
      %mul3A_1656 = arith.constant 32 : i32
      %mul3A_1657 = arith.muli %add3A_1655, %mul3A_1656 : i32
      %add3A_1658 = arith.constant 0 : i32
      %add3A_1659 = arith.addi %mul3A_1657, %add3A_1658 : i32
      %get3A_1660 = arith.index_cast %add3A_1659 : i32 to index
      %get3A_1661 = tpu.vector_load %arg5[%get3A_1660] {strides = array<i32>} : memref<10000xi32, #tpu.memory_space<vmem>>, vector<16xi32>,
      %get3A_1662 = vector.shape_cast %get3A_1661 : vector<16xi32> to vector<16xi32>
      %and3A_1663 = arith.constant 65535 : i32
      %and3A_1664 = vector.broadcast %and3A_1663 : i32 to vector<16xi32>
      %and3A_1665 = arith.andi %get3A_1662, %and3A_1664 : vector<16xi32>
      %swap3A_1666 = arith.constant 6 : i32
      %swap3A_1667 = arith.index_cast %swap3A_1666 : i32 to index
      %swap3A_1668 = arith.constant 0 : index
      %swap3A_1669 = tpu.vector_load %arg7[%swap3A_1667, %swap3A_1668] {strides = array<i32>} : memref<8x32xi32, #tpu.memory_space<vmem>>, vector<1x16xi32>,
      %swap3A_1670 = vector.shape_cast %swap3A_1669 : vector<1x16xi32> to vector<16xi32>
      %swap3A_1671 = vector.shape_cast %and3A_1665 : vector<16xi32> to vector<1x16xi32>
      tpu.vector_store %arg7[%swap3A_1667, %swap3A_1668], %swap3A_1671 {strides = array<i32>} : memref<8x32xi32, #tpu.memory_space<vmem>>, vector<1x16xi32>,
      %shift_right_arithmetic3A_1672 = arith.constant 16 : i32
      %shift_right_arithmetic3A_1673 = vector.broadcast %shift_right_arithmetic3A_1672 : i32 to vector<16xi32>
      %shift_right_arithmetic3A_1674 = arith.shrsi %get3A_1662, %shift_right_arithmetic3A_1673 : vector<16xi32>
      %swap3A_1675 = arith.constant 14 : i32
      %swap3A_1676 = arith.index_cast %swap3A_1675 : i32 to index
      %swap3A_1677 = arith.constant 0 : index
      %swap3A_1678 = tpu.vector_load %arg8[%swap3A_1676, %swap3A_1677] {strides = array<i32>} : memref<16x32xi32, #tpu.memory_space<vmem>>, vector<1x16xi32>,
      %swap3A_1679 = vector.shape_cast %swap3A_1678 : vector<1x16xi32> to vector<16xi32>
      %swap3A_1680 = vector.shape_cast %shift_right_arithmetic3A_1674 : vector<16xi32> to vector<1x16xi32>
      tpu.vector_store %arg8[%swap3A_1676, %swap3A_1677], %swap3A_1680 {strides = array<i32>} : memref<16x32xi32, #tpu.memory_space<vmem>>, vector<1x16xi32>,
      %add3A_1681 = arith.constant 16 : i32
      %add3A_1682 = arith.addi %mul3A_1657, %add3A_1681 : i32
      %get3A_1683 = arith.index_cast %add3A_1682 : i32 to index
      %get3A_1684 = tpu.vector_load %arg5[%get3A_1683] {strides = array<i32>} : memref<10000xi32, #tpu.memory_space<vmem>>, vector<16xi32>,
      %get3A_1685 = vector.shape_cast %get3A_1684 : vector<16xi32> to vector<16xi32>
      %and3A_1686 = arith.constant 65535 : i32
      %and3A_1687 = vector.broadcast %and3A_1686 : i32 to vector<16xi32>
      %and3A_1688 = arith.andi %get3A_1685, %and3A_1687 : vector<16xi32>
      %swap3A_1689 = arith.constant 6 : i32
      %swap3A_1690 = arith.index_cast %swap3A_1689 : i32 to index
      %swap3A_1691 = arith.constant 16 : index
      %swap3A_1692 = tpu.vector_load %arg7[%swap3A_1690, %swap3A_1691] {strides = array<i32>} : memref<8x32xi32, #tpu.memory_space<vmem>>, vector<1x16xi32>,
      %swap3A_1693 = vector.shape_cast %swap3A_1692 : vector<1x16xi32> to vector<16xi32>
      %swap3A_1694 = vector.shape_cast %and3A_1688 : vector<16xi32> to vector<1x16xi32>
      tpu.vector_store %arg7[%swap3A_1690, %swap3A_1691], %swap3A_1694 {strides = array<i32>} : memref<8x32xi32, #tpu.memory_space<vmem>>, vector<1x16xi32>,
      %shift_right_arithmetic3A_1695 = arith.constant 16 : i32
      %shift_right_arithmetic3A_1696 = vector.broadcast %shift_right_arithmetic3A_1695 : i32 to vector<16xi32>
      %shift_right_arithmetic3A_1697 = arith.shrsi %get3A_1685, %shift_right_arithmetic3A_1696 : vector<16xi32>
      %swap3A_1698 = arith.constant 14 : i32
      %swap3A_1699 = arith.index_cast %swap3A_1698 : i32 to index
      %swap3A_1700 = arith.constant 16 : index
      %swap3A_1701 = tpu.vector_load %arg8[%swap3A_1699, %swap3A_1700] {strides = array<i32>} : memref<16x32xi32, #tpu.memory_space<vmem>>, vector<1x16xi32>,
      %swap3A_1702 = vector.shape_cast %swap3A_1701 : vector<1x16xi32> to vector<16xi32>
      %swap3A_1703 = vector.shape_cast %shift_right_arithmetic3A_1697 : vector<16xi32> to vector<1x16xi32>
      tpu.vector_store %arg8[%swap3A_1699, %swap3A_1700], %swap3A_1703 {strides = array<i32>} : memref<16x32xi32, #tpu.memory_space<vmem>>, vector<1x16xi32>,
      %dma_start3A_1704 = arith.constant 6 : i32
      %dma_start3A_1705 = arith.constant 6 : i32
      %dma_start3A_1706 = arith.constant 6 : i32
      %dma_start3A_1707 = arith.constant 0 : i32
      %dma_start3A_1708 = arith.constant 0 : i32
      %dma_start3A_1709 = tpu.memref_slice %arg6[%dma_start3A_1705, %dma_start3A_1707, %dma_start3A_1708] : memref<8x32x128xf32, #tpu.memory_space<vmem>> -> memref<1x32x128xf32, #tpu.memory_space<vmem>>
      %dma_start3A_1710 = tpu.memref_squeeze %dma_start3A_1709 : memref<1x32x128xf32, #tpu.memory_space<vmem>> -> memref<32x128xf32, #tpu.memory_space<vmem>>
      %dma_start3A_1711 = arith.constant 0 : i32
      %dma_start3A_1712 = tpu.memref_slice %arg7[%dma_start3A_1704, %dma_start3A_1711] : memref<8x32xi32, #tpu.memory_space<vmem>> -> memref<1x32xi32, #tpu.memory_space<vmem>>
      %dma_start3A_1713 = tpu.memref_squeeze %dma_start3A_1712 : memref<1x32xi32, #tpu.memory_space<vmem>> -> memref<32xi32, #tpu.memory_space<vmem>>
      %dma_start3A_1714 = arith.constant 0 : i32
      %dma_start3A_1715 = arith.constant 0 : i32
      %dma_start3A_1716 = tpu.memref_slice %arg3[%dma_start3A_1714, %dma_start3A_1715] : memref<10000x128xf32, #tpu.memory_space<hbm>> -> memref<10000x128xf32, #tpu.memory_space<hbm>>
      %dma_start3A_1717 = tpu.memref_slice %arg14[%dma_start3A_1706] : memref<8x!tpu.dma_semaphore, #tpu.memory_space<semaphore_mem>> -> memref<1x!tpu.dma_semaphore, #tpu.memory_space<semaphore_mem>>
      %dma_start3A_1718 = tpu.memref_squeeze %dma_start3A_1717 : memref<1x!tpu.dma_semaphore, #tpu.memory_space<semaphore_mem>> -> memref<!tpu.dma_semaphore, #tpu.memory_space<semaphore_mem>>
      tpu.enqueue_indirect_dma source(%dma_start3A_1716 : memref<10000x128xf32, #tpu.memory_space<hbm>>) target(%dma_start3A_1710 : memref<32x128xf32, #tpu.memory_space<vmem>>) offsets(%dma_start3A_1713 : memref<32xi32, #tpu.memory_space<vmem>>) semaphore(%dma_start3A_1718 : memref<!tpu.dma_semaphore, #tpu.memory_space<semaphore_mem>>)
      %dma_wait3A_1719 = arith.constant 7 : i32
      %dma_wait3A_1720 = arith.constant 7 : i32
      %dma_wait3A_1721 = arith.constant 7 : i32
      %dma_wait3A_1722 = arith.constant 0 : i32
      %dma_wait3A_1723 = arith.constant 0 : i32
      %dma_wait3A_1724 = tpu.memref_slice %arg6[%dma_wait3A_1719, %dma_wait3A_1722, %dma_wait3A_1723] : memref<8x32x128xf32, #tpu.memory_space<vmem>> -> memref<1x32x128xf32, #tpu.memory_space<vmem>>
      %dma_wait3A_1725 = tpu.memref_squeeze %dma_wait3A_1724 : memref<1x32x128xf32, #tpu.memory_space<vmem>> -> memref<32x128xf32, #tpu.memory_space<vmem>>
      %dma_wait3A_1726 = arith.constant 0 : i32
      %dma_wait3A_1727 = tpu.memref_slice %arg8[%dma_wait3A_1720, %dma_wait3A_1726] : memref<16x32xi32, #tpu.memory_space<vmem>> -> memref<1x32xi32, #tpu.memory_space<vmem>>
      %dma_wait3A_1728 = tpu.memref_squeeze %dma_wait3A_1727 : memref<1x32xi32, #tpu.memory_space<vmem>> -> memref<32xi32, #tpu.memory_space<vmem>>
      %dma_wait3A_1729 = arith.constant 0 : i32
      %dma_wait3A_1730 = arith.constant 0 : i32
      %dma_wait3A_1731 = tpu.memref_slice %arg13[%dma_wait3A_1729, %dma_wait3A_1730] : memref<10000x128xf32, #tpu.memory_space<vmem_shared>> -> memref<10000x128xf32, #tpu.memory_space<vmem_shared>>
      %dma_wait3A_1732 = tpu.memref_slice %arg15[%dma_wait3A_1721] : memref<8x!tpu.dma_semaphore, #tpu.memory_space<semaphore_mem>> -> memref<1x!tpu.dma_semaphore, #tpu.memory_space<semaphore_mem>>
      %dma_wait3A_1733 = tpu.memref_squeeze %dma_wait3A_1732 : memref<1x!tpu.dma_semaphore, #tpu.memory_space<semaphore_mem>> -> memref<!tpu.dma_semaphore, #tpu.memory_space<semaphore_mem>>
      tpu.wait_indirect_dma semaphore(%dma_wait3A_1733 : memref<!tpu.dma_semaphore, #tpu.memory_space<semaphore_mem>>) src(%dma_wait3A_1725 : memref<32x128xf32, #tpu.memory_space<vmem>>) dst(%dma_wait3A_1731 : memref<10000x128xf32, #tpu.memory_space<vmem_shared>>)
      %add3A_1734 = arith.constant 1 : i32
      %add3A_1735 = arith.addi %mul3A_890, %add3A_1734 : i32
      %mul3A_1736 = arith.constant 8 : i32
      %mul3A_1737 = arith.muli %add3A_1735, %mul3A_1736 : i32
      %add3A_1738 = arith.constant 7 : i32
      %add3A_1739 = arith.addi %mul3A_1737, %add3A_1738 : i32
      %mul3A_1740 = arith.constant 32 : i32
      %mul3A_1741 = arith.muli %add3A_1739, %mul3A_1740 : i32
      %add3A_1742 = arith.constant 0 : i32
      %add3A_1743 = arith.addi %mul3A_1741, %add3A_1742 : i32
      %get3A_1744 = arith.index_cast %add3A_1743 : i32 to index
      %get3A_1745 = tpu.vector_load %arg5[%get3A_1744] {strides = array<i32>} : memref<10000xi32, #tpu.memory_space<vmem>>, vector<16xi32>,
      %get3A_1746 = vector.shape_cast %get3A_1745 : vector<16xi32> to vector<16xi32>
      %and3A_1747 = arith.constant 65535 : i32
      %and3A_1748 = vector.broadcast %and3A_1747 : i32 to vector<16xi32>
      %and3A_1749 = arith.andi %get3A_1746, %and3A_1748 : vector<16xi32>
      %swap3A_1750 = arith.constant 7 : i32
      %swap3A_1751 = arith.index_cast %swap3A_1750 : i32 to index
      %swap3A_1752 = arith.constant 0 : index
      %swap3A_1753 = tpu.vector_load %arg7[%swap3A_1751, %swap3A_1752] {strides = array<i32>} : memref<8x32xi32, #tpu.memory_space<vmem>>, vector<1x16xi32>,
      %swap3A_1754 = vector.shape_cast %swap3A_1753 : vector<1x16xi32> to vector<16xi32>
      %swap3A_1755 = vector.shape_cast %and3A_1749 : vector<16xi32> to vector<1x16xi32>
      tpu.vector_store %arg7[%swap3A_1751, %swap3A_1752], %swap3A_1755 {strides = array<i32>} : memref<8x32xi32, #tpu.memory_space<vmem>>, vector<1x16xi32>,
      %shift_right_arithmetic3A_1756 = arith.constant 16 : i32
      %shift_right_arithmetic3A_1757 = vector.broadcast %shift_right_arithmetic3A_1756 : i32 to vector<16xi32>
      %shift_right_arithmetic3A_1758 = arith.shrsi %get3A_1746, %shift_right_arithmetic3A_1757 : vector<16xi32>
      %swap3A_1759 = arith.constant 15 : i32
      %swap3A_1760 = arith.index_cast %swap3A_1759 : i32 to index
      %swap3A_1761 = arith.constant 0 : index
      %swap3A_1762 = tpu.vector_load %arg8[%swap3A_1760, %swap3A_1761] {strides = array<i32>} : memref<16x32xi32, #tpu.memory_space<vmem>>, vector<1x16xi32>,
      %swap3A_1763 = vector.shape_cast %swap3A_1762 : vector<1x16xi32> to vector<16xi32>
      %swap3A_1764 = vector.shape_cast %shift_right_arithmetic3A_1758 : vector<16xi32> to vector<1x16xi32>
      tpu.vector_store %arg8[%swap3A_1760, %swap3A_1761], %swap3A_1764 {strides = array<i32>} : memref<16x32xi32, #tpu.memory_space<vmem>>, vector<1x16xi32>,
      %add3A_1765 = arith.constant 16 : i32
      %add3A_1766 = arith.addi %mul3A_1741, %add3A_1765 : i32
      %get3A_1767 = arith.index_cast %add3A_1766 : i32 to index
      %get3A_1768 = tpu.vector_load %arg5[%get3A_1767] {strides = array<i32>} : memref<10000xi32, #tpu.memory_space<vmem>>, vector<16xi32>,
      %get3A_1769 = vector.shape_cast %get3A_1768 : vector<16xi32> to vector<16xi32>
      %and3A_1770 = arith.constant 65535 : i32
      %and3A_1771 = vector.broadcast %and3A_1770 : i32 to vector<16xi32>
      %and3A_1772 = arith.andi %get3A_1769, %and3A_1771 : vector<16xi32>
      %swap3A_1773 = arith.constant 7 : i32
      %swap3A_1774 = arith.index_cast %swap3A_1773 : i32 to index
      %swap3A_1775 = arith.constant 16 : index
      %swap3A_1776 = tpu.vector_load %arg7[%swap3A_1774, %swap3A_1775] {strides = array<i32>} : memref<8x32xi32, #tpu.memory_space<vmem>>, vector<1x16xi32>,
      %swap3A_1777 = vector.shape_cast %swap3A_1776 : vector<1x16xi32> to vector<16xi32>
      %swap3A_1778 = vector.shape_cast %and3A_1772 : vector<16xi32> to vector<1x16xi32>
      tpu.vector_store %arg7[%swap3A_1774, %swap3A_1775], %swap3A_1778 {strides = array<i32>} : memref<8x32xi32, #tpu.memory_space<vmem>>, vector<1x16xi32>,
      %shift_right_arithmetic3A_1779 = arith.constant 16 : i32
      %shift_right_arithmetic3A_1780 = vector.broadcast %shift_right_arithmetic3A_1779 : i32 to vector<16xi32>
      %shift_right_arithmetic3A_1781 = arith.shrsi %get3A_1769, %shift_right_arithmetic3A_1780 : vector<16xi32>
      %swap3A_1782 = arith.constant 15 : i32
      %swap3A_1783 = arith.index_cast %swap3A_1782 : i32 to index
      %swap3A_1784 = arith.constant 16 : index
      %swap3A_1785 = tpu.vector_load %arg8[%swap3A_1783, %swap3A_1784] {strides = array<i32>} : memref<16x32xi32, #tpu.memory_space<vmem>>, vector<1x16xi32>,
      %swap3A_1786 = vector.shape_cast %swap3A_1785 : vector<1x16xi32> to vector<16xi32>
      %swap3A_1787 = vector.shape_cast %shift_right_arithmetic3A_1781 : vector<16xi32> to vector<1x16xi32>
      tpu.vector_store %arg8[%swap3A_1783, %swap3A_1784], %swap3A_1787 {strides = array<i32>} : memref<16x32xi32, #tpu.memory_space<vmem>>, vector<1x16xi32>,
      %dma_start3A_1788 = arith.constant 7 : i32
      %dma_start3A_1789 = arith.constant 7 : i32
      %dma_start3A_1790 = arith.constant 7 : i32
      %dma_start3A_1791 = arith.constant 0 : i32
      %dma_start3A_1792 = arith.constant 0 : i32
      %dma_start3A_1793 = tpu.memref_slice %arg6[%dma_start3A_1789, %dma_start3A_1791, %dma_start3A_1792] : memref<8x32x128xf32, #tpu.memory_space<vmem>> -> memref<1x32x128xf32, #tpu.memory_space<vmem>>
      %dma_start3A_1794 = tpu.memref_squeeze %dma_start3A_1793 : memref<1x32x128xf32, #tpu.memory_space<vmem>> -> memref<32x128xf32, #tpu.memory_space<vmem>>
      %dma_start3A_1795 = arith.constant 0 : i32
      %dma_start3A_1796 = tpu.memref_slice %arg7[%dma_start3A_1788, %dma_start3A_1795] : memref<8x32xi32, #tpu.memory_space<vmem>> -> memref<1x32xi32, #tpu.memory_space<vmem>>
      %dma_start3A_1797 = tpu.memref_squeeze %dma_start3A_1796 : memref<1x32xi32, #tpu.memory_space<vmem>> -> memref<32xi32, #tpu.memory_space<vmem>>
      %dma_start3A_1798 = arith.constant 0 : i32
      %dma_start3A_1799 = arith.constant 0 : i32
      %dma_start3A_1800 = tpu.memref_slice %arg3[%dma_start3A_1798, %dma_start3A_1799] : memref<10000x128xf32, #tpu.memory_space<hbm>> -> memref<10000x128xf32, #tpu.memory_space<hbm>>
      %dma_start3A_1801 = tpu.memref_slice %arg14[%dma_start3A_1790] : memref<8x!tpu.dma_semaphore, #tpu.memory_space<semaphore_mem>> -> memref<1x!tpu.dma_semaphore, #tpu.memory_space<semaphore_mem>>
      %dma_start3A_1802 = tpu.memref_squeeze %dma_start3A_1801 : memref<1x!tpu.dma_semaphore, #tpu.memory_space<semaphore_mem>> -> memref<!tpu.dma_semaphore, #tpu.memory_space<semaphore_mem>>
      tpu.enqueue_indirect_dma source(%dma_start3A_1800 : memref<10000x128xf32, #tpu.memory_space<hbm>>) target(%dma_start3A_1794 : memref<32x128xf32, #tpu.memory_space<vmem>>) offsets(%dma_start3A_1797 : memref<32xi32, #tpu.memory_space<vmem>>) semaphore(%dma_start3A_1802 : memref<!tpu.dma_semaphore, #tpu.memory_space<semaphore_mem>>)
      %mul3A_1803 = arith.constant 2 : i32
      %mul3A_1804 = arith.muli %mul3A_1803, %scan3A_888 : i32
      %add3A_1805 = arith.constant 1 : i32
      %add3A_1806 = arith.addi %mul3A_1804, %add3A_1805 : i32
      %dma_wait3A_1807 = arith.constant 0 : i32
      %dma_wait3A_1808 = arith.constant 0 : i32
      %dma_wait3A_1809 = arith.constant 0 : i32
      %dma_wait3A_1810 = arith.constant 0 : i32
      %dma_wait3A_1811 = arith.constant 0 : i32
      %dma_wait3A_1812 = tpu.memref_slice %arg6[%dma_wait3A_1808, %dma_wait3A_1810, %dma_wait3A_1811] : memref<8x32x128xf32, #tpu.memory_space<vmem>> -> memref<1x32x128xf32, #tpu.memory_space<vmem>>
      %dma_wait3A_1813 = tpu.memref_squeeze %dma_wait3A_1812 : memref<1x32x128xf32, #tpu.memory_space<vmem>> -> memref<32x128xf32, #tpu.memory_space<vmem>>
      %dma_wait3A_1814 = arith.constant 0 : i32
      %dma_wait3A_1815 = tpu.memref_slice %arg7[%dma_wait3A_1807, %dma_wait3A_1814] : memref<8x32xi32, #tpu.memory_space<vmem>> -> memref<1x32xi32, #tpu.memory_space<vmem>>
      %dma_wait3A_1816 = tpu.memref_squeeze %dma_wait3A_1815 : memref<1x32xi32, #tpu.memory_space<vmem>> -> memref<32xi32, #tpu.memory_space<vmem>>
      %dma_wait3A_1817 = arith.constant 0 : i32
      %dma_wait3A_1818 = arith.constant 0 : i32
      %dma_wait3A_1819 = tpu.memref_slice %arg3[%dma_wait3A_1817, %dma_wait3A_1818] : memref<10000x128xf32, #tpu.memory_space<hbm>> -> memref<10000x128xf32, #tpu.memory_space<hbm>>
      %dma_wait3A_1820 = tpu.memref_slice %arg14[%dma_wait3A_1809] : memref<8x!tpu.dma_semaphore, #tpu.memory_space<semaphore_mem>> -> memref<1x!tpu.dma_semaphore, #tpu.memory_space<semaphore_mem>>
      %dma_wait3A_1821 = tpu.memref_squeeze %dma_wait3A_1820 : memref<1x!tpu.dma_semaphore, #tpu.memory_space<semaphore_mem>> -> memref<!tpu.dma_semaphore, #tpu.memory_space<semaphore_mem>>
      tpu.wait_indirect_dma semaphore(%dma_wait3A_1821 : memref<!tpu.dma_semaphore, #tpu.memory_space<semaphore_mem>>) src(%dma_wait3A_1819 : memref<10000x128xf32, #tpu.memory_space<hbm>>) dst(%dma_wait3A_1813 : memref<32x128xf32, #tpu.memory_space<vmem>>)
      %dma_start3A_1822 = arith.constant 0 : i32
      %dma_start3A_1823 = arith.constant 8 : i32
      %dma_start3A_1824 = arith.constant 0 : i32
      %dma_start3A_1825 = arith.constant 0 : i32
      %dma_start3A_1826 = arith.constant 0 : i32
      %dma_start3A_1827 = tpu.memref_slice %arg6[%dma_start3A_1822, %dma_start3A_1825, %dma_start3A_1826] : memref<8x32x128xf32, #tpu.memory_space<vmem>> -> memref<1x32x128xf32, #tpu.memory_space<vmem>>
      %dma_start3A_1828 = tpu.memref_squeeze %dma_start3A_1827 : memref<1x32x128xf32, #tpu.memory_space<vmem>> -> memref<32x128xf32, #tpu.memory_space<vmem>>
      %dma_start3A_1829 = arith.constant 0 : i32
      %dma_start3A_1830 = tpu.memref_slice %arg8[%dma_start3A_1823, %dma_start3A_1829] : memref<16x32xi32, #tpu.memory_space<vmem>> -> memref<1x32xi32, #tpu.memory_space<vmem>>
      %dma_start3A_1831 = tpu.memref_squeeze %dma_start3A_1830 : memref<1x32xi32, #tpu.memory_space<vmem>> -> memref<32xi32, #tpu.memory_space<vmem>>
      %dma_start3A_1832 = arith.constant 0 : i32
      %dma_start3A_1833 = arith.constant 0 : i32
      %dma_start3A_1834 = tpu.memref_slice %arg13[%dma_start3A_1832, %dma_start3A_1833] : memref<10000x128xf32, #tpu.memory_space<vmem_shared>> -> memref<10000x128xf32, #tpu.memory_space<vmem_shared>>
      %dma_start3A_1835 = tpu.memref_slice %arg15[%dma_start3A_1824] : memref<8x!tpu.dma_semaphore, #tpu.memory_space<semaphore_mem>> -> memref<1x!tpu.dma_semaphore, #tpu.memory_space<semaphore_mem>>
      %dma_start3A_1836 = tpu.memref_squeeze %dma_start3A_1835 : memref<1x!tpu.dma_semaphore, #tpu.memory_space<semaphore_mem>> -> memref<!tpu.dma_semaphore, #tpu.memory_space<semaphore_mem>>
      tpu.enqueue_indirect_dma source(%dma_start3A_1828 : memref<32x128xf32, #tpu.memory_space<vmem>>) target(%dma_start3A_1834 : memref<10000x128xf32, #tpu.memory_space<vmem_shared>>) offsets(%dma_start3A_1831 : memref<32xi32, #tpu.memory_space<vmem>>) semaphore(%dma_start3A_1836 : memref<!tpu.dma_semaphore, #tpu.memory_space<semaphore_mem>>) {add = true}
      %dma_wait3A_1837 = arith.constant 1 : i32
      %dma_wait3A_1838 = arith.constant 1 : i32
      %dma_wait3A_1839 = arith.constant 1 : i32
      %dma_wait3A_1840 = arith.constant 0 : i32
      %dma_wait3A_1841 = arith.constant 0 : i32
      %dma_wait3A_1842 = tpu.memref_slice %arg6[%dma_wait3A_1838, %dma_wait3A_1840, %dma_wait3A_1841] : memref<8x32x128xf32, #tpu.memory_space<vmem>> -> memref<1x32x128xf32, #tpu.memory_space<vmem>>
      %dma_wait3A_1843 = tpu.memref_squeeze %dma_wait3A_1842 : memref<1x32x128xf32, #tpu.memory_space<vmem>> -> memref<32x128xf32, #tpu.memory_space<vmem>>
      %dma_wait3A_1844 = arith.constant 0 : i32
      %dma_wait3A_1845 = tpu.memref_slice %arg7[%dma_wait3A_1837, %dma_wait3A_1844] : memref<8x32xi32, #tpu.memory_space<vmem>> -> memref<1x32xi32, #tpu.memory_space<vmem>>
      %dma_wait3A_1846 = tpu.memref_squeeze %dma_wait3A_1845 : memref<1x32xi32, #tpu.memory_space<vmem>> -> memref<32xi32, #tpu.memory_space<vmem>>
      %dma_wait3A_1847 = arith.constant 0 : i32
      %dma_wait3A_1848 = arith.constant 0 : i32
      %dma_wait3A_1849 = tpu.memref_slice %arg3[%dma_wait3A_1847, %dma_wait3A_1848] : memref<10000x128xf32, #tpu.memory_space<hbm>> -> memref<10000x128xf32, #tpu.memory_space<hbm>>
      %dma_wait3A_1850 = tpu.memref_slice %arg14[%dma_wait3A_1839] : memref<8x!tpu.dma_semaphore, #tpu.memory_space<semaphore_mem>> -> memref<1x!tpu.dma_semaphore, #tpu.memory_space<semaphore_mem>>
      %dma_wait3A_1851 = tpu.memref_squeeze %dma_wait3A_1850 : memref<1x!tpu.dma_semaphore, #tpu.memory_space<semaphore_mem>> -> memref<!tpu.dma_semaphore, #tpu.memory_space<semaphore_mem>>
      tpu.wait_indirect_dma semaphore(%dma_wait3A_1851 : memref<!tpu.dma_semaphore, #tpu.memory_space<semaphore_mem>>) src(%dma_wait3A_1849 : memref<10000x128xf32, #tpu.memory_space<hbm>>) dst(%dma_wait3A_1843 : memref<32x128xf32, #tpu.memory_space<vmem>>)
      %dma_start3A_1852 = arith.constant 1 : i32
      %dma_start3A_1853 = arith.constant 9 : i32
      %dma_start3A_1854 = arith.constant 1 : i32
      %dma_start3A_1855 = arith.constant 0 : i32
      %dma_start3A_1856 = arith.constant 0 : i32
      %dma_start3A_1857 = tpu.memref_slice %arg6[%dma_start3A_1852, %dma_start3A_1855, %dma_start3A_1856] : memref<8x32x128xf32, #tpu.memory_space<vmem>> -> memref<1x32x128xf32, #tpu.memory_space<vmem>>
      %dma_start3A_1858 = tpu.memref_squeeze %dma_start3A_1857 : memref<1x32x128xf32, #tpu.memory_space<vmem>> -> memref<32x128xf32, #tpu.memory_space<vmem>>
      %dma_start3A_1859 = arith.constant 0 : i32
      %dma_start3A_1860 = tpu.memref_slice %arg8[%dma_start3A_1853, %dma_start3A_1859] : memref<16x32xi32, #tpu.memory_space<vmem>> -> memref<1x32xi32, #tpu.memory_space<vmem>>
      %dma_start3A_1861 = tpu.memref_squeeze %dma_start3A_1860 : memref<1x32xi32, #tpu.memory_space<vmem>> -> memref<32xi32, #tpu.memory_space<vmem>>
      %dma_start3A_1862 = arith.constant 0 : i32
      %dma_start3A_1863 = arith.constant 0 : i32
      %dma_start3A_1864 = tpu.memref_slice %arg13[%dma_start3A_1862, %dma_start3A_1863] : memref<10000x128xf32, #tpu.memory_space<vmem_shared>> -> memref<10000x128xf32, #tpu.memory_space<vmem_shared>>
      %dma_start3A_1865 = tpu.memref_slice %arg15[%dma_start3A_1854] : memref<8x!tpu.dma_semaphore, #tpu.memory_space<semaphore_mem>> -> memref<1x!tpu.dma_semaphore, #tpu.memory_space<semaphore_mem>>
      %dma_start3A_1866 = tpu.memref_squeeze %dma_start3A_1865 : memref<1x!tpu.dma_semaphore, #tpu.memory_space<semaphore_mem>> -> memref<!tpu.dma_semaphore, #tpu.memory_space<semaphore_mem>>
      tpu.enqueue_indirect_dma source(%dma_start3A_1858 : memref<32x128xf32, #tpu.memory_space<vmem>>) target(%dma_start3A_1864 : memref<10000x128xf32, #tpu.memory_space<vmem_shared>>) offsets(%dma_start3A_1861 : memref<32xi32, #tpu.memory_space<vmem>>) semaphore(%dma_start3A_1866 : memref<!tpu.dma_semaphore, #tpu.memory_space<semaphore_mem>>) {add = true}
      %dma_wait3A_1867 = arith.constant 2 : i32
      %dma_wait3A_1868 = arith.constant 2 : i32
      %dma_wait3A_1869 = arith.constant 2 : i32
      %dma_wait3A_1870 = arith.constant 0 : i32
      %dma_wait3A_1871 = arith.constant 0 : i32
      %dma_wait3A_1872 = tpu.memref_slice %arg6[%dma_wait3A_1868, %dma_wait3A_1870, %dma_wait3A_1871] : memref<8x32x128xf32, #tpu.memory_space<vmem>> -> memref<1x32x128xf32, #tpu.memory_space<vmem>>
      %dma_wait3A_1873 = tpu.memref_squeeze %dma_wait3A_1872 : memref<1x32x128xf32, #tpu.memory_space<vmem>> -> memref<32x128xf32, #tpu.memory_space<vmem>>
      %dma_wait3A_1874 = arith.constant 0 : i32
      %dma_wait3A_1875 = tpu.memref_slice %arg7[%dma_wait3A_1867, %dma_wait3A_1874] : memref<8x32xi32, #tpu.memory_space<vmem>> -> memref<1x32xi32, #tpu.memory_space<vmem>>
      %dma_wait3A_1876 = tpu.memref_squeeze %dma_wait3A_1875 : memref<1x32xi32, #tpu.memory_space<vmem>> -> memref<32xi32, #tpu.memory_space<vmem>>
      %dma_wait3A_1877 = arith.constant 0 : i32
      %dma_wait3A_1878 = arith.constant 0 : i32
      %dma_wait3A_1879 = tpu.memref_slice %arg3[%dma_wait3A_1877, %dma_wait3A_1878] : memref<10000x128xf32, #tpu.memory_space<hbm>> -> memref<10000x128xf32, #tpu.memory_space<hbm>>
      %dma_wait3A_1880 = tpu.memref_slice %arg14[%dma_wait3A_1869] : memref<8x!tpu.dma_semaphore, #tpu.memory_space<semaphore_mem>> -> memref<1x!tpu.dma_semaphore, #tpu.memory_space<semaphore_mem>>
      %dma_wait3A_1881 = tpu.memref_squeeze %dma_wait3A_1880 : memref<1x!tpu.dma_semaphore, #tpu.memory_space<semaphore_mem>> -> memref<!tpu.dma_semaphore, #tpu.memory_space<semaphore_mem>>
      tpu.wait_indirect_dma semaphore(%dma_wait3A_1881 : memref<!tpu.dma_semaphore, #tpu.memory_space<semaphore_mem>>) src(%dma_wait3A_1879 : memref<10000x128xf32, #tpu.memory_space<hbm>>) dst(%dma_wait3A_1873 : memref<32x128xf32, #tpu.memory_space<vmem>>)
      %dma_start3A_1882 = arith.constant 2 : i32
      %dma_start3A_1883 = arith.constant 10 : i32
      %dma_start3A_1884 = arith.constant 2 : i32
      %dma_start3A_1885 = arith.constant 0 : i32
      %dma_start3A_1886 = arith.constant 0 : i32
      %dma_start3A_1887 = tpu.memref_slice %arg6[%dma_start3A_1882, %dma_start3A_1885, %dma_start3A_1886] : memref<8x32x128xf32, #tpu.memory_space<vmem>> -> memref<1x32x128xf32, #tpu.memory_space<vmem>>
      %dma_start3A_1888 = tpu.memref_squeeze %dma_start3A_1887 : memref<1x32x128xf32, #tpu.memory_space<vmem>> -> memref<32x128xf32, #tpu.memory_space<vmem>>
      %dma_start3A_1889 = arith.constant 0 : i32
      %dma_start3A_1890 = tpu.memref_slice %arg8[%dma_start3A_1883, %dma_start3A_1889] : memref<16x32xi32, #tpu.memory_space<vmem>> -> memref<1x32xi32, #tpu.memory_space<vmem>>
      %dma_start3A_1891 = tpu.memref_squeeze %dma_start3A_1890 : memref<1x32xi32, #tpu.memory_space<vmem>> -> memref<32xi32, #tpu.memory_space<vmem>>
      %dma_start3A_1892 = arith.constant 0 : i32
      %dma_start3A_1893 = arith.constant 0 : i32
      %dma_start3A_1894 = tpu.memref_slice %arg13[%dma_start3A_1892, %dma_start3A_1893] : memref<10000x128xf32, #tpu.memory_space<vmem_shared>> -> memref<10000x128xf32, #tpu.memory_space<vmem_shared>>
      %dma_start3A_1895 = tpu.memref_slice %arg15[%dma_start3A_1884] : memref<8x!tpu.dma_semaphore, #tpu.memory_space<semaphore_mem>> -> memref<1x!tpu.dma_semaphore, #tpu.memory_space<semaphore_mem>>
      %dma_start3A_1896 = tpu.memref_squeeze %dma_start3A_1895 : memref<1x!tpu.dma_semaphore, #tpu.memory_space<semaphore_mem>> -> memref<!tpu.dma_semaphore, #tpu.memory_space<semaphore_mem>>
      tpu.enqueue_indirect_dma source(%dma_start3A_1888 : memref<32x128xf32, #tpu.memory_space<vmem>>) target(%dma_start3A_1894 : memref<10000x128xf32, #tpu.memory_space<vmem_shared>>) offsets(%dma_start3A_1891 : memref<32xi32, #tpu.memory_space<vmem>>) semaphore(%dma_start3A_1896 : memref<!tpu.dma_semaphore, #tpu.memory_space<semaphore_mem>>) {add = true}
      %dma_wait3A_1897 = arith.constant 3 : i32
      %dma_wait3A_1898 = arith.constant 3 : i32
      %dma_wait3A_1899 = arith.constant 3 : i32
      %dma_wait3A_1900 = arith.constant 0 : i32
      %dma_wait3A_1901 = arith.constant 0 : i32
      %dma_wait3A_1902 = tpu.memref_slice %arg6[%dma_wait3A_1898, %dma_wait3A_1900, %dma_wait3A_1901] : memref<8x32x128xf32, #tpu.memory_space<vmem>> -> memref<1x32x128xf32, #tpu.memory_space<vmem>>
      %dma_wait3A_1903 = tpu.memref_squeeze %dma_wait3A_1902 : memref<1x32x128xf32, #tpu.memory_space<vmem>> -> memref<32x128xf32, #tpu.memory_space<vmem>>
      %dma_wait3A_1904 = arith.constant 0 : i32
      %dma_wait3A_1905 = tpu.memref_slice %arg7[%dma_wait3A_1897, %dma_wait3A_1904] : memref<8x32xi32, #tpu.memory_space<vmem>> -> memref<1x32xi32, #tpu.memory_space<vmem>>
      %dma_wait3A_1906 = tpu.memref_squeeze %dma_wait3A_1905 : memref<1x32xi32, #tpu.memory_space<vmem>> -> memref<32xi32, #tpu.memory_space<vmem>>
      %dma_wait3A_1907 = arith.constant 0 : i32
      %dma_wait3A_1908 = arith.constant 0 : i32
      %dma_wait3A_1909 = tpu.memref_slice %arg3[%dma_wait3A_1907, %dma_wait3A_1908] : memref<10000x128xf32, #tpu.memory_space<hbm>> -> memref<10000x128xf32, #tpu.memory_space<hbm>>
      %dma_wait3A_1910 = tpu.memref_slice %arg14[%dma_wait3A_1899] : memref<8x!tpu.dma_semaphore, #tpu.memory_space<semaphore_mem>> -> memref<1x!tpu.dma_semaphore, #tpu.memory_space<semaphore_mem>>
      %dma_wait3A_1911 = tpu.memref_squeeze %dma_wait3A_1910 : memref<1x!tpu.dma_semaphore, #tpu.memory_space<semaphore_mem>> -> memref<!tpu.dma_semaphore, #tpu.memory_space<semaphore_mem>>
      tpu.wait_indirect_dma semaphore(%dma_wait3A_1911 : memref<!tpu.dma_semaphore, #tpu.memory_space<semaphore_mem>>) src(%dma_wait3A_1909 : memref<10000x128xf32, #tpu.memory_space<hbm>>) dst(%dma_wait3A_1903 : memref<32x128xf32, #tpu.memory_space<vmem>>)
      %dma_start3A_1912 = arith.constant 3 : i32
      %dma_start3A_1913 = arith.constant 11 : i32
      %dma_start3A_1914 = arith.constant 3 : i32
      %dma_start3A_1915 = arith.constant 0 : i32
      %dma_start3A_1916 = arith.constant 0 : i32
      %dma_start3A_1917 = tpu.memref_slice %arg6[%dma_start3A_1912, %dma_start3A_1915, %dma_start3A_1916] : memref<8x32x128xf32, #tpu.memory_space<vmem>> -> memref<1x32x128xf32, #tpu.memory_space<vmem>>
      %dma_start3A_1918 = tpu.memref_squeeze %dma_start3A_1917 : memref<1x32x128xf32, #tpu.memory_space<vmem>> -> memref<32x128xf32, #tpu.memory_space<vmem>>
      %dma_start3A_1919 = arith.constant 0 : i32
      %dma_start3A_1920 = tpu.memref_slice %arg8[%dma_start3A_1913, %dma_start3A_1919] : memref<16x32xi32, #tpu.memory_space<vmem>> -> memref<1x32xi32, #tpu.memory_space<vmem>>
      %dma_start3A_1921 = tpu.memref_squeeze %dma_start3A_1920 : memref<1x32xi32, #tpu.memory_space<vmem>> -> memref<32xi32, #tpu.memory_space<vmem>>
      %dma_start3A_1922 = arith.constant 0 : i32
      %dma_start3A_1923 = arith.constant 0 : i32
      %dma_start3A_1924 = tpu.memref_slice %arg13[%dma_start3A_1922, %dma_start3A_1923] : memref<10000x128xf32, #tpu.memory_space<vmem_shared>> -> memref<10000x128xf32, #tpu.memory_space<vmem_shared>>
      %dma_start3A_1925 = tpu.memref_slice %arg15[%dma_start3A_1914] : memref<8x!tpu.dma_semaphore, #tpu.memory_space<semaphore_mem>> -> memref<1x!tpu.dma_semaphore, #tpu.memory_space<semaphore_mem>>
      %dma_start3A_1926 = tpu.memref_squeeze %dma_start3A_1925 : memref<1x!tpu.dma_semaphore, #tpu.memory_space<semaphore_mem>> -> memref<!tpu.dma_semaphore, #tpu.memory_space<semaphore_mem>>
      tpu.enqueue_indirect_dma source(%dma_start3A_1918 : memref<32x128xf32, #tpu.memory_space<vmem>>) target(%dma_start3A_1924 : memref<10000x128xf32, #tpu.memory_space<vmem_shared>>) offsets(%dma_start3A_1921 : memref<32xi32, #tpu.memory_space<vmem>>) semaphore(%dma_start3A_1926 : memref<!tpu.dma_semaphore, #tpu.memory_space<semaphore_mem>>) {add = true}
      %dma_wait3A_1927 = arith.constant 4 : i32
      %dma_wait3A_1928 = arith.constant 4 : i32
      %dma_wait3A_1929 = arith.constant 4 : i32
      %dma_wait3A_1930 = arith.constant 0 : i32
      %dma_wait3A_1931 = arith.constant 0 : i32
      %dma_wait3A_1932 = tpu.memref_slice %arg6[%dma_wait3A_1928, %dma_wait3A_1930, %dma_wait3A_1931] : memref<8x32x128xf32, #tpu.memory_space<vmem>> -> memref<1x32x128xf32, #tpu.memory_space<vmem>>
      %dma_wait3A_1933 = tpu.memref_squeeze %dma_wait3A_1932 : memref<1x32x128xf32, #tpu.memory_space<vmem>> -> memref<32x128xf32, #tpu.memory_space<vmem>>
      %dma_wait3A_1934 = arith.constant 0 : i32
      %dma_wait3A_1935 = tpu.memref_slice %arg7[%dma_wait3A_1927, %dma_wait3A_1934] : memref<8x32xi32, #tpu.memory_space<vmem>> -> memref<1x32xi32, #tpu.memory_space<vmem>>
      %dma_wait3A_1936 = tpu.memref_squeeze %dma_wait3A_1935 : memref<1x32xi32, #tpu.memory_space<vmem>> -> memref<32xi32, #tpu.memory_space<vmem>>
      %dma_wait3A_1937 = arith.constant 0 : i32
      %dma_wait3A_1938 = arith.constant 0 : i32
      %dma_wait3A_1939 = tpu.memref_slice %arg3[%dma_wait3A_1937, %dma_wait3A_1938] : memref<10000x128xf32, #tpu.memory_space<hbm>> -> memref<10000x128xf32, #tpu.memory_space<hbm>>
      %dma_wait3A_1940 = tpu.memref_slice %arg14[%dma_wait3A_1929] : memref<8x!tpu.dma_semaphore, #tpu.memory_space<semaphore_mem>> -> memref<1x!tpu.dma_semaphore, #tpu.memory_space<semaphore_mem>>
      %dma_wait3A_1941 = tpu.memref_squeeze %dma_wait3A_1940 : memref<1x!tpu.dma_semaphore, #tpu.memory_space<semaphore_mem>> -> memref<!tpu.dma_semaphore, #tpu.memory_space<semaphore_mem>>
      tpu.wait_indirect_dma semaphore(%dma_wait3A_1941 : memref<!tpu.dma_semaphore, #tpu.memory_space<semaphore_mem>>) src(%dma_wait3A_1939 : memref<10000x128xf32, #tpu.memory_space<hbm>>) dst(%dma_wait3A_1933 : memref<32x128xf32, #tpu.memory_space<vmem>>)
      %dma_start3A_1942 = arith.constant 4 : i32
      %dma_start3A_1943 = arith.constant 12 : i32
      %dma_start3A_1944 = arith.constant 4 : i32
      %dma_start3A_1945 = arith.constant 0 : i32
      %dma_start3A_1946 = arith.constant 0 : i32
      %dma_start3A_1947 = tpu.memref_slice %arg6[%dma_start3A_1942, %dma_start3A_1945, %dma_start3A_1946] : memref<8x32x128xf32, #tpu.memory_space<vmem>> -> memref<1x32x128xf32, #tpu.memory_space<vmem>>
      %dma_start3A_1948 = tpu.memref_squeeze %dma_start3A_1947 : memref<1x32x128xf32, #tpu.memory_space<vmem>> -> memref<32x128xf32, #tpu.memory_space<vmem>>
      %dma_start3A_1949 = arith.constant 0 : i32
      %dma_start3A_1950 = tpu.memref_slice %arg8[%dma_start3A_1943, %dma_start3A_1949] : memref<16x32xi32, #tpu.memory_space<vmem>> -> memref<1x32xi32, #tpu.memory_space<vmem>>
      %dma_start3A_1951 = tpu.memref_squeeze %dma_start3A_1950 : memref<1x32xi32, #tpu.memory_space<vmem>> -> memref<32xi32, #tpu.memory_space<vmem>>
      %dma_start3A_1952 = arith.constant 0 : i32
      %dma_start3A_1953 = arith.constant 0 : i32
      %dma_start3A_1954 = tpu.memref_slice %arg13[%dma_start3A_1952, %dma_start3A_1953] : memref<10000x128xf32, #tpu.memory_space<vmem_shared>> -> memref<10000x128xf32, #tpu.memory_space<vmem_shared>>
      %dma_start3A_1955 = tpu.memref_slice %arg15[%dma_start3A_1944] : memref<8x!tpu.dma_semaphore, #tpu.memory_space<semaphore_mem>> -> memref<1x!tpu.dma_semaphore, #tpu.memory_space<semaphore_mem>>
      %dma_start3A_1956 = tpu.memref_squeeze %dma_start3A_1955 : memref<1x!tpu.dma_semaphore, #tpu.memory_space<semaphore_mem>> -> memref<!tpu.dma_semaphore, #tpu.memory_space<semaphore_mem>>
      tpu.enqueue_indirect_dma source(%dma_start3A_1948 : memref<32x128xf32, #tpu.memory_space<vmem>>) target(%dma_start3A_1954 : memref<10000x128xf32, #tpu.memory_space<vmem_shared>>) offsets(%dma_start3A_1951 : memref<32xi32, #tpu.memory_space<vmem>>) semaphore(%dma_start3A_1956 : memref<!tpu.dma_semaphore, #tpu.memory_space<semaphore_mem>>) {add = true}
      %dma_wait3A_1957 = arith.constant 5 : i32
      %dma_wait3A_1958 = arith.constant 5 : i32
      %dma_wait3A_1959 = arith.constant 5 : i32
      %dma_wait3A_1960 = arith.constant 0 : i32
      %dma_wait3A_1961 = arith.constant 0 : i32
      %dma_wait3A_1962 = tpu.memref_slice %arg6[%dma_wait3A_1958, %dma_wait3A_1960, %dma_wait3A_1961] : memref<8x32x128xf32, #tpu.memory_space<vmem>> -> memref<1x32x128xf32, #tpu.memory_space<vmem>>
      %dma_wait3A_1963 = tpu.memref_squeeze %dma_wait3A_1962 : memref<1x32x128xf32, #tpu.memory_space<vmem>> -> memref<32x128xf32, #tpu.memory_space<vmem>>
      %dma_wait3A_1964 = arith.constant 0 : i32
      %dma_wait3A_1965 = tpu.memref_slice %arg7[%dma_wait3A_1957, %dma_wait3A_1964] : memref<8x32xi32, #tpu.memory_space<vmem>> -> memref<1x32xi32, #tpu.memory_space<vmem>>
      %dma_wait3A_1966 = tpu.memref_squeeze %dma_wait3A_1965 : memref<1x32xi32, #tpu.memory_space<vmem>> -> memref<32xi32, #tpu.memory_space<vmem>>
      %dma_wait3A_1967 = arith.constant 0 : i32
      %dma_wait3A_1968 = arith.constant 0 : i32
      %dma_wait3A_1969 = tpu.memref_slice %arg3[%dma_wait3A_1967, %dma_wait3A_1968] : memref<10000x128xf32, #tpu.memory_space<hbm>> -> memref<10000x128xf32, #tpu.memory_space<hbm>>
      %dma_wait3A_1970 = tpu.memref_slice %arg14[%dma_wait3A_1959] : memref<8x!tpu.dma_semaphore, #tpu.memory_space<semaphore_mem>> -> memref<1x!tpu.dma_semaphore, #tpu.memory_space<semaphore_mem>>
      %dma_wait3A_1971 = tpu.memref_squeeze %dma_wait3A_1970 : memref<1x!tpu.dma_semaphore, #tpu.memory_space<semaphore_mem>> -> memref<!tpu.dma_semaphore, #tpu.memory_space<semaphore_mem>>
      tpu.wait_indirect_dma semaphore(%dma_wait3A_1971 : memref<!tpu.dma_semaphore, #tpu.memory_space<semaphore_mem>>) src(%dma_wait3A_1969 : memref<10000x128xf32, #tpu.memory_space<hbm>>) dst(%dma_wait3A_1963 : memref<32x128xf32, #tpu.memory_space<vmem>>)
      %dma_start3A_1972 = arith.constant 5 : i32
      %dma_start3A_1973 = arith.constant 13 : i32
      %dma_start3A_1974 = arith.constant 5 : i32
      %dma_start3A_1975 = arith.constant 0 : i32
      %dma_start3A_1976 = arith.constant 0 : i32
      %dma_start3A_1977 = tpu.memref_slice %arg6[%dma_start3A_1972, %dma_start3A_1975, %dma_start3A_1976] : memref<8x32x128xf32, #tpu.memory_space<vmem>> -> memref<1x32x128xf32, #tpu.memory_space<vmem>>
      %dma_start3A_1978 = tpu.memref_squeeze %dma_start3A_1977 : memref<1x32x128xf32, #tpu.memory_space<vmem>> -> memref<32x128xf32, #tpu.memory_space<vmem>>
      %dma_start3A_1979 = arith.constant 0 : i32
      %dma_start3A_1980 = tpu.memref_slice %arg8[%dma_start3A_1973, %dma_start3A_1979] : memref<16x32xi32, #tpu.memory_space<vmem>> -> memref<1x32xi32, #tpu.memory_space<vmem>>
      %dma_start3A_1981 = tpu.memref_squeeze %dma_start3A_1980 : memref<1x32xi32, #tpu.memory_space<vmem>> -> memref<32xi32, #tpu.memory_space<vmem>>
      %dma_start3A_1982 = arith.constant 0 : i32
      %dma_start3A_1983 = arith.constant 0 : i32
      %dma_start3A_1984 = tpu.memref_slice %arg13[%dma_start3A_1982, %dma_start3A_1983] : memref<10000x128xf32, #tpu.memory_space<vmem_shared>> -> memref<10000x128xf32, #tpu.memory_space<vmem_shared>>
      %dma_start3A_1985 = tpu.memref_slice %arg15[%dma_start3A_1974] : memref<8x!tpu.dma_semaphore, #tpu.memory_space<semaphore_mem>> -> memref<1x!tpu.dma_semaphore, #tpu.memory_space<semaphore_mem>>
      %dma_start3A_1986 = tpu.memref_squeeze %dma_start3A_1985 : memref<1x!tpu.dma_semaphore, #tpu.memory_space<semaphore_mem>> -> memref<!tpu.dma_semaphore, #tpu.memory_space<semaphore_mem>>
      tpu.enqueue_indirect_dma source(%dma_start3A_1978 : memref<32x128xf32, #tpu.memory_space<vmem>>) target(%dma_start3A_1984 : memref<10000x128xf32, #tpu.memory_space<vmem_shared>>) offsets(%dma_start3A_1981 : memref<32xi32, #tpu.memory_space<vmem>>) semaphore(%dma_start3A_1986 : memref<!tpu.dma_semaphore, #tpu.memory_space<semaphore_mem>>) {add = true}
      %dma_wait3A_1987 = arith.constant 6 : i32
      %dma_wait3A_1988 = arith.constant 6 : i32
      %dma_wait3A_1989 = arith.constant 6 : i32
      %dma_wait3A_1990 = arith.constant 0 : i32
      %dma_wait3A_1991 = arith.constant 0 : i32
      %dma_wait3A_1992 = tpu.memref_slice %arg6[%dma_wait3A_1988, %dma_wait3A_1990, %dma_wait3A_1991] : memref<8x32x128xf32, #tpu.memory_space<vmem>> -> memref<1x32x128xf32, #tpu.memory_space<vmem>>
      %dma_wait3A_1993 = tpu.memref_squeeze %dma_wait3A_1992 : memref<1x32x128xf32, #tpu.memory_space<vmem>> -> memref<32x128xf32, #tpu.memory_space<vmem>>
      %dma_wait3A_1994 = arith.constant 0 : i32
      %dma_wait3A_1995 = tpu.memref_slice %arg7[%dma_wait3A_1987, %dma_wait3A_1994] : memref<8x32xi32, #tpu.memory_space<vmem>> -> memref<1x32xi32, #tpu.memory_space<vmem>>
      %dma_wait3A_1996 = tpu.memref_squeeze %dma_wait3A_1995 : memref<1x32xi32, #tpu.memory_space<vmem>> -> memref<32xi32, #tpu.memory_space<vmem>>
      %dma_wait3A_1997 = arith.constant 0 : i32
      %dma_wait3A_1998 = arith.constant 0 : i32
      %dma_wait3A_1999 = tpu.memref_slice %arg3[%dma_wait3A_1997, %dma_wait3A_1998] : memref<10000x128xf32, #tpu.memory_space<hbm>> -> memref<10000x128xf32, #tpu.memory_space<hbm>>
      %dma_wait3A_2000 = tpu.memref_slice %arg14[%dma_wait3A_1989] : memref<8x!tpu.dma_semaphore, #tpu.memory_space<semaphore_mem>> -> memref<1x!tpu.dma_semaphore, #tpu.memory_space<semaphore_mem>>
      %dma_wait3A_2001 = tpu.memref_squeeze %dma_wait3A_2000 : memref<1x!tpu.dma_semaphore, #tpu.memory_space<semaphore_mem>> -> memref<!tpu.dma_semaphore, #tpu.memory_space<semaphore_mem>>
      tpu.wait_indirect_dma semaphore(%dma_wait3A_2001 : memref<!tpu.dma_semaphore, #tpu.memory_space<semaphore_mem>>) src(%dma_wait3A_1999 : memref<10000x128xf32, #tpu.memory_space<hbm>>) dst(%dma_wait3A_1993 : memref<32x128xf32, #tpu.memory_space<vmem>>)
      %dma_start3A_2002 = arith.constant 6 : i32
      %dma_start3A_2003 = arith.constant 14 : i32
      %dma_start3A_2004 = arith.constant 6 : i32
      %dma_start3A_2005 = arith.constant 0 : i32
      %dma_start3A_2006 = arith.constant 0 : i32
      %dma_start3A_2007 = tpu.memref_slice %arg6[%dma_start3A_2002, %dma_start3A_2005, %dma_start3A_2006] : memref<8x32x128xf32, #tpu.memory_space<vmem>> -> memref<1x32x128xf32, #tpu.memory_space<vmem>>
      %dma_start3A_2008 = tpu.memref_squeeze %dma_start3A_2007 : memref<1x32x128xf32, #tpu.memory_space<vmem>> -> memref<32x128xf32, #tpu.memory_space<vmem>>
      %dma_start3A_2009 = arith.constant 0 : i32
      %dma_start3A_2010 = tpu.memref_slice %arg8[%dma_start3A_2003, %dma_start3A_2009] : memref<16x32xi32, #tpu.memory_space<vmem>> -> memref<1x32xi32, #tpu.memory_space<vmem>>
      %dma_start3A_2011 = tpu.memref_squeeze %dma_start3A_2010 : memref<1x32xi32, #tpu.memory_space<vmem>> -> memref<32xi32, #tpu.memory_space<vmem>>
      %dma_start3A_2012 = arith.constant 0 : i32
      %dma_start3A_2013 = arith.constant 0 : i32
      %dma_start3A_2014 = tpu.memref_slice %arg13[%dma_start3A_2012, %dma_start3A_2013] : memref<10000x128xf32, #tpu.memory_space<vmem_shared>> -> memref<10000x128xf32, #tpu.memory_space<vmem_shared>>
      %dma_start3A_2015 = tpu.memref_slice %arg15[%dma_start3A_2004] : memref<8x!tpu.dma_semaphore, #tpu.memory_space<semaphore_mem>> -> memref<1x!tpu.dma_semaphore, #tpu.memory_space<semaphore_mem>>
      %dma_start3A_2016 = tpu.memref_squeeze %dma_start3A_2015 : memref<1x!tpu.dma_semaphore, #tpu.memory_space<semaphore_mem>> -> memref<!tpu.dma_semaphore, #tpu.memory_space<semaphore_mem>>
      tpu.enqueue_indirect_dma source(%dma_start3A_2008 : memref<32x128xf32, #tpu.memory_space<vmem>>) target(%dma_start3A_2014 : memref<10000x128xf32, #tpu.memory_space<vmem_shared>>) offsets(%dma_start3A_2011 : memref<32xi32, #tpu.memory_space<vmem>>) semaphore(%dma_start3A_2016 : memref<!tpu.dma_semaphore, #tpu.memory_space<semaphore_mem>>) {add = true}
      %dma_wait3A_2017 = arith.constant 7 : i32
      %dma_wait3A_2018 = arith.constant 7 : i32
      %dma_wait3A_2019 = arith.constant 7 : i32
      %dma_wait3A_2020 = arith.constant 0 : i32
      %dma_wait3A_2021 = arith.constant 0 : i32
      %dma_wait3A_2022 = tpu.memref_slice %arg6[%dma_wait3A_2018, %dma_wait3A_2020, %dma_wait3A_2021] : memref<8x32x128xf32, #tpu.memory_space<vmem>> -> memref<1x32x128xf32, #tpu.memory_space<vmem>>
      %dma_wait3A_2023 = tpu.memref_squeeze %dma_wait3A_2022 : memref<1x32x128xf32, #tpu.memory_space<vmem>> -> memref<32x128xf32, #tpu.memory_space<vmem>>
      %dma_wait3A_2024 = arith.constant 0 : i32
      %dma_wait3A_2025 = tpu.memref_slice %arg7[%dma_wait3A_2017, %dma_wait3A_2024] : memref<8x32xi32, #tpu.memory_space<vmem>> -> memref<1x32xi32, #tpu.memory_space<vmem>>
      %dma_wait3A_2026 = tpu.memref_squeeze %dma_wait3A_2025 : memref<1x32xi32, #tpu.memory_space<vmem>> -> memref<32xi32, #tpu.memory_space<vmem>>
      %dma_wait3A_2027 = arith.constant 0 : i32
      %dma_wait3A_2028 = arith.constant 0 : i32
      %dma_wait3A_2029 = tpu.memref_slice %arg3[%dma_wait3A_2027, %dma_wait3A_2028] : memref<10000x128xf32, #tpu.memory_space<hbm>> -> memref<10000x128xf32, #tpu.memory_space<hbm>>
      %dma_wait3A_2030 = tpu.memref_slice %arg14[%dma_wait3A_2019] : memref<8x!tpu.dma_semaphore, #tpu.memory_space<semaphore_mem>> -> memref<1x!tpu.dma_semaphore, #tpu.memory_space<semaphore_mem>>
      %dma_wait3A_2031 = tpu.memref_squeeze %dma_wait3A_2030 : memref<1x!tpu.dma_semaphore, #tpu.memory_space<semaphore_mem>> -> memref<!tpu.dma_semaphore, #tpu.memory_space<semaphore_mem>>
      tpu.wait_indirect_dma semaphore(%dma_wait3A_2031 : memref<!tpu.dma_semaphore, #tpu.memory_space<semaphore_mem>>) src(%dma_wait3A_2029 : memref<10000x128xf32, #tpu.memory_space<hbm>>) dst(%dma_wait3A_2023 : memref<32x128xf32, #tpu.memory_space<vmem>>)
      %dma_start3A_2032 = arith.constant 7 : i32
      %dma_start3A_2033 = arith.constant 15 : i32
      %dma_start3A_2034 = arith.constant 7 : i32
      %dma_start3A_2035 = arith.constant 0 : i32
      %dma_start3A_2036 = arith.constant 0 : i32
      %dma_start3A_2037 = tpu.memref_slice %arg6[%dma_start3A_2032, %dma_start3A_2035, %dma_start3A_2036] : memref<8x32x128xf32, #tpu.memory_space<vmem>> -> memref<1x32x128xf32, #tpu.memory_space<vmem>>
      %dma_start3A_2038 = tpu.memref_squeeze %dma_start3A_2037 : memref<1x32x128xf32, #tpu.memory_space<vmem>> -> memref<32x128xf32, #tpu.memory_space<vmem>>
      %dma_start3A_2039 = arith.constant 0 : i32
      %dma_start3A_2040 = tpu.memref_slice %arg8[%dma_start3A_2033, %dma_start3A_2039] : memref<16x32xi32, #tpu.memory_space<vmem>> -> memref<1x32xi32, #tpu.memory_space<vmem>>
      %dma_start3A_2041 = tpu.memref_squeeze %dma_start3A_2040 : memref<1x32xi32, #tpu.memory_space<vmem>> -> memref<32xi32, #tpu.memory_space<vmem>>
      %dma_start3A_2042 = arith.constant 0 : i32
      %dma_start3A_2043 = arith.constant 0 : i32
      %dma_start3A_2044 = tpu.memref_slice %arg13[%dma_start3A_2042, %dma_start3A_2043] : memref<10000x128xf32, #tpu.memory_space<vmem_shared>> -> memref<10000x128xf32, #tpu.memory_space<vmem_shared>>
      %dma_start3A_2045 = tpu.memref_slice %arg15[%dma_start3A_2034] : memref<8x!tpu.dma_semaphore, #tpu.memory_space<semaphore_mem>> -> memref<1x!tpu.dma_semaphore, #tpu.memory_space<semaphore_mem>>
      %dma_start3A_2046 = tpu.memref_squeeze %dma_start3A_2045 : memref<1x!tpu.dma_semaphore, #tpu.memory_space<semaphore_mem>> -> memref<!tpu.dma_semaphore, #tpu.memory_space<semaphore_mem>>
      tpu.enqueue_indirect_dma source(%dma_start3A_2038 : memref<32x128xf32, #tpu.memory_space<vmem>>) target(%dma_start3A_2044 : memref<10000x128xf32, #tpu.memory_space<vmem_shared>>) offsets(%dma_start3A_2041 : memref<32xi32, #tpu.memory_space<vmem>>) semaphore(%dma_start3A_2046 : memref<!tpu.dma_semaphore, #tpu.memory_space<semaphore_mem>>) {add = true}
      %dma_wait3A_2047 = arith.constant 0 : i32
      %dma_wait3A_2048 = arith.constant 8 : i32
      %dma_wait3A_2049 = arith.constant 0 : i32
      %dma_wait3A_2050 = arith.constant 0 : i32
      %dma_wait3A_2051 = arith.constant 0 : i32
      %dma_wait3A_2052 = tpu.memref_slice %arg6[%dma_wait3A_2047, %dma_wait3A_2050, %dma_wait3A_2051] : memref<8x32x128xf32, #tpu.memory_space<vmem>> -> memref<1x32x128xf32, #tpu.memory_space<vmem>>
      %dma_wait3A_2053 = tpu.memref_squeeze %dma_wait3A_2052 : memref<1x32x128xf32, #tpu.memory_space<vmem>> -> memref<32x128xf32, #tpu.memory_space<vmem>>
      %dma_wait3A_2054 = arith.constant 0 : i32
      %dma_wait3A_2055 = tpu.memref_slice %arg8[%dma_wait3A_2048, %dma_wait3A_2054] : memref<16x32xi32, #tpu.memory_space<vmem>> -> memref<1x32xi32, #tpu.memory_space<vmem>>
      %dma_wait3A_2056 = tpu.memref_squeeze %dma_wait3A_2055 : memref<1x32xi32, #tpu.memory_space<vmem>> -> memref<32xi32, #tpu.memory_space<vmem>>
      %dma_wait3A_2057 = arith.constant 0 : i32
      %dma_wait3A_2058 = arith.constant 0 : i32
      %dma_wait3A_2059 = tpu.memref_slice %arg13[%dma_wait3A_2057, %dma_wait3A_2058] : memref<10000x128xf32, #tpu.memory_space<vmem_shared>> -> memref<10000x128xf32, #tpu.memory_space<vmem_shared>>
      %dma_wait3A_2060 = tpu.memref_slice %arg15[%dma_wait3A_2049] : memref<8x!tpu.dma_semaphore, #tpu.memory_space<semaphore_mem>> -> memref<1x!tpu.dma_semaphore, #tpu.memory_space<semaphore_mem>>
      %dma_wait3A_2061 = tpu.memref_squeeze %dma_wait3A_2060 : memref<1x!tpu.dma_semaphore, #tpu.memory_space<semaphore_mem>> -> memref<!tpu.dma_semaphore, #tpu.memory_space<semaphore_mem>>
      tpu.wait_indirect_dma semaphore(%dma_wait3A_2061 : memref<!tpu.dma_semaphore, #tpu.memory_space<semaphore_mem>>) src(%dma_wait3A_2053 : memref<32x128xf32, #tpu.memory_space<vmem>>) dst(%dma_wait3A_2059 : memref<10000x128xf32, #tpu.memory_space<vmem_shared>>)
      %add3A_2062 = arith.constant 1 : i32
      %add3A_2063 = arith.addi %add3A_1806, %add3A_2062 : i32
      %mul3A_2064 = arith.constant 8 : i32
      %mul3A_2065 = arith.muli %add3A_2063, %mul3A_2064 : i32
      %add3A_2066 = arith.constant 0 : i32
      %add3A_2067 = arith.addi %mul3A_2065, %add3A_2066 : i32
      %mul3A_2068 = arith.constant 32 : i32
      %mul3A_2069 = arith.muli %add3A_2067, %mul3A_2068 : i32
      %add3A_2070 = arith.constant 0 : i32
      %add3A_2071 = arith.addi %mul3A_2069, %add3A_2070 : i32
      %get3A_2072 = arith.index_cast %add3A_2071 : i32 to index
      %get3A_2073 = tpu.vector_load %arg5[%get3A_2072] {strides = array<i32>} : memref<10000xi32, #tpu.memory_space<vmem>>, vector<16xi32>,
      %get3A_2074 = vector.shape_cast %get3A_2073 : vector<16xi32> to vector<16xi32>
      %and3A_2075 = arith.constant 65535 : i32
      %and3A_2076 = vector.broadcast %and3A_2075 : i32 to vector<16xi32>
      %and3A_2077 = arith.andi %get3A_2074, %and3A_2076 : vector<16xi32>
      %swap3A_2078 = arith.constant 0 : i32
      %swap3A_2079 = arith.index_cast %swap3A_2078 : i32 to index
      %swap3A_2080 = arith.constant 0 : index
      %swap3A_2081 = tpu.vector_load %arg7[%swap3A_2079, %swap3A_2080] {strides = array<i32>} : memref<8x32xi32, #tpu.memory_space<vmem>>, vector<1x16xi32>,
      %swap3A_2082 = vector.shape_cast %swap3A_2081 : vector<1x16xi32> to vector<16xi32>
      %swap3A_2083 = vector.shape_cast %and3A_2077 : vector<16xi32> to vector<1x16xi32>
      tpu.vector_store %arg7[%swap3A_2079, %swap3A_2080], %swap3A_2083 {strides = array<i32>} : memref<8x32xi32, #tpu.memory_space<vmem>>, vector<1x16xi32>,
      %shift_right_arithmetic3A_2084 = arith.constant 16 : i32
      %shift_right_arithmetic3A_2085 = vector.broadcast %shift_right_arithmetic3A_2084 : i32 to vector<16xi32>
      %shift_right_arithmetic3A_2086 = arith.shrsi %get3A_2074, %shift_right_arithmetic3A_2085 : vector<16xi32>
      %swap3A_2087 = arith.constant 0 : i32
      %swap3A_2088 = arith.index_cast %swap3A_2087 : i32 to index
      %swap3A_2089 = arith.constant 0 : index
      %swap3A_2090 = tpu.vector_load %arg8[%swap3A_2088, %swap3A_2089] {strides = array<i32>} : memref<16x32xi32, #tpu.memory_space<vmem>>, vector<1x16xi32>,
      %swap3A_2091 = vector.shape_cast %swap3A_2090 : vector<1x16xi32> to vector<16xi32>
      %swap3A_2092 = vector.shape_cast %shift_right_arithmetic3A_2086 : vector<16xi32> to vector<1x16xi32>
      tpu.vector_store %arg8[%swap3A_2088, %swap3A_2089], %swap3A_2092 {strides = array<i32>} : memref<16x32xi32, #tpu.memory_space<vmem>>, vector<1x16xi32>,
      %add3A_2093 = arith.constant 16 : i32
      %add3A_2094 = arith.addi %mul3A_2069, %add3A_2093 : i32
      %get3A_2095 = arith.index_cast %add3A_2094 : i32 to index
      %get3A_2096 = tpu.vector_load %arg5[%get3A_2095] {strides = array<i32>} : memref<10000xi32, #tpu.memory_space<vmem>>, vector<16xi32>,
      %get3A_2097 = vector.shape_cast %get3A_2096 : vector<16xi32> to vector<16xi32>
      %and3A_2098 = arith.constant 65535 : i32
      %and3A_2099 = vector.broadcast %and3A_2098 : i32 to vector<16xi32>
      %and3A_2100 = arith.andi %get3A_2097, %and3A_2099 : vector<16xi32>
      %swap3A_2101 = arith.constant 0 : i32
      %swap3A_2102 = arith.index_cast %swap3A_2101 : i32 to index
      %swap3A_2103 = arith.constant 16 : index
      %swap3A_2104 = tpu.vector_load %arg7[%swap3A_2102, %swap3A_2103] {strides = array<i32>} : memref<8x32xi32, #tpu.memory_space<vmem>>, vector<1x16xi32>,
      %swap3A_2105 = vector.shape_cast %swap3A_2104 : vector<1x16xi32> to vector<16xi32>
      %swap3A_2106 = vector.shape_cast %and3A_2100 : vector<16xi32> to vector<1x16xi32>
      tpu.vector_store %arg7[%swap3A_2102, %swap3A_2103], %swap3A_2106 {strides = array<i32>} : memref<8x32xi32, #tpu.memory_space<vmem>>, vector<1x16xi32>,
      %shift_right_arithmetic3A_2107 = arith.constant 16 : i32
      %shift_right_arithmetic3A_2108 = vector.broadcast %shift_right_arithmetic3A_2107 : i32 to vector<16xi32>
      %shift_right_arithmetic3A_2109 = arith.shrsi %get3A_2097, %shift_right_arithmetic3A_2108 : vector<16xi32>
      %swap3A_2110 = arith.constant 0 : i32
      %swap3A_2111 = arith.index_cast %swap3A_2110 : i32 to index
      %swap3A_2112 = arith.constant 16 : index
      %swap3A_2113 = tpu.vector_load %arg8[%swap3A_2111, %swap3A_2112] {strides = array<i32>} : memref<16x32xi32, #tpu.memory_space<vmem>>, vector<1x16xi32>,
      %swap3A_2114 = vector.shape_cast %swap3A_2113 : vector<1x16xi32> to vector<16xi32>
      %swap3A_2115 = vector.shape_cast %shift_right_arithmetic3A_2109 : vector<16xi32> to vector<1x16xi32>
      tpu.vector_store %arg8[%swap3A_2111, %swap3A_2112], %swap3A_2115 {strides = array<i32>} : memref<16x32xi32, #tpu.memory_space<vmem>>, vector<1x16xi32>,
      %dma_start3A_2116 = arith.constant 0 : i32
      %dma_start3A_2117 = arith.constant 0 : i32
      %dma_start3A_2118 = arith.constant 0 : i32
      %dma_start3A_2119 = arith.constant 0 : i32
      %dma_start3A_2120 = arith.constant 0 : i32
      %dma_start3A_2121 = tpu.memref_slice %arg6[%dma_start3A_2117, %dma_start3A_2119, %dma_start3A_2120] : memref<8x32x128xf32, #tpu.memory_space<vmem>> -> memref<1x32x128xf32, #tpu.memory_space<vmem>>
      %dma_start3A_2122 = tpu.memref_squeeze %dma_start3A_2121 : memref<1x32x128xf32, #tpu.memory_space<vmem>> -> memref<32x128xf32, #tpu.memory_space<vmem>>
      %dma_start3A_2123 = arith.constant 0 : i32
      %dma_start3A_2124 = tpu.memref_slice %arg7[%dma_start3A_2116, %dma_start3A_2123] : memref<8x32xi32, #tpu.memory_space<vmem>> -> memref<1x32xi32, #tpu.memory_space<vmem>>
      %dma_start3A_2125 = tpu.memref_squeeze %dma_start3A_2124 : memref<1x32xi32, #tpu.memory_space<vmem>> -> memref<32xi32, #tpu.memory_space<vmem>>
      %dma_start3A_2126 = arith.constant 0 : i32
      %dma_start3A_2127 = arith.constant 0 : i32
      %dma_start3A_2128 = tpu.memref_slice %arg3[%dma_start3A_2126, %dma_start3A_2127] : memref<10000x128xf32, #tpu.memory_space<hbm>> -> memref<10000x128xf32, #tpu.memory_space<hbm>>
      %dma_start3A_2129 = tpu.memref_slice %arg14[%dma_start3A_2118] : memref<8x!tpu.dma_semaphore, #tpu.memory_space<semaphore_mem>> -> memref<1x!tpu.dma_semaphore, #tpu.memory_space<semaphore_mem>>
      %dma_start3A_2130 = tpu.memref_squeeze %dma_start3A_2129 : memref<1x!tpu.dma_semaphore, #tpu.memory_space<semaphore_mem>> -> memref<!tpu.dma_semaphore, #tpu.memory_space<semaphore_mem>>
      tpu.enqueue_indirect_dma source(%dma_start3A_2128 : memref<10000x128xf32, #tpu.memory_space<hbm>>) target(%dma_start3A_2122 : memref<32x128xf32, #tpu.memory_space<vmem>>) offsets(%dma_start3A_2125 : memref<32xi32, #tpu.memory_space<vmem>>) semaphore(%dma_start3A_2130 : memref<!tpu.dma_semaphore, #tpu.memory_space<semaphore_mem>>)
      %dma_wait3A_2131 = arith.constant 1 : i32
      %dma_wait3A_2132 = arith.constant 9 : i32
      %dma_wait3A_2133 = arith.constant 1 : i32
      %dma_wait3A_2134 = arith.constant 0 : i32
      %dma_wait3A_2135 = arith.constant 0 : i32
      %dma_wait3A_2136 = tpu.memref_slice %arg6[%dma_wait3A_2131, %dma_wait3A_2134, %dma_wait3A_2135] : memref<8x32x128xf32, #tpu.memory_space<vmem>> -> memref<1x32x128xf32, #tpu.memory_space<vmem>>
      %dma_wait3A_2137 = tpu.memref_squeeze %dma_wait3A_2136 : memref<1x32x128xf32, #tpu.memory_space<vmem>> -> memref<32x128xf32, #tpu.memory_space<vmem>>
      %dma_wait3A_2138 = arith.constant 0 : i32
      %dma_wait3A_2139 = tpu.memref_slice %arg8[%dma_wait3A_2132, %dma_wait3A_2138] : memref<16x32xi32, #tpu.memory_space<vmem>> -> memref<1x32xi32, #tpu.memory_space<vmem>>
      %dma_wait3A_2140 = tpu.memref_squeeze %dma_wait3A_2139 : memref<1x32xi32, #tpu.memory_space<vmem>> -> memref<32xi32, #tpu.memory_space<vmem>>
      %dma_wait3A_2141 = arith.constant 0 : i32
      %dma_wait3A_2142 = arith.constant 0 : i32
      %dma_wait3A_2143 = tpu.memref_slice %arg13[%dma_wait3A_2141, %dma_wait3A_2142] : memref<10000x128xf32, #tpu.memory_space<vmem_shared>> -> memref<10000x128xf32, #tpu.memory_space<vmem_shared>>
      %dma_wait3A_2144 = tpu.memref_slice %arg15[%dma_wait3A_2133] : memref<8x!tpu.dma_semaphore, #tpu.memory_space<semaphore_mem>> -> memref<1x!tpu.dma_semaphore, #tpu.memory_space<semaphore_mem>>
      %dma_wait3A_2145 = tpu.memref_squeeze %dma_wait3A_2144 : memref<1x!tpu.dma_semaphore, #tpu.memory_space<semaphore_mem>> -> memref<!tpu.dma_semaphore, #tpu.memory_space<semaphore_mem>>
      tpu.wait_indirect_dma semaphore(%dma_wait3A_2145 : memref<!tpu.dma_semaphore, #tpu.memory_space<semaphore_mem>>) src(%dma_wait3A_2137 : memref<32x128xf32, #tpu.memory_space<vmem>>) dst(%dma_wait3A_2143 : memref<10000x128xf32, #tpu.memory_space<vmem_shared>>)
      %add3A_2146 = arith.constant 1 : i32
      %add3A_2147 = arith.addi %add3A_1806, %add3A_2146 : i32
      %mul3A_2148 = arith.constant 8 : i32
      %mul3A_2149 = arith.muli %add3A_2147, %mul3A_2148 : i32
      %add3A_2150 = arith.constant 1 : i32
      %add3A_2151 = arith.addi %mul3A_2149, %add3A_2150 : i32
      %mul3A_2152 = arith.constant 32 : i32
      %mul3A_2153 = arith.muli %add3A_2151, %mul3A_2152 : i32
      %add3A_2154 = arith.constant 0 : i32
      %add3A_2155 = arith.addi %mul3A_2153, %add3A_2154 : i32
      %get3A_2156 = arith.index_cast %add3A_2155 : i32 to index
      %get3A_2157 = tpu.vector_load %arg5[%get3A_2156] {strides = array<i32>} : memref<10000xi32, #tpu.memory_space<vmem>>, vector<16xi32>,
      %get3A_2158 = vector.shape_cast %get3A_2157 : vector<16xi32> to vector<16xi32>
      %and3A_2159 = arith.constant 65535 : i32
      %and3A_2160 = vector.broadcast %and3A_2159 : i32 to vector<16xi32>
      %and3A_2161 = arith.andi %get3A_2158, %and3A_2160 : vector<16xi32>
      %swap3A_2162 = arith.constant 1 : i32
      %swap3A_2163 = arith.index_cast %swap3A_2162 : i32 to index
      %swap3A_2164 = arith.constant 0 : index
      %swap3A_2165 = tpu.vector_load %arg7[%swap3A_2163, %swap3A_2164] {strides = array<i32>} : memref<8x32xi32, #tpu.memory_space<vmem>>, vector<1x16xi32>,
      %swap3A_2166 = vector.shape_cast %swap3A_2165 : vector<1x16xi32> to vector<16xi32>
      %swap3A_2167 = vector.shape_cast %and3A_2161 : vector<16xi32> to vector<1x16xi32>
      tpu.vector_store %arg7[%swap3A_2163, %swap3A_2164], %swap3A_2167 {strides = array<i32>} : memref<8x32xi32, #tpu.memory_space<vmem>>, vector<1x16xi32>,
      %shift_right_arithmetic3A_2168 = arith.constant 16 : i32
      %shift_right_arithmetic3A_2169 = vector.broadcast %shift_right_arithmetic3A_2168 : i32 to vector<16xi32>
      %shift_right_arithmetic3A_2170 = arith.shrsi %get3A_2158, %shift_right_arithmetic3A_2169 : vector<16xi32>
      %swap3A_2171 = arith.constant 1 : i32
      %swap3A_2172 = arith.index_cast %swap3A_2171 : i32 to index
      %swap3A_2173 = arith.constant 0 : index
      %swap3A_2174 = tpu.vector_load %arg8[%swap3A_2172, %swap3A_2173] {strides = array<i32>} : memref<16x32xi32, #tpu.memory_space<vmem>>, vector<1x16xi32>,
      %swap3A_2175 = vector.shape_cast %swap3A_2174 : vector<1x16xi32> to vector<16xi32>
      %swap3A_2176 = vector.shape_cast %shift_right_arithmetic3A_2170 : vector<16xi32> to vector<1x16xi32>
      tpu.vector_store %arg8[%swap3A_2172, %swap3A_2173], %swap3A_2176 {strides = array<i32>} : memref<16x32xi32, #tpu.memory_space<vmem>>, vector<1x16xi32>,
      %add3A_2177 = arith.constant 16 : i32
      %add3A_2178 = arith.addi %mul3A_2153, %add3A_2177 : i32
      %get3A_2179 = arith.index_cast %add3A_2178 : i32 to index
      %get3A_2180 = tpu.vector_load %arg5[%get3A_2179] {strides = array<i32>} : memref<10000xi32, #tpu.memory_space<vmem>>, vector<16xi32>,
      %get3A_2181 = vector.shape_cast %get3A_2180 : vector<16xi32> to vector<16xi32>
      %and3A_2182 = arith.constant 65535 : i32
      %and3A_2183 = vector.broadcast %and3A_2182 : i32 to vector<16xi32>
      %and3A_2184 = arith.andi %get3A_2181, %and3A_2183 : vector<16xi32>
      %swap3A_2185 = arith.constant 1 : i32
      %swap3A_2186 = arith.index_cast %swap3A_2185 : i32 to index
      %swap3A_2187 = arith.constant 16 : index
      %swap3A_2188 = tpu.vector_load %arg7[%swap3A_2186, %swap3A_2187] {strides = array<i32>} : memref<8x32xi32, #tpu.memory_space<vmem>>, vector<1x16xi32>,
      %swap3A_2189 = vector.shape_cast %swap3A_2188 : vector<1x16xi32> to vector<16xi32>
      %swap3A_2190 = vector.shape_cast %and3A_2184 : vector<16xi32> to vector<1x16xi32>
      tpu.vector_store %arg7[%swap3A_2186, %swap3A_2187], %swap3A_2190 {strides = array<i32>} : memref<8x32xi32, #tpu.memory_space<vmem>>, vector<1x16xi32>,
      %shift_right_arithmetic3A_2191 = arith.constant 16 : i32
      %shift_right_arithmetic3A_2192 = vector.broadcast %shift_right_arithmetic3A_2191 : i32 to vector<16xi32>
      %shift_right_arithmetic3A_2193 = arith.shrsi %get3A_2181, %shift_right_arithmetic3A_2192 : vector<16xi32>
      %swap3A_2194 = arith.constant 1 : i32
      %swap3A_2195 = arith.index_cast %swap3A_2194 : i32 to index
      %swap3A_2196 = arith.constant 16 : index
      %swap3A_2197 = tpu.vector_load %arg8[%swap3A_2195, %swap3A_2196] {strides = array<i32>} : memref<16x32xi32, #tpu.memory_space<vmem>>, vector<1x16xi32>,
      %swap3A_2198 = vector.shape_cast %swap3A_2197 : vector<1x16xi32> to vector<16xi32>
      %swap3A_2199 = vector.shape_cast %shift_right_arithmetic3A_2193 : vector<16xi32> to vector<1x16xi32>
      tpu.vector_store %arg8[%swap3A_2195, %swap3A_2196], %swap3A_2199 {strides = array<i32>} : memref<16x32xi32, #tpu.memory_space<vmem>>, vector<1x16xi32>,
      %dma_start3A_2200 = arith.constant 1 : i32
      %dma_start3A_2201 = arith.constant 1 : i32
      %dma_start3A_2202 = arith.constant 1 : i32
      %dma_start3A_2203 = arith.constant 0 : i32
      %dma_start3A_2204 = arith.constant 0 : i32
      %dma_start3A_2205 = tpu.memref_slice %arg6[%dma_start3A_2201, %dma_start3A_2203, %dma_start3A_2204] : memref<8x32x128xf32, #tpu.memory_space<vmem>> -> memref<1x32x128xf32, #tpu.memory_space<vmem>>
      %dma_start3A_2206 = tpu.memref_squeeze %dma_start3A_2205 : memref<1x32x128xf32, #tpu.memory_space<vmem>> -> memref<32x128xf32, #tpu.memory_space<vmem>>
      %dma_start3A_2207 = arith.constant 0 : i32
      %dma_start3A_2208 = tpu.memref_slice %arg7[%dma_start3A_2200, %dma_start3A_2207] : memref<8x32xi32, #tpu.memory_space<vmem>> -> memref<1x32xi32, #tpu.memory_space<vmem>>
      %dma_start3A_2209 = tpu.memref_squeeze %dma_start3A_2208 : memref<1x32xi32, #tpu.memory_space<vmem>> -> memref<32xi32, #tpu.memory_space<vmem>>
      %dma_start3A_2210 = arith.constant 0 : i32
      %dma_start3A_2211 = arith.constant 0 : i32
      %dma_start3A_2212 = tpu.memref_slice %arg3[%dma_start3A_2210, %dma_start3A_2211] : memref<10000x128xf32, #tpu.memory_space<hbm>> -> memref<10000x128xf32, #tpu.memory_space<hbm>>
      %dma_start3A_2213 = tpu.memref_slice %arg14[%dma_start3A_2202] : memref<8x!tpu.dma_semaphore, #tpu.memory_space<semaphore_mem>> -> memref<1x!tpu.dma_semaphore, #tpu.memory_space<semaphore_mem>>
      %dma_start3A_2214 = tpu.memref_squeeze %dma_start3A_2213 : memref<1x!tpu.dma_semaphore, #tpu.memory_space<semaphore_mem>> -> memref<!tpu.dma_semaphore, #tpu.memory_space<semaphore_mem>>
      tpu.enqueue_indirect_dma source(%dma_start3A_2212 : memref<10000x128xf32, #tpu.memory_space<hbm>>) target(%dma_start3A_2206 : memref<32x128xf32, #tpu.memory_space<vmem>>) offsets(%dma_start3A_2209 : memref<32xi32, #tpu.memory_space<vmem>>) semaphore(%dma_start3A_2214 : memref<!tpu.dma_semaphore, #tpu.memory_space<semaphore_mem>>)
      %dma_wait3A_2215 = arith.constant 2 : i32
      %dma_wait3A_2216 = arith.constant 10 : i32
      %dma_wait3A_2217 = arith.constant 2 : i32
      %dma_wait3A_2218 = arith.constant 0 : i32
      %dma_wait3A_2219 = arith.constant 0 : i32
      %dma_wait3A_2220 = tpu.memref_slice %arg6[%dma_wait3A_2215, %dma_wait3A_2218, %dma_wait3A_2219] : memref<8x32x128xf32, #tpu.memory_space<vmem>> -> memref<1x32x128xf32, #tpu.memory_space<vmem>>
      %dma_wait3A_2221 = tpu.memref_squeeze %dma_wait3A_2220 : memref<1x32x128xf32, #tpu.memory_space<vmem>> -> memref<32x128xf32, #tpu.memory_space<vmem>>
      %dma_wait3A_2222 = arith.constant 0 : i32
      %dma_wait3A_2223 = tpu.memref_slice %arg8[%dma_wait3A_2216, %dma_wait3A_2222] : memref<16x32xi32, #tpu.memory_space<vmem>> -> memref<1x32xi32, #tpu.memory_space<vmem>>
      %dma_wait3A_2224 = tpu.memref_squeeze %dma_wait3A_2223 : memref<1x32xi32, #tpu.memory_space<vmem>> -> memref<32xi32, #tpu.memory_space<vmem>>
      %dma_wait3A_2225 = arith.constant 0 : i32
      %dma_wait3A_2226 = arith.constant 0 : i32
      %dma_wait3A_2227 = tpu.memref_slice %arg13[%dma_wait3A_2225, %dma_wait3A_2226] : memref<10000x128xf32, #tpu.memory_space<vmem_shared>> -> memref<10000x128xf32, #tpu.memory_space<vmem_shared>>
      %dma_wait3A_2228 = tpu.memref_slice %arg15[%dma_wait3A_2217] : memref<8x!tpu.dma_semaphore, #tpu.memory_space<semaphore_mem>> -> memref<1x!tpu.dma_semaphore, #tpu.memory_space<semaphore_mem>>
      %dma_wait3A_2229 = tpu.memref_squeeze %dma_wait3A_2228 : memref<1x!tpu.dma_semaphore, #tpu.memory_space<semaphore_mem>> -> memref<!tpu.dma_semaphore, #tpu.memory_space<semaphore_mem>>
      tpu.wait_indirect_dma semaphore(%dma_wait3A_2229 : memref<!tpu.dma_semaphore, #tpu.memory_space<semaphore_mem>>) src(%dma_wait3A_2221 : memref<32x128xf32, #tpu.memory_space<vmem>>) dst(%dma_wait3A_2227 : memref<10000x128xf32, #tpu.memory_space<vmem_shared>>)
      %add3A_2230 = arith.constant 1 : i32
      %add3A_2231 = arith.addi %add3A_1806, %add3A_2230 : i32
      %mul3A_2232 = arith.constant 8 : i32
      %mul3A_2233 = arith.muli %add3A_2231, %mul3A_2232 : i32
      %add3A_2234 = arith.constant 2 : i32
      %add3A_2235 = arith.addi %mul3A_2233, %add3A_2234 : i32
      %mul3A_2236 = arith.constant 32 : i32
      %mul3A_2237 = arith.muli %add3A_2235, %mul3A_2236 : i32
      %add3A_2238 = arith.constant 0 : i32
      %add3A_2239 = arith.addi %mul3A_2237, %add3A_2238 : i32
      %get3A_2240 = arith.index_cast %add3A_2239 : i32 to index
      %get3A_2241 = tpu.vector_load %arg5[%get3A_2240] {strides = array<i32>} : memref<10000xi32, #tpu.memory_space<vmem>>, vector<16xi32>,
      %get3A_2242 = vector.shape_cast %get3A_2241 : vector<16xi32> to vector<16xi32>
      %and3A_2243 = arith.constant 65535 : i32
      %and3A_2244 = vector.broadcast %and3A_2243 : i32 to vector<16xi32>
      %and3A_2245 = arith.andi %get3A_2242, %and3A_2244 : vector<16xi32>
      %swap3A_2246 = arith.constant 2 : i32
      %swap3A_2247 = arith.index_cast %swap3A_2246 : i32 to index
      %swap3A_2248 = arith.constant 0 : index
      %swap3A_2249 = tpu.vector_load %arg7[%swap3A_2247, %swap3A_2248] {strides = array<i32>} : memref<8x32xi32, #tpu.memory_space<vmem>>, vector<1x16xi32>,
      %swap3A_2250 = vector.shape_cast %swap3A_2249 : vector<1x16xi32> to vector<16xi32>
      %swap3A_2251 = vector.shape_cast %and3A_2245 : vector<16xi32> to vector<1x16xi32>
      tpu.vector_store %arg7[%swap3A_2247, %swap3A_2248], %swap3A_2251 {strides = array<i32>} : memref<8x32xi32, #tpu.memory_space<vmem>>, vector<1x16xi32>,
      %shift_right_arithmetic3A_2252 = arith.constant 16 : i32
      %shift_right_arithmetic3A_2253 = vector.broadcast %shift_right_arithmetic3A_2252 : i32 to vector<16xi32>
      %shift_right_arithmetic3A_2254 = arith.shrsi %get3A_2242, %shift_right_arithmetic3A_2253 : vector<16xi32>
      %swap3A_2255 = arith.constant 2 : i32
      %swap3A_2256 = arith.index_cast %swap3A_2255 : i32 to index
      %swap3A_2257 = arith.constant 0 : index
      %swap3A_2258 = tpu.vector_load %arg8[%swap3A_2256, %swap3A_2257] {strides = array<i32>} : memref<16x32xi32, #tpu.memory_space<vmem>>, vector<1x16xi32>,
      %swap3A_2259 = vector.shape_cast %swap3A_2258 : vector<1x16xi32> to vector<16xi32>
      %swap3A_2260 = vector.shape_cast %shift_right_arithmetic3A_2254 : vector<16xi32> to vector<1x16xi32>
      tpu.vector_store %arg8[%swap3A_2256, %swap3A_2257], %swap3A_2260 {strides = array<i32>} : memref<16x32xi32, #tpu.memory_space<vmem>>, vector<1x16xi32>,
      %add3A_2261 = arith.constant 16 : i32
      %add3A_2262 = arith.addi %mul3A_2237, %add3A_2261 : i32
      %get3A_2263 = arith.index_cast %add3A_2262 : i32 to index
      %get3A_2264 = tpu.vector_load %arg5[%get3A_2263] {strides = array<i32>} : memref<10000xi32, #tpu.memory_space<vmem>>, vector<16xi32>,
      %get3A_2265 = vector.shape_cast %get3A_2264 : vector<16xi32> to vector<16xi32>
      %and3A_2266 = arith.constant 65535 : i32
      %and3A_2267 = vector.broadcast %and3A_2266 : i32 to vector<16xi32>
      %and3A_2268 = arith.andi %get3A_2265, %and3A_2267 : vector<16xi32>
      %swap3A_2269 = arith.constant 2 : i32
      %swap3A_2270 = arith.index_cast %swap3A_2269 : i32 to index
      %swap3A_2271 = arith.constant 16 : index
      %swap3A_2272 = tpu.vector_load %arg7[%swap3A_2270, %swap3A_2271] {strides = array<i32>} : memref<8x32xi32, #tpu.memory_space<vmem>>, vector<1x16xi32>,
      %swap3A_2273 = vector.shape_cast %swap3A_2272 : vector<1x16xi32> to vector<16xi32>
      %swap3A_2274 = vector.shape_cast %and3A_2268 : vector<16xi32> to vector<1x16xi32>
      tpu.vector_store %arg7[%swap3A_2270, %swap3A_2271], %swap3A_2274 {strides = array<i32>} : memref<8x32xi32, #tpu.memory_space<vmem>>, vector<1x16xi32>,
      %shift_right_arithmetic3A_2275 = arith.constant 16 : i32
      %shift_right_arithmetic3A_2276 = vector.broadcast %shift_right_arithmetic3A_2275 : i32 to vector<16xi32>
      %shift_right_arithmetic3A_2277 = arith.shrsi %get3A_2265, %shift_right_arithmetic3A_2276 : vector<16xi32>
      %swap3A_2278 = arith.constant 2 : i32
      %swap3A_2279 = arith.index_cast %swap3A_2278 : i32 to index
      %swap3A_2280 = arith.constant 16 : index
      %swap3A_2281 = tpu.vector_load %arg8[%swap3A_2279, %swap3A_2280] {strides = array<i32>} : memref<16x32xi32, #tpu.memory_space<vmem>>, vector<1x16xi32>,
      %swap3A_2282 = vector.shape_cast %swap3A_2281 : vector<1x16xi32> to vector<16xi32>
      %swap3A_2283 = vector.shape_cast %shift_right_arithmetic3A_2277 : vector<16xi32> to vector<1x16xi32>
      tpu.vector_store %arg8[%swap3A_2279, %swap3A_2280], %swap3A_2283 {strides = array<i32>} : memref<16x32xi32, #tpu.memory_space<vmem>>, vector<1x16xi32>,
      %dma_start3A_2284 = arith.constant 2 : i32
      %dma_start3A_2285 = arith.constant 2 : i32
      %dma_start3A_2286 = arith.constant 2 : i32
      %dma_start3A_2287 = arith.constant 0 : i32
      %dma_start3A_2288 = arith.constant 0 : i32
      %dma_start3A_2289 = tpu.memref_slice %arg6[%dma_start3A_2285, %dma_start3A_2287, %dma_start3A_2288] : memref<8x32x128xf32, #tpu.memory_space<vmem>> -> memref<1x32x128xf32, #tpu.memory_space<vmem>>
      %dma_start3A_2290 = tpu.memref_squeeze %dma_start3A_2289 : memref<1x32x128xf32, #tpu.memory_space<vmem>> -> memref<32x128xf32, #tpu.memory_space<vmem>>
      %dma_start3A_2291 = arith.constant 0 : i32
      %dma_start3A_2292 = tpu.memref_slice %arg7[%dma_start3A_2284, %dma_start3A_2291] : memref<8x32xi32, #tpu.memory_space<vmem>> -> memref<1x32xi32, #tpu.memory_space<vmem>>
      %dma_start3A_2293 = tpu.memref_squeeze %dma_start3A_2292 : memref<1x32xi32, #tpu.memory_space<vmem>> -> memref<32xi32, #tpu.memory_space<vmem>>
      %dma_start3A_2294 = arith.constant 0 : i32
      %dma_start3A_2295 = arith.constant 0 : i32
      %dma_start3A_2296 = tpu.memref_slice %arg3[%dma_start3A_2294, %dma_start3A_2295] : memref<10000x128xf32, #tpu.memory_space<hbm>> -> memref<10000x128xf32, #tpu.memory_space<hbm>>
      %dma_start3A_2297 = tpu.memref_slice %arg14[%dma_start3A_2286] : memref<8x!tpu.dma_semaphore, #tpu.memory_space<semaphore_mem>> -> memref<1x!tpu.dma_semaphore, #tpu.memory_space<semaphore_mem>>
      %dma_start3A_2298 = tpu.memref_squeeze %dma_start3A_2297 : memref<1x!tpu.dma_semaphore, #tpu.memory_space<semaphore_mem>> -> memref<!tpu.dma_semaphore, #tpu.memory_space<semaphore_mem>>
      tpu.enqueue_indirect_dma source(%dma_start3A_2296 : memref<10000x128xf32, #tpu.memory_space<hbm>>) target(%dma_start3A_2290 : memref<32x128xf32, #tpu.memory_space<vmem>>) offsets(%dma_start3A_2293 : memref<32xi32, #tpu.memory_space<vmem>>) semaphore(%dma_start3A_2298 : memref<!tpu.dma_semaphore, #tpu.memory_space<semaphore_mem>>)
      %dma_wait3A_2299 = arith.constant 3 : i32
      %dma_wait3A_2300 = arith.constant 11 : i32
      %dma_wait3A_2301 = arith.constant 3 : i32
      %dma_wait3A_2302 = arith.constant 0 : i32
      %dma_wait3A_2303 = arith.constant 0 : i32
      %dma_wait3A_2304 = tpu.memref_slice %arg6[%dma_wait3A_2299, %dma_wait3A_2302, %dma_wait3A_2303] : memref<8x32x128xf32, #tpu.memory_space<vmem>> -> memref<1x32x128xf32, #tpu.memory_space<vmem>>
      %dma_wait3A_2305 = tpu.memref_squeeze %dma_wait3A_2304 : memref<1x32x128xf32, #tpu.memory_space<vmem>> -> memref<32x128xf32, #tpu.memory_space<vmem>>
      %dma_wait3A_2306 = arith.constant 0 : i32
      %dma_wait3A_2307 = tpu.memref_slice %arg8[%dma_wait3A_2300, %dma_wait3A_2306] : memref<16x32xi32, #tpu.memory_space<vmem>> -> memref<1x32xi32, #tpu.memory_space<vmem>>
      %dma_wait3A_2308 = tpu.memref_squeeze %dma_wait3A_2307 : memref<1x32xi32, #tpu.memory_space<vmem>> -> memref<32xi32, #tpu.memory_space<vmem>>
      %dma_wait3A_2309 = arith.constant 0 : i32
      %dma_wait3A_2310 = arith.constant 0 : i32
      %dma_wait3A_2311 = tpu.memref_slice %arg13[%dma_wait3A_2309, %dma_wait3A_2310] : memref<10000x128xf32, #tpu.memory_space<vmem_shared>> -> memref<10000x128xf32, #tpu.memory_space<vmem_shared>>
      %dma_wait3A_2312 = tpu.memref_slice %arg15[%dma_wait3A_2301] : memref<8x!tpu.dma_semaphore, #tpu.memory_space<semaphore_mem>> -> memref<1x!tpu.dma_semaphore, #tpu.memory_space<semaphore_mem>>
      %dma_wait3A_2313 = tpu.memref_squeeze %dma_wait3A_2312 : memref<1x!tpu.dma_semaphore, #tpu.memory_space<semaphore_mem>> -> memref<!tpu.dma_semaphore, #tpu.memory_space<semaphore_mem>>
      tpu.wait_indirect_dma semaphore(%dma_wait3A_2313 : memref<!tpu.dma_semaphore, #tpu.memory_space<semaphore_mem>>) src(%dma_wait3A_2305 : memref<32x128xf32, #tpu.memory_space<vmem>>) dst(%dma_wait3A_2311 : memref<10000x128xf32, #tpu.memory_space<vmem_shared>>)
      %add3A_2314 = arith.constant 1 : i32
      %add3A_2315 = arith.addi %add3A_1806, %add3A_2314 : i32
      %mul3A_2316 = arith.constant 8 : i32
      %mul3A_2317 = arith.muli %add3A_2315, %mul3A_2316 : i32
      %add3A_2318 = arith.constant 3 : i32
      %add3A_2319 = arith.addi %mul3A_2317, %add3A_2318 : i32
      %mul3A_2320 = arith.constant 32 : i32
      %mul3A_2321 = arith.muli %add3A_2319, %mul3A_2320 : i32
      %add3A_2322 = arith.constant 0 : i32
      %add3A_2323 = arith.addi %mul3A_2321, %add3A_2322 : i32
      %get3A_2324 = arith.index_cast %add3A_2323 : i32 to index
      %get3A_2325 = tpu.vector_load %arg5[%get3A_2324] {strides = array<i32>} : memref<10000xi32, #tpu.memory_space<vmem>>, vector<16xi32>,
      %get3A_2326 = vector.shape_cast %get3A_2325 : vector<16xi32> to vector<16xi32>
      %and3A_2327 = arith.constant 65535 : i32
      %and3A_2328 = vector.broadcast %and3A_2327 : i32 to vector<16xi32>
      %and3A_2329 = arith.andi %get3A_2326, %and3A_2328 : vector<16xi32>
      %swap3A_2330 = arith.constant 3 : i32
      %swap3A_2331 = arith.index_cast %swap3A_2330 : i32 to index
      %swap3A_2332 = arith.constant 0 : index
      %swap3A_2333 = tpu.vector_load %arg7[%swap3A_2331, %swap3A_2332] {strides = array<i32>} : memref<8x32xi32, #tpu.memory_space<vmem>>, vector<1x16xi32>,
      %swap3A_2334 = vector.shape_cast %swap3A_2333 : vector<1x16xi32> to vector<16xi32>
      %swap3A_2335 = vector.shape_cast %and3A_2329 : vector<16xi32> to vector<1x16xi32>
      tpu.vector_store %arg7[%swap3A_2331, %swap3A_2332], %swap3A_2335 {strides = array<i32>} : memref<8x32xi32, #tpu.memory_space<vmem>>, vector<1x16xi32>,
      %shift_right_arithmetic3A_2336 = arith.constant 16 : i32
      %shift_right_arithmetic3A_2337 = vector.broadcast %shift_right_arithmetic3A_2336 : i32 to vector<16xi32>
      %shift_right_arithmetic3A_2338 = arith.shrsi %get3A_2326, %shift_right_arithmetic3A_2337 : vector<16xi32>
      %swap3A_2339 = arith.constant 3 : i32
      %swap3A_2340 = arith.index_cast %swap3A_2339 : i32 to index
      %swap3A_2341 = arith.constant 0 : index
      %swap3A_2342 = tpu.vector_load %arg8[%swap3A_2340, %swap3A_2341] {strides = array<i32>} : memref<16x32xi32, #tpu.memory_space<vmem>>, vector<1x16xi32>,
      %swap3A_2343 = vector.shape_cast %swap3A_2342 : vector<1x16xi32> to vector<16xi32>
      %swap3A_2344 = vector.shape_cast %shift_right_arithmetic3A_2338 : vector<16xi32> to vector<1x16xi32>
      tpu.vector_store %arg8[%swap3A_2340, %swap3A_2341], %swap3A_2344 {strides = array<i32>} : memref<16x32xi32, #tpu.memory_space<vmem>>, vector<1x16xi32>,
      %add3A_2345 = arith.constant 16 : i32
      %add3A_2346 = arith.addi %mul3A_2321, %add3A_2345 : i32
      %get3A_2347 = arith.index_cast %add3A_2346 : i32 to index
      %get3A_2348 = tpu.vector_load %arg5[%get3A_2347] {strides = array<i32>} : memref<10000xi32, #tpu.memory_space<vmem>>, vector<16xi32>,
      %get3A_2349 = vector.shape_cast %get3A_2348 : vector<16xi32> to vector<16xi32>
      %and3A_2350 = arith.constant 65535 : i32
      %and3A_2351 = vector.broadcast %and3A_2350 : i32 to vector<16xi32>
      %and3A_2352 = arith.andi %get3A_2349, %and3A_2351 : vector<16xi32>
      %swap3A_2353 = arith.constant 3 : i32
      %swap3A_2354 = arith.index_cast %swap3A_2353 : i32 to index
      %swap3A_2355 = arith.constant 16 : index
      %swap3A_2356 = tpu.vector_load %arg7[%swap3A_2354, %swap3A_2355] {strides = array<i32>} : memref<8x32xi32, #tpu.memory_space<vmem>>, vector<1x16xi32>,
      %swap3A_2357 = vector.shape_cast %swap3A_2356 : vector<1x16xi32> to vector<16xi32>
      %swap3A_2358 = vector.shape_cast %and3A_2352 : vector<16xi32> to vector<1x16xi32>
      tpu.vector_store %arg7[%swap3A_2354, %swap3A_2355], %swap3A_2358 {strides = array<i32>} : memref<8x32xi32, #tpu.memory_space<vmem>>, vector<1x16xi32>,
      %shift_right_arithmetic3A_2359 = arith.constant 16 : i32
      %shift_right_arithmetic3A_2360 = vector.broadcast %shift_right_arithmetic3A_2359 : i32 to vector<16xi32>
      %shift_right_arithmetic3A_2361 = arith.shrsi %get3A_2349, %shift_right_arithmetic3A_2360 : vector<16xi32>
      %swap3A_2362 = arith.constant 3 : i32
      %swap3A_2363 = arith.index_cast %swap3A_2362 : i32 to index
      %swap3A_2364 = arith.constant 16 : index
      %swap3A_2365 = tpu.vector_load %arg8[%swap3A_2363, %swap3A_2364] {strides = array<i32>} : memref<16x32xi32, #tpu.memory_space<vmem>>, vector<1x16xi32>,
      %swap3A_2366 = vector.shape_cast %swap3A_2365 : vector<1x16xi32> to vector<16xi32>
      %swap3A_2367 = vector.shape_cast %shift_right_arithmetic3A_2361 : vector<16xi32> to vector<1x16xi32>
      tpu.vector_store %arg8[%swap3A_2363, %swap3A_2364], %swap3A_2367 {strides = array<i32>} : memref<16x32xi32, #tpu.memory_space<vmem>>, vector<1x16xi32>,
      %dma_start3A_2368 = arith.constant 3 : i32
      %dma_start3A_2369 = arith.constant 3 : i32
      %dma_start3A_2370 = arith.constant 3 : i32
      %dma_start3A_2371 = arith.constant 0 : i32
      %dma_start3A_2372 = arith.constant 0 : i32
      %dma_start3A_2373 = tpu.memref_slice %arg6[%dma_start3A_2369, %dma_start3A_2371, %dma_start3A_2372] : memref<8x32x128xf32, #tpu.memory_space<vmem>> -> memref<1x32x128xf32, #tpu.memory_space<vmem>>
      %dma_start3A_2374 = tpu.memref_squeeze %dma_start3A_2373 : memref<1x32x128xf32, #tpu.memory_space<vmem>> -> memref<32x128xf32, #tpu.memory_space<vmem>>
      %dma_start3A_2375 = arith.constant 0 : i32
      %dma_start3A_2376 = tpu.memref_slice %arg7[%dma_start3A_2368, %dma_start3A_2375] : memref<8x32xi32, #tpu.memory_space<vmem>> -> memref<1x32xi32, #tpu.memory_space<vmem>>
      %dma_start3A_2377 = tpu.memref_squeeze %dma_start3A_2376 : memref<1x32xi32, #tpu.memory_space<vmem>> -> memref<32xi32, #tpu.memory_space<vmem>>
      %dma_start3A_2378 = arith.constant 0 : i32
      %dma_start3A_2379 = arith.constant 0 : i32
      %dma_start3A_2380 = tpu.memref_slice %arg3[%dma_start3A_2378, %dma_start3A_2379] : memref<10000x128xf32, #tpu.memory_space<hbm>> -> memref<10000x128xf32, #tpu.memory_space<hbm>>
      %dma_start3A_2381 = tpu.memref_slice %arg14[%dma_start3A_2370] : memref<8x!tpu.dma_semaphore, #tpu.memory_space<semaphore_mem>> -> memref<1x!tpu.dma_semaphore, #tpu.memory_space<semaphore_mem>>
      %dma_start3A_2382 = tpu.memref_squeeze %dma_start3A_2381 : memref<1x!tpu.dma_semaphore, #tpu.memory_space<semaphore_mem>> -> memref<!tpu.dma_semaphore, #tpu.memory_space<semaphore_mem>>
      tpu.enqueue_indirect_dma source(%dma_start3A_2380 : memref<10000x128xf32, #tpu.memory_space<hbm>>) target(%dma_start3A_2374 : memref<32x128xf32, #tpu.memory_space<vmem>>) offsets(%dma_start3A_2377 : memref<32xi32, #tpu.memory_space<vmem>>) semaphore(%dma_start3A_2382 : memref<!tpu.dma_semaphore, #tpu.memory_space<semaphore_mem>>)
      %dma_wait3A_2383 = arith.constant 4 : i32
      %dma_wait3A_2384 = arith.constant 12 : i32
      %dma_wait3A_2385 = arith.constant 4 : i32
      %dma_wait3A_2386 = arith.constant 0 : i32
      %dma_wait3A_2387 = arith.constant 0 : i32
      %dma_wait3A_2388 = tpu.memref_slice %arg6[%dma_wait3A_2383, %dma_wait3A_2386, %dma_wait3A_2387] : memref<8x32x128xf32, #tpu.memory_space<vmem>> -> memref<1x32x128xf32, #tpu.memory_space<vmem>>
      %dma_wait3A_2389 = tpu.memref_squeeze %dma_wait3A_2388 : memref<1x32x128xf32, #tpu.memory_space<vmem>> -> memref<32x128xf32, #tpu.memory_space<vmem>>
      %dma_wait3A_2390 = arith.constant 0 : i32
      %dma_wait3A_2391 = tpu.memref_slice %arg8[%dma_wait3A_2384, %dma_wait3A_2390] : memref<16x32xi32, #tpu.memory_space<vmem>> -> memref<1x32xi32, #tpu.memory_space<vmem>>
      %dma_wait3A_2392 = tpu.memref_squeeze %dma_wait3A_2391 : memref<1x32xi32, #tpu.memory_space<vmem>> -> memref<32xi32, #tpu.memory_space<vmem>>
      %dma_wait3A_2393 = arith.constant 0 : i32
      %dma_wait3A_2394 = arith.constant 0 : i32
      %dma_wait3A_2395 = tpu.memref_slice %arg13[%dma_wait3A_2393, %dma_wait3A_2394] : memref<10000x128xf32, #tpu.memory_space<vmem_shared>> -> memref<10000x128xf32, #tpu.memory_space<vmem_shared>>
      %dma_wait3A_2396 = tpu.memref_slice %arg15[%dma_wait3A_2385] : memref<8x!tpu.dma_semaphore, #tpu.memory_space<semaphore_mem>> -> memref<1x!tpu.dma_semaphore, #tpu.memory_space<semaphore_mem>>
      %dma_wait3A_2397 = tpu.memref_squeeze %dma_wait3A_2396 : memref<1x!tpu.dma_semaphore, #tpu.memory_space<semaphore_mem>> -> memref<!tpu.dma_semaphore, #tpu.memory_space<semaphore_mem>>
      tpu.wait_indirect_dma semaphore(%dma_wait3A_2397 : memref<!tpu.dma_semaphore, #tpu.memory_space<semaphore_mem>>) src(%dma_wait3A_2389 : memref<32x128xf32, #tpu.memory_space<vmem>>) dst(%dma_wait3A_2395 : memref<10000x128xf32, #tpu.memory_space<vmem_shared>>)
      %add3A_2398 = arith.constant 1 : i32
      %add3A_2399 = arith.addi %add3A_1806, %add3A_2398 : i32
      %mul3A_2400 = arith.constant 8 : i32
      %mul3A_2401 = arith.muli %add3A_2399, %mul3A_2400 : i32
      %add3A_2402 = arith.constant 4 : i32
      %add3A_2403 = arith.addi %mul3A_2401, %add3A_2402 : i32
      %mul3A_2404 = arith.constant 32 : i32
      %mul3A_2405 = arith.muli %add3A_2403, %mul3A_2404 : i32
      %add3A_2406 = arith.constant 0 : i32
      %add3A_2407 = arith.addi %mul3A_2405, %add3A_2406 : i32
      %get3A_2408 = arith.index_cast %add3A_2407 : i32 to index
      %get3A_2409 = tpu.vector_load %arg5[%get3A_2408] {strides = array<i32>} : memref<10000xi32, #tpu.memory_space<vmem>>, vector<16xi32>,
      %get3A_2410 = vector.shape_cast %get3A_2409 : vector<16xi32> to vector<16xi32>
      %and3A_2411 = arith.constant 65535 : i32
      %and3A_2412 = vector.broadcast %and3A_2411 : i32 to vector<16xi32>
      %and3A_2413 = arith.andi %get3A_2410, %and3A_2412 : vector<16xi32>
      %swap3A_2414 = arith.constant 4 : i32
      %swap3A_2415 = arith.index_cast %swap3A_2414 : i32 to index
      %swap3A_2416 = arith.constant 0 : index
      %swap3A_2417 = tpu.vector_load %arg7[%swap3A_2415, %swap3A_2416] {strides = array<i32>} : memref<8x32xi32, #tpu.memory_space<vmem>>, vector<1x16xi32>,
      %swap3A_2418 = vector.shape_cast %swap3A_2417 : vector<1x16xi32> to vector<16xi32>
      %swap3A_2419 = vector.shape_cast %and3A_2413 : vector<16xi32> to vector<1x16xi32>
      tpu.vector_store %arg7[%swap3A_2415, %swap3A_2416], %swap3A_2419 {strides = array<i32>} : memref<8x32xi32, #tpu.memory_space<vmem>>, vector<1x16xi32>,
      %shift_right_arithmetic3A_2420 = arith.constant 16 : i32
      %shift_right_arithmetic3A_2421 = vector.broadcast %shift_right_arithmetic3A_2420 : i32 to vector<16xi32>
      %shift_right_arithmetic3A_2422 = arith.shrsi %get3A_2410, %shift_right_arithmetic3A_2421 : vector<16xi32>
      %swap3A_2423 = arith.constant 4 : i32
      %swap3A_2424 = arith.index_cast %swap3A_2423 : i32 to index
      %swap3A_2425 = arith.constant 0 : index
      %swap3A_2426 = tpu.vector_load %arg8[%swap3A_2424, %swap3A_2425] {strides = array<i32>} : memref<16x32xi32, #tpu.memory_space<vmem>>, vector<1x16xi32>,
      %swap3A_2427 = vector.shape_cast %swap3A_2426 : vector<1x16xi32> to vector<16xi32>
      %swap3A_2428 = vector.shape_cast %shift_right_arithmetic3A_2422 : vector<16xi32> to vector<1x16xi32>
      tpu.vector_store %arg8[%swap3A_2424, %swap3A_2425], %swap3A_2428 {strides = array<i32>} : memref<16x32xi32, #tpu.memory_space<vmem>>, vector<1x16xi32>,
      %add3A_2429 = arith.constant 16 : i32
      %add3A_2430 = arith.addi %mul3A_2405, %add3A_2429 : i32
      %get3A_2431 = arith.index_cast %add3A_2430 : i32 to index
      %get3A_2432 = tpu.vector_load %arg5[%get3A_2431] {strides = array<i32>} : memref<10000xi32, #tpu.memory_space<vmem>>, vector<16xi32>,
      %get3A_2433 = vector.shape_cast %get3A_2432 : vector<16xi32> to vector<16xi32>
      %and3A_2434 = arith.constant 65535 : i32
      %and3A_2435 = vector.broadcast %and3A_2434 : i32 to vector<16xi32>
      %and3A_2436 = arith.andi %get3A_2433, %and3A_2435 : vector<16xi32>
      %swap3A_2437 = arith.constant 4 : i32
      %swap3A_2438 = arith.index_cast %swap3A_2437 : i32 to index
      %swap3A_2439 = arith.constant 16 : index
      %swap3A_2440 = tpu.vector_load %arg7[%swap3A_2438, %swap3A_2439] {strides = array<i32>} : memref<8x32xi32, #tpu.memory_space<vmem>>, vector<1x16xi32>,
      %swap3A_2441 = vector.shape_cast %swap3A_2440 : vector<1x16xi32> to vector<16xi32>
      %swap3A_2442 = vector.shape_cast %and3A_2436 : vector<16xi32> to vector<1x16xi32>
      tpu.vector_store %arg7[%swap3A_2438, %swap3A_2439], %swap3A_2442 {strides = array<i32>} : memref<8x32xi32, #tpu.memory_space<vmem>>, vector<1x16xi32>,
      %shift_right_arithmetic3A_2443 = arith.constant 16 : i32
      %shift_right_arithmetic3A_2444 = vector.broadcast %shift_right_arithmetic3A_2443 : i32 to vector<16xi32>
      %shift_right_arithmetic3A_2445 = arith.shrsi %get3A_2433, %shift_right_arithmetic3A_2444 : vector<16xi32>
      %swap3A_2446 = arith.constant 4 : i32
      %swap3A_2447 = arith.index_cast %swap3A_2446 : i32 to index
      %swap3A_2448 = arith.constant 16 : index
      %swap3A_2449 = tpu.vector_load %arg8[%swap3A_2447, %swap3A_2448] {strides = array<i32>} : memref<16x32xi32, #tpu.memory_space<vmem>>, vector<1x16xi32>,
      %swap3A_2450 = vector.shape_cast %swap3A_2449 : vector<1x16xi32> to vector<16xi32>
      %swap3A_2451 = vector.shape_cast %shift_right_arithmetic3A_2445 : vector<16xi32> to vector<1x16xi32>
      tpu.vector_store %arg8[%swap3A_2447, %swap3A_2448], %swap3A_2451 {strides = array<i32>} : memref<16x32xi32, #tpu.memory_space<vmem>>, vector<1x16xi32>,
      %dma_start3A_2452 = arith.constant 4 : i32
      %dma_start3A_2453 = arith.constant 4 : i32
      %dma_start3A_2454 = arith.constant 4 : i32
      %dma_start3A_2455 = arith.constant 0 : i32
      %dma_start3A_2456 = arith.constant 0 : i32
      %dma_start3A_2457 = tpu.memref_slice %arg6[%dma_start3A_2453, %dma_start3A_2455, %dma_start3A_2456] : memref<8x32x128xf32, #tpu.memory_space<vmem>> -> memref<1x32x128xf32, #tpu.memory_space<vmem>>
      %dma_start3A_2458 = tpu.memref_squeeze %dma_start3A_2457 : memref<1x32x128xf32, #tpu.memory_space<vmem>> -> memref<32x128xf32, #tpu.memory_space<vmem>>
      %dma_start3A_2459 = arith.constant 0 : i32
      %dma_start3A_2460 = tpu.memref_slice %arg7[%dma_start3A_2452, %dma_start3A_2459] : memref<8x32xi32, #tpu.memory_space<vmem>> -> memref<1x32xi32, #tpu.memory_space<vmem>>
      %dma_start3A_2461 = tpu.memref_squeeze %dma_start3A_2460 : memref<1x32xi32, #tpu.memory_space<vmem>> -> memref<32xi32, #tpu.memory_space<vmem>>
      %dma_start3A_2462 = arith.constant 0 : i32
      %dma_start3A_2463 = arith.constant 0 : i32
      %dma_start3A_2464 = tpu.memref_slice %arg3[%dma_start3A_2462, %dma_start3A_2463] : memref<10000x128xf32, #tpu.memory_space<hbm>> -> memref<10000x128xf32, #tpu.memory_space<hbm>>
      %dma_start3A_2465 = tpu.memref_slice %arg14[%dma_start3A_2454] : memref<8x!tpu.dma_semaphore, #tpu.memory_space<semaphore_mem>> -> memref<1x!tpu.dma_semaphore, #tpu.memory_space<semaphore_mem>>
      %dma_start3A_2466 = tpu.memref_squeeze %dma_start3A_2465 : memref<1x!tpu.dma_semaphore, #tpu.memory_space<semaphore_mem>> -> memref<!tpu.dma_semaphore, #tpu.memory_space<semaphore_mem>>
      tpu.enqueue_indirect_dma source(%dma_start3A_2464 : memref<10000x128xf32, #tpu.memory_space<hbm>>) target(%dma_start3A_2458 : memref<32x128xf32, #tpu.memory_space<vmem>>) offsets(%dma_start3A_2461 : memref<32xi32, #tpu.memory_space<vmem>>) semaphore(%dma_start3A_2466 : memref<!tpu.dma_semaphore, #tpu.memory_space<semaphore_mem>>)
      %dma_wait3A_2467 = arith.constant 5 : i32
      %dma_wait3A_2468 = arith.constant 13 : i32
      %dma_wait3A_2469 = arith.constant 5 : i32
      %dma_wait3A_2470 = arith.constant 0 : i32
      %dma_wait3A_2471 = arith.constant 0 : i32
      %dma_wait3A_2472 = tpu.memref_slice %arg6[%dma_wait3A_2467, %dma_wait3A_2470, %dma_wait3A_2471] : memref<8x32x128xf32, #tpu.memory_space<vmem>> -> memref<1x32x128xf32, #tpu.memory_space<vmem>>
      %dma_wait3A_2473 = tpu.memref_squeeze %dma_wait3A_2472 : memref<1x32x128xf32, #tpu.memory_space<vmem>> -> memref<32x128xf32, #tpu.memory_space<vmem>>
      %dma_wait3A_2474 = arith.constant 0 : i32
      %dma_wait3A_2475 = tpu.memref_slice %arg8[%dma_wait3A_2468, %dma_wait3A_2474] : memref<16x32xi32, #tpu.memory_space<vmem>> -> memref<1x32xi32, #tpu.memory_space<vmem>>
      %dma_wait3A_2476 = tpu.memref_squeeze %dma_wait3A_2475 : memref<1x32xi32, #tpu.memory_space<vmem>> -> memref<32xi32, #tpu.memory_space<vmem>>
      %dma_wait3A_2477 = arith.constant 0 : i32
      %dma_wait3A_2478 = arith.constant 0 : i32
      %dma_wait3A_2479 = tpu.memref_slice %arg13[%dma_wait3A_2477, %dma_wait3A_2478] : memref<10000x128xf32, #tpu.memory_space<vmem_shared>> -> memref<10000x128xf32, #tpu.memory_space<vmem_shared>>
      %dma_wait3A_2480 = tpu.memref_slice %arg15[%dma_wait3A_2469] : memref<8x!tpu.dma_semaphore, #tpu.memory_space<semaphore_mem>> -> memref<1x!tpu.dma_semaphore, #tpu.memory_space<semaphore_mem>>
      %dma_wait3A_2481 = tpu.memref_squeeze %dma_wait3A_2480 : memref<1x!tpu.dma_semaphore, #tpu.memory_space<semaphore_mem>> -> memref<!tpu.dma_semaphore, #tpu.memory_space<semaphore_mem>>
      tpu.wait_indirect_dma semaphore(%dma_wait3A_2481 : memref<!tpu.dma_semaphore, #tpu.memory_space<semaphore_mem>>) src(%dma_wait3A_2473 : memref<32x128xf32, #tpu.memory_space<vmem>>) dst(%dma_wait3A_2479 : memref<10000x128xf32, #tpu.memory_space<vmem_shared>>)
      %add3A_2482 = arith.constant 1 : i32
      %add3A_2483 = arith.addi %add3A_1806, %add3A_2482 : i32
      %mul3A_2484 = arith.constant 8 : i32
      %mul3A_2485 = arith.muli %add3A_2483, %mul3A_2484 : i32
      %add3A_2486 = arith.constant 5 : i32
      %add3A_2487 = arith.addi %mul3A_2485, %add3A_2486 : i32
      %mul3A_2488 = arith.constant 32 : i32
      %mul3A_2489 = arith.muli %add3A_2487, %mul3A_2488 : i32
      %add3A_2490 = arith.constant 0 : i32
      %add3A_2491 = arith.addi %mul3A_2489, %add3A_2490 : i32
      %get3A_2492 = arith.index_cast %add3A_2491 : i32 to index
      %get3A_2493 = tpu.vector_load %arg5[%get3A_2492] {strides = array<i32>} : memref<10000xi32, #tpu.memory_space<vmem>>, vector<16xi32>,
      %get3A_2494 = vector.shape_cast %get3A_2493 : vector<16xi32> to vector<16xi32>
      %and3A_2495 = arith.constant 65535 : i32
      %and3A_2496 = vector.broadcast %and3A_2495 : i32 to vector<16xi32>
      %and3A_2497 = arith.andi %get3A_2494, %and3A_2496 : vector<16xi32>
      %swap3A_2498 = arith.constant 5 : i32
      %swap3A_2499 = arith.index_cast %swap3A_2498 : i32 to index
      %swap3A_2500 = arith.constant 0 : index
      %swap3A_2501 = tpu.vector_load %arg7[%swap3A_2499, %swap3A_2500] {strides = array<i32>} : memref<8x32xi32, #tpu.memory_space<vmem>>, vector<1x16xi32>,
      %swap3A_2502 = vector.shape_cast %swap3A_2501 : vector<1x16xi32> to vector<16xi32>
      %swap3A_2503 = vector.shape_cast %and3A_2497 : vector<16xi32> to vector<1x16xi32>
      tpu.vector_store %arg7[%swap3A_2499, %swap3A_2500], %swap3A_2503 {strides = array<i32>} : memref<8x32xi32, #tpu.memory_space<vmem>>, vector<1x16xi32>,
      %shift_right_arithmetic3A_2504 = arith.constant 16 : i32
      %shift_right_arithmetic3A_2505 = vector.broadcast %shift_right_arithmetic3A_2504 : i32 to vector<16xi32>
      %shift_right_arithmetic3A_2506 = arith.shrsi %get3A_2494, %shift_right_arithmetic3A_2505 : vector<16xi32>
      %swap3A_2507 = arith.constant 5 : i32
      %swap3A_2508 = arith.index_cast %swap3A_2507 : i32 to index
      %swap3A_2509 = arith.constant 0 : index
      %swap3A_2510 = tpu.vector_load %arg8[%swap3A_2508, %swap3A_2509] {strides = array<i32>} : memref<16x32xi32, #tpu.memory_space<vmem>>, vector<1x16xi32>,
      %swap3A_2511 = vector.shape_cast %swap3A_2510 : vector<1x16xi32> to vector<16xi32>
      %swap3A_2512 = vector.shape_cast %shift_right_arithmetic3A_2506 : vector<16xi32> to vector<1x16xi32>
      tpu.vector_store %arg8[%swap3A_2508, %swap3A_2509], %swap3A_2512 {strides = array<i32>} : memref<16x32xi32, #tpu.memory_space<vmem>>, vector<1x16xi32>,
      %add3A_2513 = arith.constant 16 : i32
      %add3A_2514 = arith.addi %mul3A_2489, %add3A_2513 : i32
      %get3A_2515 = arith.index_cast %add3A_2514 : i32 to index
      %get3A_2516 = tpu.vector_load %arg5[%get3A_2515] {strides = array<i32>} : memref<10000xi32, #tpu.memory_space<vmem>>, vector<16xi32>,
      %get3A_2517 = vector.shape_cast %get3A_2516 : vector<16xi32> to vector<16xi32>
      %and3A_2518 = arith.constant 65535 : i32
      %and3A_2519 = vector.broadcast %and3A_2518 : i32 to vector<16xi32>
      %and3A_2520 = arith.andi %get3A_2517, %and3A_2519 : vector<16xi32>
      %swap3A_2521 = arith.constant 5 : i32
      %swap3A_2522 = arith.index_cast %swap3A_2521 : i32 to index
      %swap3A_2523 = arith.constant 16 : index
      %swap3A_2524 = tpu.vector_load %arg7[%swap3A_2522, %swap3A_2523] {strides = array<i32>} : memref<8x32xi32, #tpu.memory_space<vmem>>, vector<1x16xi32>,
      %swap3A_2525 = vector.shape_cast %swap3A_2524 : vector<1x16xi32> to vector<16xi32>
      %swap3A_2526 = vector.shape_cast %and3A_2520 : vector<16xi32> to vector<1x16xi32>
      tpu.vector_store %arg7[%swap3A_2522, %swap3A_2523], %swap3A_2526 {strides = array<i32>} : memref<8x32xi32, #tpu.memory_space<vmem>>, vector<1x16xi32>,
      %shift_right_arithmetic3A_2527 = arith.constant 16 : i32
      %shift_right_arithmetic3A_2528 = vector.broadcast %shift_right_arithmetic3A_2527 : i32 to vector<16xi32>
      %shift_right_arithmetic3A_2529 = arith.shrsi %get3A_2517, %shift_right_arithmetic3A_2528 : vector<16xi32>
      %swap3A_2530 = arith.constant 5 : i32
      %swap3A_2531 = arith.index_cast %swap3A_2530 : i32 to index
      %swap3A_2532 = arith.constant 16 : index
      %swap3A_2533 = tpu.vector_load %arg8[%swap3A_2531, %swap3A_2532] {strides = array<i32>} : memref<16x32xi32, #tpu.memory_space<vmem>>, vector<1x16xi32>,
      %swap3A_2534 = vector.shape_cast %swap3A_2533 : vector<1x16xi32> to vector<16xi32>
      %swap3A_2535 = vector.shape_cast %shift_right_arithmetic3A_2529 : vector<16xi32> to vector<1x16xi32>
      tpu.vector_store %arg8[%swap3A_2531, %swap3A_2532], %swap3A_2535 {strides = array<i32>} : memref<16x32xi32, #tpu.memory_space<vmem>>, vector<1x16xi32>,
      %dma_start3A_2536 = arith.constant 5 : i32
      %dma_start3A_2537 = arith.constant 5 : i32
      %dma_start3A_2538 = arith.constant 5 : i32
      %dma_start3A_2539 = arith.constant 0 : i32
      %dma_start3A_2540 = arith.constant 0 : i32
      %dma_start3A_2541 = tpu.memref_slice %arg6[%dma_start3A_2537, %dma_start3A_2539, %dma_start3A_2540] : memref<8x32x128xf32, #tpu.memory_space<vmem>> -> memref<1x32x128xf32, #tpu.memory_space<vmem>>
      %dma_start3A_2542 = tpu.memref_squeeze %dma_start3A_2541 : memref<1x32x128xf32, #tpu.memory_space<vmem>> -> memref<32x128xf32, #tpu.memory_space<vmem>>
      %dma_start3A_2543 = arith.constant 0 : i32
      %dma_start3A_2544 = tpu.memref_slice %arg7[%dma_start3A_2536, %dma_start3A_2543] : memref<8x32xi32, #tpu.memory_space<vmem>> -> memref<1x32xi32, #tpu.memory_space<vmem>>
      %dma_start3A_2545 = tpu.memref_squeeze %dma_start3A_2544 : memref<1x32xi32, #tpu.memory_space<vmem>> -> memref<32xi32, #tpu.memory_space<vmem>>
      %dma_start3A_2546 = arith.constant 0 : i32
      %dma_start3A_2547 = arith.constant 0 : i32
      %dma_start3A_2548 = tpu.memref_slice %arg3[%dma_start3A_2546, %dma_start3A_2547] : memref<10000x128xf32, #tpu.memory_space<hbm>> -> memref<10000x128xf32, #tpu.memory_space<hbm>>
      %dma_start3A_2549 = tpu.memref_slice %arg14[%dma_start3A_2538] : memref<8x!tpu.dma_semaphore, #tpu.memory_space<semaphore_mem>> -> memref<1x!tpu.dma_semaphore, #tpu.memory_space<semaphore_mem>>
      %dma_start3A_2550 = tpu.memref_squeeze %dma_start3A_2549 : memref<1x!tpu.dma_semaphore, #tpu.memory_space<semaphore_mem>> -> memref<!tpu.dma_semaphore, #tpu.memory_space<semaphore_mem>>
      tpu.enqueue_indirect_dma source(%dma_start3A_2548 : memref<10000x128xf32, #tpu.memory_space<hbm>>) target(%dma_start3A_2542 : memref<32x128xf32, #tpu.memory_space<vmem>>) offsets(%dma_start3A_2545 : memref<32xi32, #tpu.memory_space<vmem>>) semaphore(%dma_start3A_2550 : memref<!tpu.dma_semaphore, #tpu.memory_space<semaphore_mem>>)
      %dma_wait3A_2551 = arith.constant 6 : i32
      %dma_wait3A_2552 = arith.constant 14 : i32
      %dma_wait3A_2553 = arith.constant 6 : i32
      %dma_wait3A_2554 = arith.constant 0 : i32
      %dma_wait3A_2555 = arith.constant 0 : i32
      %dma_wait3A_2556 = tpu.memref_slice %arg6[%dma_wait3A_2551, %dma_wait3A_2554, %dma_wait3A_2555] : memref<8x32x128xf32, #tpu.memory_space<vmem>> -> memref<1x32x128xf32, #tpu.memory_space<vmem>>
      %dma_wait3A_2557 = tpu.memref_squeeze %dma_wait3A_2556 : memref<1x32x128xf32, #tpu.memory_space<vmem>> -> memref<32x128xf32, #tpu.memory_space<vmem>>
      %dma_wait3A_2558 = arith.constant 0 : i32
      %dma_wait3A_2559 = tpu.memref_slice %arg8[%dma_wait3A_2552, %dma_wait3A_2558] : memref<16x32xi32, #tpu.memory_space<vmem>> -> memref<1x32xi32, #tpu.memory_space<vmem>>
      %dma_wait3A_2560 = tpu.memref_squeeze %dma_wait3A_2559 : memref<1x32xi32, #tpu.memory_space<vmem>> -> memref<32xi32, #tpu.memory_space<vmem>>
      %dma_wait3A_2561 = arith.constant 0 : i32
      %dma_wait3A_2562 = arith.constant 0 : i32
      %dma_wait3A_2563 = tpu.memref_slice %arg13[%dma_wait3A_2561, %dma_wait3A_2562] : memref<10000x128xf32, #tpu.memory_space<vmem_shared>> -> memref<10000x128xf32, #tpu.memory_space<vmem_shared>>
      %dma_wait3A_2564 = tpu.memref_slice %arg15[%dma_wait3A_2553] : memref<8x!tpu.dma_semaphore, #tpu.memory_space<semaphore_mem>> -> memref<1x!tpu.dma_semaphore, #tpu.memory_space<semaphore_mem>>
      %dma_wait3A_2565 = tpu.memref_squeeze %dma_wait3A_2564 : memref<1x!tpu.dma_semaphore, #tpu.memory_space<semaphore_mem>> -> memref<!tpu.dma_semaphore, #tpu.memory_space<semaphore_mem>>
      tpu.wait_indirect_dma semaphore(%dma_wait3A_2565 : memref<!tpu.dma_semaphore, #tpu.memory_space<semaphore_mem>>) src(%dma_wait3A_2557 : memref<32x128xf32, #tpu.memory_space<vmem>>) dst(%dma_wait3A_2563 : memref<10000x128xf32, #tpu.memory_space<vmem_shared>>)
      %add3A_2566 = arith.constant 1 : i32
      %add3A_2567 = arith.addi %add3A_1806, %add3A_2566 : i32
      %mul3A_2568 = arith.constant 8 : i32
      %mul3A_2569 = arith.muli %add3A_2567, %mul3A_2568 : i32
      %add3A_2570 = arith.constant 6 : i32
      %add3A_2571 = arith.addi %mul3A_2569, %add3A_2570 : i32
      %mul3A_2572 = arith.constant 32 : i32
      %mul3A_2573 = arith.muli %add3A_2571, %mul3A_2572 : i32
      %add3A_2574 = arith.constant 0 : i32
      %add3A_2575 = arith.addi %mul3A_2573, %add3A_2574 : i32
      %get3A_2576 = arith.index_cast %add3A_2575 : i32 to index
      %get3A_2577 = tpu.vector_load %arg5[%get3A_2576] {strides = array<i32>} : memref<10000xi32, #tpu.memory_space<vmem>>, vector<16xi32>,
      %get3A_2578 = vector.shape_cast %get3A_2577 : vector<16xi32> to vector<16xi32>
      %and3A_2579 = arith.constant 65535 : i32
      %and3A_2580 = vector.broadcast %and3A_2579 : i32 to vector<16xi32>
      %and3A_2581 = arith.andi %get3A_2578, %and3A_2580 : vector<16xi32>
      %swap3A_2582 = arith.constant 6 : i32
      %swap3A_2583 = arith.index_cast %swap3A_2582 : i32 to index
      %swap3A_2584 = arith.constant 0 : index
      %swap3A_2585 = tpu.vector_load %arg7[%swap3A_2583, %swap3A_2584] {strides = array<i32>} : memref<8x32xi32, #tpu.memory_space<vmem>>, vector<1x16xi32>,
      %swap3A_2586 = vector.shape_cast %swap3A_2585 : vector<1x16xi32> to vector<16xi32>
      %swap3A_2587 = vector.shape_cast %and3A_2581 : vector<16xi32> to vector<1x16xi32>
      tpu.vector_store %arg7[%swap3A_2583, %swap3A_2584], %swap3A_2587 {strides = array<i32>} : memref<8x32xi32, #tpu.memory_space<vmem>>, vector<1x16xi32>,
      %shift_right_arithmetic3A_2588 = arith.constant 16 : i32
      %shift_right_arithmetic3A_2589 = vector.broadcast %shift_right_arithmetic3A_2588 : i32 to vector<16xi32>
      %shift_right_arithmetic3A_2590 = arith.shrsi %get3A_2578, %shift_right_arithmetic3A_2589 : vector<16xi32>
      %swap3A_2591 = arith.constant 6 : i32
      %swap3A_2592 = arith.index_cast %swap3A_2591 : i32 to index
      %swap3A_2593 = arith.constant 0 : index
      %swap3A_2594 = tpu.vector_load %arg8[%swap3A_2592, %swap3A_2593] {strides = array<i32>} : memref<16x32xi32, #tpu.memory_space<vmem>>, vector<1x16xi32>,
      %swap3A_2595 = vector.shape_cast %swap3A_2594 : vector<1x16xi32> to vector<16xi32>
      %swap3A_2596 = vector.shape_cast %shift_right_arithmetic3A_2590 : vector<16xi32> to vector<1x16xi32>
      tpu.vector_store %arg8[%swap3A_2592, %swap3A_2593], %swap3A_2596 {strides = array<i32>} : memref<16x32xi32, #tpu.memory_space<vmem>>, vector<1x16xi32>,
      %add3A_2597 = arith.constant 16 : i32
      %add3A_2598 = arith.addi %mul3A_2573, %add3A_2597 : i32
      %get3A_2599 = arith.index_cast %add3A_2598 : i32 to index
      %get3A_2600 = tpu.vector_load %arg5[%get3A_2599] {strides = array<i32>} : memref<10000xi32, #tpu.memory_space<vmem>>, vector<16xi32>,
      %get3A_2601 = vector.shape_cast %get3A_2600 : vector<16xi32> to vector<16xi32>
      %and3A_2602 = arith.constant 65535 : i32
      %and3A_2603 = vector.broadcast %and3A_2602 : i32 to vector<16xi32>
      %and3A_2604 = arith.andi %get3A_2601, %and3A_2603 : vector<16xi32>
      %swap3A_2605 = arith.constant 6 : i32
      %swap3A_2606 = arith.index_cast %swap3A_2605 : i32 to index
      %swap3A_2607 = arith.constant 16 : index
      %swap3A_2608 = tpu.vector_load %arg7[%swap3A_2606, %swap3A_2607] {strides = array<i32>} : memref<8x32xi32, #tpu.memory_space<vmem>>, vector<1x16xi32>,
      %swap3A_2609 = vector.shape_cast %swap3A_2608 : vector<1x16xi32> to vector<16xi32>
      %swap3A_2610 = vector.shape_cast %and3A_2604 : vector<16xi32> to vector<1x16xi32>
      tpu.vector_store %arg7[%swap3A_2606, %swap3A_2607], %swap3A_2610 {strides = array<i32>} : memref<8x32xi32, #tpu.memory_space<vmem>>, vector<1x16xi32>,
      %shift_right_arithmetic3A_2611 = arith.constant 16 : i32
      %shift_right_arithmetic3A_2612 = vector.broadcast %shift_right_arithmetic3A_2611 : i32 to vector<16xi32>
      %shift_right_arithmetic3A_2613 = arith.shrsi %get3A_2601, %shift_right_arithmetic3A_2612 : vector<16xi32>
      %swap3A_2614 = arith.constant 6 : i32
      %swap3A_2615 = arith.index_cast %swap3A_2614 : i32 to index
      %swap3A_2616 = arith.constant 16 : index
      %swap3A_2617 = tpu.vector_load %arg8[%swap3A_2615, %swap3A_2616] {strides = array<i32>} : memref<16x32xi32, #tpu.memory_space<vmem>>, vector<1x16xi32>,
      %swap3A_2618 = vector.shape_cast %swap3A_2617 : vector<1x16xi32> to vector<16xi32>
      %swap3A_2619 = vector.shape_cast %shift_right_arithmetic3A_2613 : vector<16xi32> to vector<1x16xi32>
      tpu.vector_store %arg8[%swap3A_2615, %swap3A_2616], %swap3A_2619 {strides = array<i32>} : memref<16x32xi32, #tpu.memory_space<vmem>>, vector<1x16xi32>,
      %dma_start3A_2620 = arith.constant 6 : i32
      %dma_start3A_2621 = arith.constant 6 : i32
      %dma_start3A_2622 = arith.constant 6 : i32
      %dma_start3A_2623 = arith.constant 0 : i32
      %dma_start3A_2624 = arith.constant 0 : i32
      %dma_start3A_2625 = tpu.memref_slice %arg6[%dma_start3A_2621, %dma_start3A_2623, %dma_start3A_2624] : memref<8x32x128xf32, #tpu.memory_space<vmem>> -> memref<1x32x128xf32, #tpu.memory_space<vmem>>
      %dma_start3A_2626 = tpu.memref_squeeze %dma_start3A_2625 : memref<1x32x128xf32, #tpu.memory_space<vmem>> -> memref<32x128xf32, #tpu.memory_space<vmem>>
      %dma_start3A_2627 = arith.constant 0 : i32
      %dma_start3A_2628 = tpu.memref_slice %arg7[%dma_start3A_2620, %dma_start3A_2627] : memref<8x32xi32, #tpu.memory_space<vmem>> -> memref<1x32xi32, #tpu.memory_space<vmem>>
      %dma_start3A_2629 = tpu.memref_squeeze %dma_start3A_2628 : memref<1x32xi32, #tpu.memory_space<vmem>> -> memref<32xi32, #tpu.memory_space<vmem>>
      %dma_start3A_2630 = arith.constant 0 : i32
      %dma_start3A_2631 = arith.constant 0 : i32
      %dma_start3A_2632 = tpu.memref_slice %arg3[%dma_start3A_2630, %dma_start3A_2631] : memref<10000x128xf32, #tpu.memory_space<hbm>> -> memref<10000x128xf32, #tpu.memory_space<hbm>>
      %dma_start3A_2633 = tpu.memref_slice %arg14[%dma_start3A_2622] : memref<8x!tpu.dma_semaphore, #tpu.memory_space<semaphore_mem>> -> memref<1x!tpu.dma_semaphore, #tpu.memory_space<semaphore_mem>>
      %dma_start3A_2634 = tpu.memref_squeeze %dma_start3A_2633 : memref<1x!tpu.dma_semaphore, #tpu.memory_space<semaphore_mem>> -> memref<!tpu.dma_semaphore, #tpu.memory_space<semaphore_mem>>
      tpu.enqueue_indirect_dma source(%dma_start3A_2632 : memref<10000x128xf32, #tpu.memory_space<hbm>>) target(%dma_start3A_2626 : memref<32x128xf32, #tpu.memory_space<vmem>>) offsets(%dma_start3A_2629 : memref<32xi32, #tpu.memory_space<vmem>>) semaphore(%dma_start3A_2634 : memref<!tpu.dma_semaphore, #tpu.memory_space<semaphore_mem>>)
      %dma_wait3A_2635 = arith.constant 7 : i32
      %dma_wait3A_2636 = arith.constant 15 : i32
      %dma_wait3A_2637 = arith.constant 7 : i32
      %dma_wait3A_2638 = arith.constant 0 : i32
      %dma_wait3A_2639 = arith.constant 0 : i32
      %dma_wait3A_2640 = tpu.memref_slice %arg6[%dma_wait3A_2635, %dma_wait3A_2638, %dma_wait3A_2639] : memref<8x32x128xf32, #tpu.memory_space<vmem>> -> memref<1x32x128xf32, #tpu.memory_space<vmem>>
      %dma_wait3A_2641 = tpu.memref_squeeze %dma_wait3A_2640 : memref<1x32x128xf32, #tpu.memory_space<vmem>> -> memref<32x128xf32, #tpu.memory_space<vmem>>
      %dma_wait3A_2642 = arith.constant 0 : i32
      %dma_wait3A_2643 = tpu.memref_slice %arg8[%dma_wait3A_2636, %dma_wait3A_2642] : memref<16x32xi32, #tpu.memory_space<vmem>> -> memref<1x32xi32, #tpu.memory_space<vmem>>
      %dma_wait3A_2644 = tpu.memref_squeeze %dma_wait3A_2643 : memref<1x32xi32, #tpu.memory_space<vmem>> -> memref<32xi32, #tpu.memory_space<vmem>>
      %dma_wait3A_2645 = arith.constant 0 : i32
      %dma_wait3A_2646 = arith.constant 0 : i32
      %dma_wait3A_2647 = tpu.memref_slice %arg13[%dma_wait3A_2645, %dma_wait3A_2646] : memref<10000x128xf32, #tpu.memory_space<vmem_shared>> -> memref<10000x128xf32, #tpu.memory_space<vmem_shared>>
      %dma_wait3A_2648 = tpu.memref_slice %arg15[%dma_wait3A_2637] : memref<8x!tpu.dma_semaphore, #tpu.memory_space<semaphore_mem>> -> memref<1x!tpu.dma_semaphore, #tpu.memory_space<semaphore_mem>>
      %dma_wait3A_2649 = tpu.memref_squeeze %dma_wait3A_2648 : memref<1x!tpu.dma_semaphore, #tpu.memory_space<semaphore_mem>> -> memref<!tpu.dma_semaphore, #tpu.memory_space<semaphore_mem>>
      tpu.wait_indirect_dma semaphore(%dma_wait3A_2649 : memref<!tpu.dma_semaphore, #tpu.memory_space<semaphore_mem>>) src(%dma_wait3A_2641 : memref<32x128xf32, #tpu.memory_space<vmem>>) dst(%dma_wait3A_2647 : memref<10000x128xf32, #tpu.memory_space<vmem_shared>>)
      %add3A_2650 = arith.constant 1 : i32
      %add3A_2651 = arith.addi %add3A_1806, %add3A_2650 : i32
      %mul3A_2652 = arith.constant 8 : i32
      %mul3A_2653 = arith.muli %add3A_2651, %mul3A_2652 : i32
      %add3A_2654 = arith.constant 7 : i32
      %add3A_2655 = arith.addi %mul3A_2653, %add3A_2654 : i32
      %mul3A_2656 = arith.constant 32 : i32
      %mul3A_2657 = arith.muli %add3A_2655, %mul3A_2656 : i32
      %add3A_2658 = arith.constant 0 : i32
      %add3A_2659 = arith.addi %mul3A_2657, %add3A_2658 : i32
      %get3A_2660 = arith.index_cast %add3A_2659 : i32 to index
      %get3A_2661 = tpu.vector_load %arg5[%get3A_2660] {strides = array<i32>} : memref<10000xi32, #tpu.memory_space<vmem>>, vector<16xi32>,
      %get3A_2662 = vector.shape_cast %get3A_2661 : vector<16xi32> to vector<16xi32>
      %and3A_2663 = arith.constant 65535 : i32
      %and3A_2664 = vector.broadcast %and3A_2663 : i32 to vector<16xi32>
      %and3A_2665 = arith.andi %get3A_2662, %and3A_2664 : vector<16xi32>
      %swap3A_2666 = arith.constant 7 : i32
      %swap3A_2667 = arith.index_cast %swap3A_2666 : i32 to index
      %swap3A_2668 = arith.constant 0 : index
      %swap3A_2669 = tpu.vector_load %arg7[%swap3A_2667, %swap3A_2668] {strides = array<i32>} : memref<8x32xi32, #tpu.memory_space<vmem>>, vector<1x16xi32>,
      %swap3A_2670 = vector.shape_cast %swap3A_2669 : vector<1x16xi32> to vector<16xi32>
      %swap3A_2671 = vector.shape_cast %and3A_2665 : vector<16xi32> to vector<1x16xi32>
      tpu.vector_store %arg7[%swap3A_2667, %swap3A_2668], %swap3A_2671 {strides = array<i32>} : memref<8x32xi32, #tpu.memory_space<vmem>>, vector<1x16xi32>,
      %shift_right_arithmetic3A_2672 = arith.constant 16 : i32
      %shift_right_arithmetic3A_2673 = vector.broadcast %shift_right_arithmetic3A_2672 : i32 to vector<16xi32>
      %shift_right_arithmetic3A_2674 = arith.shrsi %get3A_2662, %shift_right_arithmetic3A_2673 : vector<16xi32>
      %swap3A_2675 = arith.constant 7 : i32
      %swap3A_2676 = arith.index_cast %swap3A_2675 : i32 to index
      %swap3A_2677 = arith.constant 0 : index
      %swap3A_2678 = tpu.vector_load %arg8[%swap3A_2676, %swap3A_2677] {strides = array<i32>} : memref<16x32xi32, #tpu.memory_space<vmem>>, vector<1x16xi32>,
      %swap3A_2679 = vector.shape_cast %swap3A_2678 : vector<1x16xi32> to vector<16xi32>
      %swap3A_2680 = vector.shape_cast %shift_right_arithmetic3A_2674 : vector<16xi32> to vector<1x16xi32>
      tpu.vector_store %arg8[%swap3A_2676, %swap3A_2677], %swap3A_2680 {strides = array<i32>} : memref<16x32xi32, #tpu.memory_space<vmem>>, vector<1x16xi32>,
      %add3A_2681 = arith.constant 16 : i32
      %add3A_2682 = arith.addi %mul3A_2657, %add3A_2681 : i32
      %get3A_2683 = arith.index_cast %add3A_2682 : i32 to index
      %get3A_2684 = tpu.vector_load %arg5[%get3A_2683] {strides = array<i32>} : memref<10000xi32, #tpu.memory_space<vmem>>, vector<16xi32>,
      %get3A_2685 = vector.shape_cast %get3A_2684 : vector<16xi32> to vector<16xi32>
      %and3A_2686 = arith.constant 65535 : i32
      %and3A_2687 = vector.broadcast %and3A_2686 : i32 to vector<16xi32>
      %and3A_2688 = arith.andi %get3A_2685, %and3A_2687 : vector<16xi32>
      %swap3A_2689 = arith.constant 7 : i32
      %swap3A_2690 = arith.index_cast %swap3A_2689 : i32 to index
      %swap3A_2691 = arith.constant 16 : index
      %swap3A_2692 = tpu.vector_load %arg7[%swap3A_2690, %swap3A_2691] {strides = array<i32>} : memref<8x32xi32, #tpu.memory_space<vmem>>, vector<1x16xi32>,
      %swap3A_2693 = vector.shape_cast %swap3A_2692 : vector<1x16xi32> to vector<16xi32>
      %swap3A_2694 = vector.shape_cast %and3A_2688 : vector<16xi32> to vector<1x16xi32>
      tpu.vector_store %arg7[%swap3A_2690, %swap3A_2691], %swap3A_2694 {strides = array<i32>} : memref<8x32xi32, #tpu.memory_space<vmem>>, vector<1x16xi32>,
      %shift_right_arithmetic3A_2695 = arith.constant 16 : i32
      %shift_right_arithmetic3A_2696 = vector.broadcast %shift_right_arithmetic3A_2695 : i32 to vector<16xi32>
      %shift_right_arithmetic3A_2697 = arith.shrsi %get3A_2685, %shift_right_arithmetic3A_2696 : vector<16xi32>
      %swap3A_2698 = arith.constant 7 : i32
      %swap3A_2699 = arith.index_cast %swap3A_2698 : i32 to index
      %swap3A_2700 = arith.constant 16 : index
      %swap3A_2701 = tpu.vector_load %arg8[%swap3A_2699, %swap3A_2700] {strides = array<i32>} : memref<16x32xi32, #tpu.memory_space<vmem>>, vector<1x16xi32>,
      %swap3A_2702 = vector.shape_cast %swap3A_2701 : vector<1x16xi32> to vector<16xi32>
      %swap3A_2703 = vector.shape_cast %shift_right_arithmetic3A_2697 : vector<16xi32> to vector<1x16xi32>
      tpu.vector_store %arg8[%swap3A_2699, %swap3A_2700], %swap3A_2703 {strides = array<i32>} : memref<16x32xi32, #tpu.memory_space<vmem>>, vector<1x16xi32>,
      %dma_start3A_2704 = arith.constant 7 : i32
      %dma_start3A_2705 = arith.constant 7 : i32
      %dma_start3A_2706 = arith.constant 7 : i32
      %dma_start3A_2707 = arith.constant 0 : i32
      %dma_start3A_2708 = arith.constant 0 : i32
      %dma_start3A_2709 = tpu.memref_slice %arg6[%dma_start3A_2705, %dma_start3A_2707, %dma_start3A_2708] : memref<8x32x128xf32, #tpu.memory_space<vmem>> -> memref<1x32x128xf32, #tpu.memory_space<vmem>>
      %dma_start3A_2710 = tpu.memref_squeeze %dma_start3A_2709 : memref<1x32x128xf32, #tpu.memory_space<vmem>> -> memref<32x128xf32, #tpu.memory_space<vmem>>
      %dma_start3A_2711 = arith.constant 0 : i32
      %dma_start3A_2712 = tpu.memref_slice %arg7[%dma_start3A_2704, %dma_start3A_2711] : memref<8x32xi32, #tpu.memory_space<vmem>> -> memref<1x32xi32, #tpu.memory_space<vmem>>
      %dma_start3A_2713 = tpu.memref_squeeze %dma_start3A_2712 : memref<1x32xi32, #tpu.memory_space<vmem>> -> memref<32xi32, #tpu.memory_space<vmem>>
      %dma_start3A_2714 = arith.constant 0 : i32
      %dma_start3A_2715 = arith.constant 0 : i32
      %dma_start3A_2716 = tpu.memref_slice %arg3[%dma_start3A_2714, %dma_start3A_2715] : memref<10000x128xf32, #tpu.memory_space<hbm>> -> memref<10000x128xf32, #tpu.memory_space<hbm>>
      %dma_start3A_2717 = tpu.memref_slice %arg14[%dma_start3A_2706] : memref<8x!tpu.dma_semaphore, #tpu.memory_space<semaphore_mem>> -> memref<1x!tpu.dma_semaphore, #tpu.memory_space<semaphore_mem>>
      %dma_start3A_2718 = tpu.memref_squeeze %dma_start3A_2717 : memref<1x!tpu.dma_semaphore, #tpu.memory_space<semaphore_mem>> -> memref<!tpu.dma_semaphore, #tpu.memory_space<semaphore_mem>>
      tpu.enqueue_indirect_dma source(%dma_start3A_2716 : memref<10000x128xf32, #tpu.memory_space<hbm>>) target(%dma_start3A_2710 : memref<32x128xf32, #tpu.memory_space<vmem>>) offsets(%dma_start3A_2713 : memref<32xi32, #tpu.memory_space<vmem>>) semaphore(%dma_start3A_2718 : memref<!tpu.dma_semaphore, #tpu.memory_space<semaphore_mem>>)
    }
    %scan3A_482 = arith.constant 19 : i32
    %dma_wait3A_483 = arith.constant 0 : i32
    %dma_wait3A_484 = arith.constant 0 : i32
    %dma_wait3A_485 = arith.constant 0 : i32
    %dma_wait3A_486 = arith.constant 0 : i32
    %dma_wait3A_487 = arith.constant 0 : i32
    %dma_wait3A_488 = tpu.memref_slice %arg6[%dma_wait3A_484, %dma_wait3A_486, %dma_wait3A_487] : memref<8x32x128xf32, #tpu.memory_space<vmem>> -> memref<1x32x128xf32, #tpu.memory_space<vmem>>
    %dma_wait3A_489 = tpu.memref_squeeze %dma_wait3A_488 : memref<1x32x128xf32, #tpu.memory_space<vmem>> -> memref<32x128xf32, #tpu.memory_space<vmem>>
    %dma_wait3A_490 = arith.constant 0 : i32
    %dma_wait3A_491 = tpu.memref_slice %arg7[%dma_wait3A_483, %dma_wait3A_490] : memref<8x32xi32, #tpu.memory_space<vmem>> -> memref<1x32xi32, #tpu.memory_space<vmem>>
    %dma_wait3A_492 = tpu.memref_squeeze %dma_wait3A_491 : memref<1x32xi32, #tpu.memory_space<vmem>> -> memref<32xi32, #tpu.memory_space<vmem>>
    %dma_wait3A_493 = arith.constant 0 : i32
    %dma_wait3A_494 = arith.constant 0 : i32
    %dma_wait3A_495 = tpu.memref_slice %arg3[%dma_wait3A_493, %dma_wait3A_494] : memref<10000x128xf32, #tpu.memory_space<hbm>> -> memref<10000x128xf32, #tpu.memory_space<hbm>>
    %dma_wait3A_496 = tpu.memref_slice %arg14[%dma_wait3A_485] : memref<8x!tpu.dma_semaphore, #tpu.memory_space<semaphore_mem>> -> memref<1x!tpu.dma_semaphore, #tpu.memory_space<semaphore_mem>>
    %dma_wait3A_497 = tpu.memref_squeeze %dma_wait3A_496 : memref<1x!tpu.dma_semaphore, #tpu.memory_space<semaphore_mem>> -> memref<!tpu.dma_semaphore, #tpu.memory_space<semaphore_mem>>
    tpu.wait_indirect_dma semaphore(%dma_wait3A_497 : memref<!tpu.dma_semaphore, #tpu.memory_space<semaphore_mem>>) src(%dma_wait3A_495 : memref<10000x128xf32, #tpu.memory_space<hbm>>) dst(%dma_wait3A_489 : memref<32x128xf32, #tpu.memory_space<vmem>>)
    %dma_start3A_498 = arith.constant 0 : i32
    %dma_start3A_499 = arith.constant 0 : i32
    %dma_start3A_500 = arith.constant 0 : i32
    %dma_start3A_501 = arith.constant 0 : i32
    %dma_start3A_502 = arith.constant 0 : i32
    %dma_start3A_503 = tpu.memref_slice %arg6[%dma_start3A_498, %dma_start3A_501, %dma_start3A_502] : memref<8x32x128xf32, #tpu.memory_space<vmem>> -> memref<1x32x128xf32, #tpu.memory_space<vmem>>
    %dma_start3A_504 = tpu.memref_squeeze %dma_start3A_503 : memref<1x32x128xf32, #tpu.memory_space<vmem>> -> memref<32x128xf32, #tpu.memory_space<vmem>>
    %dma_start3A_505 = arith.constant 0 : i32
    %dma_start3A_506 = tpu.memref_slice %arg8[%dma_start3A_499, %dma_start3A_505] : memref<16x32xi32, #tpu.memory_space<vmem>> -> memref<1x32xi32, #tpu.memory_space<vmem>>
    %dma_start3A_507 = tpu.memref_squeeze %dma_start3A_506 : memref<1x32xi32, #tpu.memory_space<vmem>> -> memref<32xi32, #tpu.memory_space<vmem>>
    %dma_start3A_508 = arith.constant 0 : i32
    %dma_start3A_509 = arith.constant 0 : i32
    %dma_start3A_510 = tpu.memref_slice %arg13[%dma_start3A_508, %dma_start3A_509] : memref<10000x128xf32, #tpu.memory_space<vmem_shared>> -> memref<10000x128xf32, #tpu.memory_space<vmem_shared>>
    %dma_start3A_511 = tpu.memref_slice %arg15[%dma_start3A_500] : memref<8x!tpu.dma_semaphore, #tpu.memory_space<semaphore_mem>> -> memref<1x!tpu.dma_semaphore, #tpu.memory_space<semaphore_mem>>
    %dma_start3A_512 = tpu.memref_squeeze %dma_start3A_511 : memref<1x!tpu.dma_semaphore, #tpu.memory_space<semaphore_mem>> -> memref<!tpu.dma_semaphore, #tpu.memory_space<semaphore_mem>>
    tpu.enqueue_indirect_dma source(%dma_start3A_504 : memref<32x128xf32, #tpu.memory_space<vmem>>) target(%dma_start3A_510 : memref<10000x128xf32, #tpu.memory_space<vmem_shared>>) offsets(%dma_start3A_507 : memref<32xi32, #tpu.memory_space<vmem>>) semaphore(%dma_start3A_512 : memref<!tpu.dma_semaphore, #tpu.memory_space<semaphore_mem>>) {add = true}
    %dma_wait3A_513 = arith.constant 1 : i32
    %dma_wait3A_514 = arith.constant 1 : i32
    %dma_wait3A_515 = arith.constant 1 : i32
    %dma_wait3A_516 = arith.constant 0 : i32
    %dma_wait3A_517 = arith.constant 0 : i32
    %dma_wait3A_518 = tpu.memref_slice %arg6[%dma_wait3A_514, %dma_wait3A_516, %dma_wait3A_517] : memref<8x32x128xf32, #tpu.memory_space<vmem>> -> memref<1x32x128xf32, #tpu.memory_space<vmem>>
    %dma_wait3A_519 = tpu.memref_squeeze %dma_wait3A_518 : memref<1x32x128xf32, #tpu.memory_space<vmem>> -> memref<32x128xf32, #tpu.memory_space<vmem>>
    %dma_wait3A_520 = arith.constant 0 : i32
    %dma_wait3A_521 = tpu.memref_slice %arg7[%dma_wait3A_513, %dma_wait3A_520] : memref<8x32xi32, #tpu.memory_space<vmem>> -> memref<1x32xi32, #tpu.memory_space<vmem>>
    %dma_wait3A_522 = tpu.memref_squeeze %dma_wait3A_521 : memref<1x32xi32, #tpu.memory_space<vmem>> -> memref<32xi32, #tpu.memory_space<vmem>>
    %dma_wait3A_523 = arith.constant 0 : i32
    %dma_wait3A_524 = arith.constant 0 : i32
    %dma_wait3A_525 = tpu.memref_slice %arg3[%dma_wait3A_523, %dma_wait3A_524] : memref<10000x128xf32, #tpu.memory_space<hbm>> -> memref<10000x128xf32, #tpu.memory_space<hbm>>
    %dma_wait3A_526 = tpu.memref_slice %arg14[%dma_wait3A_515] : memref<8x!tpu.dma_semaphore, #tpu.memory_space<semaphore_mem>> -> memref<1x!tpu.dma_semaphore, #tpu.memory_space<semaphore_mem>>
    %dma_wait3A_527 = tpu.memref_squeeze %dma_wait3A_526 : memref<1x!tpu.dma_semaphore, #tpu.memory_space<semaphore_mem>> -> memref<!tpu.dma_semaphore, #tpu.memory_space<semaphore_mem>>
    tpu.wait_indirect_dma semaphore(%dma_wait3A_527 : memref<!tpu.dma_semaphore, #tpu.memory_space<semaphore_mem>>) src(%dma_wait3A_525 : memref<10000x128xf32, #tpu.memory_space<hbm>>) dst(%dma_wait3A_519 : memref<32x128xf32, #tpu.memory_space<vmem>>)
    %dma_start3A_528 = arith.constant 1 : i32
    %dma_start3A_529 = arith.constant 1 : i32
    %dma_start3A_530 = arith.constant 1 : i32
    %dma_start3A_531 = arith.constant 0 : i32
    %dma_start3A_532 = arith.constant 0 : i32
    %dma_start3A_533 = tpu.memref_slice %arg6[%dma_start3A_528, %dma_start3A_531, %dma_start3A_532] : memref<8x32x128xf32, #tpu.memory_space<vmem>> -> memref<1x32x128xf32, #tpu.memory_space<vmem>>
    %dma_start3A_534 = tpu.memref_squeeze %dma_start3A_533 : memref<1x32x128xf32, #tpu.memory_space<vmem>> -> memref<32x128xf32, #tpu.memory_space<vmem>>
    %dma_start3A_535 = arith.constant 0 : i32
    %dma_start3A_536 = tpu.memref_slice %arg8[%dma_start3A_529, %dma_start3A_535] : memref<16x32xi32, #tpu.memory_space<vmem>> -> memref<1x32xi32, #tpu.memory_space<vmem>>
    %dma_start3A_537 = tpu.memref_squeeze %dma_start3A_536 : memref<1x32xi32, #tpu.memory_space<vmem>> -> memref<32xi32, #tpu.memory_space<vmem>>
    %dma_start3A_538 = arith.constant 0 : i32
    %dma_start3A_539 = arith.constant 0 : i32
    %dma_start3A_540 = tpu.memref_slice %arg13[%dma_start3A_538, %dma_start3A_539] : memref<10000x128xf32, #tpu.memory_space<vmem_shared>> -> memref<10000x128xf32, #tpu.memory_space<vmem_shared>>
    %dma_start3A_541 = tpu.memref_slice %arg15[%dma_start3A_530] : memref<8x!tpu.dma_semaphore, #tpu.memory_space<semaphore_mem>> -> memref<1x!tpu.dma_semaphore, #tpu.memory_space<semaphore_mem>>
    %dma_start3A_542 = tpu.memref_squeeze %dma_start3A_541 : memref<1x!tpu.dma_semaphore, #tpu.memory_space<semaphore_mem>> -> memref<!tpu.dma_semaphore, #tpu.memory_space<semaphore_mem>>
    tpu.enqueue_indirect_dma source(%dma_start3A_534 : memref<32x128xf32, #tpu.memory_space<vmem>>) target(%dma_start3A_540 : memref<10000x128xf32, #tpu.memory_space<vmem_shared>>) offsets(%dma_start3A_537 : memref<32xi32, #tpu.memory_space<vmem>>) semaphore(%dma_start3A_542 : memref<!tpu.dma_semaphore, #tpu.memory_space<semaphore_mem>>) {add = true}
    %dma_wait3A_543 = arith.constant 2 : i32
    %dma_wait3A_544 = arith.constant 2 : i32
    %dma_wait3A_545 = arith.constant 2 : i32
    %dma_wait3A_546 = arith.constant 0 : i32
    %dma_wait3A_547 = arith.constant 0 : i32
    %dma_wait3A_548 = tpu.memref_slice %arg6[%dma_wait3A_544, %dma_wait3A_546, %dma_wait3A_547] : memref<8x32x128xf32, #tpu.memory_space<vmem>> -> memref<1x32x128xf32, #tpu.memory_space<vmem>>
    %dma_wait3A_549 = tpu.memref_squeeze %dma_wait3A_548 : memref<1x32x128xf32, #tpu.memory_space<vmem>> -> memref<32x128xf32, #tpu.memory_space<vmem>>
    %dma_wait3A_550 = arith.constant 0 : i32
    %dma_wait3A_551 = tpu.memref_slice %arg7[%dma_wait3A_543, %dma_wait3A_550] : memref<8x32xi32, #tpu.memory_space<vmem>> -> memref<1x32xi32, #tpu.memory_space<vmem>>
    %dma_wait3A_552 = tpu.memref_squeeze %dma_wait3A_551 : memref<1x32xi32, #tpu.memory_space<vmem>> -> memref<32xi32, #tpu.memory_space<vmem>>
    %dma_wait3A_553 = arith.constant 0 : i32
    %dma_wait3A_554 = arith.constant 0 : i32
    %dma_wait3A_555 = tpu.memref_slice %arg3[%dma_wait3A_553, %dma_wait3A_554] : memref<10000x128xf32, #tpu.memory_space<hbm>> -> memref<10000x128xf32, #tpu.memory_space<hbm>>
    %dma_wait3A_556 = tpu.memref_slice %arg14[%dma_wait3A_545] : memref<8x!tpu.dma_semaphore, #tpu.memory_space<semaphore_mem>> -> memref<1x!tpu.dma_semaphore, #tpu.memory_space<semaphore_mem>>
    %dma_wait3A_557 = tpu.memref_squeeze %dma_wait3A_556 : memref<1x!tpu.dma_semaphore, #tpu.memory_space<semaphore_mem>> -> memref<!tpu.dma_semaphore, #tpu.memory_space<semaphore_mem>>
    tpu.wait_indirect_dma semaphore(%dma_wait3A_557 : memref<!tpu.dma_semaphore, #tpu.memory_space<semaphore_mem>>) src(%dma_wait3A_555 : memref<10000x128xf32, #tpu.memory_space<hbm>>) dst(%dma_wait3A_549 : memref<32x128xf32, #tpu.memory_space<vmem>>)
    %dma_start3A_558 = arith.constant 2 : i32
    %dma_start3A_559 = arith.constant 2 : i32
    %dma_start3A_560 = arith.constant 2 : i32
    %dma_start3A_561 = arith.constant 0 : i32
    %dma_start3A_562 = arith.constant 0 : i32
    %dma_start3A_563 = tpu.memref_slice %arg6[%dma_start3A_558, %dma_start3A_561, %dma_start3A_562] : memref<8x32x128xf32, #tpu.memory_space<vmem>> -> memref<1x32x128xf32, #tpu.memory_space<vmem>>
    %dma_start3A_564 = tpu.memref_squeeze %dma_start3A_563 : memref<1x32x128xf32, #tpu.memory_space<vmem>> -> memref<32x128xf32, #tpu.memory_space<vmem>>
    %dma_start3A_565 = arith.constant 0 : i32
    %dma_start3A_566 = tpu.memref_slice %arg8[%dma_start3A_559, %dma_start3A_565] : memref<16x32xi32, #tpu.memory_space<vmem>> -> memref<1x32xi32, #tpu.memory_space<vmem>>
    %dma_start3A_567 = tpu.memref_squeeze %dma_start3A_566 : memref<1x32xi32, #tpu.memory_space<vmem>> -> memref<32xi32, #tpu.memory_space<vmem>>
    %dma_start3A_568 = arith.constant 0 : i32
    %dma_start3A_569 = arith.constant 0 : i32
    %dma_start3A_570 = tpu.memref_slice %arg13[%dma_start3A_568, %dma_start3A_569] : memref<10000x128xf32, #tpu.memory_space<vmem_shared>> -> memref<10000x128xf32, #tpu.memory_space<vmem_shared>>
    %dma_start3A_571 = tpu.memref_slice %arg15[%dma_start3A_560] : memref<8x!tpu.dma_semaphore, #tpu.memory_space<semaphore_mem>> -> memref<1x!tpu.dma_semaphore, #tpu.memory_space<semaphore_mem>>
    %dma_start3A_572 = tpu.memref_squeeze %dma_start3A_571 : memref<1x!tpu.dma_semaphore, #tpu.memory_space<semaphore_mem>> -> memref<!tpu.dma_semaphore, #tpu.memory_space<semaphore_mem>>
    tpu.enqueue_indirect_dma source(%dma_start3A_564 : memref<32x128xf32, #tpu.memory_space<vmem>>) target(%dma_start3A_570 : memref<10000x128xf32, #tpu.memory_space<vmem_shared>>) offsets(%dma_start3A_567 : memref<32xi32, #tpu.memory_space<vmem>>) semaphore(%dma_start3A_572 : memref<!tpu.dma_semaphore, #tpu.memory_space<semaphore_mem>>) {add = true}
    %dma_wait3A_573 = arith.constant 3 : i32
    %dma_wait3A_574 = arith.constant 3 : i32
    %dma_wait3A_575 = arith.constant 3 : i32
    %dma_wait3A_576 = arith.constant 0 : i32
    %dma_wait3A_577 = arith.constant 0 : i32
    %dma_wait3A_578 = tpu.memref_slice %arg6[%dma_wait3A_574, %dma_wait3A_576, %dma_wait3A_577] : memref<8x32x128xf32, #tpu.memory_space<vmem>> -> memref<1x32x128xf32, #tpu.memory_space<vmem>>
    %dma_wait3A_579 = tpu.memref_squeeze %dma_wait3A_578 : memref<1x32x128xf32, #tpu.memory_space<vmem>> -> memref<32x128xf32, #tpu.memory_space<vmem>>
    %dma_wait3A_580 = arith.constant 0 : i32
    %dma_wait3A_581 = tpu.memref_slice %arg7[%dma_wait3A_573, %dma_wait3A_580] : memref<8x32xi32, #tpu.memory_space<vmem>> -> memref<1x32xi32, #tpu.memory_space<vmem>>
    %dma_wait3A_582 = tpu.memref_squeeze %dma_wait3A_581 : memref<1x32xi32, #tpu.memory_space<vmem>> -> memref<32xi32, #tpu.memory_space<vmem>>
    %dma_wait3A_583 = arith.constant 0 : i32
    %dma_wait3A_584 = arith.constant 0 : i32
    %dma_wait3A_585 = tpu.memref_slice %arg3[%dma_wait3A_583, %dma_wait3A_584] : memref<10000x128xf32, #tpu.memory_space<hbm>> -> memref<10000x128xf32, #tpu.memory_space<hbm>>
    %dma_wait3A_586 = tpu.memref_slice %arg14[%dma_wait3A_575] : memref<8x!tpu.dma_semaphore, #tpu.memory_space<semaphore_mem>> -> memref<1x!tpu.dma_semaphore, #tpu.memory_space<semaphore_mem>>
    %dma_wait3A_587 = tpu.memref_squeeze %dma_wait3A_586 : memref<1x!tpu.dma_semaphore, #tpu.memory_space<semaphore_mem>> -> memref<!tpu.dma_semaphore, #tpu.memory_space<semaphore_mem>>
    tpu.wait_indirect_dma semaphore(%dma_wait3A_587 : memref<!tpu.dma_semaphore, #tpu.memory_space<semaphore_mem>>) src(%dma_wait3A_585 : memref<10000x128xf32, #tpu.memory_space<hbm>>) dst(%dma_wait3A_579 : memref<32x128xf32, #tpu.memory_space<vmem>>)
    %dma_start3A_588 = arith.constant 3 : i32
    %dma_start3A_589 = arith.constant 3 : i32
    %dma_start3A_590 = arith.constant 3 : i32
    %dma_start3A_591 = arith.constant 0 : i32
    %dma_start3A_592 = arith.constant 0 : i32
    %dma_start3A_593 = tpu.memref_slice %arg6[%dma_start3A_588, %dma_start3A_591, %dma_start3A_592] : memref<8x32x128xf32, #tpu.memory_space<vmem>> -> memref<1x32x128xf32, #tpu.memory_space<vmem>>
    %dma_start3A_594 = tpu.memref_squeeze %dma_start3A_593 : memref<1x32x128xf32, #tpu.memory_space<vmem>> -> memref<32x128xf32, #tpu.memory_space<vmem>>
    %dma_start3A_595 = arith.constant 0 : i32
    %dma_start3A_596 = tpu.memref_slice %arg8[%dma_start3A_589, %dma_start3A_595] : memref<16x32xi32, #tpu.memory_space<vmem>> -> memref<1x32xi32, #tpu.memory_space<vmem>>
    %dma_start3A_597 = tpu.memref_squeeze %dma_start3A_596 : memref<1x32xi32, #tpu.memory_space<vmem>> -> memref<32xi32, #tpu.memory_space<vmem>>
    %dma_start3A_598 = arith.constant 0 : i32
    %dma_start3A_599 = arith.constant 0 : i32
    %dma_start3A_600 = tpu.memref_slice %arg13[%dma_start3A_598, %dma_start3A_599] : memref<10000x128xf32, #tpu.memory_space<vmem_shared>> -> memref<10000x128xf32, #tpu.memory_space<vmem_shared>>
    %dma_start3A_601 = tpu.memref_slice %arg15[%dma_start3A_590] : memref<8x!tpu.dma_semaphore, #tpu.memory_space<semaphore_mem>> -> memref<1x!tpu.dma_semaphore, #tpu.memory_space<semaphore_mem>>
    %dma_start3A_602 = tpu.memref_squeeze %dma_start3A_601 : memref<1x!tpu.dma_semaphore, #tpu.memory_space<semaphore_mem>> -> memref<!tpu.dma_semaphore, #tpu.memory_space<semaphore_mem>>
    tpu.enqueue_indirect_dma source(%dma_start3A_594 : memref<32x128xf32, #tpu.memory_space<vmem>>) target(%dma_start3A_600 : memref<10000x128xf32, #tpu.memory_space<vmem_shared>>) offsets(%dma_start3A_597 : memref<32xi32, #tpu.memory_space<vmem>>) semaphore(%dma_start3A_602 : memref<!tpu.dma_semaphore, #tpu.memory_space<semaphore_mem>>) {add = true}
    %dma_wait3A_603 = arith.constant 4 : i32
    %dma_wait3A_604 = arith.constant 4 : i32
    %dma_wait3A_605 = arith.constant 4 : i32
    %dma_wait3A_606 = arith.constant 0 : i32
    %dma_wait3A_607 = arith.constant 0 : i32
    %dma_wait3A_608 = tpu.memref_slice %arg6[%dma_wait3A_604, %dma_wait3A_606, %dma_wait3A_607] : memref<8x32x128xf32, #tpu.memory_space<vmem>> -> memref<1x32x128xf32, #tpu.memory_space<vmem>>
    %dma_wait3A_609 = tpu.memref_squeeze %dma_wait3A_608 : memref<1x32x128xf32, #tpu.memory_space<vmem>> -> memref<32x128xf32, #tpu.memory_space<vmem>>
    %dma_wait3A_610 = arith.constant 0 : i32
    %dma_wait3A_611 = tpu.memref_slice %arg7[%dma_wait3A_603, %dma_wait3A_610] : memref<8x32xi32, #tpu.memory_space<vmem>> -> memref<1x32xi32, #tpu.memory_space<vmem>>
    %dma_wait3A_612 = tpu.memref_squeeze %dma_wait3A_611 : memref<1x32xi32, #tpu.memory_space<vmem>> -> memref<32xi32, #tpu.memory_space<vmem>>
    %dma_wait3A_613 = arith.constant 0 : i32
    %dma_wait3A_614 = arith.constant 0 : i32
    %dma_wait3A_615 = tpu.memref_slice %arg3[%dma_wait3A_613, %dma_wait3A_614] : memref<10000x128xf32, #tpu.memory_space<hbm>> -> memref<10000x128xf32, #tpu.memory_space<hbm>>
    %dma_wait3A_616 = tpu.memref_slice %arg14[%dma_wait3A_605] : memref<8x!tpu.dma_semaphore, #tpu.memory_space<semaphore_mem>> -> memref<1x!tpu.dma_semaphore, #tpu.memory_space<semaphore_mem>>
    %dma_wait3A_617 = tpu.memref_squeeze %dma_wait3A_616 : memref<1x!tpu.dma_semaphore, #tpu.memory_space<semaphore_mem>> -> memref<!tpu.dma_semaphore, #tpu.memory_space<semaphore_mem>>
    tpu.wait_indirect_dma semaphore(%dma_wait3A_617 : memref<!tpu.dma_semaphore, #tpu.memory_space<semaphore_mem>>) src(%dma_wait3A_615 : memref<10000x128xf32, #tpu.memory_space<hbm>>) dst(%dma_wait3A_609 : memref<32x128xf32, #tpu.memory_space<vmem>>)
    %dma_start3A_618 = arith.constant 4 : i32
    %dma_start3A_619 = arith.constant 4 : i32
    %dma_start3A_620 = arith.constant 4 : i32
    %dma_start3A_621 = arith.constant 0 : i32
    %dma_start3A_622 = arith.constant 0 : i32
    %dma_start3A_623 = tpu.memref_slice %arg6[%dma_start3A_618, %dma_start3A_621, %dma_start3A_622] : memref<8x32x128xf32, #tpu.memory_space<vmem>> -> memref<1x32x128xf32, #tpu.memory_space<vmem>>
    %dma_start3A_624 = tpu.memref_squeeze %dma_start3A_623 : memref<1x32x128xf32, #tpu.memory_space<vmem>> -> memref<32x128xf32, #tpu.memory_space<vmem>>
    %dma_start3A_625 = arith.constant 0 : i32
    %dma_start3A_626 = tpu.memref_slice %arg8[%dma_start3A_619, %dma_start3A_625] : memref<16x32xi32, #tpu.memory_space<vmem>> -> memref<1x32xi32, #tpu.memory_space<vmem>>
    %dma_start3A_627 = tpu.memref_squeeze %dma_start3A_626 : memref<1x32xi32, #tpu.memory_space<vmem>> -> memref<32xi32, #tpu.memory_space<vmem>>
    %dma_start3A_628 = arith.constant 0 : i32
    %dma_start3A_629 = arith.constant 0 : i32
    %dma_start3A_630 = tpu.memref_slice %arg13[%dma_start3A_628, %dma_start3A_629] : memref<10000x128xf32, #tpu.memory_space<vmem_shared>> -> memref<10000x128xf32, #tpu.memory_space<vmem_shared>>
    %dma_start3A_631 = tpu.memref_slice %arg15[%dma_start3A_620] : memref<8x!tpu.dma_semaphore, #tpu.memory_space<semaphore_mem>> -> memref<1x!tpu.dma_semaphore, #tpu.memory_space<semaphore_mem>>
    %dma_start3A_632 = tpu.memref_squeeze %dma_start3A_631 : memref<1x!tpu.dma_semaphore, #tpu.memory_space<semaphore_mem>> -> memref<!tpu.dma_semaphore, #tpu.memory_space<semaphore_mem>>
    tpu.enqueue_indirect_dma source(%dma_start3A_624 : memref<32x128xf32, #tpu.memory_space<vmem>>) target(%dma_start3A_630 : memref<10000x128xf32, #tpu.memory_space<vmem_shared>>) offsets(%dma_start3A_627 : memref<32xi32, #tpu.memory_space<vmem>>) semaphore(%dma_start3A_632 : memref<!tpu.dma_semaphore, #tpu.memory_space<semaphore_mem>>) {add = true}
    %dma_wait3A_633 = arith.constant 5 : i32
    %dma_wait3A_634 = arith.constant 5 : i32
    %dma_wait3A_635 = arith.constant 5 : i32
    %dma_wait3A_636 = arith.constant 0 : i32
    %dma_wait3A_637 = arith.constant 0 : i32
    %dma_wait3A_638 = tpu.memref_slice %arg6[%dma_wait3A_634, %dma_wait3A_636, %dma_wait3A_637] : memref<8x32x128xf32, #tpu.memory_space<vmem>> -> memref<1x32x128xf32, #tpu.memory_space<vmem>>
    %dma_wait3A_639 = tpu.memref_squeeze %dma_wait3A_638 : memref<1x32x128xf32, #tpu.memory_space<vmem>> -> memref<32x128xf32, #tpu.memory_space<vmem>>
    %dma_wait3A_640 = arith.constant 0 : i32
    %dma_wait3A_641 = tpu.memref_slice %arg7[%dma_wait3A_633, %dma_wait3A_640] : memref<8x32xi32, #tpu.memory_space<vmem>> -> memref<1x32xi32, #tpu.memory_space<vmem>>
    %dma_wait3A_642 = tpu.memref_squeeze %dma_wait3A_641 : memref<1x32xi32, #tpu.memory_space<vmem>> -> memref<32xi32, #tpu.memory_space<vmem>>
    %dma_wait3A_643 = arith.constant 0 : i32
    %dma_wait3A_644 = arith.constant 0 : i32
    %dma_wait3A_645 = tpu.memref_slice %arg3[%dma_wait3A_643, %dma_wait3A_644] : memref<10000x128xf32, #tpu.memory_space<hbm>> -> memref<10000x128xf32, #tpu.memory_space<hbm>>
    %dma_wait3A_646 = tpu.memref_slice %arg14[%dma_wait3A_635] : memref<8x!tpu.dma_semaphore, #tpu.memory_space<semaphore_mem>> -> memref<1x!tpu.dma_semaphore, #tpu.memory_space<semaphore_mem>>
    %dma_wait3A_647 = tpu.memref_squeeze %dma_wait3A_646 : memref<1x!tpu.dma_semaphore, #tpu.memory_space<semaphore_mem>> -> memref<!tpu.dma_semaphore, #tpu.memory_space<semaphore_mem>>
    tpu.wait_indirect_dma semaphore(%dma_wait3A_647 : memref<!tpu.dma_semaphore, #tpu.memory_space<semaphore_mem>>) src(%dma_wait3A_645 : memref<10000x128xf32, #tpu.memory_space<hbm>>) dst(%dma_wait3A_639 : memref<32x128xf32, #tpu.memory_space<vmem>>)
    %dma_start3A_648 = arith.constant 5 : i32
    %dma_start3A_649 = arith.constant 5 : i32
    %dma_start3A_650 = arith.constant 5 : i32
    %dma_start3A_651 = arith.constant 0 : i32
    %dma_start3A_652 = arith.constant 0 : i32
    %dma_start3A_653 = tpu.memref_slice %arg6[%dma_start3A_648, %dma_start3A_651, %dma_start3A_652] : memref<8x32x128xf32, #tpu.memory_space<vmem>> -> memref<1x32x128xf32, #tpu.memory_space<vmem>>
    %dma_start3A_654 = tpu.memref_squeeze %dma_start3A_653 : memref<1x32x128xf32, #tpu.memory_space<vmem>> -> memref<32x128xf32, #tpu.memory_space<vmem>>
    %dma_start3A_655 = arith.constant 0 : i32
    %dma_start3A_656 = tpu.memref_slice %arg8[%dma_start3A_649, %dma_start3A_655] : memref<16x32xi32, #tpu.memory_space<vmem>> -> memref<1x32xi32, #tpu.memory_space<vmem>>
    %dma_start3A_657 = tpu.memref_squeeze %dma_start3A_656 : memref<1x32xi32, #tpu.memory_space<vmem>> -> memref<32xi32, #tpu.memory_space<vmem>>
    %dma_start3A_658 = arith.constant 0 : i32
    %dma_start3A_659 = arith.constant 0 : i32
    %dma_start3A_660 = tpu.memref_slice %arg13[%dma_start3A_658, %dma_start3A_659] : memref<10000x128xf32, #tpu.memory_space<vmem_shared>> -> memref<10000x128xf32, #tpu.memory_space<vmem_shared>>
    %dma_start3A_661 = tpu.memref_slice %arg15[%dma_start3A_650] : memref<8x!tpu.dma_semaphore, #tpu.memory_space<semaphore_mem>> -> memref<1x!tpu.dma_semaphore, #tpu.memory_space<semaphore_mem>>
    %dma_start3A_662 = tpu.memref_squeeze %dma_start3A_661 : memref<1x!tpu.dma_semaphore, #tpu.memory_space<semaphore_mem>> -> memref<!tpu.dma_semaphore, #tpu.memory_space<semaphore_mem>>
    tpu.enqueue_indirect_dma source(%dma_start3A_654 : memref<32x128xf32, #tpu.memory_space<vmem>>) target(%dma_start3A_660 : memref<10000x128xf32, #tpu.memory_space<vmem_shared>>) offsets(%dma_start3A_657 : memref<32xi32, #tpu.memory_space<vmem>>) semaphore(%dma_start3A_662 : memref<!tpu.dma_semaphore, #tpu.memory_space<semaphore_mem>>) {add = true}
    %dma_wait3A_663 = arith.constant 6 : i32
    %dma_wait3A_664 = arith.constant 6 : i32
    %dma_wait3A_665 = arith.constant 6 : i32
    %dma_wait3A_666 = arith.constant 0 : i32
    %dma_wait3A_667 = arith.constant 0 : i32
    %dma_wait3A_668 = tpu.memref_slice %arg6[%dma_wait3A_664, %dma_wait3A_666, %dma_wait3A_667] : memref<8x32x128xf32, #tpu.memory_space<vmem>> -> memref<1x32x128xf32, #tpu.memory_space<vmem>>
    %dma_wait3A_669 = tpu.memref_squeeze %dma_wait3A_668 : memref<1x32x128xf32, #tpu.memory_space<vmem>> -> memref<32x128xf32, #tpu.memory_space<vmem>>
    %dma_wait3A_670 = arith.constant 0 : i32
    %dma_wait3A_671 = tpu.memref_slice %arg7[%dma_wait3A_663, %dma_wait3A_670] : memref<8x32xi32, #tpu.memory_space<vmem>> -> memref<1x32xi32, #tpu.memory_space<vmem>>
    %dma_wait3A_672 = tpu.memref_squeeze %dma_wait3A_671 : memref<1x32xi32, #tpu.memory_space<vmem>> -> memref<32xi32, #tpu.memory_space<vmem>>
    %dma_wait3A_673 = arith.constant 0 : i32
    %dma_wait3A_674 = arith.constant 0 : i32
    %dma_wait3A_675 = tpu.memref_slice %arg3[%dma_wait3A_673, %dma_wait3A_674] : memref<10000x128xf32, #tpu.memory_space<hbm>> -> memref<10000x128xf32, #tpu.memory_space<hbm>>
    %dma_wait3A_676 = tpu.memref_slice %arg14[%dma_wait3A_665] : memref<8x!tpu.dma_semaphore, #tpu.memory_space<semaphore_mem>> -> memref<1x!tpu.dma_semaphore, #tpu.memory_space<semaphore_mem>>
    %dma_wait3A_677 = tpu.memref_squeeze %dma_wait3A_676 : memref<1x!tpu.dma_semaphore, #tpu.memory_space<semaphore_mem>> -> memref<!tpu.dma_semaphore, #tpu.memory_space<semaphore_mem>>
    tpu.wait_indirect_dma semaphore(%dma_wait3A_677 : memref<!tpu.dma_semaphore, #tpu.memory_space<semaphore_mem>>) src(%dma_wait3A_675 : memref<10000x128xf32, #tpu.memory_space<hbm>>) dst(%dma_wait3A_669 : memref<32x128xf32, #tpu.memory_space<vmem>>)
    %dma_start3A_678 = arith.constant 6 : i32
    %dma_start3A_679 = arith.constant 6 : i32
    %dma_start3A_680 = arith.constant 6 : i32
    %dma_start3A_681 = arith.constant 0 : i32
    %dma_start3A_682 = arith.constant 0 : i32
    %dma_start3A_683 = tpu.memref_slice %arg6[%dma_start3A_678, %dma_start3A_681, %dma_start3A_682] : memref<8x32x128xf32, #tpu.memory_space<vmem>> -> memref<1x32x128xf32, #tpu.memory_space<vmem>>
    %dma_start3A_684 = tpu.memref_squeeze %dma_start3A_683 : memref<1x32x128xf32, #tpu.memory_space<vmem>> -> memref<32x128xf32, #tpu.memory_space<vmem>>
    %dma_start3A_685 = arith.constant 0 : i32
    %dma_start3A_686 = tpu.memref_slice %arg8[%dma_start3A_679, %dma_start3A_685] : memref<16x32xi32, #tpu.memory_space<vmem>> -> memref<1x32xi32, #tpu.memory_space<vmem>>
    %dma_start3A_687 = tpu.memref_squeeze %dma_start3A_686 : memref<1x32xi32, #tpu.memory_space<vmem>> -> memref<32xi32, #tpu.memory_space<vmem>>
    %dma_start3A_688 = arith.constant 0 : i32
    %dma_start3A_689 = arith.constant 0 : i32
    %dma_start3A_690 = tpu.memref_slice %arg13[%dma_start3A_688, %dma_start3A_689] : memref<10000x128xf32, #tpu.memory_space<vmem_shared>> -> memref<10000x128xf32, #tpu.memory_space<vmem_shared>>
    %dma_start3A_691 = tpu.memref_slice %arg15[%dma_start3A_680] : memref<8x!tpu.dma_semaphore, #tpu.memory_space<semaphore_mem>> -> memref<1x!tpu.dma_semaphore, #tpu.memory_space<semaphore_mem>>
    %dma_start3A_692 = tpu.memref_squeeze %dma_start3A_691 : memref<1x!tpu.dma_semaphore, #tpu.memory_space<semaphore_mem>> -> memref<!tpu.dma_semaphore, #tpu.memory_space<semaphore_mem>>
    tpu.enqueue_indirect_dma source(%dma_start3A_684 : memref<32x128xf32, #tpu.memory_space<vmem>>) target(%dma_start3A_690 : memref<10000x128xf32, #tpu.memory_space<vmem_shared>>) offsets(%dma_start3A_687 : memref<32xi32, #tpu.memory_space<vmem>>) semaphore(%dma_start3A_692 : memref<!tpu.dma_semaphore, #tpu.memory_space<semaphore_mem>>) {add = true}
    %dma_wait3A_693 = arith.constant 7 : i32
    %dma_wait3A_694 = arith.constant 7 : i32
    %dma_wait3A_695 = arith.constant 7 : i32
    %dma_wait3A_696 = arith.constant 0 : i32
    %dma_wait3A_697 = arith.constant 0 : i32
    %dma_wait3A_698 = tpu.memref_slice %arg6[%dma_wait3A_694, %dma_wait3A_696, %dma_wait3A_697] : memref<8x32x128xf32, #tpu.memory_space<vmem>> -> memref<1x32x128xf32, #tpu.memory_space<vmem>>
    %dma_wait3A_699 = tpu.memref_squeeze %dma_wait3A_698 : memref<1x32x128xf32, #tpu.memory_space<vmem>> -> memref<32x128xf32, #tpu.memory_space<vmem>>
    %dma_wait3A_700 = arith.constant 0 : i32
    %dma_wait3A_701 = tpu.memref_slice %arg7[%dma_wait3A_693, %dma_wait3A_700] : memref<8x32xi32, #tpu.memory_space<vmem>> -> memref<1x32xi32, #tpu.memory_space<vmem>>
    %dma_wait3A_702 = tpu.memref_squeeze %dma_wait3A_701 : memref<1x32xi32, #tpu.memory_space<vmem>> -> memref<32xi32, #tpu.memory_space<vmem>>
    %dma_wait3A_703 = arith.constant 0 : i32
    %dma_wait3A_704 = arith.constant 0 : i32
    %dma_wait3A_705 = tpu.memref_slice %arg3[%dma_wait3A_703, %dma_wait3A_704] : memref<10000x128xf32, #tpu.memory_space<hbm>> -> memref<10000x128xf32, #tpu.memory_space<hbm>>
    %dma_wait3A_706 = tpu.memref_slice %arg14[%dma_wait3A_695] : memref<8x!tpu.dma_semaphore, #tpu.memory_space<semaphore_mem>> -> memref<1x!tpu.dma_semaphore, #tpu.memory_space<semaphore_mem>>
    %dma_wait3A_707 = tpu.memref_squeeze %dma_wait3A_706 : memref<1x!tpu.dma_semaphore, #tpu.memory_space<semaphore_mem>> -> memref<!tpu.dma_semaphore, #tpu.memory_space<semaphore_mem>>
    tpu.wait_indirect_dma semaphore(%dma_wait3A_707 : memref<!tpu.dma_semaphore, #tpu.memory_space<semaphore_mem>>) src(%dma_wait3A_705 : memref<10000x128xf32, #tpu.memory_space<hbm>>) dst(%dma_wait3A_699 : memref<32x128xf32, #tpu.memory_space<vmem>>)
    %dma_start3A_708 = arith.constant 7 : i32
    %dma_start3A_709 = arith.constant 7 : i32
    %dma_start3A_710 = arith.constant 7 : i32
    %dma_start3A_711 = arith.constant 0 : i32
    %dma_start3A_712 = arith.constant 0 : i32
    %dma_start3A_713 = tpu.memref_slice %arg6[%dma_start3A_708, %dma_start3A_711, %dma_start3A_712] : memref<8x32x128xf32, #tpu.memory_space<vmem>> -> memref<1x32x128xf32, #tpu.memory_space<vmem>>
    %dma_start3A_714 = tpu.memref_squeeze %dma_start3A_713 : memref<1x32x128xf32, #tpu.memory_space<vmem>> -> memref<32x128xf32, #tpu.memory_space<vmem>>
    %dma_start3A_715 = arith.constant 0 : i32
    %dma_start3A_716 = tpu.memref_slice %arg8[%dma_start3A_709, %dma_start3A_715] : memref<16x32xi32, #tpu.memory_space<vmem>> -> memref<1x32xi32, #tpu.memory_space<vmem>>
    %dma_start3A_717 = tpu.memref_squeeze %dma_start3A_716 : memref<1x32xi32, #tpu.memory_space<vmem>> -> memref<32xi32, #tpu.memory_space<vmem>>
    %dma_start3A_718 = arith.constant 0 : i32
    %dma_start3A_719 = arith.constant 0 : i32
    %dma_start3A_720 = tpu.memref_slice %arg13[%dma_start3A_718, %dma_start3A_719] : memref<10000x128xf32, #tpu.memory_space<vmem_shared>> -> memref<10000x128xf32, #tpu.memory_space<vmem_shared>>
    %dma_start3A_721 = tpu.memref_slice %arg15[%dma_start3A_710] : memref<8x!tpu.dma_semaphore, #tpu.memory_space<semaphore_mem>> -> memref<1x!tpu.dma_semaphore, #tpu.memory_space<semaphore_mem>>
    %dma_start3A_722 = tpu.memref_squeeze %dma_start3A_721 : memref<1x!tpu.dma_semaphore, #tpu.memory_space<semaphore_mem>> -> memref<!tpu.dma_semaphore, #tpu.memory_space<semaphore_mem>>
    tpu.enqueue_indirect_dma source(%dma_start3A_714 : memref<32x128xf32, #tpu.memory_space<vmem>>) target(%dma_start3A_720 : memref<10000x128xf32, #tpu.memory_space<vmem_shared>>) offsets(%dma_start3A_717 : memref<32xi32, #tpu.memory_space<vmem>>) semaphore(%dma_start3A_722 : memref<!tpu.dma_semaphore, #tpu.memory_space<semaphore_mem>>) {add = true}
    %get3A_723 = arith.constant 9984 : index
    %get3A_724 = tpu.vector_load %arg5[%get3A_723] {strides = array<i32>} : memref<10000xi32, #tpu.memory_space<vmem>>, vector<16xi32>,
    %get3A_725 = vector.shape_cast %get3A_724 : vector<16xi32> to vector<16xi32>
    %and3A_726 = arith.constant 65535 : i32
    %and3A_727 = vector.broadcast %and3A_726 : i32 to vector<16xi32>
    %and3A_728 = arith.andi %get3A_725, %and3A_727 : vector<16xi32>
    %swap3A_729 = arith.constant 0 : index
    %swap3A_730 = tpu.vector_load %arg9[%swap3A_729] {strides = array<i32>} : memref<16xi32, #tpu.memory_space<vmem>>, vector<16xi32>,
    %swap3A_731 = vector.shape_cast %swap3A_730 : vector<16xi32> to vector<16xi32>
    %swap3A_732 = vector.shape_cast %and3A_728 : vector<16xi32> to vector<16xi32>
    tpu.vector_store %arg9[%swap3A_729], %swap3A_732 {strides = array<i32>} : memref<16xi32, #tpu.memory_space<vmem>>, vector<16xi32>,
    %shift_right_arithmetic3A_733 = arith.constant 16 : i32
    %shift_right_arithmetic3A_734 = vector.broadcast %shift_right_arithmetic3A_733 : i32 to vector<16xi32>
    %shift_right_arithmetic3A_735 = arith.shrsi %get3A_725, %shift_right_arithmetic3A_734 : vector<16xi32>
    %swap3A_736 = arith.constant 0 : index
    %swap3A_737 = tpu.vector_load %arg10[%swap3A_736] {strides = array<i32>} : memref<16xi32, #tpu.memory_space<vmem>>, vector<16xi32>,
    %swap3A_738 = vector.shape_cast %swap3A_737 : vector<16xi32> to vector<16xi32>
    %swap3A_739 = vector.shape_cast %shift_right_arithmetic3A_735 : vector<16xi32> to vector<16xi32>
    tpu.vector_store %arg10[%swap3A_736], %swap3A_739 {strides = array<i32>} : memref<16xi32, #tpu.memory_space<vmem>>, vector<16xi32>,
    %dma_start3A_740 = arith.constant 0 : i32
    %dma_start3A_741 = arith.constant 0 : i32
    %dma_start3A_742 = tpu.memref_slice %arg3[%dma_start3A_740, %dma_start3A_741] : memref<10000x128xf32, #tpu.memory_space<hbm>> -> memref<10000x128xf32, #tpu.memory_space<hbm>>
    tpu.enqueue_indirect_dma source(%dma_start3A_742 : memref<10000x128xf32, #tpu.memory_space<hbm>>) target(%arg11 : memref<16x128xf32, #tpu.memory_space<vmem>>) offsets(%arg9 : memref<16xi32, #tpu.memory_space<vmem>>) semaphore(%arg16 : memref<!tpu.dma_semaphore, #tpu.memory_space<semaphore_mem>>)
    %dma_wait3A_743 = arith.constant 0 : i32
    %dma_wait3A_744 = arith.constant 0 : i32
    %dma_wait3A_745 = tpu.memref_slice %arg3[%dma_wait3A_743, %dma_wait3A_744] : memref<10000x128xf32, #tpu.memory_space<hbm>> -> memref<10000x128xf32, #tpu.memory_space<hbm>>
    tpu.wait_indirect_dma semaphore(%arg16 : memref<!tpu.dma_semaphore, #tpu.memory_space<semaphore_mem>>) src(%dma_wait3A_745 : memref<10000x128xf32, #tpu.memory_space<hbm>>) dst(%arg11 : memref<16x128xf32, #tpu.memory_space<vmem>>)
    "tpu.region"() ({
      %run_scoped3A = tpu.sem_alloc : memref<!tpu.dma_semaphore, #tpu.memory_space<semaphore_mem>>
      %dma_start3A_888 = arith.constant 0 : i32
      %dma_start3A_889 = arith.constant 0 : i32
      %dma_start3A_890 = tpu.memref_slice %arg13[%dma_start3A_888, %dma_start3A_889] : memref<10000x128xf32, #tpu.memory_space<vmem_shared>> -> memref<10000x128xf32, #tpu.memory_space<vmem_shared>>
      tpu.enqueue_indirect_dma source(%arg11 : memref<16x128xf32, #tpu.memory_space<vmem>>) target(%dma_start3A_890 : memref<10000x128xf32, #tpu.memory_space<vmem_shared>>) offsets(%arg10 : memref<16xi32, #tpu.memory_space<vmem>>) semaphore(%run_scoped3A : memref<!tpu.dma_semaphore, #tpu.memory_space<semaphore_mem>>) {add = true}
      %dma_wait3A_891 = arith.constant 0 : i32
      %dma_wait3A_892 = arith.constant 0 : i32
      %dma_wait3A_893 = tpu.memref_slice %arg13[%dma_wait3A_891, %dma_wait3A_892] : memref<10000x128xf32, #tpu.memory_space<vmem_shared>> -> memref<10000x128xf32, #tpu.memory_space<vmem_shared>>
      tpu.wait_indirect_dma semaphore(%run_scoped3A : memref<!tpu.dma_semaphore, #tpu.memory_space<semaphore_mem>>) src(%arg11 : memref<16x128xf32, #tpu.memory_space<vmem>>) dst(%dma_wait3A_893 : memref<10000x128xf32, #tpu.memory_space<vmem_shared>>)
      tpu.yield
    }) : () -> ()
    %dma_wait3A_746 = arith.constant 0 : i32
    %dma_wait3A_747 = arith.constant 0 : i32
    %dma_wait3A_748 = arith.constant 0 : i32
    %dma_wait3A_749 = arith.constant 0 : i32
    %dma_wait3A_750 = arith.constant 0 : i32
    %dma_wait3A_751 = tpu.memref_slice %arg6[%dma_wait3A_746, %dma_wait3A_749, %dma_wait3A_750] : memref<8x32x128xf32, #tpu.memory_space<vmem>> -> memref<1x32x128xf32, #tpu.memory_space<vmem>>
    %dma_wait3A_752 = tpu.memref_squeeze %dma_wait3A_751 : memref<1x32x128xf32, #tpu.memory_space<vmem>> -> memref<32x128xf32, #tpu.memory_space<vmem>>
    %dma_wait3A_753 = arith.constant 0 : i32
    %dma_wait3A_754 = tpu.memref_slice %arg8[%dma_wait3A_747, %dma_wait3A_753] : memref<16x32xi32, #tpu.memory_space<vmem>> -> memref<1x32xi32, #tpu.memory_space<vmem>>
    %dma_wait3A_755 = tpu.memref_squeeze %dma_wait3A_754 : memref<1x32xi32, #tpu.memory_space<vmem>> -> memref<32xi32, #tpu.memory_space<vmem>>
    %dma_wait3A_756 = arith.constant 0 : i32
    %dma_wait3A_757 = arith.constant 0 : i32
    %dma_wait3A_758 = tpu.memref_slice %arg13[%dma_wait3A_756, %dma_wait3A_757] : memref<10000x128xf32, #tpu.memory_space<vmem_shared>> -> memref<10000x128xf32, #tpu.memory_space<vmem_shared>>
    %dma_wait3A_759 = tpu.memref_slice %arg15[%dma_wait3A_748] : memref<8x!tpu.dma_semaphore, #tpu.memory_space<semaphore_mem>> -> memref<1x!tpu.dma_semaphore, #tpu.memory_space<semaphore_mem>>
    %dma_wait3A_760 = tpu.memref_squeeze %dma_wait3A_759 : memref<1x!tpu.dma_semaphore, #tpu.memory_space<semaphore_mem>> -> memref<!tpu.dma_semaphore, #tpu.memory_space<semaphore_mem>>
    tpu.wait_indirect_dma semaphore(%dma_wait3A_760 : memref<!tpu.dma_semaphore, #tpu.memory_space<semaphore_mem>>) src(%dma_wait3A_752 : memref<32x128xf32, #tpu.memory_space<vmem>>) dst(%dma_wait3A_758 : memref<10000x128xf32, #tpu.memory_space<vmem_shared>>)
    %dma_wait3A_761 = arith.constant 1 : i32
    %dma_wait3A_762 = arith.constant 1 : i32
    %dma_wait3A_763 = arith.constant 1 : i32
    %dma_wait3A_764 = arith.constant 0 : i32
    %dma_wait3A_765 = arith.constant 0 : i32
    %dma_wait3A_766 = tpu.memref_slice %arg6[%dma_wait3A_761, %dma_wait3A_764, %dma_wait3A_765] : memref<8x32x128xf32, #tpu.memory_space<vmem>> -> memref<1x32x128xf32, #tpu.memory_space<vmem>>
    %dma_wait3A_767 = tpu.memref_squeeze %dma_wait3A_766 : memref<1x32x128xf32, #tpu.memory_space<vmem>> -> memref<32x128xf32, #tpu.memory_space<vmem>>
    %dma_wait3A_768 = arith.constant 0 : i32
    %dma_wait3A_769 = tpu.memref_slice %arg8[%dma_wait3A_762, %dma_wait3A_768] : memref<16x32xi32, #tpu.memory_space<vmem>> -> memref<1x32xi32, #tpu.memory_space<vmem>>
    %dma_wait3A_770 = tpu.memref_squeeze %dma_wait3A_769 : memref<1x32xi32, #tpu.memory_space<vmem>> -> memref<32xi32, #tpu.memory_space<vmem>>
    %dma_wait3A_771 = arith.constant 0 : i32
    %dma_wait3A_772 = arith.constant 0 : i32
    %dma_wait3A_773 = tpu.memref_slice %arg13[%dma_wait3A_771, %dma_wait3A_772] : memref<10000x128xf32, #tpu.memory_space<vmem_shared>> -> memref<10000x128xf32, #tpu.memory_space<vmem_shared>>
    %dma_wait3A_774 = tpu.memref_slice %arg15[%dma_wait3A_763] : memref<8x!tpu.dma_semaphore, #tpu.memory_space<semaphore_mem>> -> memref<1x!tpu.dma_semaphore, #tpu.memory_space<semaphore_mem>>
    %dma_wait3A_775 = tpu.memref_squeeze %dma_wait3A_774 : memref<1x!tpu.dma_semaphore, #tpu.memory_space<semaphore_mem>> -> memref<!tpu.dma_semaphore, #tpu.memory_space<semaphore_mem>>
    tpu.wait_indirect_dma semaphore(%dma_wait3A_775 : memref<!tpu.dma_semaphore, #tpu.memory_space<semaphore_mem>>) src(%dma_wait3A_767 : memref<32x128xf32, #tpu.memory_space<vmem>>) dst(%dma_wait3A_773 : memref<10000x128xf32, #tpu.memory_space<vmem_shared>>)
    %dma_wait3A_776 = arith.constant 2 : i32
    %dma_wait3A_777 = arith.constant 2 : i32
    %dma_wait3A_778 = arith.constant 2 : i32
    %dma_wait3A_779 = arith.constant 0 : i32
    %dma_wait3A_780 = arith.constant 0 : i32
    %dma_wait3A_781 = tpu.memref_slice %arg6[%dma_wait3A_776, %dma_wait3A_779, %dma_wait3A_780] : memref<8x32x128xf32, #tpu.memory_space<vmem>> -> memref<1x32x128xf32, #tpu.memory_space<vmem>>
    %dma_wait3A_782 = tpu.memref_squeeze %dma_wait3A_781 : memref<1x32x128xf32, #tpu.memory_space<vmem>> -> memref<32x128xf32, #tpu.memory_space<vmem>>
    %dma_wait3A_783 = arith.constant 0 : i32
    %dma_wait3A_784 = tpu.memref_slice %arg8[%dma_wait3A_777, %dma_wait3A_783] : memref<16x32xi32, #tpu.memory_space<vmem>> -> memref<1x32xi32, #tpu.memory_space<vmem>>
    %dma_wait3A_785 = tpu.memref_squeeze %dma_wait3A_784 : memref<1x32xi32, #tpu.memory_space<vmem>> -> memref<32xi32, #tpu.memory_space<vmem>>
    %dma_wait3A_786 = arith.constant 0 : i32
    %dma_wait3A_787 = arith.constant 0 : i32
    %dma_wait3A_788 = tpu.memref_slice %arg13[%dma_wait3A_786, %dma_wait3A_787] : memref<10000x128xf32, #tpu.memory_space<vmem_shared>> -> memref<10000x128xf32, #tpu.memory_space<vmem_shared>>
    %dma_wait3A_789 = tpu.memref_slice %arg15[%dma_wait3A_778] : memref<8x!tpu.dma_semaphore, #tpu.memory_space<semaphore_mem>> -> memref<1x!tpu.dma_semaphore, #tpu.memory_space<semaphore_mem>>
    %dma_wait3A_790 = tpu.memref_squeeze %dma_wait3A_789 : memref<1x!tpu.dma_semaphore, #tpu.memory_space<semaphore_mem>> -> memref<!tpu.dma_semaphore, #tpu.memory_space<semaphore_mem>>
    tpu.wait_indirect_dma semaphore(%dma_wait3A_790 : memref<!tpu.dma_semaphore, #tpu.memory_space<semaphore_mem>>) src(%dma_wait3A_782 : memref<32x128xf32, #tpu.memory_space<vmem>>) dst(%dma_wait3A_788 : memref<10000x128xf32, #tpu.memory_space<vmem_shared>>)
    %dma_wait3A_791 = arith.constant 3 : i32
    %dma_wait3A_792 = arith.constant 3 : i32
    %dma_wait3A_793 = arith.constant 3 : i32
    %dma_wait3A_794 = arith.constant 0 : i32
    %dma_wait3A_795 = arith.constant 0 : i32
    %dma_wait3A_796 = tpu.memref_slice %arg6[%dma_wait3A_791, %dma_wait3A_794, %dma_wait3A_795] : memref<8x32x128xf32, #tpu.memory_space<vmem>> -> memref<1x32x128xf32, #tpu.memory_space<vmem>>
    %dma_wait3A_797 = tpu.memref_squeeze %dma_wait3A_796 : memref<1x32x128xf32, #tpu.memory_space<vmem>> -> memref<32x128xf32, #tpu.memory_space<vmem>>
    %dma_wait3A_798 = arith.constant 0 : i32
    %dma_wait3A_799 = tpu.memref_slice %arg8[%dma_wait3A_792, %dma_wait3A_798] : memref<16x32xi32, #tpu.memory_space<vmem>> -> memref<1x32xi32, #tpu.memory_space<vmem>>
    %dma_wait3A_800 = tpu.memref_squeeze %dma_wait3A_799 : memref<1x32xi32, #tpu.memory_space<vmem>> -> memref<32xi32, #tpu.memory_space<vmem>>
    %dma_wait3A_801 = arith.constant 0 : i32
    %dma_wait3A_802 = arith.constant 0 : i32
    %dma_wait3A_803 = tpu.memref_slice %arg13[%dma_wait3A_801, %dma_wait3A_802] : memref<10000x128xf32, #tpu.memory_space<vmem_shared>> -> memref<10000x128xf32, #tpu.memory_space<vmem_shared>>
    %dma_wait3A_804 = tpu.memref_slice %arg15[%dma_wait3A_793] : memref<8x!tpu.dma_semaphore, #tpu.memory_space<semaphore_mem>> -> memref<1x!tpu.dma_semaphore, #tpu.memory_space<semaphore_mem>>
    %dma_wait3A_805 = tpu.memref_squeeze %dma_wait3A_804 : memref<1x!tpu.dma_semaphore, #tpu.memory_space<semaphore_mem>> -> memref<!tpu.dma_semaphore, #tpu.memory_space<semaphore_mem>>
    tpu.wait_indirect_dma semaphore(%dma_wait3A_805 : memref<!tpu.dma_semaphore, #tpu.memory_space<semaphore_mem>>) src(%dma_wait3A_797 : memref<32x128xf32, #tpu.memory_space<vmem>>) dst(%dma_wait3A_803 : memref<10000x128xf32, #tpu.memory_space<vmem_shared>>)
    %dma_wait3A_806 = arith.constant 4 : i32
    %dma_wait3A_807 = arith.constant 4 : i32
    %dma_wait3A_808 = arith.constant 4 : i32
    %dma_wait3A_809 = arith.constant 0 : i32
    %dma_wait3A_810 = arith.constant 0 : i32
    %dma_wait3A_811 = tpu.memref_slice %arg6[%dma_wait3A_806, %dma_wait3A_809, %dma_wait3A_810] : memref<8x32x128xf32, #tpu.memory_space<vmem>> -> memref<1x32x128xf32, #tpu.memory_space<vmem>>
    %dma_wait3A_812 = tpu.memref_squeeze %dma_wait3A_811 : memref<1x32x128xf32, #tpu.memory_space<vmem>> -> memref<32x128xf32, #tpu.memory_space<vmem>>
    %dma_wait3A_813 = arith.constant 0 : i32
    %dma_wait3A_814 = tpu.memref_slice %arg8[%dma_wait3A_807, %dma_wait3A_813] : memref<16x32xi32, #tpu.memory_space<vmem>> -> memref<1x32xi32, #tpu.memory_space<vmem>>
    %dma_wait3A_815 = tpu.memref_squeeze %dma_wait3A_814 : memref<1x32xi32, #tpu.memory_space<vmem>> -> memref<32xi32, #tpu.memory_space<vmem>>
    %dma_wait3A_816 = arith.constant 0 : i32
    %dma_wait3A_817 = arith.constant 0 : i32
    %dma_wait3A_818 = tpu.memref_slice %arg13[%dma_wait3A_816, %dma_wait3A_817] : memref<10000x128xf32, #tpu.memory_space<vmem_shared>> -> memref<10000x128xf32, #tpu.memory_space<vmem_shared>>
    %dma_wait3A_819 = tpu.memref_slice %arg15[%dma_wait3A_808] : memref<8x!tpu.dma_semaphore, #tpu.memory_space<semaphore_mem>> -> memref<1x!tpu.dma_semaphore, #tpu.memory_space<semaphore_mem>>
    %dma_wait3A_820 = tpu.memref_squeeze %dma_wait3A_819 : memref<1x!tpu.dma_semaphore, #tpu.memory_space<semaphore_mem>> -> memref<!tpu.dma_semaphore, #tpu.memory_space<semaphore_mem>>
    tpu.wait_indirect_dma semaphore(%dma_wait3A_820 : memref<!tpu.dma_semaphore, #tpu.memory_space<semaphore_mem>>) src(%dma_wait3A_812 : memref<32x128xf32, #tpu.memory_space<vmem>>) dst(%dma_wait3A_818 : memref<10000x128xf32, #tpu.memory_space<vmem_shared>>)
    %dma_wait3A_821 = arith.constant 5 : i32
    %dma_wait3A_822 = arith.constant 5 : i32
    %dma_wait3A_823 = arith.constant 5 : i32
    %dma_wait3A_824 = arith.constant 0 : i32
    %dma_wait3A_825 = arith.constant 0 : i32
    %dma_wait3A_826 = tpu.memref_slice %arg6[%dma_wait3A_821, %dma_wait3A_824, %dma_wait3A_825] : memref<8x32x128xf32, #tpu.memory_space<vmem>> -> memref<1x32x128xf32, #tpu.memory_space<vmem>>
    %dma_wait3A_827 = tpu.memref_squeeze %dma_wait3A_826 : memref<1x32x128xf32, #tpu.memory_space<vmem>> -> memref<32x128xf32, #tpu.memory_space<vmem>>
    %dma_wait3A_828 = arith.constant 0 : i32
    %dma_wait3A_829 = tpu.memref_slice %arg8[%dma_wait3A_822, %dma_wait3A_828] : memref<16x32xi32, #tpu.memory_space<vmem>> -> memref<1x32xi32, #tpu.memory_space<vmem>>
    %dma_wait3A_830 = tpu.memref_squeeze %dma_wait3A_829 : memref<1x32xi32, #tpu.memory_space<vmem>> -> memref<32xi32, #tpu.memory_space<vmem>>
    %dma_wait3A_831 = arith.constant 0 : i32
    %dma_wait3A_832 = arith.constant 0 : i32
    %dma_wait3A_833 = tpu.memref_slice %arg13[%dma_wait3A_831, %dma_wait3A_832] : memref<10000x128xf32, #tpu.memory_space<vmem_shared>> -> memref<10000x128xf32, #tpu.memory_space<vmem_shared>>
    %dma_wait3A_834 = tpu.memref_slice %arg15[%dma_wait3A_823] : memref<8x!tpu.dma_semaphore, #tpu.memory_space<semaphore_mem>> -> memref<1x!tpu.dma_semaphore, #tpu.memory_space<semaphore_mem>>
    %dma_wait3A_835 = tpu.memref_squeeze %dma_wait3A_834 : memref<1x!tpu.dma_semaphore, #tpu.memory_space<semaphore_mem>> -> memref<!tpu.dma_semaphore, #tpu.memory_space<semaphore_mem>>
    tpu.wait_indirect_dma semaphore(%dma_wait3A_835 : memref<!tpu.dma_semaphore, #tpu.memory_space<semaphore_mem>>) src(%dma_wait3A_827 : memref<32x128xf32, #tpu.memory_space<vmem>>) dst(%dma_wait3A_833 : memref<10000x128xf32, #tpu.memory_space<vmem_shared>>)
    %dma_wait3A_836 = arith.constant 6 : i32
    %dma_wait3A_837 = arith.constant 6 : i32
    %dma_wait3A_838 = arith.constant 6 : i32
    %dma_wait3A_839 = arith.constant 0 : i32
    %dma_wait3A_840 = arith.constant 0 : i32
    %dma_wait3A_841 = tpu.memref_slice %arg6[%dma_wait3A_836, %dma_wait3A_839, %dma_wait3A_840] : memref<8x32x128xf32, #tpu.memory_space<vmem>> -> memref<1x32x128xf32, #tpu.memory_space<vmem>>
    %dma_wait3A_842 = tpu.memref_squeeze %dma_wait3A_841 : memref<1x32x128xf32, #tpu.memory_space<vmem>> -> memref<32x128xf32, #tpu.memory_space<vmem>>
    %dma_wait3A_843 = arith.constant 0 : i32
    %dma_wait3A_844 = tpu.memref_slice %arg8[%dma_wait3A_837, %dma_wait3A_843] : memref<16x32xi32, #tpu.memory_space<vmem>> -> memref<1x32xi32, #tpu.memory_space<vmem>>
    %dma_wait3A_845 = tpu.memref_squeeze %dma_wait3A_844 : memref<1x32xi32, #tpu.memory_space<vmem>> -> memref<32xi32, #tpu.memory_space<vmem>>
    %dma_wait3A_846 = arith.constant 0 : i32
    %dma_wait3A_847 = arith.constant 0 : i32
    %dma_wait3A_848 = tpu.memref_slice %arg13[%dma_wait3A_846, %dma_wait3A_847] : memref<10000x128xf32, #tpu.memory_space<vmem_shared>> -> memref<10000x128xf32, #tpu.memory_space<vmem_shared>>
    %dma_wait3A_849 = tpu.memref_slice %arg15[%dma_wait3A_838] : memref<8x!tpu.dma_semaphore, #tpu.memory_space<semaphore_mem>> -> memref<1x!tpu.dma_semaphore, #tpu.memory_space<semaphore_mem>>
    %dma_wait3A_850 = tpu.memref_squeeze %dma_wait3A_849 : memref<1x!tpu.dma_semaphore, #tpu.memory_space<semaphore_mem>> -> memref<!tpu.dma_semaphore, #tpu.memory_space<semaphore_mem>>
    tpu.wait_indirect_dma semaphore(%dma_wait3A_850 : memref<!tpu.dma_semaphore, #tpu.memory_space<semaphore_mem>>) src(%dma_wait3A_842 : memref<32x128xf32, #tpu.memory_space<vmem>>) dst(%dma_wait3A_848 : memref<10000x128xf32, #tpu.memory_space<vmem_shared>>)
    %dma_wait3A_851 = arith.constant 7 : i32
    %dma_wait3A_852 = arith.constant 7 : i32
    %dma_wait3A_853 = arith.constant 7 : i32
    %dma_wait3A_854 = arith.constant 0 : i32
    %dma_wait3A_855 = arith.constant 0 : i32
    %dma_wait3A_856 = tpu.memref_slice %arg6[%dma_wait3A_851, %dma_wait3A_854, %dma_wait3A_855] : memref<8x32x128xf32, #tpu.memory_space<vmem>> -> memref<1x32x128xf32, #tpu.memory_space<vmem>>
    %dma_wait3A_857 = tpu.memref_squeeze %dma_wait3A_856 : memref<1x32x128xf32, #tpu.memory_space<vmem>> -> memref<32x128xf32, #tpu.memory_space<vmem>>
    %dma_wait3A_858 = arith.constant 0 : i32
    %dma_wait3A_859 = tpu.memref_slice %arg8[%dma_wait3A_852, %dma_wait3A_858] : memref<16x32xi32, #tpu.memory_space<vmem>> -> memref<1x32xi32, #tpu.memory_space<vmem>>
    %dma_wait3A_860 = tpu.memref_squeeze %dma_wait3A_859 : memref<1x32xi32, #tpu.memory_space<vmem>> -> memref<32xi32, #tpu.memory_space<vmem>>
    %dma_wait3A_861 = arith.constant 0 : i32
    %dma_wait3A_862 = arith.constant 0 : i32
    %dma_wait3A_863 = tpu.memref_slice %arg13[%dma_wait3A_861, %dma_wait3A_862] : memref<10000x128xf32, #tpu.memory_space<vmem_shared>> -> memref<10000x128xf32, #tpu.memory_space<vmem_shared>>
    %dma_wait3A_864 = tpu.memref_slice %arg15[%dma_wait3A_853] : memref<8x!tpu.dma_semaphore, #tpu.memory_space<semaphore_mem>> -> memref<1x!tpu.dma_semaphore, #tpu.memory_space<semaphore_mem>>
    %dma_wait3A_865 = tpu.memref_squeeze %dma_wait3A_864 : memref<1x!tpu.dma_semaphore, #tpu.memory_space<semaphore_mem>> -> memref<!tpu.dma_semaphore, #tpu.memory_space<semaphore_mem>>
    tpu.wait_indirect_dma semaphore(%dma_wait3A_865 : memref<!tpu.dma_semaphore, #tpu.memory_space<semaphore_mem>>) src(%dma_wait3A_857 : memref<32x128xf32, #tpu.memory_space<vmem>>) dst(%dma_wait3A_863 : memref<10000x128xf32, #tpu.memory_space<vmem_shared>>)
    %barrier3A_866 = arith.constant 0 : index
    tpu.barrier barrier_id(%barrier3A_866)
    %mul3A_867 = arith.constant 10000 : i32
    %mul3A_868 = arith.muli %arg0, %mul3A_867 : i32
    %scan3A_869 = arith.constant 0 : i32
    %scan3A_870 = arith.constant 0 : i32
    %scan3A_871 = arith.constant 5 : i32
    %scan3A_872 = arith.addi %scan3A_870, %scan3A_871 : i32
    %scan3A_873 = arith.constant 1 : i32
    scf.for %scan3A_888 = %scan3A_870 to %scan3A_872 step %scan3A_873  : i32 {
      %mul3A_889 = arith.constant 16 : i32
      %mul3A_890 = arith.muli %scan3A_888, %mul3A_889 : i32
      %add3A_891 = arith.addi %arg1, %mul3A_890 : i32
      %lt3A = arith.constant 78 : i32
      %lt3A_892 = arith.cmpi slt, %add3A_891, %lt3A : i32
      %convert_element_type3A_893 = arith.extui %lt3A_892 : i1 to i32
      %cond3A_894 = arith.constant 0 : i32
      %cond3A_895 = arith.cmpi ne, %convert_element_type3A_893, %cond3A_894 : i32
      scf.if %cond3A_895 {
        %mul3A_896 = arith.constant 128 : i32
        %mul3A_897 = arith.muli %add3A_891, %mul3A_896 : i32
        %multiple_of3A_898 = tpu.assume_multiple %mul3A_897, 8 : i32
        %add3A_899 = arith.addi %mul3A_868, %multiple_of3A_898 : i32
        %dma_start3A_900 = arith.constant 0 : i32
        %dma_start3A_901 = tpu.memref_slice %arg4[%add3A_899, %dma_start3A_900] : memref<20000x128xf32, #tpu.memory_space<hbm>> -> memref<128x128xf32, #tpu.memory_space<hbm>>
        %dma_start3A_902 = arith.constant 0 : i32
        %dma_start3A_903 = tpu.memref_slice %arg13[%multiple_of3A_898, %dma_start3A_902] : memref<10000x128xf32, #tpu.memory_space<vmem_shared>> -> memref<128x128xf32, #tpu.memory_space<vmem_shared>>
        tpu.enqueue_dma source(%dma_start3A_903 : memref<128x128xf32, #tpu.memory_space<vmem_shared>>) target(%dma_start3A_901 : memref<128x128xf32, #tpu.memory_space<hbm>>) target_semaphore(%arg17 : memref<!tpu.dma_semaphore, #tpu.memory_space<semaphore_mem>>)
      } else {
      }
    }
    %scan3A_874 = arith.constant 5 : i32
    %eq3A = arith.constant 0 : i32
    %eq3A_875 = arith.cmpi eq, %arg1, %eq3A : i32
    %convert_element_type3A = arith.extui %eq3A_875 : i1 to i32
    %cond3A = arith.constant 0 : i32
    %cond3A_876 = arith.cmpi ne, %convert_element_type3A, %cond3A : i32
    scf.if %cond3A_876 {
      %multiple_of3A_888 = arith.constant 9984 : i32
      %multiple_of3A_889 = tpu.assume_multiple %multiple_of3A_888, 8 : i32
      %add3A_890 = arith.addi %mul3A_868, %multiple_of3A_889 : i32
      %dma_start3A_891 = arith.constant 0 : i32
      %dma_start3A_892 = tpu.memref_slice %arg4[%add3A_890, %dma_start3A_891] : memref<20000x128xf32, #tpu.memory_space<hbm>> -> memref<16x128xf32, #tpu.memory_space<hbm>>
      %dma_start3A_893 = arith.constant 0 : i32
      %dma_start3A_894 = tpu.memref_slice %arg13[%multiple_of3A_889, %dma_start3A_893] : memref<10000x128xf32, #tpu.memory_space<vmem_shared>> -> memref<16x128xf32, #tpu.memory_space<vmem_shared>>
      tpu.enqueue_dma source(%dma_start3A_894 : memref<16x128xf32, #tpu.memory_space<vmem_shared>>) target(%dma_start3A_892 : memref<16x128xf32, #tpu.memory_space<hbm>>) target_semaphore(%arg17 : memref<!tpu.dma_semaphore, #tpu.memory_space<semaphore_mem>>)
    } else {
    }
    %scan3A_877 = arith.constant 0 : i32
    %scan3A_878 = arith.constant 0 : i32
    %scan3A_879 = arith.constant 5 : i32
    %scan3A_880 = arith.addi %scan3A_878, %scan3A_879 : i32
    %scan3A_881 = arith.constant 1 : i32
    scf.for %scan3A_888 = %scan3A_878 to %scan3A_880 step %scan3A_881  : i32 {
      %mul3A_889 = arith.constant 16 : i32
      %mul3A_890 = arith.muli %scan3A_888, %mul3A_889 : i32
      %add3A_891 = arith.addi %arg1, %mul3A_890 : i32
      %lt3A = arith.constant 78 : i32
      %lt3A_892 = arith.cmpi slt, %add3A_891, %lt3A : i32
      %convert_element_type3A_893 = arith.extui %lt3A_892 : i1 to i32
      %cond3A_894 = arith.constant 0 : i32
      %cond3A_895 = arith.cmpi ne, %convert_element_type3A_893, %cond3A_894 : i32
      scf.if %cond3A_895 {
        %mul3A_896 = arith.constant 128 : i32
        %mul3A_897 = arith.muli %add3A_891, %mul3A_896 : i32
        %multiple_of3A_898 = tpu.assume_multiple %mul3A_897, 8 : i32
        %add3A_899 = arith.addi %mul3A_868, %multiple_of3A_898 : i32
        %dma_wait3A_900 = arith.constant 0 : i32
        %dma_wait3A_901 = tpu.memref_slice %arg4[%add3A_899, %dma_wait3A_900] : memref<20000x128xf32, #tpu.memory_space<hbm>> -> memref<128x128xf32, #tpu.memory_space<hbm>>
        %dma_wait3A_902 = arith.constant 0 : i32
        %dma_wait3A_903 = tpu.memref_slice %arg13[%multiple_of3A_898, %dma_wait3A_902] : memref<10000x128xf32, #tpu.memory_space<vmem_shared>> -> memref<128x128xf32, #tpu.memory_space<vmem_shared>>
        tpu.wait_dma2 semaphore(%arg17 : memref<!tpu.dma_semaphore, #tpu.memory_space<semaphore_mem>>) src(%dma_wait3A_903 : memref<128x128xf32, #tpu.memory_space<vmem_shared>>) dst(%dma_wait3A_901 : memref<128x128xf32, #tpu.memory_space<hbm>>)
      } else {
      }
    }
    %scan3A_882 = arith.constant 5 : i32
    %eq3A_883 = arith.constant 0 : i32
    %eq3A_884 = arith.cmpi eq, %arg1, %eq3A_883 : i32
    %convert_element_type3A_885 = arith.extui %eq3A_884 : i1 to i32
    %cond3A_886 = arith.constant 0 : i32
    %cond3A_887 = arith.cmpi ne, %convert_element_type3A_885, %cond3A_886 : i32
    scf.if %cond3A_887 {
      %multiple_of3A_888 = arith.constant 9984 : i32
      %multiple_of3A_889 = tpu.assume_multiple %multiple_of3A_888, 8 : i32
      %add3A_890 = arith.addi %mul3A_868, %multiple_of3A_889 : i32
      %dma_wait3A_891 = arith.constant 0 : i32
      %dma_wait3A_892 = tpu.memref_slice %arg4[%add3A_890, %dma_wait3A_891] : memref<20000x128xf32, #tpu.memory_space<hbm>> -> memref<16x128xf32, #tpu.memory_space<hbm>>
      %dma_wait3A_893 = arith.constant 0 : i32
      %dma_wait3A_894 = tpu.memref_slice %arg13[%multiple_of3A_889, %dma_wait3A_893] : memref<10000x128xf32, #tpu.memory_space<vmem_shared>> -> memref<16x128xf32, #tpu.memory_space<vmem_shared>>
      tpu.wait_dma2 semaphore(%arg17 : memref<!tpu.dma_semaphore, #tpu.memory_space<semaphore_mem>>) src(%dma_wait3A_894 : memref<16x128xf32, #tpu.memory_space<vmem_shared>>) dst(%dma_wait3A_892 : memref<16x128xf32, #tpu.memory_space<hbm>>)
    } else {
    }
    return
  }
}

module attributes {stable_mosaic.version = 14 : i64} {
  func.func @_mlp_body(%arg0: i32, %arg1: memref<1000x128xf32, #tpu.memory_space<vmem>>, %arg2: memref<2x1000x128xf32, #tpu.memory_space<vmem>>, %arg3: memref<128x128xf32, #tpu.memory_space<vmem>>, %arg4: memref<1x128xf32, #tpu.memory_space<vmem>>, %arg5: memref<128x128xf32, #tpu.memory_space<vmem>>, %arg6: memref<1x128xf32, #tpu.memory_space<vmem>>, %arg7: memref<1000x128xf32, #tpu.memory_space<vmem>>) attributes {dimension_semantics = [#tpu.dimension_semantics<arbitrary>], iteration_bounds = array<i64: 10>, scalar_prefetch = 0 : i64, scratch_operands = 0 : i64, tpu.core_type = #tpu.core_type<tc>, window_params = [{transform_indices = @transform_0, window_bounds = array<i64: 1000, 128>}, {transform_indices = @transform_1, window_bounds = array<i64: 2, 1000, 128>}, {pipeline_mode = #tpu.pipeline_mode<synchronous>, transform_indices = @transform_2, window_bounds = array<i64: 128, 128>}, {pipeline_mode = #tpu.pipeline_mode<synchronous>, transform_indices = @transform_3, window_bounds = array<i64: 1, 128>}, {pipeline_mode = #tpu.pipeline_mode<synchronous>, transform_indices = @transform_4, window_bounds = array<i64: 128, 128>}, {pipeline_mode = #tpu.pipeline_mode<synchronous>, transform_indices = @transform_5, window_bounds = array<i64: 1, 128>}, {transform_indices = @transform_6, window_bounds = array<i64: 1000, 128>}]} {
    %get3A = arith.constant 0 : index
    %get3A_0 = arith.constant 0 : index
    %get3A_1 = vector.load %arg1[%get3A, %get3A_0] : memref<1000x128xf32, #tpu.memory_space<vmem>>, vector<1000x128xf32>
    %get3A_2 = arith.constant 0 : index
    %get3A_3 = arith.constant 0 : index
    %get3A_4 = arith.constant 0 : index
    %get3A_5 = vector.load %arg2[%get3A_2, %get3A_3, %get3A_4] : memref<2x1000x128xf32, #tpu.memory_space<vmem>>, vector<1x1000x128xf32>
    %get3A_6 = vector.shape_cast %get3A_5 : vector<1x1000x128xf32> to vector<1000x128xf32>
    %add3A = arith.addf %get3A_1, %get3A_6 : vector<1000x128xf32>
    %get3A_7 = arith.constant 1 : index
    %get3A_8 = arith.constant 0 : index
    %get3A_9 = arith.constant 0 : index
    %get3A_10 = vector.load %arg2[%get3A_7, %get3A_8, %get3A_9] : memref<2x1000x128xf32, #tpu.memory_space<vmem>>, vector<1x1000x128xf32>
    %get3A_11 = vector.shape_cast %get3A_10 : vector<1x1000x128xf32> to vector<1000x128xf32>
    %add3A_12 = arith.addf %add3A, %get3A_11 : vector<1000x128xf32>
    %get3A_13 = arith.constant 0 : index
    %get3A_14 = arith.constant 0 : index
    %get3A_15 = vector.load %arg3[%get3A_13, %get3A_14] : memref<128x128xf32, #tpu.memory_space<vmem>>, vector<128x128xf32>
    %dot_general3A = arith.constant dense<0.000000e+00> : vector<1000x128xf32>
    %dot_general3A_16 = tpu.matmul %add3A_12, %get3A_15, %dot_general3A {dimension_numbers = #tpu.dot_dimension_numbers<[1], [0], [0], [1], [0, 0, 1, 1], [], []>, transpose_lhs_hint = false} : vector<1000x128xf32>, vector<128x128xf32>, vector<1000x128xf32> -> vector<1000x128xf32>
    %get3A_17 = arith.constant 0 : index
    %get3A_18 = arith.constant 0 : index
    %get3A_19 = vector.load %arg4[%get3A_17, %get3A_18] : memref<1x128xf32, #tpu.memory_space<vmem>>, vector<1x128xf32>
    %add3A_20 = vector.broadcast %get3A_19 : vector<1x128xf32> to vector<1000x128xf32>
    %add3A_21 = arith.addf %dot_general3A_16, %add3A_20 : vector<1000x128xf32>
    %max3A = arith.constant 0.000000e+00 : f32
    %max3A_22 = vector.broadcast %max3A : f32 to vector<1000x128xf32>
    %max3A_23 = arith.maximumf %add3A_21, %max3A_22 : vector<1000x128xf32>
    %get3A_24 = arith.constant 0 : index
    %get3A_25 = arith.constant 0 : index
    %get3A_26 = vector.load %arg5[%get3A_24, %get3A_25] : memref<128x128xf32, #tpu.memory_space<vmem>>, vector<128x128xf32>
    %dot_general3A_27 = arith.constant dense<0.000000e+00> : vector<1000x128xf32>
    %dot_general3A_28 = tpu.matmul %max3A_23, %get3A_26, %dot_general3A_27 {dimension_numbers = #tpu.dot_dimension_numbers<[1], [0], [0], [1], [0, 0, 1, 1], [], []>, transpose_lhs_hint = false} : vector<1000x128xf32>, vector<128x128xf32>, vector<1000x128xf32> -> vector<1000x128xf32>
    %get3A_29 = arith.constant 0 : index
    %get3A_30 = arith.constant 0 : index
    %get3A_31 = vector.load %arg6[%get3A_29, %get3A_30] : memref<1x128xf32, #tpu.memory_space<vmem>>, vector<1x128xf32>
    %add3A_32 = vector.broadcast %get3A_31 : vector<1x128xf32> to vector<1000x128xf32>
    %add3A_33 = arith.addf %dot_general3A_28, %add3A_32 : vector<1000x128xf32>
    %swap3A = arith.constant 0 : index
    %swap3A_34 = arith.constant 0 : index
    %swap3A_35 = vector.load %arg7[%swap3A, %swap3A_34] : memref<1000x128xf32, #tpu.memory_space<vmem>>, vector<1000x128xf32>
    tpu.vector_store %arg7[%swap3A, %swap3A_34], %add3A_33 {strides = array<i32>} : memref<1000x128xf32, #tpu.memory_space<vmem>>, vector<1000x128xf32>,
    return
  }
  func.func @transform_0(%arg0: i32) -> (i32, i32) {
    %c0_i32 = arith.constant 0 : i32
    %c0_i32_0 = arith.constant 0 : i32
    return %arg0, %c0_i32 : i32, i32
  }
  func.func @transform_1(%arg0: i32) -> (i32, i32, i32) {
    %c0_i32 = arith.constant 0 : i32
    %c0_i32_0 = arith.constant 0 : i32
    %c0_i32_1 = arith.constant 0 : i32
    return %c0_i32, %arg0, %c0_i32_0 : i32, i32, i32
  }
  func.func @transform_2(%arg0: i32) -> (i32, i32) {
    %c0_i32 = arith.constant 0 : i32
    %c0_i32_0 = arith.constant 0 : i32
    %c0_i32_1 = arith.constant 0 : i32
    return %c0_i32, %c0_i32_0 : i32, i32
  }
  func.func @transform_3(%arg0: i32) -> (i32, i32) {
    %c0_i32 = arith.constant 0 : i32
    %c0_i32_0 = arith.constant 0 : i32
    %c0_i32_1 = arith.constant 0 : i32
    return %c0_i32, %c0_i32_0 : i32, i32
  }
  func.func @transform_4(%arg0: i32) -> (i32, i32) {
    %c0_i32 = arith.constant 0 : i32
    %c0_i32_0 = arith.constant 0 : i32
    %c0_i32_1 = arith.constant 0 : i32
    return %c0_i32, %c0_i32_0 : i32, i32
  }
  func.func @transform_5(%arg0: i32) -> (i32, i32) {
    %c0_i32 = arith.constant 0 : i32
    %c0_i32_0 = arith.constant 0 : i32
    %c0_i32_1 = arith.constant 0 : i32
    return %c0_i32, %c0_i32_0 : i32, i32
  }
  func.func @transform_6(%arg0: i32) -> (i32, i32) {
    %c0_i32 = arith.constant 0 : i32
    %c0_i32_0 = arith.constant 0 : i32
    return %arg0, %c0_i32 : i32, i32
  }
}

</mosaic_0001>

<sc_bundles>
// kernel: kernel.4.cloned.1.call-start
scs
__scs_entry_jumppad:
0x0: {  	(pc) =	sbr.rel $0x88, $3  }
0x1: {  	(tag) =	ssettag $0x0;
	lr =	simm.s32 $0x1  }
0x2: {  	[smem:$0x3F97] =	sst lr;
	_ =	strace $0xD0000000  }
0x3: {  	_ = 	snop  }
0x4: {  	_ = 	snop  }
0x5: {  	_ = 	snop  }
0x6: {  	_ = 	snop  }
0x7: {  	_ = 	snop  }
__scs_overlays_trampoline_lowered:
0x8: {  	[smem:$0x3FA6] =	sst s0  }
0x9: {  	[smem:$0x3FA7] =	sst s1  }
0xa: {  	[smem:$0x3FA8] =	sst s2  }
0xb: {  	[smem:$0x3FA9] =	sst s3  }
0xc: {  	[smem:$0x3FAA] =	sst s4  }
0xd: {  	[smem:$0x3FAB] =	sst s5  }
0xe: {  	[smem:$0x3FAC] =	sst s6  }
0xf: {  	[smem:$0x3FAD] =	sst s7  }
0x10: {  	[smem:$0x3FAE] =	sst s8  }
0x11: {  	[smem:$0x3FAF] =	sst s9;
	s0 =	simm.s32 @!p0 $0x0  }
0x12: {  	s1 =	sld [smem:$0x3F95];
	s0 =	simm.s32 @p0 $0x1  }
0x13: {  	[smem:$0x3FB0] =	sst s0;
	s0 =	simm.s32 @!p1 $0x0  }
0x14: {  	s2 =	sld [smem:$0x3F94];
	s0 =	simm.s32 @p1 $0x1  }
0x15: {  	[smem:$0x3FB1] =	sst s0;
	s0 =	simm.s32 @!p2 $0x0  }
0x16: {  	s3 =	sld [smem:$0x3FDB];
	s0 =	simm.s32 @p2 $0x1  }
0x17: {  	s4 =	simm.s32 $0x1BF5;
	[smem:$0x3FB3] =	sst s0  }
0x18: {  	s0 =	sld [smem:$0x3F96];
	_ =	swait.ge [sflag:s4], $0x0  }
0x19: {  	s7 =	sld [smem:$0x3F97]  }
0x1a: {  	s8 =	sadd.s32 $0xFFFFE003, lr  }
0x1b: {  	s9 =	sadd.s32 $0xFFFFFEF7, lr;
	s5 =	simm.s32 $0xFFFFFFFF;
	p2 =	slt.u32 s8, $0xFFFFF086  }
0x1c: {  	p1 =	slt.u32 s9, $0xF7A;
	s5 =	simm.s32 @!p2 $0x0  }
0x1d: {  	s5 =	simm.s32 @p1 $0x1;
	p0 =	seq.s32 s7, s2  }
0x1e: {  	s7 =	smul.u32 @!p0 $0xF7A, s2;
	p2 =	seq.s32 @!p0 s5, $0x0  }
0x1f: {  	s9 =	smul.u32 $0xF7A, s1;
	s8 =	simm.s32 @!p0 $0x1BF5;
	p2 =	por !p2, p0  }
0x20: {  	[sflag:s8] =	ssyncset.s32 @!p0 $0xFFFFF086;
	s6 =	sadd.s32 @!p0 s3, s7;
	s7 =	simm.s32 @!p0 $0x108  }
0x21: {  	s3 =	sadd.s32 s3, s9;
	s6 =	sadd.s32 @!p0 $0x88, s6;
	s7 =	simm.s32 @p2 $0x1082  }
0x22: {  	[simem:s7], [sflag:s8] =	dma.local @!p0 [hbm:s6], $0xF7A  }
0x23: {  	s9 =	sor.u32 $0xD0000000, s2;
	s6 =	simm.s32 $0x108;
	_ =	swait.ge @!p0 [sflag:s8], $0x0  }
0x24: {  	s3 =	sadd.s32 $0x88, s3;
	s6 =	simm.s32 @!p1 $0x1082;
	[sflag:s4] =	ssyncset.s32 $0xFFFFF086  }
0x25: {  	[simem:s6], [sflag:s4] =	dma.local [hbm:s3], $0xF7A  }
0x26: {  	[smem:$0x3F97] =	sst s1;
	(tag) =	ssettag s2;
	_ =	strace s9  }
0x27: {  	s1 =	sld [smem:$0x3FA7]  }
0x28: {  	s2 =	sld [smem:$0x3FA8]  }
0x29: {  	s4 =	sld [smem:$0x3FAA]  }
0x2a: {  	p0 =	seq.s32 s5, $0x0;
	s5 =	sld [smem:$0x3FAB]  }
0x2b: {  	s6 =	sld [smem:$0x3FAC]  }
0x2c: {  	s7 =	sld [smem:$0x3FAD]  }
0x2d: {  	s3 =	simm.s32 $0x108;
	s8 =	sld [smem:$0x3FAE]  }
0x2e: {  	s3 =	simm.s32 @!p0 $0x1082;
	s9 =	sld [smem:$0x3FAF]  }
0x2f: {  	lr =	sadd.s32 s0, s3;
	s0 =	sld [smem:$0x3FA6]  }
0x30: {  	s3 =	sld [smem:$0x3FA9]  }
0x31: {  	[smem:$0x3FB2] =	sst s10  }
0x32: {  	s10 =	sld [smem:$0x3FB0];
	_ =	sdelay $0x3  }
0x33: {  	p0 =	seq.s32 s10, $0x1;
	s10 =	sld [smem:$0x3FB2];
	_ =	sdelay $0x3  }
0x34: {  	[smem:$0x3FB2] =	sst s10  }
0x35: {  	s10 =	sld [smem:$0x3FB1];
	_ =	sdelay $0x3  }
0x36: {  	p1 =	seq.s32 s10, $0x1;
	s10 =	sld [smem:$0x3FB2];
	_ =	sdelay $0x3  }
0x37: {  	[smem:$0x3FB2] =	sst s10  }
0x38: {  	s10 =	sld [smem:$0x3FB3]  }
0x39: {  	_ = 	snop;
	(pc) =	sbr.ind lr, $3  }
0x3a: {  	_ = 	snop  }
0x3b: {  	_ = 	snop  }
0x3c: {  	p2 =	seq.s32 s10, $0x1;
	s10 =	sld [smem:$0x3FB2]  }
0x3d: {  	_ =	shalt  }
0x3e: {  	_ =	shalt  }
0x3f: {  	_ =	shalt  }
0x40: {  	_ =	shalt  }
0x41: {  	_ =	shalt  }
0x42: {  	_ =	shalt  }
0x43: {  	_ =	shalt  }
0x44: {  	_ =	shalt  }
0x45: {  	_ =	shalt  }
0x46: {  	_ =	shalt  }
0x47: {  	_ =	shalt  }
0x48: {  	_ =	shalt  }
0x49: {  	_ =	shalt  }
0x4a: {  	_ =	shalt  }
0x4b: {  	_ =	shalt  }
0x4c: {  	_ =	shalt  }
0x4d: {  	_ =	shalt  }
0x4e: {  	_ =	shalt  }
0x4f: {  	_ =	shalt  }
0x50: {  	_ =	shalt  }
0x51: {  	_ =	shalt  }
0x52: {  	_ =	shalt  }
0x53: {  	_ =	shalt  }
0x54: {  	_ =	shalt  }
0x55: {  	_ =	shalt  }
0x56: {  	_ =	shalt  }
0x57: {  	_ =	shalt  }
0x58: {  	_ =	shalt  }
0x59: {  	_ =	shalt  }
0x5a: {  	_ =	shalt  }
0x5b: {  	_ =	shalt  }
0x5c: {  	_ =	shalt  }
0x5d: {  	_ =	shalt  }
0x5e: {  	_ =	shalt  }
0x5f: {  	_ =	shalt  }
0x60: {  	_ =	shalt  }
0x61: {  	_ =	shalt  }
0x62: {  	_ =	shalt  }
0x63: {  	_ =	shalt  }
0x64: {  	_ =	shalt  }
0x65: {  	_ =	shalt  }
0x66: {  	_ =	shalt  }
0x67: {  	_ =	shalt  }
0x68: {  	_ =	shalt  }
0x69: {  	_ =	shalt  }
0x6a: {  	_ =	shalt  }
0x6b: {  	_ =	shalt  }
0x6c: {  	_ =	shalt  }
0x6d: {  	_ =	shalt  }
0x6e: {  	_ =	shalt  }
0x6f: {  	_ =	shalt  }
0x70: {  	_ =	shalt  }
0x71: {  	_ =	shalt  }
0x72: {  	_ =	shalt  }
0x73: {  	_ =	shalt  }
0x74: {  	_ =	shalt  }
0x75: {  	_ =	shalt  }
0x76: {  	_ =	shalt  }
0x77: {  	_ =	shalt  }
0x78: {  	_ =	shalt  }
0x79: {  	_ =	shalt  }
0x7a: {  	_ =	shalt  }
0x7b: {  	_ =	shalt  }
0x7c: {  	_ =	shalt  }
0x7d: {  	_ =	shalt  }
0x7e: {  	_ =	shalt  }
0x7f: {  	_ =	shalt  }
0x80: {  	_ =	shalt  }
0x81: {  	_ =	shalt  }
0x82: {  	_ =	shalt  }
0x83: {  	_ =	shalt  }
0x84: {  	_ =	shalt  }
0x85: {  	_ =	shalt  }
0x86: {  	_ =	shalt  }
0x87: {  	_ =	shalt  }
.Lfunc_end0:
.L_simem_size_0:
called_computation_lowered:
.L_overlay_start_0:
0x88: {  	s2 =	sld [smem:$0x3FD9]  }
0x89: {  	s3 =	sld [smem:$0x3FFE];
	_ =	sdelay $0x1  }
0x8a: {  	s1 =	srdreg.scid  }
0x8b: {  	s0 =	sand.u32 $0x1, s1  }
0x8c: {  	s17 =	sshll.u32 s0, $0xA;
	s2 =	sadd.s32 s3, s2  }
0x8d: {  	s2 =	sadd.s32 s2, s17  }
0x8e: {  	[smem:$0x3FBE] =	sst s2  }
0x8f: {  	_ = 	snop  }
0x90: {  	s2 =	sld [smem:$0x3FC9]  }
0x91: {  	s18 =	sld [smem:$0x3FD0];
	(tm) =	ssettm $0x1  }
0x92: {  	s4 =	sld [smem:$0x3FFB];
	_ =	sdelay $0x3  }
0x93: {  	_ =	strace s4  }
0x94: {  	s4 =	sld [smem:$0x3FFC];
	_ =	sdelay $0x3  }
0x95: {  	_ =	strace s4  }
0x96: {  	s4 =	sld [smem:$0x3FFD];
	_ =	sdelay $0x3  }
0x97: {  	_ =	strace s4  }
0x98: {  	_ =	strace $0x8FFFFFFF  }
0x99: {  	s19 =	sld [smem:$0x3FDB];
	_ =	sdelay $0x1  }
0x9a: {  	s5 =	simm.s32 $_scs_section_size  }
0x9b: {  	s6 =	simm.s32 $_size__tile_overlayer_lowered;
	s7 =	simm.s32 $_tile_overlayer_lowered  }
0x9c: {  	s22 =	simm.s32 $0x1BFF;
	s21 =	sshll.u32 s7, $0x1;
	s4 =	sadd.s32 s5, s19  }
0x9d: {  	s8 =	simm.s32 $0x0;
	s20 =	sshll.u32 s6, $0x1;
	s6 =	sadd.s32 s21, s4  }
0x9e: {  	[timem:s8], [sflag:s22] =	dma.local [hbm:s6], s20  }
0x9f: {  	_ =	swait.ge [sflag:s22], s20  }
0xa0: {  	s5 =	ssub.s32 $0x0, s20;
	[sflag:s22] =	ssyncset.done $0x0  }
0xa1: {  	[sflag:s22] =	ssyncadd.s32 s5;
	_ =	sdelay $0x1  }
0xa2: {  	s23 =	simm.s32 $0x1B8B  }
0xa3: {  	_ =	swait.ge [sflag:s23], $0x1  }
0xa4: {  	[sflag:s23] =	ssyncset.done $0x0  }
0xa5: {  	s25 =	simm.s32 $0x1B8E;
	s24 =	sld [smem:$0x3FFE];
	[sflag:s23] =	ssyncadd.s32 $0xFFFFFFFF  }
0xa6: {  	s26 =	simm.s32 $execute0_lowered;
	[smem:$0x3FD2] =	sst s25  }
0xa7: {  	s6 =	sshll.u32 s26, $0x1;
	_ =	strace $0x80000046;
	[dreg:$0x1] =	wrdreg $0xFFFFFFFF  }
0xa8: {  	s28 =	simm.s32 $_size_execute0_lowered;
	s4 =	sadd.s32 s4, s6;
	[dreg:$0x0] =	wrdreg $0x0  }
0xa9: {  	s6 =	sshll.u32 s28, $0x1;
	[dreg:$0x2] =	wrdreg s4  }
0xaa: {  	[dreg:$0x3] =	wrdreg s6  }
0xab: {  	[dreg:$0x4] =	wrdreg $0xC0  }
0xac: {  	_ =	task [dreg:s8], $0x5FFFF  }
0xad: {  	[dreg:$0x1] =	wrdreg $0xFFFFFFFF  }
0xae: {  	[dreg:$0x0] =	wrdreg $0x60  }
0xaf: {  	[dreg:$0x2] =	wrdreg s18  }
0xb0: {  	[dreg:$0x3] =	wrdreg s2  }
0xb1: {  	[dreg:$0x4] =	wrdreg s24  }
0xb2: {  	[dreg:$0x5] =	wrdreg $0xC4800  }
0xb3: {  	[dreg:$0x6] =	wrdreg $0x9  }
0xb4: {  	_ =	task.clear_ibuf [dreg:s8], $0x7FFFF;
	_ =	strace $0x90000046  }
0xb5: {  	s29 =	simm.s32 $0x9;
	_ =	strace $0x80000048  }
0xb6: {  	_ =	swait.ge [sflag:s29], $0x1  }
0xb7: {  	[sflag:s29] =	ssyncadd.s32 $0xFFFFFFFF  }
0xb8: {  	_ =	strace $0x90000048  }
0xb9: {  	_ =	sfence  }
0xba: {  	s30 =	sld [smem:$0x0];
	_ =	sdelay $0x2  }
0xbb: {  	s31 =	sshll.u32 s1, $0xD;
	s1 =	sshrl.u32 s1, $0x2  }
0xbc: {  	s3 =	sand.u32 $0x4000, s31;
	s1 =	sadd.s32 s1, s30  }
0xbd: {  	s0 =	sor.u32 s3, s0;
	s1 =	sshll.u32 s1, $0x11  }
0xbe: {  	s0 =	sor.u32 s1, s0  }
0xbf: {  	s0 =	sadd.s32 $0x8F2B, s0  }
0xc0: {  	[sflag:s0] =	ssyncadd.remote.s32 $0x1  }
0xc1: {  	_ =	sfence.sel $0xFFFF  }
0xc2: {  	[dreg:$0x0] =	wrdreg $0xFFFFFFFF;
	(pc) =	sbr.abs _section_cstart, $3  }
0xc3: {  	[dreg:$0x1] =	wrdreg $0xFFFFFFFF  }
0xc4: {  	_ =	task.clear_ibuf [dreg:s8], $0x2FFFF;
	_ =	strace $0x9FFFFFFF  }
0xc5: {  	(tm) =	ssettm $0x7FFFFFFF  }
tec
execute0_lowered:
.L_overlay_start_1:
0x0: {  	(tag) =	ssettag $0x1  }
0x1: {  	s0 =	rddreg [dreg:$0x0]  }
0x2: {  	s1 =	rddreg [dreg:$0x1]  }
0x3: {  	s3 =	rddreg [dreg:$0x2]  }
0x4: {  	s2 =	rddreg [dreg:$0x3];
	s4 =	srdreg.scid  }
0x5: {  	s6 =	simm.s32 $0x0;
	s17 =	stileid.u32;
	s14 =	simm.s32 $0xAF80  }
0x6: {  	s16 =	simm.s32 $0xB000;
	s18 =	simm.s32 $0xB080;
	s28 =	simm.s32 $0x5780  }
0x7: {  	s29 =	simm.s32 $0x9;
	s30 =	simm.s32 $0x4780;
	s4 =	sand.u32 $0x1, s4  }
0x8: {  	[smem:$0x7FF] =	sst s6;
	s3 =	sadd.s32 $0x1C00, s3;
	s21 =	sshll.u32 s17, $0xE  }
0x9: {  	s10 =	sor.u32 $0x40, s17;
	s15 =	sshll.u32 s17, $0xB;
	p0 =	sne.s32 s17, $0x0  }
0xa: {  	p2 =	sgt.u32 s17, $0xD;
	s5 =	sshll.u32 s4, $0x4;
	s19 =	smul.u32 $0x138800, s4  }
0xb: {  	_ =	strace $0x80000047;
	s4 =	ssub.s32 $0x2, s4;
	[dreg:$0x5] =	wrdreg s14  }
0xc: {  	s23 =	sor.u32 $0x40000, s21;
	s24 =	sadd.s32 s21, s2;
	[dreg:$0x6] =	wrdreg s16  }
0xd: {  	s26 =	sor.u32 $0x80000, s21;
	s12 =	sshll.u32 s10, $0xE;
	[dreg:$0x7] =	wrdreg s18  }
0xe: {  	p1 =	sgt.u32 s10, $0x4D;
	p4 =	sne.s32 @!p2 s17, $0x0;
	s14 =	simm.s32 $0x5  }
0xf: {  	s5 =	sor.u32 s17, s5;
	s7 =	sshrl.u32 s4, $0x1;
	s31 =	sadd.s32 s26, s2  }
0x10: {  	s24 =	sshrl.u32 s24, $0x3;
	p3 =	sne.s32 @!p1 s17, $0x0;
	p4 =	por p4, p2  }
0x11: {  	s5 =	smul.u32 $0x4E2, s5;
	s8 =	sshrl.u32 s19, $0x3;
	s4 =	ssub.s32 s4, s7  }
0x12: {  	s22 =	sadd.s32 s19, s21;
	s9 =	sadd.s32 s19, s23;
	s7 =	sadd.s32 s23, s2  }
0x13: {  	s6 =	sadd.s32 s19, s12;
	s23 =	simm.s32 $0xB300;
	[dreg:$0x16] =	wrdreg s24  }
0x14: {  	p3 =	por p3, p1;
	s24 =	simm.s32 $0x3;
	s20 =	sadd.s32 s3, s8  }
0x15: {  	s4 =	smax.u32 s4, $0x1;
	s25 =	sshrl.u32 s9, $0x3;
	s9 =	sadd.s32 s19, s26  }
0x16: {  	s6 =	sshrl.u32 s6, $0x3;
	[dreg:$0xc] =	wrdreg s23;
	s26 =	sshrl.u32 s31, $0x3  }
0x17: {  	s23 =	simm.s32 $0x4780;
	s8 =	simm.s32 $0x0;
	[dreg:$0xf] =	wrdreg s4  }
0x18: {  	s0 =	sadd.s32 s0, s5;
	s5 =	sadd.s32 $0x27000, s20;
	[dreg:$0x18] =	wrdreg s26  }
0x19: {  	s4 =	sshrl.u32 s22, $0x3;
	s9 =	sshrl.u32 s9, $0x3;
	[dreg:$0xd] =	wrdreg s0  }
0x1a: {  	s20 =	simm.s32 $0xB180;
	s22 =	simm.s32 $0xB280;
	[dreg:$0xe] =	wrdreg s5  }
0x1b: {  	s26 =	simm.s32 $0xA;
	s0 =	sadd.s32 $0x138000, s2;
	[dreg:$0x9] =	wrdreg s20  }
0x1c: {  	s4 =	sadd.s32 s3, s4;
	s5 =	sor.u32 $0xC0000, s21;
	[dreg:$0xb] =	wrdreg s22  }
0x1d: {  	s9 =	sadd.s32 s3, s9;
	s21 =	simm.s32 $0xB200;
	[dreg:$0x10] =	wrdreg s4  }
0x1e: {  	s20 =	simm.s32 $0x1;
	s22 =	simm.s32 $0x2;
	[dreg:$0x12] =	wrdreg s9  }
0x1f: {  	s4 =	sadd.s32 s3, s25;
	s11 =	sadd.s32 s19, s5;
	[dreg:$0xa] =	wrdreg s21  }
0x20: {  	s5 =	sadd.s32 s5, s2;
	s19 =	simm.s32 $0xB100;
	[dreg:$0x11] =	wrdreg s4  }
0x21: {  	s25 =	sshrl.u32 s7, $0x3;
	s0 =	sshrl.u32 @!p3 s0, $0x3;
	[dreg:$0x8] =	wrdreg s19  }
0x22: {  	s7 =	simm.s32 $0x8780;
	s21 =	simm.s32 $0x6;
	[dreg:$0x17] =	wrdreg s25  }
0x23: {  	s13 =	sshrl.u32 s11, $0x3;
	s31 =	sshrl.u32 s5, $0x3;
	[dreg:$0x1b] =	wrdreg s0  }
0x24: {  	s0 =	simm.s32 $0x6780;
	s5 =	simm.s32 $0x7780;
	s25 =	simm.s32 $0x7  }
0x25: {  	s19 =	simm.s32 $0x8;
	s9 =	sadd.s32 s3, s13;
	[dreg:$0x19] =	wrdreg s31  }
0x26: {  	s3 =	sadd.s32 s3, s6;
	s6 =	sadd.s32 s15, s2;
	[dreg:$0x13] =	wrdreg s9  }
0x27: {  	s15 =	simm.s32 $0x20;
	[dreg:$0x14] =	wrdreg s3;
	s3 =	simm.s32 @!p1 $0x0  }
0x28: {  	s9 =	sadd.s32 s12, s2;
	[dreg:$0x15] =	wrdreg s6;
	s3 =	simm.s32 @p1 $0x1  }
0x29: {  	s13 =	simm.s32 $0xD;
	[smem:$0x7FD] =	sst s3;
	s3 =	sshrl.u32 @!p1 s9, $0x3  }
0x2a: {  	v0 =	vimm.f32 $0.0e+00;
	s12 =	simm.s32 $0xC;
	s9 =	simm.s32 $0x9780;
	[dreg:$0x1a] =	wrdreg s3  }
.LBB2_1:
0x2b: {  	s3 =	simm.s32 $0x0;
	s6 =	rddreg [dreg:$0xd]  }
0x2c: {  	[tilespmem:s3], [sflag:$0x11] =	stream.linear.gather [hbm4b:s6+s3], $0x2710, $0x38;
	[tilespmem:$0x1FD00] =	vst v63  }
0x2d: {  	[dreg:$0x1c] =	wrdreg s8;
	s3 =	simm.s32 $0x0;
	s6 =	simm.s32 $0x200  }
.LBB2_2:
0x2e: {  	p5 =	sne.s32 s6, $0x1E00;
	[tilespmem:s3+$0xBCF0] =	vst v0  }
0x2f: {  	[tilespmem:s3+$0xBC80] =	vst v0  }
0x30: {  	[tilespmem:s3+$0xBC90] =	vst v0  }
.Ltmp0:
0x31: {  	[tilespmem:s3+$0xBCA0] =	vst v0;
	(pc) =	sbr.rel @p5 .LBB2_2-.Ltmp0, $4  }
0x32: {  	[tilespmem:s3+$0xBCB0] =	vst v0  }
0x33: {  	[tilespmem:s3+$0xBCC0] =	vst v0  }
0x34: {  	[tilespmem:s3+$0xBCD0] =	vst v0  }
0x35: {  	[tilespmem:s3+$0xBCE0] =	vst v0;
	s3 =	sshra.s32 s6, $0x2;
	s6 =	sadd.s32 $0x200, s6  }
0x36: {  	[tilespmem:s3+$0xBCF0] =	vst v0  }
0x37: {  	[tilespmem:s3+$0xBC80] =	vst v0  }
0x38: {  	[tilespmem:s3+$0xBC90] =	vst v0  }
0x39: {  	[tilespmem:s3+$0xBCA0] =	vst v0  }
0x3a: {  	[tilespmem:s3+$0xBCB0] =	vst v0  }
0x3b: {  	[tilespmem:s3+$0xBCC0] =	vst v0  }
0x3c: {  	[tilespmem:s3+$0xBCD0] =	vst v0;
	p6 =	sgt.u32 s17, $0x270;
	p5 =	por $0x1, $0x1  }
0x3d: {  	[tilespmem:s3+$0xBCE0] =	vst v0;
	s6 =	rddreg [dreg:$0x15];
	s3 =	simm.s32 @!p6 $0xBC80;
	s8 =	simm.s32 @!p5 $0x12  }
0x3e: {  	[spmem:s6] =	stream.linear.scatter @!p6 [tilespmem:s3], [sflag:$0x12], $0x800, $0x38;
	[tilespmem:$0x1FD00] =	vst v63  }
0x3f: {  	s31 =	sadd.s32 $0x10, s17;
	s3 =	simm.s32 $0x1;
	_ =	swait.ge @!p5 [sflag:s8], $0x800  }
.LBB2_4:
0x40: {  	s17 =	smov.u32 s3;
	s3 =	sadd.s32 $0x1, s3  }
0x41: {  	[sflag:s8] =	ssyncset.done @!p5 $0x0;
	s6 =	sadd.s32 $0x8000, s6;
	p1 =	sne.s32 s3, $0x28  }
.Ltmp1:
0x42: {  	p6 =	sgt.u32 s31, $0x270;
	[sflag:s8] =	ssyncadd.s32 @!p5 $0xFFFFF800;
	(pc) =	sbr.rel @p1 .LBB2_4-.Ltmp1, $4  }
0x43: {  	s8 =	simm.s32 @!p6 $0xBC80;
	p5 =	slt.u32 s17, $0x10  }
0x44: {  	[spmem:s6] =	stream.linear.scatter @!p6 [tilespmem:s8], [sflag:$0x12], $0x800, $0x38;
	[tilespmem:$0x1FD00] =	vst v63  }
0x45: {  	s8 =	simm.s32 @!p5 $0x12  }
0x46: {  	s31 =	sadd.s32 $0x10, s31;
	_ =	swait.ge @!p5 [sflag:s8], $0x800  }
0x47: {  	[sflag:s8] =	ssyncset.done @!p5 $0x0  }
0x48: {  	s3 =	simm.s32 $0x11;
	[sflag:s8] =	ssyncadd.s32 @!p5 $0xFFFFF800  }
0x49: {  	_ =	swait.ge [sflag:s3], $0x2710  }
0x4a: {  	[sflag:s3] =	ssyncset.done $0x0  }
0x4b: {  	[sflag:s3] =	ssyncadd.s32 $0xFFFFD8F0  }
0x4c: {  	v1 =	vld [tilespmem:$0x0];
	_ =	sdelay $0x1  }
0x4d: {  	v2 =	vld [tilespmem:$0x10];
	_ =	sdelay $0x2  }
0x4e: {  	v3 =	vand.u32 $0xFFFF, v1  }
0x4f: {  	v1 =	vshra.s32 v1, $0x10;
	[tilespmem:$0xA780] =	vst v3  }
0x50: {  	[tilespmem:$0xAB80] =	vst v1;
	v1 =	vand.u32 $0xFFFF, v2  }
0x51: {  	[tilespmem:$0xA790] =	vst v1;
	v1 =	vshra.s32 v2, $0x10  }
0x52: {  	s17 =	simm.s32 $0xA780;
	s6 =	simm.s32 $0x2780;
	[tilespmem:$0xAB90] =	vst v1  }
0x53: {  	[tilespmem:s6], [sflag:$0x1] =	stream.indirect.gather [hbm4b:s1+s15], $0x80, s17, s15, $0xb8;
	[tilespmem:$0x1FD00] =	vst v63  }
0x54: {  	v1 =	vld [tilespmem:$0x20];
	_ =	sdelay $0x1  }
0x55: {  	v2 =	vld [tilespmem:$0x30];
	_ =	sdelay $0x2  }
0x56: {  	v3 =	vand.u32 $0xFFFF, v1  }
0x57: {  	v1 =	vshra.s32 v1, $0x10;
	[tilespmem:$0xA800] =	vst v3  }
0x58: {  	[tilespmem:$0xAC00] =	vst v1;
	v1 =	vand.u32 $0xFFFF, v2  }
0x59: {  	[tilespmem:$0xA810] =	vst v1;
	v1 =	vshra.s32 v2, $0x10  }
0x5a: {  	s8 =	simm.s32 $0x3780;
	s6 =	simm.s32 $0xA800;
	[tilespmem:$0xAC10] =	vst v1  }
0x5b: {  	[tilespmem:s8], [sflag:$0x2] =	stream.indirect.gather [hbm4b:s1+s15], $0x80, s6, s15, $0xb8;
	[tilespmem:$0x1FD00] =	vst v63  }
0x5c: {  	v1 =	vld [tilespmem:$0x40];
	_ =	sdelay $0x1  }
0x5d: {  	v2 =	vld [tilespmem:$0x50];
	_ =	sdelay $0x2  }
0x5e: {  	v3 =	vand.u32 $0xFFFF, v1  }
0x5f: {  	v1 =	vshra.s32 v1, $0x10;
	[tilespmem:$0xA880] =	vst v3  }
0x60: {  	[tilespmem:$0xAC80] =	vst v1;
	v1 =	vand.u32 $0xFFFF, v2  }
0x61: {  	[tilespmem:$0xA890] =	vst v1;
	v1 =	vshra.s32 v2, $0x10  }
0x62: {  	s18 =	simm.s32 $0xA880;
	[tilespmem:$0xAC90] =	vst v1  }
0x63: {  	[tilespmem:s23], [sflag:$0x3] =	stream.indirect.gather [hbm4b:s1+s15], $0x80, s18, s15, $0xb8;
	[tilespmem:$0x1FD00] =	vst v63  }
0x64: {  	v1 =	vld [tilespmem:$0x60];
	_ =	sdelay $0x1  }
0x65: {  	v2 =	vld [tilespmem:$0x70];
	_ =	sdelay $0x2  }
0x66: {  	v3 =	vand.u32 $0xFFFF, v1  }
0x67: {  	v1 =	vshra.s32 v1, $0x10;
	[tilespmem:$0xA900] =	vst v3  }
0x68: {  	[tilespmem:$0xAD00] =	vst v1;
	v1 =	vand.u32 $0xFFFF, v2  }
0x69: {  	[tilespmem:$0xA910] =	vst v1;
	v1 =	vshra.s32 v2, $0x10  }
0x6a: {  	s4 =	simm.s32 $0xA900;
	[tilespmem:$0xAD10] =	vst v1  }
0x6b: {  	[tilespmem:s28], [sflag:$0x4] =	stream.indirect.gather [hbm4b:s1+s15], $0x80, s4, s15, $0xb8;
	[tilespmem:$0x1FD00] =	vst v63  }
0x6c: {  	v1 =	vld [tilespmem:$0x80];
	_ =	sdelay $0x1  }
0x6d: {  	v2 =	vld [tilespmem:$0x90];
	_ =	sdelay $0x2  }
0x6e: {  	v3 =	vand.u32 $0xFFFF, v1  }
0x6f: {  	v1 =	vshra.s32 v1, $0x10;
	[tilespmem:$0xA980] =	vst v3  }
0x70: {  	[tilespmem:$0xAD80] =	vst v1;
	v1 =	vand.u32 $0xFFFF, v2  }
0x71: {  	[tilespmem:$0xA990] =	vst v1;
	v1 =	vshra.s32 v2, $0x10  }
0x72: {  	s10 =	simm.s32 $0xA980;
	[tilespmem:$0xAD90] =	vst v1  }
0x73: {  	[tilespmem:s0], [sflag:$0x5] =	stream.indirect.gather [hbm4b:s1+s15], $0x80, s10, s15, $0xb8;
	[tilespmem:$0x1FD00] =	vst v63  }
0x74: {  	v1 =	vld [tilespmem:$0xA0];
	_ =	sdelay $0x1  }
0x75: {  	v2 =	vld [tilespmem:$0xB0];
	_ =	sdelay $0x2  }
0x76: {  	v3 =	vand.u32 $0xFFFF, v1  }
0x77: {  	v1 =	vshra.s32 v1, $0x10;
	[tilespmem:$0xAA00] =	vst v3  }
0x78: {  	[tilespmem:$0xAE00] =	vst v1;
	v1 =	vand.u32 $0xFFFF, v2  }
0x79: {  	[tilespmem:$0xAA10] =	vst v1;
	v1 =	vshra.s32 v2, $0x10  }
0x7a: {  	s11 =	simm.s32 $0xAA00;
	[tilespmem:$0xAE10] =	vst v1  }
0x7b: {  	[tilespmem:s5], [sflag:$0x6] =	stream.indirect.gather [hbm4b:s1+s15], $0x80, s11, s15, $0xb8;
	[tilespmem:$0x1FD00] =	vst v63  }
0x7c: {  	v1 =	vld [tilespmem:$0xC0];
	_ =	sdelay $0x1  }
0x7d: {  	v2 =	vld [tilespmem:$0xD0];
	_ =	sdelay $0x2  }
0x7e: {  	v3 =	vand.u32 $0xFFFF, v1  }
0x7f: {  	v1 =	vshra.s32 v1, $0x10;
	[tilespmem:$0xAA80] =	vst v3  }
0x80: {  	[tilespmem:$0xAE80] =	vst v1;
	v1 =	vand.u32 $0xFFFF, v2  }
0x81: {  	[tilespmem:$0xAA90] =	vst v1;
	v1 =	vshra.s32 v2, $0x10  }
0x82: {  	s16 =	simm.s32 $0xAA80;
	[tilespmem:$0xAE90] =	vst v1  }
0x83: {  	[tilespmem:s7], [sflag:$0x7] =	stream.indirect.gather [hbm4b:s1+s15], $0x80, s16, s15, $0xb8;
	[tilespmem:$0x1FD00] =	vst v63  }
0x84: {  	v1 =	vld [tilespmem:$0xE0];
	_ =	sdelay $0x1  }
0x85: {  	v2 =	vld [tilespmem:$0xF0];
	_ =	sdelay $0x2  }
0x86: {  	v3 =	vand.u32 $0xFFFF, v1  }
0x87: {  	v1 =	vshra.s32 v1, $0x10;
	[tilespmem:$0xAB00] =	vst v3  }
0x88: {  	[tilespmem:$0xAF00] =	vst v1;
	v1 =	vand.u32 $0xFFFF, v2  }
0x89: {  	[tilespmem:$0xAB10] =	vst v1;
	v1 =	vshra.s32 v2, $0x10  }
0x8a: {  	s17 =	simm.s32 $0xAB00;
	s18 =	simm.s32 $0x12;
	[tilespmem:$0xAF10] =	vst v1  }
0x8b: {  	[tilespmem:s9], [sflag:$0x8] =	stream.indirect.gather [hbm4b:s1+s15], $0x80, s17, s15, $0xb8;
	[tilespmem:$0x1FD00] =	vst v63  }
0x8c: {  	_ =	swait.ge [sflag:s18], $0x800  }
0x8d: {  	[sflag:s18] =	ssyncset.done $0x0  }
0x8e: {  	[sflag:s18] =	ssyncadd.s32 $0xFFFFF800  }
0x8f: {  	_ =	swait.ge [sflag:s18], $0x800  }
0x90: {  	[sflag:s18] =	ssyncset.done $0x0  }
0x91: {  	[sflag:s18] =	ssyncadd.s32 $0xFFFFF800  }
0x92: {  	_ =	swait.ge [sflag:s18], $0x800  }
0x93: {  	[sflag:s18] =	ssyncset.done $0x0  }
0x94: {  	[sflag:s18] =	ssyncadd.s32 $0xFFFFF800  }
0x95: {  	_ =	swait.ge [sflag:s18], $0x800  }
0x96: {  	[sflag:s18] =	ssyncset.done $0x0  }
0x97: {  	[sflag:s18] =	ssyncadd.s32 $0xFFFFF800  }
0x98: {  	_ =	swait.ge [sflag:s18], $0x800  }
0x99: {  	[sflag:s18] =	ssyncset.done $0x0  }
0x9a: {  	[sflag:s18] =	ssyncadd.s32 $0xFFFFF800  }
0x9b: {  	_ =	swait.ge [sflag:s18], $0x800  }
0x9c: {  	[sflag:s18] =	ssyncset.done $0x0  }
0x9d: {  	[sflag:s18] =	ssyncadd.s32 $0xFFFFF800  }
0x9e: {  	_ =	swait.ge [sflag:s18], $0x800  }
0x9f: {  	[sflag:s18] =	ssyncset.done $0x0  }
0xa0: {  	[sflag:s18] =	ssyncadd.s32 $0xFFFFF800  }
0xa1: {  	_ =	swait.ge [sflag:s18], $0x800  }
0xa2: {  	[sflag:s18] =	ssyncset.done $0x0  }
0xa3: {  	[sflag:s18] =	ssyncadd.s32 $0xFFFFF800  }
0xa4: {  	_ =	swait.ge [sflag:s18], $0x800  }
0xa5: {  	[sflag:s18] =	ssyncset.done $0x0  }
0xa6: {  	[sflag:s18] =	ssyncadd.s32 $0xFFFFF800  }
0xa7: {  	_ =	swait.ge [sflag:s18], $0x800  }
0xa8: {  	[sflag:s18] =	ssyncset.done $0x0  }
0xa9: {  	[sflag:s18] =	ssyncadd.s32 $0xFFFFF800  }
0xaa: {  	_ =	swait.ge [sflag:s18], $0x800  }
0xab: {  	[sflag:s18] =	ssyncset.done $0x0  }
0xac: {  	[sflag:s18] =	ssyncadd.s32 $0xFFFFF800  }
0xad: {  	_ =	swait.ge [sflag:s18], $0x800  }
0xae: {  	[sflag:s18] =	ssyncset.done $0x0  }
0xaf: {  	[sflag:s18] =	ssyncadd.s32 $0xFFFFF800  }
0xb0: {  	_ =	swait.ge [sflag:s18], $0x800  }
0xb1: {  	[sflag:s18] =	ssyncset.done $0x0  }
0xb2: {  	[sflag:s18] =	ssyncadd.s32 $0xFFFFF800  }
0xb3: {  	_ =	swait.ge [sflag:s18], $0x800  }
0xb4: {  	[sflag:s18] =	ssyncset.done $0x0  }
0xb5: {  	[sflag:s18] =	ssyncadd.s32 $0xFFFFF800  }
0xb6: {  	_ =	swait.ge [sflag:s18], $0x800  }
0xb7: {  	[sflag:s18] =	ssyncset.done $0x0  }
0xb8: {  	s3 =	simm.s32 @!p0 $0x12;
	[sflag:s18] =	ssyncadd.s32 $0xFFFFF800  }
0xb9: {  	_ =	swait.ge @!p0 [sflag:s3], $0x800  }
0xba: {  	[sflag:s3] =	ssyncset.done @!p0 $0x0  }
0xbb: {  	[sflag:s3] =	ssyncadd.s32 @!p0 $0xFFFFF800  }
0xbc: {  	s31 =	simm.s32 $0xBC0;
	s4 =	simm.s32 $0x4;
	[bflag:$0x0] =	sbarrier.arrive $0xFFFF  }
.LBB2_6:
0xbd: {  	_ =	swait.ge [sflag:s20], $0x1000  }
0xbe: {  	[sflag:s20] =	ssyncset.done $0x0  }
0xbf: {  	s11 =	simm.s32 $0x2780;
	s3 =	simm.s32 $0xAB80;
	[sflag:s20] =	ssyncadd.s32 $0xFFFFF000  }
0xc0: {  	[spmem:s2] =	stream.indirect.scatter.add.f32 [tilespmem:s11], [sflag:$0x9], $0x80, s3, s15, $0xb8;
	[tilespmem:$0x1FD00] =	vst v63  }
0xc1: {  	_ =	swait.ge [sflag:s22], $0x1000  }
0xc2: {  	[sflag:s22] =	ssyncset.done $0x0  }
0xc3: {  	s16 =	simm.s32 $0xAC00;
	[sflag:s22] =	ssyncadd.s32 $0xFFFFF000  }
0xc4: {  	[spmem:s2] =	stream.indirect.scatter.add.f32 [tilespmem:s8], [sflag:$0xA], $0x80, s16, s15, $0xb8;
	[tilespmem:$0x1FD00] =	vst v63  }
0xc5: {  	_ =	swait.ge [sflag:s24], $0x1000  }
0xc6: {  	[sflag:s24] =	ssyncset.done $0x0  }
0xc7: {  	s17 =	simm.s32 $0xAC80;
	[sflag:s24] =	ssyncadd.s32 $0xFFFFF000  }
0xc8: {  	[spmem:s2] =	stream.indirect.scatter.add.f32 [tilespmem:s23], [sflag:$0xB], $0x80, s17, s15, $0xb8;
	[tilespmem:$0x1FD00] =	vst v63  }
0xc9: {  	_ =	swait.ge [sflag:s4], $0x1000  }
0xca: {  	[sflag:s4] =	ssyncset.done $0x0  }
0xcb: {  	s18 =	simm.s32 $0xAD00;
	[sflag:s4] =	ssyncadd.s32 $0xFFFFF000  }
0xcc: {  	[spmem:s2] =	stream.indirect.scatter.add.f32 [tilespmem:s28], [sflag:$0xC], $0x80, s18, s15, $0xb8;
	[tilespmem:$0x1FD00] =	vst v63  }
0xcd: {  	_ =	swait.ge [sflag:s14], $0x1000  }
0xce: {  	[sflag:s14] =	ssyncset.done $0x0  }
0xcf: {  	s23 =	simm.s32 $0xAD80;
	[sflag:s14] =	ssyncadd.s32 $0xFFFFF000  }
0xd0: {  	[spmem:s2] =	stream.indirect.scatter.add.f32 [tilespmem:s0], [sflag:$0xD], $0x80, s23, s15, $0xb8;
	[tilespmem:$0x1FD00] =	vst v63  }
0xd1: {  	_ =	swait.ge [sflag:s21], $0x1000  }
0xd2: {  	[sflag:s21] =	ssyncset.done $0x0  }
0xd3: {  	s8 =	simm.s32 $0xAE00;
	[sflag:s21] =	ssyncadd.s32 $0xFFFFF000  }
0xd4: {  	[spmem:s2] =	stream.indirect.scatter.add.f32 [tilespmem:s5], [sflag:$0xE], $0x80, s8, s15, $0xb8;
	[tilespmem:$0x1FD00] =	vst v63  }
0xd5: {  	_ =	swait.ge [sflag:s25], $0x1000  }
0xd6: {  	[sflag:s25] =	ssyncset.done $0x0  }
0xd7: {  	s10 =	simm.s32 $0xAE80;
	[sflag:s25] =	ssyncadd.s32 $0xFFFFF000  }
0xd8: {  	[spmem:s2] =	stream.indirect.scatter.add.f32 [tilespmem:s7], [sflag:$0xF], $0x80, s10, s15, $0xb8;
	[tilespmem:$0x1FD00] =	vst v63  }
0xd9: {  	_ =	swait.ge [sflag:s19], $0x1000  }
0xda: {  	[sflag:s19] =	ssyncset.done $0x0  }
0xdb: {  	s16 =	simm.s32 $0xAF00;
	[sflag:s19] =	ssyncadd.s32 $0xFFFFF000  }
0xdc: {  	[spmem:s2] =	stream.indirect.scatter.add.f32 [tilespmem:s9], [sflag:$0x10], $0x80, s16, s15, $0xb8;
	[tilespmem:$0x1FD00] =	vst v63  }
0xdd: {  	_ =	swait.ge [sflag:s29], $0x1000  }
0xde: {  	[sflag:s29] =	ssyncset.done $0x0  }
0xdf: {  	s3 =	sshra.s32 s31, $0x2;
	[sflag:s29] =	ssyncadd.s32 $0xFFFFF000  }
0xe0: {  	v1 =	vld [tilespmem:s3+$0xFFFFFE10];
	_ =	sdelay $0x4  }
0xe1: {  	v2 =	vand.u32 $0xFFFF, v1  }
0xe2: {  	v1 =	vshra.s32 v1, $0x10;
	[tilespmem:$0xA780] =	vst v2  }
0xe3: {  	[tilespmem:$0xAF80] =	vst v1  }
0xe4: {  	v1 =	vld [tilespmem:s3+$0xFFFFFE20];
	_ =	sdelay $0x4  }
0xe5: {  	v2 =	vand.u32 $0xFFFF, v1  }
0xe6: {  	v1 =	vshra.s32 v1, $0x10;
	[tilespmem:$0xA790] =	vst v2  }
0xe7: {  	s8 =	simm.s32 $0xA780;
	[tilespmem:$0xAF90] =	vst v1  }
0xe8: {  	[tilespmem:s11], [sflag:$0x1] =	stream.indirect.gather [hbm4b:s1+s15], $0x80, s8, s15, $0xb8;
	[tilespmem:$0x1FD00] =	vst v63  }
0xe9: {  	_ =	swait.ge [sflag:s26], $0x1000  }
0xea: {  	[sflag:s26] =	ssyncset.done $0x0  }
0xeb: {  	[sflag:s26] =	ssyncadd.s32 $0xFFFFF000  }
0xec: {  	v1 =	vld [tilespmem:s3+$0xFFFFFE30];
	_ =	sdelay $0x4  }
0xed: {  	v2 =	vand.u32 $0xFFFF, v1  }
0xee: {  	v1 =	vshra.s32 v1, $0x10;
	[tilespmem:$0xA800] =	vst v2  }
0xef: {  	[tilespmem:$0xB000] =	vst v1  }
0xf0: {  	v1 =	vld [tilespmem:s3+$0xFFFFFE40];
	_ =	sdelay $0x4  }
0xf1: {  	v2 =	vand.u32 $0xFFFF, v1  }
0xf2: {  	v1 =	vshra.s32 v1, $0x10;
	[tilespmem:$0xA810] =	vst v2  }
0xf3: {  	s28 =	simm.s32 $0x3780;
	s23 =	simm.s32 $0xB;
	[tilespmem:$0xB010] =	vst v1  }
0xf4: {  	[tilespmem:s28], [sflag:$0x2] =	stream.indirect.gather [hbm4b:s1+s15], $0x80, s6, s15, $0xb8;
	[tilespmem:$0x1FD00] =	vst v63  }
0xf5: {  	_ =	swait.ge [sflag:s23], $0x1000  }
0xf6: {  	[sflag:s23] =	ssyncset.done $0x0  }
0xf7: {  	[sflag:s23] =	ssyncadd.s32 $0xFFFFF000  }
0xf8: {  	v1 =	vld [tilespmem:s3+$0xFFFFFE50];
	_ =	sdelay $0x4  }
0xf9: {  	v2 =	vand.u32 $0xFFFF, v1  }
0xfa: {  	v1 =	vshra.s32 v1, $0x10;
	[tilespmem:$0xA880] =	vst v2  }
0xfb: {  	[tilespmem:$0xB080] =	vst v1  }
0xfc: {  	v1 =	vld [tilespmem:s3+$0xFFFFFE60];
	_ =	sdelay $0x4  }
0xfd: {  	v2 =	vand.u32 $0xFFFF, v1  }
0xfe: {  	v1 =	vshra.s32 v1, $0x10;
	[tilespmem:$0xA890] =	vst v2  }
0xff: {  	s18 =	simm.s32 $0xA880;
	[tilespmem:$0xB090] =	vst v1  }
0x100: {  	[tilespmem:s30], [sflag:$0x3] =	stream.indirect.gather [hbm4b:s1+s15], $0x80, s18, s15, $0xb8;
	[tilespmem:$0x1FD00] =	vst v63  }
0x101: {  	_ =	swait.ge [sflag:s12], $0x1000  }
0x102: {  	[sflag:s12] =	ssyncset.done $0x0  }
0x103: {  	[sflag:s12] =	ssyncadd.s32 $0xFFFFF000  }
0x104: {  	v1 =	vld [tilespmem:s3+$0xFFFFFE70];
	_ =	sdelay $0x4  }
0x105: {  	v2 =	vand.u32 $0xFFFF, v1  }
0x106: {  	v1 =	vshra.s32 v1, $0x10;
	[tilespmem:$0xA900] =	vst v2  }
0x107: {  	[tilespmem:$0xB100] =	vst v1  }
0x108: {  	v1 =	vld [tilespmem:s3+$0xFFFFFE80];
	_ =	sdelay $0x4  }
0x109: {  	v2 =	vand.u32 $0xFFFF, v1  }
0x10a: {  	v1 =	vshra.s32 v1, $0x10;
	[tilespmem:$0xA910] =	vst v2  }
0x10b: {  	s17 =	simm.s32 $0x5780;
	s5 =	simm.s32 $0xA900;
	[tilespmem:$0xB110] =	vst v1  }
0x10c: {  	[tilespmem:s17], [sflag:$0x4] =	stream.indirect.gather [hbm4b:s1+s15], $0x80, s5, s15, $0xb8;
	[tilespmem:$0x1FD00] =	vst v63  }
0x10d: {  	_ =	swait.ge [sflag:s13], $0x1000  }
0x10e: {  	[sflag:s13] =	ssyncset.done $0x0  }
0x10f: {  	[sflag:s13] =	ssyncadd.s32 $0xFFFFF000  }
0x110: {  	v1 =	vld [tilespmem:s3+$0xFFFFFE90];
	_ =	sdelay $0x4  }
0x111: {  	v2 =	vand.u32 $0xFFFF, v1  }
0x112: {  	v1 =	vshra.s32 v1, $0x10;
	[tilespmem:$0xA980] =	vst v2  }
0x113: {  	[tilespmem:$0xB180] =	vst v1  }
0x114: {  	v1 =	vld [tilespmem:s3+$0xFFFFFEA0];
	_ =	sdelay $0x4  }
0x115: {  	v2 =	vand.u32 $0xFFFF, v1  }
0x116: {  	v1 =	vshra.s32 v1, $0x10;
	[tilespmem:$0xA990] =	vst v2  }
0x117: {  	s0 =	simm.s32 $0x6780;
	s10 =	simm.s32 $0xE;
	s9 =	simm.s32 $0xA980;
	[tilespmem:$0xB190] =	vst v1  }
0x118: {  	[tilespmem:s0], [sflag:$0x5] =	stream.indirect.gather [hbm4b:s1+s15], $0x80, s9, s15, $0xb8;
	[tilespmem:$0x1FD00] =	vst v63  }
0x119: {  	_ =	swait.ge [sflag:s10], $0x1000  }
0x11a: {  	[sflag:s10] =	ssyncset.done $0x0  }
0x11b: {  	[sflag:s10] =	ssyncadd.s32 $0xFFFFF000  }
0x11c: {  	v1 =	vld [tilespmem:s3+$0xFFFFFEB0];
	_ =	sdelay $0x4  }
0x11d: {  	v2 =	vand.u32 $0xFFFF, v1  }
0x11e: {  	v1 =	vshra.s32 v1, $0x10;
	[tilespmem:$0xAA00] =	vst v2  }
0x11f: {  	[tilespmem:$0xB200] =	vst v1  }
0x120: {  	v1 =	vld [tilespmem:s3+$0xFFFFFEC0];
	_ =	sdelay $0x4  }
0x121: {  	v2 =	vand.u32 $0xFFFF, v1  }
0x122: {  	v1 =	vshra.s32 v1, $0x10;
	[tilespmem:$0xAA10] =	vst v2  }
0x123: {  	s7 =	simm.s32 $0x7780;
	s16 =	simm.s32 $0xAA00;
	[tilespmem:$0xB210] =	vst v1  }
0x124: {  	[tilespmem:s7], [sflag:$0x6] =	stream.indirect.gather [hbm4b:s1+s15], $0x80, s16, s15, $0xb8;
	[tilespmem:$0x1FD00] =	vst v63  }
0x125: {  	s16 =	simm.s32 $0xF  }
0x126: {  	_ =	swait.ge [sflag:s16], $0x1000  }
0x127: {  	[sflag:s16] =	ssyncset.done $0x0  }
0x128: {  	[sflag:s16] =	ssyncadd.s32 $0xFFFFF000  }
0x129: {  	v1 =	vld [tilespmem:s3+$0xFFFFFED0];
	_ =	sdelay $0x4  }
0x12a: {  	v2 =	vand.u32 $0xFFFF, v1  }
0x12b: {  	v1 =	vshra.s32 v1, $0x10;
	[tilespmem:$0xAA80] =	vst v2  }
0x12c: {  	[tilespmem:$0xB280] =	vst v1  }
0x12d: {  	v1 =	vld [tilespmem:s3+$0xFFFFFEE0];
	_ =	sdelay $0x4  }
0x12e: {  	v2 =	vand.u32 $0xFFFF, v1  }
0x12f: {  	v1 =	vshra.s32 v1, $0x10;
	[tilespmem:$0xAA90] =	vst v2  }
0x130: {  	s6 =	simm.s32 $0x8780;
	s18 =	simm.s32 $0xAA80;
	[tilespmem:$0xB290] =	vst v1  }
0x131: {  	[tilespmem:s6], [sflag:$0x7] =	stream.indirect.gather [hbm4b:s1+s15], $0x80, s18, s15, $0xb8;
	[tilespmem:$0x1FD00] =	vst v63  }
0x132: {  	s18 =	simm.s32 $0x10  }
0x133: {  	_ =	swait.ge [sflag:s18], $0x1000  }
0x134: {  	[sflag:s18] =	ssyncset.done $0x0  }
0x135: {  	[sflag:s18] =	ssyncadd.s32 $0xFFFFF000  }
0x136: {  	v1 =	vld [tilespmem:s3+$0xFFFFFEF0];
	_ =	sdelay $0x4  }
0x137: {  	v2 =	vand.u32 $0xFFFF, v1  }
0x138: {  	v1 =	vshra.s32 v1, $0x10;
	[tilespmem:$0xAB00] =	vst v2  }
0x139: {  	[tilespmem:$0xB300] =	vst v1  }
0x13a: {  	v1 =	vld [tilespmem:s3+$0xFFFFFF00];
	_ =	sdelay $0x4  }
0x13b: {  	v2 =	vand.u32 $0xFFFF, v1  }
0x13c: {  	v1 =	vshra.s32 v1, $0x10;
	[tilespmem:$0xAB10] =	vst v2  }
0x13d: {  	s17 =	simm.s32 $0x9780;
	s6 =	simm.s32 $0xAB00;
	[tilespmem:$0xB310] =	vst v1  }
0x13e: {  	[tilespmem:s17], [sflag:$0x8] =	stream.indirect.gather [hbm4b:s1+s15], $0x80, s6, s15, $0xb8;
	[tilespmem:$0x1FD00] =	vst v63  }
0x13f: {  	_ =	swait.ge [sflag:s20], $0x1000  }
0x140: {  	[sflag:s20] =	ssyncset.done $0x0  }
0x141: {  	s6 =	rddreg [dreg:$0x5];
	[sflag:s20] =	ssyncadd.s32 $0xFFFFF000  }
0x142: {  	[spmem:s2] =	stream.indirect.scatter.add.f32 [tilespmem:s11], [sflag:$0x9], $0x80, s6, s15, $0xb8;
	[tilespmem:$0x1FD00] =	vst v63  }
0x143: {  	_ =	swait.ge [sflag:s22], $0x1000  }
0x144: {  	[sflag:s22] =	ssyncset.done $0x0  }
0x145: {  	s6 =	rddreg [dreg:$0x6];
	[sflag:s22] =	ssyncadd.s32 $0xFFFFF000  }
0x146: {  	[spmem:s2] =	stream.indirect.scatter.add.f32 [tilespmem:s28], [sflag:$0xA], $0x80, s6, s15, $0xb8;
	[tilespmem:$0x1FD00] =	vst v63  }
0x147: {  	_ =	swait.ge [sflag:s24], $0x1000  }
0x148: {  	[sflag:s24] =	ssyncset.done $0x0  }
0x149: {  	s6 =	rddreg [dreg:$0x7];
	[sflag:s24] =	ssyncadd.s32 $0xFFFFF000  }
0x14a: {  	[spmem:s2] =	stream.indirect.scatter.add.f32 [tilespmem:s30], [sflag:$0xB], $0x80, s6, s15, $0xb8;
	[tilespmem:$0x1FD00] =	vst v63  }
0x14b: {  	_ =	swait.ge [sflag:s4], $0x1000  }
0x14c: {  	[sflag:s4] =	ssyncset.done $0x0  }
0x14d: {  	s28 =	simm.s32 $0x5780;
	s6 =	rddreg [dreg:$0x8];
	[sflag:s4] =	ssyncadd.s32 $0xFFFFF000  }
0x14e: {  	[spmem:s2] =	stream.indirect.scatter.add.f32 [tilespmem:s28], [sflag:$0xC], $0x80, s6, s15, $0xb8;
	[tilespmem:$0x1FD00] =	vst v63  }
0x14f: {  	_ =	swait.ge [sflag:s14], $0x1000  }
0x150: {  	[sflag:s14] =	ssyncset.done $0x0  }
0x151: {  	s6 =	rddreg [dreg:$0x9];
	[sflag:s14] =	ssyncadd.s32 $0xFFFFF000  }
0x152: {  	[spmem:s2] =	stream.indirect.scatter.add.f32 [tilespmem:s0], [sflag:$0xD], $0x80, s6, s15, $0xb8;
	[tilespmem:$0x1FD00] =	vst v63  }
0x153: {  	_ =	swait.ge [sflag:s21], $0x1000  }
0x154: {  	[sflag:s21] =	ssyncset.done $0x0  }
0x155: {  	s6 =	rddreg [dreg:$0xa];
	[sflag:s21] =	ssyncadd.s32 $0xFFFFF000  }
0x156: {  	[spmem:s2] =	stream.indirect.scatter.add.f32 [tilespmem:s7], [sflag:$0xE], $0x80, s6, s15, $0xb8;
	[tilespmem:$0x1FD00] =	vst v63  }
0x157: {  	_ =	swait.ge [sflag:s25], $0x1000  }
0x158: {  	[sflag:s25] =	ssyncset.done $0x0  }
0x159: {  	s7 =	simm.s32 $0x8780;
	s6 =	rddreg [dreg:$0xb];
	[sflag:s25] =	ssyncadd.s32 $0xFFFFF000  }
0x15a: {  	[spmem:s2] =	stream.indirect.scatter.add.f32 [tilespmem:s7], [sflag:$0xF], $0x80, s6, s15, $0xb8;
	[tilespmem:$0x1FD00] =	vst v63  }
0x15b: {  	_ =	swait.ge [sflag:s19], $0x1000  }
0x15c: {  	[sflag:s19] =	ssyncset.done $0x0  }
0x15d: {  	s6 =	rddreg [dreg:$0xc];
	[sflag:s19] =	ssyncadd.s32 $0xFFFFF000  }
0x15e: {  	[spmem:s2] =	stream.indirect.scatter.add.f32 [tilespmem:s17], [sflag:$0x10], $0x80, s6, s15, $0xb8;
	[tilespmem:$0x1FD00] =	vst v63  }
0x15f: {  	_ =	swait.ge [sflag:s29], $0x1000  }
0x160: {  	[sflag:s29] =	ssyncset.done $0x0  }
0x161: {  	[sflag:s29] =	ssyncadd.s32 $0xFFFFF000  }
0x162: {  	v1 =	vld [tilespmem:s3+$0xFFFFFF10];
	_ =	sdelay $0x4  }
0x163: {  	v2 =	vand.u32 $0xFFFF, v1  }
0x164: {  	v1 =	vshra.s32 v1, $0x10;
	[tilespmem:$0xA780] =	vst v2  }
0x165: {  	[tilespmem:$0xAB80] =	vst v1  }
0x166: {  	v1 =	vld [tilespmem:s3+$0xFFFFFF20];
	_ =	sdelay $0x4  }
0x167: {  	v2 =	vand.u32 $0xFFFF, v1  }
0x168: {  	v1 =	vshra.s32 v1, $0x10;
	[tilespmem:$0xA790] =	vst v2  }
0x169: {  	[tilespmem:$0xAB90] =	vst v1  }
0x16a: {  	[tilespmem:s11], [sflag:$0x1] =	stream.indirect.gather [hbm4b:s1+s15], $0x80, s8, s15, $0xb8;
	[tilespmem:$0x1FD00] =	vst v63  }
0x16b: {  	_ =	swait.ge [sflag:s26], $0x1000  }
0x16c: {  	[sflag:s26] =	ssyncset.done $0x0  }
0x16d: {  	[sflag:s26] =	ssyncadd.s32 $0xFFFFF000  }
0x16e: {  	v1 =	vld [tilespmem:s3+$0xFFFFFF30];
	_ =	sdelay $0x4  }
0x16f: {  	v2 =	vand.u32 $0xFFFF, v1  }
0x170: {  	v1 =	vshra.s32 v1, $0x10;
	[tilespmem:$0xA800] =	vst v2  }
0x171: {  	[tilespmem:$0xAC00] =	vst v1  }
0x172: {  	v1 =	vld [tilespmem:s3+$0xFFFFFF40];
	_ =	sdelay $0x4  }
0x173: {  	v2 =	vand.u32 $0xFFFF, v1  }
0x174: {  	v1 =	vshra.s32 v1, $0x10;
	[tilespmem:$0xA810] =	vst v2  }
0x175: {  	s6 =	simm.s32 $0xA800;
	s8 =	simm.s32 $0x3780;
	[tilespmem:$0xAC10] =	vst v1  }
0x176: {  	[tilespmem:s8], [sflag:$0x2] =	stream.indirect.gather [hbm4b:s1+s15], $0x80, s6, s15, $0xb8;
	[tilespmem:$0x1FD00] =	vst v63  }
0x177: {  	_ =	swait.ge [sflag:s23], $0x1000  }
0x178: {  	[sflag:s23] =	ssyncset.done $0x0  }
0x179: {  	[sflag:s23] =	ssyncadd.s32 $0xFFFFF000  }
0x17a: {  	v1 =	vld [tilespmem:s3+$0xFFFFFF50];
	_ =	sdelay $0x4  }
0x17b: {  	v2 =	vand.u32 $0xFFFF, v1  }
0x17c: {  	v1 =	vshra.s32 v1, $0x10;
	[tilespmem:$0xA880] =	vst v2  }
0x17d: {  	[tilespmem:$0xAC80] =	vst v1  }
0x17e: {  	v1 =	vld [tilespmem:s3+$0xFFFFFF60];
	_ =	sdelay $0x4  }
0x17f: {  	v2 =	vand.u32 $0xFFFF, v1  }
0x180: {  	v1 =	vshra.s32 v1, $0x10;
	[tilespmem:$0xA890] =	vst v2  }
0x181: {  	s23 =	simm.s32 $0xA880;
	[tilespmem:$0xAC90] =	vst v1  }
0x182: {  	[tilespmem:s30], [sflag:$0x3] =	stream.indirect.gather [hbm4b:s1+s15], $0x80, s23, s15, $0xb8;
	[tilespmem:$0x1FD00] =	vst v63  }
0x183: {  	_ =	swait.ge [sflag:s12], $0x1000  }
0x184: {  	[sflag:s12] =	ssyncset.done $0x0  }
0x185: {  	[sflag:s12] =	ssyncadd.s32 $0xFFFFF000  }
0x186: {  	v1 =	vld [tilespmem:s3+$0xFFFFFF70];
	_ =	sdelay $0x4  }
0x187: {  	v2 =	vand.u32 $0xFFFF, v1  }
0x188: {  	v1 =	vshra.s32 v1, $0x10;
	[tilespmem:$0xA900] =	vst v2  }
0x189: {  	[tilespmem:$0xAD00] =	vst v1  }
0x18a: {  	v1 =	vld [tilespmem:s3+$0xFFFFFF80];
	_ =	sdelay $0x4  }
0x18b: {  	v2 =	vand.u32 $0xFFFF, v1  }
0x18c: {  	v1 =	vshra.s32 v1, $0x10;
	[tilespmem:$0xA910] =	vst v2  }
0x18d: {  	[tilespmem:$0xAD10] =	vst v1  }
0x18e: {  	[tilespmem:s28], [sflag:$0x4] =	stream.indirect.gather [hbm4b:s1+s15], $0x80, s5, s15, $0xb8;
	[tilespmem:$0x1FD00] =	vst v63  }
0x18f: {  	_ =	swait.ge [sflag:s13], $0x1000  }
0x190: {  	[sflag:s13] =	ssyncset.done $0x0  }
0x191: {  	[sflag:s13] =	ssyncadd.s32 $0xFFFFF000  }
0x192: {  	v1 =	vld [tilespmem:s3+$0xFFFFFF90];
	_ =	sdelay $0x4  }
0x193: {  	v2 =	vand.u32 $0xFFFF, v1  }
0x194: {  	v1 =	vshra.s32 v1, $0x10;
	[tilespmem:$0xA980] =	vst v2  }
0x195: {  	[tilespmem:$0xAD80] =	vst v1  }
0x196: {  	v1 =	vld [tilespmem:s3+$0xFFFFFFA0];
	_ =	sdelay $0x4  }
0x197: {  	v2 =	vand.u32 $0xFFFF, v1  }
0x198: {  	v1 =	vshra.s32 v1, $0x10;
	[tilespmem:$0xA990] =	vst v2  }
0x199: {  	[tilespmem:$0xAD90] =	vst v1  }
0x19a: {  	[tilespmem:s0], [sflag:$0x5] =	stream.indirect.gather [hbm4b:s1+s15], $0x80, s9, s15, $0xb8;
	[tilespmem:$0x1FD00] =	vst v63  }
0x19b: {  	_ =	swait.ge [sflag:s10], $0x1000  }
0x19c: {  	[sflag:s10] =	ssyncset.done $0x0  }
0x19d: {  	[sflag:s10] =	ssyncadd.s32 $0xFFFFF000  }
0x19e: {  	v1 =	vld [tilespmem:s3+$0xFFFFFFB0];
	_ =	sdelay $0x4  }
0x19f: {  	v2 =	vand.u32 $0xFFFF, v1  }
0x1a0: {  	v1 =	vshra.s32 v1, $0x10;
	[tilespmem:$0xAA00] =	vst v2  }
0x1a1: {  	[tilespmem:$0xAE00] =	vst v1  }
0x1a2: {  	v1 =	vld [tilespmem:s3+$0xFFFFFFC0];
	_ =	sdelay $0x4  }
0x1a3: {  	v2 =	vand.u32 $0xFFFF, v1  }
0x1a4: {  	v1 =	vshra.s32 v1, $0x10;
	[tilespmem:$0xAA10] =	vst v2  }
0x1a5: {  	s11 =	simm.s32 $0xAA00;
	s5 =	simm.s32 $0x7780;
	[tilespmem:$0xAE10] =	vst v1  }
0x1a6: {  	[tilespmem:s5], [sflag:$0x6] =	stream.indirect.gather [hbm4b:s1+s15], $0x80, s11, s15, $0xb8;
	[tilespmem:$0x1FD00] =	vst v63  }
0x1a7: {  	_ =	swait.ge [sflag:s16], $0x1000  }
0x1a8: {  	[sflag:s16] =	ssyncset.done $0x0  }
0x1a9: {  	[sflag:s16] =	ssyncadd.s32 $0xFFFFF000  }
0x1aa: {  	v1 =	vld [tilespmem:s3+$0xFFFFFFD0];
	_ =	sdelay $0x4  }
0x1ab: {  	v2 =	vand.u32 $0xFFFF, v1  }
0x1ac: {  	v1 =	vshra.s32 v1, $0x10;
	[tilespmem:$0xAA80] =	vst v2  }
0x1ad: {  	[tilespmem:$0xAE80] =	vst v1  }
0x1ae: {  	v1 =	vld [tilespmem:s3+$0xFFFFFFE0];
	_ =	sdelay $0x4  }
0x1af: {  	v2 =	vand.u32 $0xFFFF, v1  }
0x1b0: {  	v1 =	vshra.s32 v1, $0x10;
	[tilespmem:$0xAA90] =	vst v2  }
0x1b1: {  	s16 =	simm.s32 $0xAA80;
	[tilespmem:$0xAE90] =	vst v1  }
0x1b2: {  	[tilespmem:s7], [sflag:$0x7] =	stream.indirect.gather [hbm4b:s1+s15], $0x80, s16, s15, $0xb8;
	[tilespmem:$0x1FD00] =	vst v63  }
0x1b3: {  	_ =	swait.ge [sflag:s18], $0x1000  }
0x1b4: {  	[sflag:s18] =	ssyncset.done $0x0  }
0x1b5: {  	[sflag:s18] =	ssyncadd.s32 $0xFFFFF000  }
0x1b6: {  	v1 =	vld [tilespmem:s3+$0xFFFFFFF0];
	_ =	sdelay $0x4  }
0x1b7: {  	v2 =	vand.u32 $0xFFFF, v1  }
0x1b8: {  	v1 =	vshra.s32 v1, $0x10;
	[tilespmem:$0xAB00] =	vst v2  }
0x1b9: {  	[tilespmem:$0xAF00] =	vst v1  }
0x1ba: {  	v1 =	vld [tilespmem:s3+$0x0];
	_ =	sdelay $0x2  }
0x1bb: {  	p1 =	sne.s32 s31, $0x9BC0  }
.Ltmp2:
0x1bc: {  	_ = 	snop;
	(pc) =	sbr.rel @p1 .LBB2_6-.Ltmp2, $4  }
0x1bd: {  	v2 =	vand.u32 $0xFFFF, v1  }
0x1be: {  	s31 =	sadd.s32 $0x800, s31;
	s17 =	simm.s32 $0x2780;
	v1 =	vshra.s32 v1, $0x10;
	[tilespmem:$0xAB10] =	vst v2  }
0x1bf: {  	s23 =	simm.s32 $0x4780;
	s9 =	simm.s32 $0x9780;
	s18 =	simm.s32 $0xAB00;
	[tilespmem:$0xAF10] =	vst v1  }
0x1c0: {  	[tilespmem:s9], [sflag:$0x8] =	stream.indirect.gather [hbm4b:s1+s15], $0x80, s18, s15, $0xb8;
	[tilespmem:$0x1FD00] =	vst v63  }
0x1c1: {  	_ =	swait.ge [sflag:s20], $0x1000  }
0x1c2: {  	[sflag:s20] =	ssyncset.done $0x0  }
0x1c3: {  	s3 =	simm.s32 $0xAB80;
	[sflag:s20] =	ssyncadd.s32 $0xFFFFF000  }
0x1c4: {  	[spmem:s2] =	stream.indirect.scatter.add.f32 [tilespmem:s17], [sflag:$0x9], $0x80, s3, s15, $0xb8;
	[tilespmem:$0x1FD00] =	vst v63  }
0x1c5: {  	_ =	swait.ge [sflag:s22], $0x1000  }
0x1c6: {  	[sflag:s22] =	ssyncset.done $0x0  }
0x1c7: {  	s18 =	simm.s32 $0xAC00;
	[sflag:s22] =	ssyncadd.s32 $0xFFFFF000  }
0x1c8: {  	[spmem:s2] =	stream.indirect.scatter.add.f32 [tilespmem:s8], [sflag:$0xA], $0x80, s18, s15, $0xb8;
	[tilespmem:$0x1FD00] =	vst v63  }
0x1c9: {  	_ =	swait.ge [sflag:s24], $0x1000  }
0x1ca: {  	[sflag:s24] =	ssyncset.done $0x0  }
0x1cb: {  	s31 =	simm.s32 $0xAC80;
	[sflag:s24] =	ssyncadd.s32 $0xFFFFF000  }
0x1cc: {  	[spmem:s2] =	stream.indirect.scatter.add.f32 [tilespmem:s23], [sflag:$0xB], $0x80, s31, s15, $0xb8;
	[tilespmem:$0x1FD00] =	vst v63  }
0x1cd: {  	_ =	swait.ge [sflag:s4], $0x1000  }
0x1ce: {  	[sflag:s4] =	ssyncset.done $0x0  }
0x1cf: {  	s6 =	simm.s32 $0xAD00;
	[sflag:s4] =	ssyncadd.s32 $0xFFFFF000  }
0x1d0: {  	[spmem:s2] =	stream.indirect.scatter.add.f32 [tilespmem:s28], [sflag:$0xC], $0x80, s6, s15, $0xb8;
	[tilespmem:$0x1FD00] =	vst v63  }
0x1d1: {  	_ =	swait.ge [sflag:s14], $0x1000  }
0x1d2: {  	[sflag:s14] =	ssyncset.done $0x0  }
0x1d3: {  	s8 =	simm.s32 $0xAD80;
	[sflag:s14] =	ssyncadd.s32 $0xFFFFF000  }
0x1d4: {  	[spmem:s2] =	stream.indirect.scatter.add.f32 [tilespmem:s0], [sflag:$0xD], $0x80, s8, s15, $0xb8;
	[tilespmem:$0x1FD00] =	vst v63  }
0x1d5: {  	_ =	swait.ge [sflag:s21], $0x1000  }
0x1d6: {  	[sflag:s21] =	ssyncset.done $0x0  }
0x1d7: {  	s10 =	simm.s32 $0xAE00;
	[sflag:s21] =	ssyncadd.s32 $0xFFFFF000  }
0x1d8: {  	[spmem:s2] =	stream.indirect.scatter.add.f32 [tilespmem:s5], [sflag:$0xE], $0x80, s10, s15, $0xb8;
	[tilespmem:$0x1FD00] =	vst v63  }
0x1d9: {  	_ =	swait.ge [sflag:s25], $0x1000  }
0x1da: {  	[sflag:s25] =	ssyncset.done $0x0  }
0x1db: {  	s11 =	simm.s32 $0xAE80;
	[sflag:s25] =	ssyncadd.s32 $0xFFFFF000  }
0x1dc: {  	[spmem:s2] =	stream.indirect.scatter.add.f32 [tilespmem:s7], [sflag:$0xF], $0x80, s11, s15, $0xb8;
	[tilespmem:$0x1FD00] =	vst v63  }
0x1dd: {  	_ =	swait.ge [sflag:s19], $0x1000  }
0x1de: {  	[sflag:s19] =	ssyncset.done $0x0  }
0x1df: {  	s16 =	simm.s32 $0xAF00;
	[sflag:s19] =	ssyncadd.s32 $0xFFFFF000  }
0x1e0: {  	[spmem:s2] =	stream.indirect.scatter.add.f32 [tilespmem:s9], [sflag:$0x10], $0x80, s16, s15, $0xb8;
	[tilespmem:$0x1FD00] =	vst v63  }
0x1e1: {  	v1 =	vld [tilespmem:$0x2700];
	_ =	sdelay $0x4  }
0x1e2: {  	v2 =	vand.u32 $0xFFFF, v1  }
0x1e3: {  	s17 =	simm.s32 $0xB380;
	v1 =	vshra.s32 v1, $0x10;
	[tilespmem:$0xB380] =	vst v2  }
0x1e4: {  	s18 =	simm.s32 $0x11;
	s4 =	simm.s32 $0x10;
	s6 =	simm.s32 $0xB480;
	[tilespmem:$0xB400] =	vst v1  }
0x1e5: {  	[tilespmem:s6], [sflag:$0x11] =	stream.indirect.gather [hbm4b:s1+s4], $0x80, s17, s4, $0xb8;
	[tilespmem:$0x1FD00] =	vst v63  }
0x1e6: {  	_ =	swait.ge [sflag:s18], $0x800  }
0x1e7: {  	[sflag:s18] =	ssyncset.done $0x0  }
0x1e8: {  	s31 =	simm.s32 $0xB400;
	[sflag:s18] =	ssyncadd.s32 $0xFFFFF800  }
0x1e9: {  	[spmem:s2] =	stream.indirect.scatter.add.f32 [tilespmem:s6], [sflag:$0x13], $0x80, s31, s4, $0xb8;
	[tilespmem:$0x1FD00] =	vst v63  }
0x1ea: {  	s6 =	simm.s32 $0x13  }
0x1eb: {  	_ =	swait.ge [sflag:s6], $0x800  }
0x1ec: {  	[sflag:s6] =	ssyncset.done $0x0  }
0x1ed: {  	s8 =	simm.s32 $0x9;
	[sflag:s6] =	ssyncadd.s32 $0xFFFFF800  }
0x1ee: {  	_ =	swait.ge [sflag:s8], $0x1000  }
0x1ef: {  	[sflag:s8] =	ssyncset.done $0x0  }
0x1f0: {  	s10 =	simm.s32 $0xA;
	[sflag:s8] =	ssyncadd.s32 $0xFFFFF000  }
0x1f1: {  	_ =	swait.ge [sflag:s10], $0x1000  }
0x1f2: {  	[sflag:s10] =	ssyncset.done $0x0  }
0x1f3: {  	s11 =	simm.s32 $0xB;
	[sflag:s10] =	ssyncadd.s32 $0xFFFFF000  }
0x1f4: {  	_ =	swait.ge [sflag:s11], $0x1000  }
0x1f5: {  	[sflag:s11] =	ssyncset.done $0x0  }
0x1f6: {  	s16 =	simm.s32 $0xC;
	[sflag:s11] =	ssyncadd.s32 $0xFFFFF000  }
0x1f7: {  	_ =	swait.ge [sflag:s16], $0x1000  }
0x1f8: {  	[sflag:s16] =	ssyncset.done $0x0  }
0x1f9: {  	s17 =	simm.s32 $0xD;
	[sflag:s16] =	ssyncadd.s32 $0xFFFFF000  }
0x1fa: {  	_ =	swait.ge [sflag:s17], $0x1000  }
0x1fb: {  	[sflag:s17] =	ssyncset.done $0x0  }
0x1fc: {  	s18 =	simm.s32 $0xE;
	[sflag:s17] =	ssyncadd.s32 $0xFFFFF000  }
0x1fd: {  	_ =	swait.ge [sflag:s18], $0x1000  }
0x1fe: {  	[sflag:s18] =	ssyncset.done $0x0  }
0x1ff: {  	s31 =	simm.s32 $0xF;
	[sflag:s18] =	ssyncadd.s32 $0xFFFFF000  }
0x200: {  	_ =	swait.ge [sflag:s31], $0x1000  }
0x201: {  	[sflag:s31] =	ssyncset.done $0x0  }
0x202: {  	[sflag:s31] =	ssyncadd.s32 $0xFFFFF000  }
0x203: {  	_ =	swait.ge [sflag:s4], $0x1000  }
0x204: {  	[sflag:s4] =	ssyncset.done $0x0  }
0x205: {  	[sflag:s4] =	ssyncadd.s32 $0xFFFFF000  }
0x206: {  	s17 =	stileid.u32;
	[bflag:$0x0] =	sbarrier.arrive $0xFFFF  }
0x207: {  	s6 =	sshll.u32 s17, $0x6;
	s8 =	rddreg [dreg:$0x10]  }
0x208: {  	s3 =	sor.u32 $0x1C12, s6;
	s10 =	rddreg [dreg:$0x16]  }
0x209: {  	[hbm:s8], [sflag:s3] =	dma.local [spmem:s10], $0x800  }
0x20a: {  	s6 =	rddreg [dreg:$0x11]  }
0x20b: {  	s8 =	rddreg [dreg:$0x17]  }
0x20c: {  	[hbm:s6], [sflag:s3] =	dma.local [spmem:s8], $0x800  }
0x20d: {  	s6 =	rddreg [dreg:$0x12]  }
0x20e: {  	s8 =	rddreg [dreg:$0x18]  }
0x20f: {  	[hbm:s6], [sflag:s3] =	dma.local [spmem:s8], $0x800  }
0x210: {  	s6 =	rddreg [dreg:$0x13]  }
0x211: {  	s8 =	rddreg [dreg:$0x19]  }
0x212: {  	[hbm:s6], [sflag:s3] =	dma.local [spmem:s8], $0x800  }
0x213: {  	s11 =	sld [smem:$0x7FD];
	_ =	sdelay $0x1  }
0x214: {  	s6 =	rddreg [dreg:$0x14]  }
0x215: {  	s8 =	rddreg [dreg:$0x1a];
	p1 =	seq.s32 s11, $0x1  }
0x216: {  	[hbm:s6], [sflag:s3] =	dma.local @!p1 [spmem:s8], $0x800  }
0x217: {  	s6 =	rddreg [dreg:$0xe]  }
0x218: {  	s16 =	simm.s32 $0x12;
	s3 =	simm.s32 @!p3 $0x1C12;
	s8 =	rddreg [dreg:$0x1b]  }
0x219: {  	[hbm:s6], [sflag:s3] =	dma.local @!p3 [spmem:s8], $0x100  }
0x21a: {  	_ =	swait.ge [sflag:s16], $0x800  }
0x21b: {  	[sflag:s16] =	ssyncset.done $0x0  }
0x21c: {  	[sflag:s16] =	ssyncadd.s32 $0xFFFFF800  }
0x21d: {  	_ =	swait.ge [sflag:s16], $0x800  }
0x21e: {  	[sflag:s16] =	ssyncset.done $0x0  }
0x21f: {  	[sflag:s16] =	ssyncadd.s32 $0xFFFFF800  }
0x220: {  	_ =	swait.ge [sflag:s16], $0x800  }
0x221: {  	[sflag:s16] =	ssyncset.done $0x0  }
0x222: {  	[sflag:s16] =	ssyncadd.s32 $0xFFFFF800  }
0x223: {  	_ =	swait.ge [sflag:s16], $0x800  }
0x224: {  	[sflag:s16] =	ssyncset.done $0x0  }
0x225: {  	s3 =	simm.s32 @!p2 $0x12;
	[sflag:s16] =	ssyncadd.s32 $0xFFFFF800  }
0x226: {  	_ =	swait.ge @!p2 [sflag:s3], $0x800  }
0x227: {  	[sflag:s3] =	ssyncset.done @!p2 $0x0  }
0x228: {  	[sflag:s3] =	ssyncadd.s32 @!p2 $0xFFFFF800;
	s3 =	simm.s32 @!p4 $0x12  }
0x229: {  	_ =	swait.ge @!p4 [sflag:s3], $0x100  }
0x22a: {  	s18 =	rddreg [dreg:$0x1c]  }
0x22b: {  	s31 =	rddreg [dreg:$0xf];
	s8 =	sadd.s32 $0x1, s18  }
0x22c: {  	p1 =	sne.s32 s8, s31  }
.Ltmp3:
0x22d: {  	_ = 	snop;
	(pc) =	sbr.rel @p1 .LBB2_1-.Ltmp3, $3  }
0x22e: {  	_ =	sdelay $0x1  }
0x22f: {  	[sflag:s3] =	ssyncset.done @!p4 $0x0  }
0x230: {  	[sflag:s3] =	ssyncadd.s32 @!p4 $0xFFFFFF00  }
0x231: {  	_ =	sfence.sel $0x180000  }
0x232: {  	[bflag:$0x0] =	sbarrier.arrive $0xFFFF  }
0x233: {  	_ =	strace $0x90000047  }
0x234: {  	[bflag:$0x2] =	sbarrier.arrive $0xFFFF  }
0x235: {  	s0 =	rddreg [dreg:$0x4]  }
0x236: {  	s0 =	sadd.s32 @!p0 $0x100000, s0  }
0x237: {  	[sflag:s0] =	ssyncadd.tile.s32 @!p0 $0x1;
	_ =	shalt  }
.Lfunc_end2:
_tile_overlayer_lowered:
.L_overlay_start_2:
0x238: {  	(tag) =	ssettag $0x2  }
0x239: {  	s0 =	rddreg [dreg:$0x0];
	s2 =	stileid.u32  }
0x23a: {  	s1 =	rddreg [dreg:$0x1];
	p0 =	sne.s32 s2, $0x0  }
0x23b: {  	s3 =	rddreg [dreg:$0x2];
	[bflag:$0x3] =	sbarrier.arrive $0xFFFF;
	s2 =	simm.s32 @!p0 $0x1C13  }
0x23c: {  	[timem:s3], [sflag:s2] =	dma.local @!p0 [hbm:s0], s1  }
0x23d: {  	s0 =	simm.s32 @!p0 $0x13  }
0x23e: {  	_ =	swait.ge @!p0 [sflag:s0], s1  }
0x23f: {  	s1 =	ssub.s32 @!p0 $0x0, s1;
	[sflag:s0] =	ssyncset.done @!p0 $0x0  }
0x240: {  	[sflag:s0] =	ssyncadd.s32 @!p0 s1  }
0x241: {  	[bflag:$0x3] =	sbarrier.arrive $0xFFFF  }
0x242: {  	_ =	shalt  }

</sc_bundles>
